<compile_context>
chip_gen: v7x
topology: tpu7x:2x2x1
jax: 0.10.2.dev20260603
libtpu: 0.0.44.dev20260713+nightly
codegen_flags: <defaults>
</compile_context>

<pallas_src>
import functools

import jax
import jax.numpy as jnp
from jax import lax
from jax.experimental import pallas as pl
from jax.experimental.pallas import tpu as pltpu
from jax.experimental.pallas import tpu_sc as plsc

B = 16384
D = 32
NC = 2
NS = 16
L = 16
NW = NC * NS
BPW = B // NW
NSLOT = 8
ROUNDS = BPW // NSLOT


def _sc_body(uid_hbm, iid_hbm, nid_hbm, ut_hbm, it_hbm,
             score_hbm, nscore_hbm,
             uids_v, iids_v, nids_v,
             ubufs, ibufs, nbufs, score_v, nscore_v, sems):
    wid = lax.axis_index("s") * NC + lax.axis_index("c")
    base = wid * BPW
    iota = lax.iota(jnp.int32, L)
    rows_lo = iota
    rows_hi = iota + L

    def ids_at(idx):
        win = pl.multiple_of(lax.shift_left(lax.shift_right_logical(idx, 4), 4), L)
        mask = iota == jnp.bitwise_and(idx, L - 1)
        zero = jnp.zeros((L,), jnp.int32)
        u = jnp.sum(jnp.where(mask, uids_v[pl.ds(win, L)], zero))
        i = jnp.sum(jnp.where(mask, iids_v[pl.ds(win, L)], zero))
        n = jnp.sum(jnp.where(mask, nids_v[pl.ds(win, L)], zero))
        return u, i, n

    def fire(k, idx):
        u, i, n = ids_at(idx)
        uoff = pl.multiple_of(lax.shift_left(lax.shift_right_logical(u, 7), 7), 128)
        ioff = pl.multiple_of(lax.shift_left(lax.shift_right_logical(i, 7), 7), 128)
        noff = pl.multiple_of(lax.shift_left(lax.shift_right_logical(n, 7), 7), 128)
        pltpu.async_copy(ut_hbm.at[:, pl.ds(uoff, 128)], ubufs.at[k], sems.at[k])
        pltpu.async_copy(it_hbm.at[:, pl.ds(ioff, 128)], ibufs.at[k], sems.at[k])
        pltpu.async_copy(it_hbm.at[:, pl.ds(noff, 128)], nbufs.at[k], sems.at[k])

    def drain(k):
        pltpu.make_async_copy(ut_hbm.at[:, pl.ds(0, 128)], ubufs.at[k], sems.at[k]).wait()
        pltpu.make_async_copy(ut_hbm.at[:, pl.ds(0, 128)], ibufs.at[k], sems.at[k]).wait()
        pltpu.make_async_copy(ut_hbm.at[:, pl.ds(0, 128)], nbufs.at[k], sems.at[k]).wait()

    def extract(k, idx, acc_s, acc_n):
        u, i, n = ids_at(idx)
        ulane = jnp.full((L,), jnp.bitwise_and(u, 127), jnp.int32)
        ilane = jnp.full((L,), jnp.bitwise_and(i, 127), jnp.int32)
        nlane = jnp.full((L,), jnp.bitwise_and(n, 127), jnp.int32)
        u0 = plsc.load_gather(ubufs.at[k], [rows_lo, ulane])
        u1 = plsc.load_gather(ubufs.at[k], [rows_hi, ulane])
        i0 = plsc.load_gather(ibufs.at[k], [rows_lo, ilane])
        i1 = plsc.load_gather(ibufs.at[k], [rows_hi, ilane])
        n0 = plsc.load_gather(nbufs.at[k], [rows_lo, nlane])
        n1 = plsc.load_gather(nbufs.at[k], [rows_hi, nlane])
        s = jnp.sum(u0 * i0 + u1 * i1)
        t = jnp.sum(u0 * n0 + u1 * n1)
        mask = iota == jnp.bitwise_and(idx, L - 1)
        return (jnp.where(mask, jnp.full((L,), s, jnp.float32), acc_s),
                jnp.where(mask, jnp.full((L,), t, jnp.float32), acc_n))

    pltpu.sync_copy(uid_hbm.at[pl.ds(base, BPW)], uids_v)
    pltpu.sync_copy(iid_hbm.at[pl.ds(base, BPW)], iids_v)
    pltpu.sync_copy(nid_hbm.at[pl.ds(base, BPW)], nids_v)

    for k in range(NSLOT):
        fire(k, k)

    zeros = jnp.zeros((L,), jnp.float32)

    def round_body(r, carry):
        acc_s, acc_n = carry
        for k in range(NSLOT):
            idx = r * NSLOT + k
            drain(k)
            acc_s, acc_n = extract(k, idx, acc_s, acc_n)

            @pl.when(r < ROUNDS - 1)
            def _():
                fire(k, idx + NSLOT)

        @pl.when(jnp.bitwise_and(r, 1) == 1)
        def _():
            off = pl.multiple_of((r - 1) * NSLOT, L)
            score_v[pl.ds(off, L)] = acc_s
            nscore_v[pl.ds(off, L)] = acc_n

        odd = jnp.bitwise_and(r, 1) == 1
        return (jnp.where(odd, zeros, acc_s), jnp.where(odd, zeros, acc_n))

    lax.fori_loop(0, ROUNDS, round_body, (zeros, zeros))

    pltpu.sync_copy(score_v, score_hbm.at[pl.ds(base, BPW)])
    pltpu.sync_copy(nscore_v, nscore_hbm.at[pl.ds(base, BPW)])


def kernel(user_id, item_id, neg_item_id, user_memory, item_memory):
    mesh = plsc.VectorSubcoreMesh(core_axis_name="c", subcore_axis_name="s")
    run = functools.partial(
        pl.kernel,
        mesh=mesh,
        out_type=(jax.ShapeDtypeStruct((B,), jnp.float32),
                  jax.ShapeDtypeStruct((B,), jnp.float32)),
        scratch_types=[
            pltpu.VMEM((BPW,), jnp.int32),
            pltpu.VMEM((BPW,), jnp.int32),
            pltpu.VMEM((BPW,), jnp.int32),
            pltpu.VMEM((NSLOT, D, 128), jnp.float32),
            pltpu.VMEM((NSLOT, D, 128), jnp.float32),
            pltpu.VMEM((NSLOT, D, 128), jnp.float32),
            pltpu.VMEM((BPW,), jnp.float32),
            pltpu.VMEM((BPW,), jnp.float32),
            pltpu.SemaphoreType.DMA((NSLOT,)),
        ],
        compiler_params=pltpu.CompilerParams(needs_layout_passes=False,
                                             disable_bounds_checks=True),
    )(_sc_body)
    return run(user_id.astype(jnp.int32), item_id.astype(jnp.int32),
               neg_item_id.astype(jnp.int32),
               user_memory.T, item_memory.T)

# --- scband reference (transcript-rebuilt; emitter-appended) ---
"""Pipeline reference for scband-matrix-factorization-old-90683939487939 (READ-ONLY COPY).

The authoritative reference and input builder live on the scoring server;
editing this copy changes nothing except your own understanding.
"""

import jax, jax.numpy as jnp
import numpy as np

USER_COUNT = 1000000
ITEM_COUNT = 1000000
EMBED = 32
BATCH = 16384


def setup_inputs(seed: int = 0) -> dict:
    key = jax.random.key(seed)
    k1, k2, k3, k4, k5 = jax.random.split(key, 5)
    # caffe_init ~ fan-in uniform; use small uniform init for the tables
    bound = 1.0 / np.sqrt(EMBED)
    user_memory = jax.random.uniform(k1, (USER_COUNT, EMBED), minval=-bound, maxval=bound, dtype=jnp.float32)
    item_memory = jax.random.uniform(k2, (ITEM_COUNT, EMBED), minval=-bound, maxval=bound, dtype=jnp.float32)
    user_id = jax.random.randint(k3, (BATCH,), 0, USER_COUNT, dtype=jnp.int64 if jax.config.jax_enable_x64 else jnp.int32)
    item_id = jax.random.randint(k4, (BATCH,), 0, ITEM_COUNT, dtype=jnp.int64 if jax.config.jax_enable_x64 else jnp.int32)
    neg_item_id = jax.random.randint(k5, (BATCH,), 0, ITEM_COUNT, dtype=jnp.int64 if jax.config.jax_enable_x64 else jnp.int32)
    return {
        "user_id": user_id,
        "item_id": item_id,
        "neg_item_id": neg_item_id,
        "user_memory": user_memory,
        "item_memory": item_memory,
    }


def reference(user_id, item_id, neg_item_id, user_memory, item_memory):
    # user = self.user_memory(user_id)
    user = jnp.take(user_memory, user_id, axis=0)
    # item = self.item_memory(item_id)
    item = jnp.take(item_memory, item_id, axis=0)
    # score = (user * item).sum(1).squeeze()
    score = jnp.squeeze(jnp.sum(user * item, axis=1))
    # neg_item_id is not None branch
    neg_item = jnp.take(item_memory, neg_item_id, axis=0)
    neg_score = jnp.squeeze(jnp.sum(user * neg_item, axis=1))
    return (score, neg_score)

if __name__ == "__main__":
    import jax
    _d = setup_inputs()
    print(jax.jit(kernel)(*tuple(_d.values())))

</pallas_src>

<mosaic_0001>
#map = affine_map<(d0, d1) -> (0)>
#map1 = affine_map<(d0, d1) -> (0, 0)>
module attributes {stable_mosaic.version = 14 : i64} {
  func.func @_sc_body(%arg0: i32, %arg1: i32, %arg2: memref<16384xi32, #tpu.memory_space<hbm>>, %arg3: memref<16384xi32, #tpu.memory_space<hbm>>, %arg4: memref<16384xi32, #tpu.memory_space<hbm>>, %arg5: memref<32x1000000xf32, #tpu.memory_space<hbm>>, %arg6: memref<32x1000000xf32, #tpu.memory_space<hbm>>, %arg7: memref<16384xf32, #tpu.memory_space<hbm>>, %arg8: memref<16384xf32, #tpu.memory_space<hbm>>, %arg9: memref<512xi32, #tpu.memory_space<vmem>>, %arg10: memref<512xi32, #tpu.memory_space<vmem>>, %arg11: memref<512xi32, #tpu.memory_space<vmem>>, %arg12: memref<8x32x128xf32, #tpu.memory_space<vmem>>, %arg13: memref<8x32x128xf32, #tpu.memory_space<vmem>>, %arg14: memref<8x32x128xf32, #tpu.memory_space<vmem>>, %arg15: memref<512xf32, #tpu.memory_space<vmem>>, %arg16: memref<512xf32, #tpu.memory_space<vmem>>, %arg17: memref<8x!tpu.dma_semaphore, #tpu.memory_space<semaphore_mem>>) attributes {dimension_semantics = [#tpu.dimension_semantics<core_parallel>, #tpu.dimension_semantics<subcore_parallel>], iteration_bounds = array<i64: 2, 16>, scalar_prefetch = 0 : i64, scratch_operands = 9 : i64, tpu.core_type = #tpu.core_type<sc_vector_subcore>, window_params = [{transform_indices = #map}, {transform_indices = #map}, {transform_indices = #map}, {transform_indices = #map1}, {transform_indices = #map1}, {transform_indices = #map}, {transform_indices = #map}]} {
    %mul3A = arith.constant 2 : i32
    %mul3A_0 = arith.muli %arg1, %mul3A : i32
    %add3A = arith.addi %mul3A_0, %arg0 : i32
    %mul3A_1 = arith.constant 512 : i32
    %mul3A_2 = arith.muli %add3A, %mul3A_1 : i32
    %iota3A = tpu.iota {dimensions = array<i32: 0>} : vector<16xi32>
    %add3A_3 = arith.constant 16 : i32
    %add3A_4 = vector.broadcast %add3A_3 : i32 to vector<16xi32>
    %add3A_5 = arith.addi %iota3A, %add3A_4 : vector<16xi32>
    "tpu.region"() ({
      %run_scoped3A = tpu.sem_alloc : memref<!tpu.dma_semaphore, #tpu.memory_space<semaphore_mem>>
      %dma_start3A_779 = tpu.memref_slice %arg2[%mul3A_2] : memref<16384xi32, #tpu.memory_space<hbm>> -> memref<512xi32, #tpu.memory_space<hbm>>
      %dma_start3A_780 = tpu.memref_slice %arg2[%mul3A_2] : memref<16384xi32, #tpu.memory_space<hbm>> -> memref<512xi32, #tpu.memory_space<hbm>>
      tpu.enqueue_dma source(%dma_start3A_780 : memref<512xi32, #tpu.memory_space<hbm>>) target(%arg9 : memref<512xi32, #tpu.memory_space<vmem>>) target_semaphore(%run_scoped3A : memref<!tpu.dma_semaphore, #tpu.memory_space<semaphore_mem>>)
      %dma_wait3A = tpu.memref_slice %arg2[%mul3A_2] : memref<16384xi32, #tpu.memory_space<hbm>> -> memref<512xi32, #tpu.memory_space<hbm>>
      %dma_wait3A_781 = tpu.memref_slice %arg2[%mul3A_2] : memref<16384xi32, #tpu.memory_space<hbm>> -> memref<512xi32, #tpu.memory_space<hbm>>
      tpu.wait_dma2 semaphore(%run_scoped3A : memref<!tpu.dma_semaphore, #tpu.memory_space<semaphore_mem>>) src(%dma_wait3A_781 : memref<512xi32, #tpu.memory_space<hbm>>) dst(%arg9 : memref<512xi32, #tpu.memory_space<vmem>>)
      tpu.yield
    }) : () -> ()
    "tpu.region"() ({
      %run_scoped3A = tpu.sem_alloc : memref<!tpu.dma_semaphore, #tpu.memory_space<semaphore_mem>>
      %dma_start3A_779 = tpu.memref_slice %arg3[%mul3A_2] : memref<16384xi32, #tpu.memory_space<hbm>> -> memref<512xi32, #tpu.memory_space<hbm>>
      %dma_start3A_780 = tpu.memref_slice %arg3[%mul3A_2] : memref<16384xi32, #tpu.memory_space<hbm>> -> memref<512xi32, #tpu.memory_space<hbm>>
      tpu.enqueue_dma source(%dma_start3A_780 : memref<512xi32, #tpu.memory_space<hbm>>) target(%arg10 : memref<512xi32, #tpu.memory_space<vmem>>) target_semaphore(%run_scoped3A : memref<!tpu.dma_semaphore, #tpu.memory_space<semaphore_mem>>)
      %dma_wait3A = tpu.memref_slice %arg3[%mul3A_2] : memref<16384xi32, #tpu.memory_space<hbm>> -> memref<512xi32, #tpu.memory_space<hbm>>
      %dma_wait3A_781 = tpu.memref_slice %arg3[%mul3A_2] : memref<16384xi32, #tpu.memory_space<hbm>> -> memref<512xi32, #tpu.memory_space<hbm>>
      tpu.wait_dma2 semaphore(%run_scoped3A : memref<!tpu.dma_semaphore, #tpu.memory_space<semaphore_mem>>) src(%dma_wait3A_781 : memref<512xi32, #tpu.memory_space<hbm>>) dst(%arg10 : memref<512xi32, #tpu.memory_space<vmem>>)
      tpu.yield
    }) : () -> ()
    "tpu.region"() ({
      %run_scoped3A = tpu.sem_alloc : memref<!tpu.dma_semaphore, #tpu.memory_space<semaphore_mem>>
      %dma_start3A_779 = tpu.memref_slice %arg4[%mul3A_2] : memref<16384xi32, #tpu.memory_space<hbm>> -> memref<512xi32, #tpu.memory_space<hbm>>
      %dma_start3A_780 = tpu.memref_slice %arg4[%mul3A_2] : memref<16384xi32, #tpu.memory_space<hbm>> -> memref<512xi32, #tpu.memory_space<hbm>>
      tpu.enqueue_dma source(%dma_start3A_780 : memref<512xi32, #tpu.memory_space<hbm>>) target(%arg11 : memref<512xi32, #tpu.memory_space<vmem>>) target_semaphore(%run_scoped3A : memref<!tpu.dma_semaphore, #tpu.memory_space<semaphore_mem>>)
      %dma_wait3A = tpu.memref_slice %arg4[%mul3A_2] : memref<16384xi32, #tpu.memory_space<hbm>> -> memref<512xi32, #tpu.memory_space<hbm>>
      %dma_wait3A_781 = tpu.memref_slice %arg4[%mul3A_2] : memref<16384xi32, #tpu.memory_space<hbm>> -> memref<512xi32, #tpu.memory_space<hbm>>
      tpu.wait_dma2 semaphore(%run_scoped3A : memref<!tpu.dma_semaphore, #tpu.memory_space<semaphore_mem>>) src(%dma_wait3A_781 : memref<512xi32, #tpu.memory_space<hbm>>) dst(%arg11 : memref<512xi32, #tpu.memory_space<vmem>>)
      tpu.yield
    }) : () -> ()
    %shift_right_logical3A = arith.constant 0 : i32
    %shift_right_logical3A_6 = arith.constant 4 : i32
    %shift_right_logical3A_7 = arith.shrui %shift_right_logical3A, %shift_right_logical3A_6 : i32
    %shift_left3A = arith.constant 4 : i32
    %shift_left3A_8 = arith.shli %shift_right_logical3A_7, %shift_left3A : i32
    %multiple_of3A = tpu.assume_multiple %shift_left3A_8, 16 : i32
    %and3A = arith.constant 0 : i32
    %and3A_9 = arith.constant 15 : i32
    %and3A_10 = arith.andi %and3A, %and3A_9 : i32
    %eq3A = vector.broadcast %and3A_10 : i32 to vector<16xi32>
    %eq3A_11 = arith.cmpi eq, %iota3A, %eq3A : vector<16xi32>
    %broadcast_in_dim3A = arith.constant 0 : i32
    %broadcast_in_dim3A_12 = vector.broadcast %broadcast_in_dim3A : i32 to vector<16xi32>
    %get3A = arith.index_cast %multiple_of3A : i32 to index
    %get3A_13 = tpu.vector_load %arg9[%get3A] {strides = array<i32>} : memref<512xi32, #tpu.memory_space<vmem>>, vector<16xi32>,
    %select_n3A = arith.select %eq3A_11, %get3A_13, %broadcast_in_dim3A_12 : vector<16xi1>, vector<16xi32>
    %reduce_sum3A = arith.constant true
    %reduce_sum3A_14 = vector.broadcast %reduce_sum3A : i1 to vector<16xi1>
    %reduce_sum3A_15 = tpu.scan <sum>, %select_n3A masked %reduce_sum3A_14 : vector<16xi32>, vector<16xi1> -> vector<16xi32>
    %reduce_sum3A_16 = vector.extract %reduce_sum3A_15[15] : i32 from vector<16xi32>
    %get3A_17 = arith.index_cast %multiple_of3A : i32 to index
    %get3A_18 = tpu.vector_load %arg10[%get3A_17] {strides = array<i32>} : memref<512xi32, #tpu.memory_space<vmem>>, vector<16xi32>,
    %select_n3A_19 = arith.select %eq3A_11, %get3A_18, %broadcast_in_dim3A_12 : vector<16xi1>, vector<16xi32>
    %reduce_sum3A_20 = arith.constant true
    %reduce_sum3A_21 = vector.broadcast %reduce_sum3A_20 : i1 to vector<16xi1>
    %reduce_sum3A_22 = tpu.scan <sum>, %select_n3A_19 masked %reduce_sum3A_21 : vector<16xi32>, vector<16xi1> -> vector<16xi32>
    %reduce_sum3A_23 = vector.extract %reduce_sum3A_22[15] : i32 from vector<16xi32>
    %get3A_24 = arith.index_cast %multiple_of3A : i32 to index
    %get3A_25 = tpu.vector_load %arg11[%get3A_24] {strides = array<i32>} : memref<512xi32, #tpu.memory_space<vmem>>, vector<16xi32>,
    %select_n3A_26 = arith.select %eq3A_11, %get3A_25, %broadcast_in_dim3A_12 : vector<16xi1>, vector<16xi32>
    %reduce_sum3A_27 = arith.constant true
    %reduce_sum3A_28 = vector.broadcast %reduce_sum3A_27 : i1 to vector<16xi1>
    %reduce_sum3A_29 = tpu.scan <sum>, %select_n3A_26 masked %reduce_sum3A_28 : vector<16xi32>, vector<16xi1> -> vector<16xi32>
    %reduce_sum3A_30 = vector.extract %reduce_sum3A_29[15] : i32 from vector<16xi32>
    %shift_right_logical3A_31 = arith.constant 7 : i32
    %shift_right_logical3A_32 = arith.shrui %reduce_sum3A_16, %shift_right_logical3A_31 : i32
    %shift_left3A_33 = arith.constant 7 : i32
    %shift_left3A_34 = arith.shli %shift_right_logical3A_32, %shift_left3A_33 : i32
    %multiple_of3A_35 = tpu.assume_multiple %shift_left3A_34, 128 : i32
    %shift_right_logical3A_36 = arith.constant 7 : i32
    %shift_right_logical3A_37 = arith.shrui %reduce_sum3A_23, %shift_right_logical3A_36 : i32
    %shift_left3A_38 = arith.constant 7 : i32
    %shift_left3A_39 = arith.shli %shift_right_logical3A_37, %shift_left3A_38 : i32
    %multiple_of3A_40 = tpu.assume_multiple %shift_left3A_39, 128 : i32
    %shift_right_logical3A_41 = arith.constant 7 : i32
    %shift_right_logical3A_42 = arith.shrui %reduce_sum3A_30, %shift_right_logical3A_41 : i32
    %shift_left3A_43 = arith.constant 7 : i32
    %shift_left3A_44 = arith.shli %shift_right_logical3A_42, %shift_left3A_43 : i32
    %multiple_of3A_45 = tpu.assume_multiple %shift_left3A_44, 128 : i32
    %dma_start3A = arith.constant 0 : i32
    %dma_start3A_46 = arith.constant 0 : i32
    %dma_start3A_47 = arith.constant 0 : i32
    %dma_start3A_48 = arith.constant 0 : i32
    %dma_start3A_49 = tpu.memref_slice %arg12[%dma_start3A, %dma_start3A_47, %dma_start3A_48] : memref<8x32x128xf32, #tpu.memory_space<vmem>> -> memref<1x32x128xf32, #tpu.memory_space<vmem>>
    %dma_start3A_50 = tpu.memref_squeeze %dma_start3A_49 : memref<1x32x128xf32, #tpu.memory_space<vmem>> -> memref<32x128xf32, #tpu.memory_space<vmem>>
    %dma_start3A_51 = arith.constant 0 : i32
    %dma_start3A_52 = tpu.memref_slice %arg5[%dma_start3A_51, %multiple_of3A_35] : memref<32x1000000xf32, #tpu.memory_space<hbm>> -> memref<32x128xf32, #tpu.memory_space<hbm>>
    %dma_start3A_53 = tpu.memref_slice %arg17[%dma_start3A_46] : memref<8x!tpu.dma_semaphore, #tpu.memory_space<semaphore_mem>> -> memref<1x!tpu.dma_semaphore, #tpu.memory_space<semaphore_mem>>
    %dma_start3A_54 = tpu.memref_squeeze %dma_start3A_53 : memref<1x!tpu.dma_semaphore, #tpu.memory_space<semaphore_mem>> -> memref<!tpu.dma_semaphore, #tpu.memory_space<semaphore_mem>>
    %dma_start3A_55 = arith.constant 0 : i32
    %dma_start3A_56 = arith.constant 0 : i32
    %dma_start3A_57 = tpu.memref_slice %arg12[%dma_start3A, %dma_start3A_55, %dma_start3A_56] : memref<8x32x128xf32, #tpu.memory_space<vmem>> -> memref<1x32x128xf32, #tpu.memory_space<vmem>>
    %dma_start3A_58 = tpu.memref_squeeze %dma_start3A_57 : memref<1x32x128xf32, #tpu.memory_space<vmem>> -> memref<32x128xf32, #tpu.memory_space<vmem>>
    %dma_start3A_59 = arith.constant 0 : i32
    %dma_start3A_60 = tpu.memref_slice %arg5[%dma_start3A_59, %multiple_of3A_35] : memref<32x1000000xf32, #tpu.memory_space<hbm>> -> memref<32x128xf32, #tpu.memory_space<hbm>>
    tpu.enqueue_dma source(%dma_start3A_60 : memref<32x128xf32, #tpu.memory_space<hbm>>) target(%dma_start3A_58 : memref<32x128xf32, #tpu.memory_space<vmem>>) target_semaphore(%dma_start3A_54 : memref<!tpu.dma_semaphore, #tpu.memory_space<semaphore_mem>>)
    %dma_start3A_61 = arith.constant 0 : i32
    %dma_start3A_62 = arith.constant 0 : i32
    %dma_start3A_63 = arith.constant 0 : i32
    %dma_start3A_64 = arith.constant 0 : i32
    %dma_start3A_65 = tpu.memref_slice %arg13[%dma_start3A_61, %dma_start3A_63, %dma_start3A_64] : memref<8x32x128xf32, #tpu.memory_space<vmem>> -> memref<1x32x128xf32, #tpu.memory_space<vmem>>
    %dma_start3A_66 = tpu.memref_squeeze %dma_start3A_65 : memref<1x32x128xf32, #tpu.memory_space<vmem>> -> memref<32x128xf32, #tpu.memory_space<vmem>>
    %dma_start3A_67 = arith.constant 0 : i32
    %dma_start3A_68 = tpu.memref_slice %arg6[%dma_start3A_67, %multiple_of3A_40] : memref<32x1000000xf32, #tpu.memory_space<hbm>> -> memref<32x128xf32, #tpu.memory_space<hbm>>
    %dma_start3A_69 = tpu.memref_slice %arg17[%dma_start3A_62] : memref<8x!tpu.dma_semaphore, #tpu.memory_space<semaphore_mem>> -> memref<1x!tpu.dma_semaphore, #tpu.memory_space<semaphore_mem>>
    %dma_start3A_70 = tpu.memref_squeeze %dma_start3A_69 : memref<1x!tpu.dma_semaphore, #tpu.memory_space<semaphore_mem>> -> memref<!tpu.dma_semaphore, #tpu.memory_space<semaphore_mem>>
    %dma_start3A_71 = arith.constant 0 : i32
    %dma_start3A_72 = arith.constant 0 : i32
    %dma_start3A_73 = tpu.memref_slice %arg13[%dma_start3A_61, %dma_start3A_71, %dma_start3A_72] : memref<8x32x128xf32, #tpu.memory_space<vmem>> -> memref<1x32x128xf32, #tpu.memory_space<vmem>>
    %dma_start3A_74 = tpu.memref_squeeze %dma_start3A_73 : memref<1x32x128xf32, #tpu.memory_space<vmem>> -> memref<32x128xf32, #tpu.memory_space<vmem>>
    %dma_start3A_75 = arith.constant 0 : i32
    %dma_start3A_76 = tpu.memref_slice %arg6[%dma_start3A_75, %multiple_of3A_40] : memref<32x1000000xf32, #tpu.memory_space<hbm>> -> memref<32x128xf32, #tpu.memory_space<hbm>>
    tpu.enqueue_dma source(%dma_start3A_76 : memref<32x128xf32, #tpu.memory_space<hbm>>) target(%dma_start3A_74 : memref<32x128xf32, #tpu.memory_space<vmem>>) target_semaphore(%dma_start3A_70 : memref<!tpu.dma_semaphore, #tpu.memory_space<semaphore_mem>>)
    %dma_start3A_77 = arith.constant 0 : i32
    %dma_start3A_78 = arith.constant 0 : i32
    %dma_start3A_79 = arith.constant 0 : i32
    %dma_start3A_80 = arith.constant 0 : i32
    %dma_start3A_81 = tpu.memref_slice %arg14[%dma_start3A_77, %dma_start3A_79, %dma_start3A_80] : memref<8x32x128xf32, #tpu.memory_space<vmem>> -> memref<1x32x128xf32, #tpu.memory_space<vmem>>
    %dma_start3A_82 = tpu.memref_squeeze %dma_start3A_81 : memref<1x32x128xf32, #tpu.memory_space<vmem>> -> memref<32x128xf32, #tpu.memory_space<vmem>>
    %dma_start3A_83 = arith.constant 0 : i32
    %dma_start3A_84 = tpu.memref_slice %arg6[%dma_start3A_83, %multiple_of3A_45] : memref<32x1000000xf32, #tpu.memory_space<hbm>> -> memref<32x128xf32, #tpu.memory_space<hbm>>
    %dma_start3A_85 = tpu.memref_slice %arg17[%dma_start3A_78] : memref<8x!tpu.dma_semaphore, #tpu.memory_space<semaphore_mem>> -> memref<1x!tpu.dma_semaphore, #tpu.memory_space<semaphore_mem>>
    %dma_start3A_86 = tpu.memref_squeeze %dma_start3A_85 : memref<1x!tpu.dma_semaphore, #tpu.memory_space<semaphore_mem>> -> memref<!tpu.dma_semaphore, #tpu.memory_space<semaphore_mem>>
    %dma_start3A_87 = arith.constant 0 : i32
    %dma_start3A_88 = arith.constant 0 : i32
    %dma_start3A_89 = tpu.memref_slice %arg14[%dma_start3A_77, %dma_start3A_87, %dma_start3A_88] : memref<8x32x128xf32, #tpu.memory_space<vmem>> -> memref<1x32x128xf32, #tpu.memory_space<vmem>>
    %dma_start3A_90 = tpu.memref_squeeze %dma_start3A_89 : memref<1x32x128xf32, #tpu.memory_space<vmem>> -> memref<32x128xf32, #tpu.memory_space<vmem>>
    %dma_start3A_91 = arith.constant 0 : i32
    %dma_start3A_92 = tpu.memref_slice %arg6[%dma_start3A_91, %multiple_of3A_45] : memref<32x1000000xf32, #tpu.memory_space<hbm>> -> memref<32x128xf32, #tpu.memory_space<hbm>>
    tpu.enqueue_dma source(%dma_start3A_92 : memref<32x128xf32, #tpu.memory_space<hbm>>) target(%dma_start3A_90 : memref<32x128xf32, #tpu.memory_space<vmem>>) target_semaphore(%dma_start3A_86 : memref<!tpu.dma_semaphore, #tpu.memory_space<semaphore_mem>>)
    %shift_right_logical3A_93 = arith.constant 1 : i32
    %shift_right_logical3A_94 = arith.constant 4 : i32
    %shift_right_logical3A_95 = arith.shrui %shift_right_logical3A_93, %shift_right_logical3A_94 : i32
    %shift_left3A_96 = arith.constant 4 : i32
    %shift_left3A_97 = arith.shli %shift_right_logical3A_95, %shift_left3A_96 : i32
    %multiple_of3A_98 = tpu.assume_multiple %shift_left3A_97, 16 : i32
    %and3A_99 = arith.constant 1 : i32
    %and3A_100 = arith.constant 15 : i32
    %and3A_101 = arith.andi %and3A_99, %and3A_100 : i32
    %eq3A_102 = vector.broadcast %and3A_101 : i32 to vector<16xi32>
    %eq3A_103 = arith.cmpi eq, %iota3A, %eq3A_102 : vector<16xi32>
    %broadcast_in_dim3A_104 = arith.constant 0 : i32
    %broadcast_in_dim3A_105 = vector.broadcast %broadcast_in_dim3A_104 : i32 to vector<16xi32>
    %get3A_106 = arith.index_cast %multiple_of3A_98 : i32 to index
    %get3A_107 = tpu.vector_load %arg9[%get3A_106] {strides = array<i32>} : memref<512xi32, #tpu.memory_space<vmem>>, vector<16xi32>,
    %select_n3A_108 = arith.select %eq3A_103, %get3A_107, %broadcast_in_dim3A_105 : vector<16xi1>, vector<16xi32>
    %reduce_sum3A_109 = arith.constant true
    %reduce_sum3A_110 = vector.broadcast %reduce_sum3A_109 : i1 to vector<16xi1>
    %reduce_sum3A_111 = tpu.scan <sum>, %select_n3A_108 masked %reduce_sum3A_110 : vector<16xi32>, vector<16xi1> -> vector<16xi32>
    %reduce_sum3A_112 = vector.extract %reduce_sum3A_111[15] : i32 from vector<16xi32>
    %get3A_113 = arith.index_cast %multiple_of3A_98 : i32 to index
    %get3A_114 = tpu.vector_load %arg10[%get3A_113] {strides = array<i32>} : memref<512xi32, #tpu.memory_space<vmem>>, vector<16xi32>,
    %select_n3A_115 = arith.select %eq3A_103, %get3A_114, %broadcast_in_dim3A_105 : vector<16xi1>, vector<16xi32>
    %reduce_sum3A_116 = arith.constant true
    %reduce_sum3A_117 = vector.broadcast %reduce_sum3A_116 : i1 to vector<16xi1>
    %reduce_sum3A_118 = tpu.scan <sum>, %select_n3A_115 masked %reduce_sum3A_117 : vector<16xi32>, vector<16xi1> -> vector<16xi32>
    %reduce_sum3A_119 = vector.extract %reduce_sum3A_118[15] : i32 from vector<16xi32>
    %get3A_120 = arith.index_cast %multiple_of3A_98 : i32 to index
    %get3A_121 = tpu.vector_load %arg11[%get3A_120] {strides = array<i32>} : memref<512xi32, #tpu.memory_space<vmem>>, vector<16xi32>,
    %select_n3A_122 = arith.select %eq3A_103, %get3A_121, %broadcast_in_dim3A_105 : vector<16xi1>, vector<16xi32>
    %reduce_sum3A_123 = arith.constant true
    %reduce_sum3A_124 = vector.broadcast %reduce_sum3A_123 : i1 to vector<16xi1>
    %reduce_sum3A_125 = tpu.scan <sum>, %select_n3A_122 masked %reduce_sum3A_124 : vector<16xi32>, vector<16xi1> -> vector<16xi32>
    %reduce_sum3A_126 = vector.extract %reduce_sum3A_125[15] : i32 from vector<16xi32>
    %shift_right_logical3A_127 = arith.constant 7 : i32
    %shift_right_logical3A_128 = arith.shrui %reduce_sum3A_112, %shift_right_logical3A_127 : i32
    %shift_left3A_129 = arith.constant 7 : i32
    %shift_left3A_130 = arith.shli %shift_right_logical3A_128, %shift_left3A_129 : i32
    %multiple_of3A_131 = tpu.assume_multiple %shift_left3A_130, 128 : i32
    %shift_right_logical3A_132 = arith.constant 7 : i32
    %shift_right_logical3A_133 = arith.shrui %reduce_sum3A_119, %shift_right_logical3A_132 : i32
    %shift_left3A_134 = arith.constant 7 : i32
    %shift_left3A_135 = arith.shli %shift_right_logical3A_133, %shift_left3A_134 : i32
    %multiple_of3A_136 = tpu.assume_multiple %shift_left3A_135, 128 : i32
    %shift_right_logical3A_137 = arith.constant 7 : i32
    %shift_right_logical3A_138 = arith.shrui %reduce_sum3A_126, %shift_right_logical3A_137 : i32
    %shift_left3A_139 = arith.constant 7 : i32
    %shift_left3A_140 = arith.shli %shift_right_logical3A_138, %shift_left3A_139 : i32
    %multiple_of3A_141 = tpu.assume_multiple %shift_left3A_140, 128 : i32
    %dma_start3A_142 = arith.constant 1 : i32
    %dma_start3A_143 = arith.constant 1 : i32
    %dma_start3A_144 = arith.constant 0 : i32
    %dma_start3A_145 = arith.constant 0 : i32
    %dma_start3A_146 = tpu.memref_slice %arg12[%dma_start3A_142, %dma_start3A_144, %dma_start3A_145] : memref<8x32x128xf32, #tpu.memory_space<vmem>> -> memref<1x32x128xf32, #tpu.memory_space<vmem>>
    %dma_start3A_147 = tpu.memref_squeeze %dma_start3A_146 : memref<1x32x128xf32, #tpu.memory_space<vmem>> -> memref<32x128xf32, #tpu.memory_space<vmem>>
    %dma_start3A_148 = arith.constant 0 : i32
    %dma_start3A_149 = tpu.memref_slice %arg5[%dma_start3A_148, %multiple_of3A_131] : memref<32x1000000xf32, #tpu.memory_space<hbm>> -> memref<32x128xf32, #tpu.memory_space<hbm>>
    %dma_start3A_150 = tpu.memref_slice %arg17[%dma_start3A_143] : memref<8x!tpu.dma_semaphore, #tpu.memory_space<semaphore_mem>> -> memref<1x!tpu.dma_semaphore, #tpu.memory_space<semaphore_mem>>
    %dma_start3A_151 = tpu.memref_squeeze %dma_start3A_150 : memref<1x!tpu.dma_semaphore, #tpu.memory_space<semaphore_mem>> -> memref<!tpu.dma_semaphore, #tpu.memory_space<semaphore_mem>>
    %dma_start3A_152 = arith.constant 0 : i32
    %dma_start3A_153 = arith.constant 0 : i32
    %dma_start3A_154 = tpu.memref_slice %arg12[%dma_start3A_142, %dma_start3A_152, %dma_start3A_153] : memref<8x32x128xf32, #tpu.memory_space<vmem>> -> memref<1x32x128xf32, #tpu.memory_space<vmem>>
    %dma_start3A_155 = tpu.memref_squeeze %dma_start3A_154 : memref<1x32x128xf32, #tpu.memory_space<vmem>> -> memref<32x128xf32, #tpu.memory_space<vmem>>
    %dma_start3A_156 = arith.constant 0 : i32
    %dma_start3A_157 = tpu.memref_slice %arg5[%dma_start3A_156, %multiple_of3A_131] : memref<32x1000000xf32, #tpu.memory_space<hbm>> -> memref<32x128xf32, #tpu.memory_space<hbm>>
    tpu.enqueue_dma source(%dma_start3A_157 : memref<32x128xf32, #tpu.memory_space<hbm>>) target(%dma_start3A_155 : memref<32x128xf32, #tpu.memory_space<vmem>>) target_semaphore(%dma_start3A_151 : memref<!tpu.dma_semaphore, #tpu.memory_space<semaphore_mem>>)
    %dma_start3A_158 = arith.constant 1 : i32
    %dma_start3A_159 = arith.constant 1 : i32
    %dma_start3A_160 = arith.constant 0 : i32
    %dma_start3A_161 = arith.constant 0 : i32
    %dma_start3A_162 = tpu.memref_slice %arg13[%dma_start3A_158, %dma_start3A_160, %dma_start3A_161] : memref<8x32x128xf32, #tpu.memory_space<vmem>> -> memref<1x32x128xf32, #tpu.memory_space<vmem>>
    %dma_start3A_163 = tpu.memref_squeeze %dma_start3A_162 : memref<1x32x128xf32, #tpu.memory_space<vmem>> -> memref<32x128xf32, #tpu.memory_space<vmem>>
    %dma_start3A_164 = arith.constant 0 : i32
    %dma_start3A_165 = tpu.memref_slice %arg6[%dma_start3A_164, %multiple_of3A_136] : memref<32x1000000xf32, #tpu.memory_space<hbm>> -> memref<32x128xf32, #tpu.memory_space<hbm>>
    %dma_start3A_166 = tpu.memref_slice %arg17[%dma_start3A_159] : memref<8x!tpu.dma_semaphore, #tpu.memory_space<semaphore_mem>> -> memref<1x!tpu.dma_semaphore, #tpu.memory_space<semaphore_mem>>
    %dma_start3A_167 = tpu.memref_squeeze %dma_start3A_166 : memref<1x!tpu.dma_semaphore, #tpu.memory_space<semaphore_mem>> -> memref<!tpu.dma_semaphore, #tpu.memory_space<semaphore_mem>>
    %dma_start3A_168 = arith.constant 0 : i32
    %dma_start3A_169 = arith.constant 0 : i32
    %dma_start3A_170 = tpu.memref_slice %arg13[%dma_start3A_158, %dma_start3A_168, %dma_start3A_169] : memref<8x32x128xf32, #tpu.memory_space<vmem>> -> memref<1x32x128xf32, #tpu.memory_space<vmem>>
    %dma_start3A_171 = tpu.memref_squeeze %dma_start3A_170 : memref<1x32x128xf32, #tpu.memory_space<vmem>> -> memref<32x128xf32, #tpu.memory_space<vmem>>
    %dma_start3A_172 = arith.constant 0 : i32
    %dma_start3A_173 = tpu.memref_slice %arg6[%dma_start3A_172, %multiple_of3A_136] : memref<32x1000000xf32, #tpu.memory_space<hbm>> -> memref<32x128xf32, #tpu.memory_space<hbm>>
    tpu.enqueue_dma source(%dma_start3A_173 : memref<32x128xf32, #tpu.memory_space<hbm>>) target(%dma_start3A_171 : memref<32x128xf32, #tpu.memory_space<vmem>>) target_semaphore(%dma_start3A_167 : memref<!tpu.dma_semaphore, #tpu.memory_space<semaphore_mem>>)
    %dma_start3A_174 = arith.constant 1 : i32
    %dma_start3A_175 = arith.constant 1 : i32
    %dma_start3A_176 = arith.constant 0 : i32
    %dma_start3A_177 = arith.constant 0 : i32
    %dma_start3A_178 = tpu.memref_slice %arg14[%dma_start3A_174, %dma_start3A_176, %dma_start3A_177] : memref<8x32x128xf32, #tpu.memory_space<vmem>> -> memref<1x32x128xf32, #tpu.memory_space<vmem>>
    %dma_start3A_179 = tpu.memref_squeeze %dma_start3A_178 : memref<1x32x128xf32, #tpu.memory_space<vmem>> -> memref<32x128xf32, #tpu.memory_space<vmem>>
    %dma_start3A_180 = arith.constant 0 : i32
    %dma_start3A_181 = tpu.memref_slice %arg6[%dma_start3A_180, %multiple_of3A_141] : memref<32x1000000xf32, #tpu.memory_space<hbm>> -> memref<32x128xf32, #tpu.memory_space<hbm>>
    %dma_start3A_182 = tpu.memref_slice %arg17[%dma_start3A_175] : memref<8x!tpu.dma_semaphore, #tpu.memory_space<semaphore_mem>> -> memref<1x!tpu.dma_semaphore, #tpu.memory_space<semaphore_mem>>
    %dma_start3A_183 = tpu.memref_squeeze %dma_start3A_182 : memref<1x!tpu.dma_semaphore, #tpu.memory_space<semaphore_mem>> -> memref<!tpu.dma_semaphore, #tpu.memory_space<semaphore_mem>>
    %dma_start3A_184 = arith.constant 0 : i32
    %dma_start3A_185 = arith.constant 0 : i32
    %dma_start3A_186 = tpu.memref_slice %arg14[%dma_start3A_174, %dma_start3A_184, %dma_start3A_185] : memref<8x32x128xf32, #tpu.memory_space<vmem>> -> memref<1x32x128xf32, #tpu.memory_space<vmem>>
    %dma_start3A_187 = tpu.memref_squeeze %dma_start3A_186 : memref<1x32x128xf32, #tpu.memory_space<vmem>> -> memref<32x128xf32, #tpu.memory_space<vmem>>
    %dma_start3A_188 = arith.constant 0 : i32
    %dma_start3A_189 = tpu.memref_slice %arg6[%dma_start3A_188, %multiple_of3A_141] : memref<32x1000000xf32, #tpu.memory_space<hbm>> -> memref<32x128xf32, #tpu.memory_space<hbm>>
    tpu.enqueue_dma source(%dma_start3A_189 : memref<32x128xf32, #tpu.memory_space<hbm>>) target(%dma_start3A_187 : memref<32x128xf32, #tpu.memory_space<vmem>>) target_semaphore(%dma_start3A_183 : memref<!tpu.dma_semaphore, #tpu.memory_space<semaphore_mem>>)
    %shift_right_logical3A_190 = arith.constant 2 : i32
    %shift_right_logical3A_191 = arith.constant 4 : i32
    %shift_right_logical3A_192 = arith.shrui %shift_right_logical3A_190, %shift_right_logical3A_191 : i32
    %shift_left3A_193 = arith.constant 4 : i32
    %shift_left3A_194 = arith.shli %shift_right_logical3A_192, %shift_left3A_193 : i32
    %multiple_of3A_195 = tpu.assume_multiple %shift_left3A_194, 16 : i32
    %and3A_196 = arith.constant 2 : i32
    %and3A_197 = arith.constant 15 : i32
    %and3A_198 = arith.andi %and3A_196, %and3A_197 : i32
    %eq3A_199 = vector.broadcast %and3A_198 : i32 to vector<16xi32>
    %eq3A_200 = arith.cmpi eq, %iota3A, %eq3A_199 : vector<16xi32>
    %broadcast_in_dim3A_201 = arith.constant 0 : i32
    %broadcast_in_dim3A_202 = vector.broadcast %broadcast_in_dim3A_201 : i32 to vector<16xi32>
    %get3A_203 = arith.index_cast %multiple_of3A_195 : i32 to index
    %get3A_204 = tpu.vector_load %arg9[%get3A_203] {strides = array<i32>} : memref<512xi32, #tpu.memory_space<vmem>>, vector<16xi32>,
    %select_n3A_205 = arith.select %eq3A_200, %get3A_204, %broadcast_in_dim3A_202 : vector<16xi1>, vector<16xi32>
    %reduce_sum3A_206 = arith.constant true
    %reduce_sum3A_207 = vector.broadcast %reduce_sum3A_206 : i1 to vector<16xi1>
    %reduce_sum3A_208 = tpu.scan <sum>, %select_n3A_205 masked %reduce_sum3A_207 : vector<16xi32>, vector<16xi1> -> vector<16xi32>
    %reduce_sum3A_209 = vector.extract %reduce_sum3A_208[15] : i32 from vector<16xi32>
    %get3A_210 = arith.index_cast %multiple_of3A_195 : i32 to index
    %get3A_211 = tpu.vector_load %arg10[%get3A_210] {strides = array<i32>} : memref<512xi32, #tpu.memory_space<vmem>>, vector<16xi32>,
    %select_n3A_212 = arith.select %eq3A_200, %get3A_211, %broadcast_in_dim3A_202 : vector<16xi1>, vector<16xi32>
    %reduce_sum3A_213 = arith.constant true
    %reduce_sum3A_214 = vector.broadcast %reduce_sum3A_213 : i1 to vector<16xi1>
    %reduce_sum3A_215 = tpu.scan <sum>, %select_n3A_212 masked %reduce_sum3A_214 : vector<16xi32>, vector<16xi1> -> vector<16xi32>
    %reduce_sum3A_216 = vector.extract %reduce_sum3A_215[15] : i32 from vector<16xi32>
    %get3A_217 = arith.index_cast %multiple_of3A_195 : i32 to index
    %get3A_218 = tpu.vector_load %arg11[%get3A_217] {strides = array<i32>} : memref<512xi32, #tpu.memory_space<vmem>>, vector<16xi32>,
    %select_n3A_219 = arith.select %eq3A_200, %get3A_218, %broadcast_in_dim3A_202 : vector<16xi1>, vector<16xi32>
    %reduce_sum3A_220 = arith.constant true
    %reduce_sum3A_221 = vector.broadcast %reduce_sum3A_220 : i1 to vector<16xi1>
    %reduce_sum3A_222 = tpu.scan <sum>, %select_n3A_219 masked %reduce_sum3A_221 : vector<16xi32>, vector<16xi1> -> vector<16xi32>
    %reduce_sum3A_223 = vector.extract %reduce_sum3A_222[15] : i32 from vector<16xi32>
    %shift_right_logical3A_224 = arith.constant 7 : i32
    %shift_right_logical3A_225 = arith.shrui %reduce_sum3A_209, %shift_right_logical3A_224 : i32
    %shift_left3A_226 = arith.constant 7 : i32
    %shift_left3A_227 = arith.shli %shift_right_logical3A_225, %shift_left3A_226 : i32
    %multiple_of3A_228 = tpu.assume_multiple %shift_left3A_227, 128 : i32
    %shift_right_logical3A_229 = arith.constant 7 : i32
    %shift_right_logical3A_230 = arith.shrui %reduce_sum3A_216, %shift_right_logical3A_229 : i32
    %shift_left3A_231 = arith.constant 7 : i32
    %shift_left3A_232 = arith.shli %shift_right_logical3A_230, %shift_left3A_231 : i32
    %multiple_of3A_233 = tpu.assume_multiple %shift_left3A_232, 128 : i32
    %shift_right_logical3A_234 = arith.constant 7 : i32
    %shift_right_logical3A_235 = arith.shrui %reduce_sum3A_223, %shift_right_logical3A_234 : i32
    %shift_left3A_236 = arith.constant 7 : i32
    %shift_left3A_237 = arith.shli %shift_right_logical3A_235, %shift_left3A_236 : i32
    %multiple_of3A_238 = tpu.assume_multiple %shift_left3A_237, 128 : i32
    %dma_start3A_239 = arith.constant 2 : i32
    %dma_start3A_240 = arith.constant 2 : i32
    %dma_start3A_241 = arith.constant 0 : i32
    %dma_start3A_242 = arith.constant 0 : i32
    %dma_start3A_243 = tpu.memref_slice %arg12[%dma_start3A_239, %dma_start3A_241, %dma_start3A_242] : memref<8x32x128xf32, #tpu.memory_space<vmem>> -> memref<1x32x128xf32, #tpu.memory_space<vmem>>
    %dma_start3A_244 = tpu.memref_squeeze %dma_start3A_243 : memref<1x32x128xf32, #tpu.memory_space<vmem>> -> memref<32x128xf32, #tpu.memory_space<vmem>>
    %dma_start3A_245 = arith.constant 0 : i32
    %dma_start3A_246 = tpu.memref_slice %arg5[%dma_start3A_245, %multiple_of3A_228] : memref<32x1000000xf32, #tpu.memory_space<hbm>> -> memref<32x128xf32, #tpu.memory_space<hbm>>
    %dma_start3A_247 = tpu.memref_slice %arg17[%dma_start3A_240] : memref<8x!tpu.dma_semaphore, #tpu.memory_space<semaphore_mem>> -> memref<1x!tpu.dma_semaphore, #tpu.memory_space<semaphore_mem>>
    %dma_start3A_248 = tpu.memref_squeeze %dma_start3A_247 : memref<1x!tpu.dma_semaphore, #tpu.memory_space<semaphore_mem>> -> memref<!tpu.dma_semaphore, #tpu.memory_space<semaphore_mem>>
    %dma_start3A_249 = arith.constant 0 : i32
    %dma_start3A_250 = arith.constant 0 : i32
    %dma_start3A_251 = tpu.memref_slice %arg12[%dma_start3A_239, %dma_start3A_249, %dma_start3A_250] : memref<8x32x128xf32, #tpu.memory_space<vmem>> -> memref<1x32x128xf32, #tpu.memory_space<vmem>>
    %dma_start3A_252 = tpu.memref_squeeze %dma_start3A_251 : memref<1x32x128xf32, #tpu.memory_space<vmem>> -> memref<32x128xf32, #tpu.memory_space<vmem>>
    %dma_start3A_253 = arith.constant 0 : i32
    %dma_start3A_254 = tpu.memref_slice %arg5[%dma_start3A_253, %multiple_of3A_228] : memref<32x1000000xf32, #tpu.memory_space<hbm>> -> memref<32x128xf32, #tpu.memory_space<hbm>>
    tpu.enqueue_dma source(%dma_start3A_254 : memref<32x128xf32, #tpu.memory_space<hbm>>) target(%dma_start3A_252 : memref<32x128xf32, #tpu.memory_space<vmem>>) target_semaphore(%dma_start3A_248 : memref<!tpu.dma_semaphore, #tpu.memory_space<semaphore_mem>>)
    %dma_start3A_255 = arith.constant 2 : i32
    %dma_start3A_256 = arith.constant 2 : i32
    %dma_start3A_257 = arith.constant 0 : i32
    %dma_start3A_258 = arith.constant 0 : i32
    %dma_start3A_259 = tpu.memref_slice %arg13[%dma_start3A_255, %dma_start3A_257, %dma_start3A_258] : memref<8x32x128xf32, #tpu.memory_space<vmem>> -> memref<1x32x128xf32, #tpu.memory_space<vmem>>
    %dma_start3A_260 = tpu.memref_squeeze %dma_start3A_259 : memref<1x32x128xf32, #tpu.memory_space<vmem>> -> memref<32x128xf32, #tpu.memory_space<vmem>>
    %dma_start3A_261 = arith.constant 0 : i32
    %dma_start3A_262 = tpu.memref_slice %arg6[%dma_start3A_261, %multiple_of3A_233] : memref<32x1000000xf32, #tpu.memory_space<hbm>> -> memref<32x128xf32, #tpu.memory_space<hbm>>
    %dma_start3A_263 = tpu.memref_slice %arg17[%dma_start3A_256] : memref<8x!tpu.dma_semaphore, #tpu.memory_space<semaphore_mem>> -> memref<1x!tpu.dma_semaphore, #tpu.memory_space<semaphore_mem>>
    %dma_start3A_264 = tpu.memref_squeeze %dma_start3A_263 : memref<1x!tpu.dma_semaphore, #tpu.memory_space<semaphore_mem>> -> memref<!tpu.dma_semaphore, #tpu.memory_space<semaphore_mem>>
    %dma_start3A_265 = arith.constant 0 : i32
    %dma_start3A_266 = arith.constant 0 : i32
    %dma_start3A_267 = tpu.memref_slice %arg13[%dma_start3A_255, %dma_start3A_265, %dma_start3A_266] : memref<8x32x128xf32, #tpu.memory_space<vmem>> -> memref<1x32x128xf32, #tpu.memory_space<vmem>>
    %dma_start3A_268 = tpu.memref_squeeze %dma_start3A_267 : memref<1x32x128xf32, #tpu.memory_space<vmem>> -> memref<32x128xf32, #tpu.memory_space<vmem>>
    %dma_start3A_269 = arith.constant 0 : i32
    %dma_start3A_270 = tpu.memref_slice %arg6[%dma_start3A_269, %multiple_of3A_233] : memref<32x1000000xf32, #tpu.memory_space<hbm>> -> memref<32x128xf32, #tpu.memory_space<hbm>>
    tpu.enqueue_dma source(%dma_start3A_270 : memref<32x128xf32, #tpu.memory_space<hbm>>) target(%dma_start3A_268 : memref<32x128xf32, #tpu.memory_space<vmem>>) target_semaphore(%dma_start3A_264 : memref<!tpu.dma_semaphore, #tpu.memory_space<semaphore_mem>>)
    %dma_start3A_271 = arith.constant 2 : i32
    %dma_start3A_272 = arith.constant 2 : i32
    %dma_start3A_273 = arith.constant 0 : i32
    %dma_start3A_274 = arith.constant 0 : i32
    %dma_start3A_275 = tpu.memref_slice %arg14[%dma_start3A_271, %dma_start3A_273, %dma_start3A_274] : memref<8x32x128xf32, #tpu.memory_space<vmem>> -> memref<1x32x128xf32, #tpu.memory_space<vmem>>
    %dma_start3A_276 = tpu.memref_squeeze %dma_start3A_275 : memref<1x32x128xf32, #tpu.memory_space<vmem>> -> memref<32x128xf32, #tpu.memory_space<vmem>>
    %dma_start3A_277 = arith.constant 0 : i32
    %dma_start3A_278 = tpu.memref_slice %arg6[%dma_start3A_277, %multiple_of3A_238] : memref<32x1000000xf32, #tpu.memory_space<hbm>> -> memref<32x128xf32, #tpu.memory_space<hbm>>
    %dma_start3A_279 = tpu.memref_slice %arg17[%dma_start3A_272] : memref<8x!tpu.dma_semaphore, #tpu.memory_space<semaphore_mem>> -> memref<1x!tpu.dma_semaphore, #tpu.memory_space<semaphore_mem>>
    %dma_start3A_280 = tpu.memref_squeeze %dma_start3A_279 : memref<1x!tpu.dma_semaphore, #tpu.memory_space<semaphore_mem>> -> memref<!tpu.dma_semaphore, #tpu.memory_space<semaphore_mem>>
    %dma_start3A_281 = arith.constant 0 : i32
    %dma_start3A_282 = arith.constant 0 : i32
    %dma_start3A_283 = tpu.memref_slice %arg14[%dma_start3A_271, %dma_start3A_281, %dma_start3A_282] : memref<8x32x128xf32, #tpu.memory_space<vmem>> -> memref<1x32x128xf32, #tpu.memory_space<vmem>>
    %dma_start3A_284 = tpu.memref_squeeze %dma_start3A_283 : memref<1x32x128xf32, #tpu.memory_space<vmem>> -> memref<32x128xf32, #tpu.memory_space<vmem>>
    %dma_start3A_285 = arith.constant 0 : i32
    %dma_start3A_286 = tpu.memref_slice %arg6[%dma_start3A_285, %multiple_of3A_238] : memref<32x1000000xf32, #tpu.memory_space<hbm>> -> memref<32x128xf32, #tpu.memory_space<hbm>>
    tpu.enqueue_dma source(%dma_start3A_286 : memref<32x128xf32, #tpu.memory_space<hbm>>) target(%dma_start3A_284 : memref<32x128xf32, #tpu.memory_space<vmem>>) target_semaphore(%dma_start3A_280 : memref<!tpu.dma_semaphore, #tpu.memory_space<semaphore_mem>>)
    %shift_right_logical3A_287 = arith.constant 3 : i32
    %shift_right_logical3A_288 = arith.constant 4 : i32
    %shift_right_logical3A_289 = arith.shrui %shift_right_logical3A_287, %shift_right_logical3A_288 : i32
    %shift_left3A_290 = arith.constant 4 : i32
    %shift_left3A_291 = arith.shli %shift_right_logical3A_289, %shift_left3A_290 : i32
    %multiple_of3A_292 = tpu.assume_multiple %shift_left3A_291, 16 : i32
    %and3A_293 = arith.constant 3 : i32
    %and3A_294 = arith.constant 15 : i32
    %and3A_295 = arith.andi %and3A_293, %and3A_294 : i32
    %eq3A_296 = vector.broadcast %and3A_295 : i32 to vector<16xi32>
    %eq3A_297 = arith.cmpi eq, %iota3A, %eq3A_296 : vector<16xi32>
    %broadcast_in_dim3A_298 = arith.constant 0 : i32
    %broadcast_in_dim3A_299 = vector.broadcast %broadcast_in_dim3A_298 : i32 to vector<16xi32>
    %get3A_300 = arith.index_cast %multiple_of3A_292 : i32 to index
    %get3A_301 = tpu.vector_load %arg9[%get3A_300] {strides = array<i32>} : memref<512xi32, #tpu.memory_space<vmem>>, vector<16xi32>,
    %select_n3A_302 = arith.select %eq3A_297, %get3A_301, %broadcast_in_dim3A_299 : vector<16xi1>, vector<16xi32>
    %reduce_sum3A_303 = arith.constant true
    %reduce_sum3A_304 = vector.broadcast %reduce_sum3A_303 : i1 to vector<16xi1>
    %reduce_sum3A_305 = tpu.scan <sum>, %select_n3A_302 masked %reduce_sum3A_304 : vector<16xi32>, vector<16xi1> -> vector<16xi32>
    %reduce_sum3A_306 = vector.extract %reduce_sum3A_305[15] : i32 from vector<16xi32>
    %get3A_307 = arith.index_cast %multiple_of3A_292 : i32 to index
    %get3A_308 = tpu.vector_load %arg10[%get3A_307] {strides = array<i32>} : memref<512xi32, #tpu.memory_space<vmem>>, vector<16xi32>,
    %select_n3A_309 = arith.select %eq3A_297, %get3A_308, %broadcast_in_dim3A_299 : vector<16xi1>, vector<16xi32>
    %reduce_sum3A_310 = arith.constant true
    %reduce_sum3A_311 = vector.broadcast %reduce_sum3A_310 : i1 to vector<16xi1>
    %reduce_sum3A_312 = tpu.scan <sum>, %select_n3A_309 masked %reduce_sum3A_311 : vector<16xi32>, vector<16xi1> -> vector<16xi32>
    %reduce_sum3A_313 = vector.extract %reduce_sum3A_312[15] : i32 from vector<16xi32>
    %get3A_314 = arith.index_cast %multiple_of3A_292 : i32 to index
    %get3A_315 = tpu.vector_load %arg11[%get3A_314] {strides = array<i32>} : memref<512xi32, #tpu.memory_space<vmem>>, vector<16xi32>,
    %select_n3A_316 = arith.select %eq3A_297, %get3A_315, %broadcast_in_dim3A_299 : vector<16xi1>, vector<16xi32>
    %reduce_sum3A_317 = arith.constant true
    %reduce_sum3A_318 = vector.broadcast %reduce_sum3A_317 : i1 to vector<16xi1>
    %reduce_sum3A_319 = tpu.scan <sum>, %select_n3A_316 masked %reduce_sum3A_318 : vector<16xi32>, vector<16xi1> -> vector<16xi32>
    %reduce_sum3A_320 = vector.extract %reduce_sum3A_319[15] : i32 from vector<16xi32>
    %shift_right_logical3A_321 = arith.constant 7 : i32
    %shift_right_logical3A_322 = arith.shrui %reduce_sum3A_306, %shift_right_logical3A_321 : i32
    %shift_left3A_323 = arith.constant 7 : i32
    %shift_left3A_324 = arith.shli %shift_right_logical3A_322, %shift_left3A_323 : i32
    %multiple_of3A_325 = tpu.assume_multiple %shift_left3A_324, 128 : i32
    %shift_right_logical3A_326 = arith.constant 7 : i32
    %shift_right_logical3A_327 = arith.shrui %reduce_sum3A_313, %shift_right_logical3A_326 : i32
    %shift_left3A_328 = arith.constant 7 : i32
    %shift_left3A_329 = arith.shli %shift_right_logical3A_327, %shift_left3A_328 : i32
    %multiple_of3A_330 = tpu.assume_multiple %shift_left3A_329, 128 : i32
    %shift_right_logical3A_331 = arith.constant 7 : i32
    %shift_right_logical3A_332 = arith.shrui %reduce_sum3A_320, %shift_right_logical3A_331 : i32
    %shift_left3A_333 = arith.constant 7 : i32
    %shift_left3A_334 = arith.shli %shift_right_logical3A_332, %shift_left3A_333 : i32
    %multiple_of3A_335 = tpu.assume_multiple %shift_left3A_334, 128 : i32
    %dma_start3A_336 = arith.constant 3 : i32
    %dma_start3A_337 = arith.constant 3 : i32
    %dma_start3A_338 = arith.constant 0 : i32
    %dma_start3A_339 = arith.constant 0 : i32
    %dma_start3A_340 = tpu.memref_slice %arg12[%dma_start3A_336, %dma_start3A_338, %dma_start3A_339] : memref<8x32x128xf32, #tpu.memory_space<vmem>> -> memref<1x32x128xf32, #tpu.memory_space<vmem>>
    %dma_start3A_341 = tpu.memref_squeeze %dma_start3A_340 : memref<1x32x128xf32, #tpu.memory_space<vmem>> -> memref<32x128xf32, #tpu.memory_space<vmem>>
    %dma_start3A_342 = arith.constant 0 : i32
    %dma_start3A_343 = tpu.memref_slice %arg5[%dma_start3A_342, %multiple_of3A_325] : memref<32x1000000xf32, #tpu.memory_space<hbm>> -> memref<32x128xf32, #tpu.memory_space<hbm>>
    %dma_start3A_344 = tpu.memref_slice %arg17[%dma_start3A_337] : memref<8x!tpu.dma_semaphore, #tpu.memory_space<semaphore_mem>> -> memref<1x!tpu.dma_semaphore, #tpu.memory_space<semaphore_mem>>
    %dma_start3A_345 = tpu.memref_squeeze %dma_start3A_344 : memref<1x!tpu.dma_semaphore, #tpu.memory_space<semaphore_mem>> -> memref<!tpu.dma_semaphore, #tpu.memory_space<semaphore_mem>>
    %dma_start3A_346 = arith.constant 0 : i32
    %dma_start3A_347 = arith.constant 0 : i32
    %dma_start3A_348 = tpu.memref_slice %arg12[%dma_start3A_336, %dma_start3A_346, %dma_start3A_347] : memref<8x32x128xf32, #tpu.memory_space<vmem>> -> memref<1x32x128xf32, #tpu.memory_space<vmem>>
    %dma_start3A_349 = tpu.memref_squeeze %dma_start3A_348 : memref<1x32x128xf32, #tpu.memory_space<vmem>> -> memref<32x128xf32, #tpu.memory_space<vmem>>
    %dma_start3A_350 = arith.constant 0 : i32
    %dma_start3A_351 = tpu.memref_slice %arg5[%dma_start3A_350, %multiple_of3A_325] : memref<32x1000000xf32, #tpu.memory_space<hbm>> -> memref<32x128xf32, #tpu.memory_space<hbm>>
    tpu.enqueue_dma source(%dma_start3A_351 : memref<32x128xf32, #tpu.memory_space<hbm>>) target(%dma_start3A_349 : memref<32x128xf32, #tpu.memory_space<vmem>>) target_semaphore(%dma_start3A_345 : memref<!tpu.dma_semaphore, #tpu.memory_space<semaphore_mem>>)
    %dma_start3A_352 = arith.constant 3 : i32
    %dma_start3A_353 = arith.constant 3 : i32
    %dma_start3A_354 = arith.constant 0 : i32
    %dma_start3A_355 = arith.constant 0 : i32
    %dma_start3A_356 = tpu.memref_slice %arg13[%dma_start3A_352, %dma_start3A_354, %dma_start3A_355] : memref<8x32x128xf32, #tpu.memory_space<vmem>> -> memref<1x32x128xf32, #tpu.memory_space<vmem>>
    %dma_start3A_357 = tpu.memref_squeeze %dma_start3A_356 : memref<1x32x128xf32, #tpu.memory_space<vmem>> -> memref<32x128xf32, #tpu.memory_space<vmem>>
    %dma_start3A_358 = arith.constant 0 : i32
    %dma_start3A_359 = tpu.memref_slice %arg6[%dma_start3A_358, %multiple_of3A_330] : memref<32x1000000xf32, #tpu.memory_space<hbm>> -> memref<32x128xf32, #tpu.memory_space<hbm>>
    %dma_start3A_360 = tpu.memref_slice %arg17[%dma_start3A_353] : memref<8x!tpu.dma_semaphore, #tpu.memory_space<semaphore_mem>> -> memref<1x!tpu.dma_semaphore, #tpu.memory_space<semaphore_mem>>
    %dma_start3A_361 = tpu.memref_squeeze %dma_start3A_360 : memref<1x!tpu.dma_semaphore, #tpu.memory_space<semaphore_mem>> -> memref<!tpu.dma_semaphore, #tpu.memory_space<semaphore_mem>>
    %dma_start3A_362 = arith.constant 0 : i32
    %dma_start3A_363 = arith.constant 0 : i32
    %dma_start3A_364 = tpu.memref_slice %arg13[%dma_start3A_352, %dma_start3A_362, %dma_start3A_363] : memref<8x32x128xf32, #tpu.memory_space<vmem>> -> memref<1x32x128xf32, #tpu.memory_space<vmem>>
    %dma_start3A_365 = tpu.memref_squeeze %dma_start3A_364 : memref<1x32x128xf32, #tpu.memory_space<vmem>> -> memref<32x128xf32, #tpu.memory_space<vmem>>
    %dma_start3A_366 = arith.constant 0 : i32
    %dma_start3A_367 = tpu.memref_slice %arg6[%dma_start3A_366, %multiple_of3A_330] : memref<32x1000000xf32, #tpu.memory_space<hbm>> -> memref<32x128xf32, #tpu.memory_space<hbm>>
    tpu.enqueue_dma source(%dma_start3A_367 : memref<32x128xf32, #tpu.memory_space<hbm>>) target(%dma_start3A_365 : memref<32x128xf32, #tpu.memory_space<vmem>>) target_semaphore(%dma_start3A_361 : memref<!tpu.dma_semaphore, #tpu.memory_space<semaphore_mem>>)
    %dma_start3A_368 = arith.constant 3 : i32
    %dma_start3A_369 = arith.constant 3 : i32
    %dma_start3A_370 = arith.constant 0 : i32
    %dma_start3A_371 = arith.constant 0 : i32
    %dma_start3A_372 = tpu.memref_slice %arg14[%dma_start3A_368, %dma_start3A_370, %dma_start3A_371] : memref<8x32x128xf32, #tpu.memory_space<vmem>> -> memref<1x32x128xf32, #tpu.memory_space<vmem>>
    %dma_start3A_373 = tpu.memref_squeeze %dma_start3A_372 : memref<1x32x128xf32, #tpu.memory_space<vmem>> -> memref<32x128xf32, #tpu.memory_space<vmem>>
    %dma_start3A_374 = arith.constant 0 : i32
    %dma_start3A_375 = tpu.memref_slice %arg6[%dma_start3A_374, %multiple_of3A_335] : memref<32x1000000xf32, #tpu.memory_space<hbm>> -> memref<32x128xf32, #tpu.memory_space<hbm>>
    %dma_start3A_376 = tpu.memref_slice %arg17[%dma_start3A_369] : memref<8x!tpu.dma_semaphore, #tpu.memory_space<semaphore_mem>> -> memref<1x!tpu.dma_semaphore, #tpu.memory_space<semaphore_mem>>
    %dma_start3A_377 = tpu.memref_squeeze %dma_start3A_376 : memref<1x!tpu.dma_semaphore, #tpu.memory_space<semaphore_mem>> -> memref<!tpu.dma_semaphore, #tpu.memory_space<semaphore_mem>>
    %dma_start3A_378 = arith.constant 0 : i32
    %dma_start3A_379 = arith.constant 0 : i32
    %dma_start3A_380 = tpu.memref_slice %arg14[%dma_start3A_368, %dma_start3A_378, %dma_start3A_379] : memref<8x32x128xf32, #tpu.memory_space<vmem>> -> memref<1x32x128xf32, #tpu.memory_space<vmem>>
    %dma_start3A_381 = tpu.memref_squeeze %dma_start3A_380 : memref<1x32x128xf32, #tpu.memory_space<vmem>> -> memref<32x128xf32, #tpu.memory_space<vmem>>
    %dma_start3A_382 = arith.constant 0 : i32
    %dma_start3A_383 = tpu.memref_slice %arg6[%dma_start3A_382, %multiple_of3A_335] : memref<32x1000000xf32, #tpu.memory_space<hbm>> -> memref<32x128xf32, #tpu.memory_space<hbm>>
    tpu.enqueue_dma source(%dma_start3A_383 : memref<32x128xf32, #tpu.memory_space<hbm>>) target(%dma_start3A_381 : memref<32x128xf32, #tpu.memory_space<vmem>>) target_semaphore(%dma_start3A_377 : memref<!tpu.dma_semaphore, #tpu.memory_space<semaphore_mem>>)
    %shift_right_logical3A_384 = arith.constant 4 : i32
    %shift_right_logical3A_385 = arith.constant 4 : i32
    %shift_right_logical3A_386 = arith.shrui %shift_right_logical3A_384, %shift_right_logical3A_385 : i32
    %shift_left3A_387 = arith.constant 4 : i32
    %shift_left3A_388 = arith.shli %shift_right_logical3A_386, %shift_left3A_387 : i32
    %multiple_of3A_389 = tpu.assume_multiple %shift_left3A_388, 16 : i32
    %and3A_390 = arith.constant 4 : i32
    %and3A_391 = arith.constant 15 : i32
    %and3A_392 = arith.andi %and3A_390, %and3A_391 : i32
    %eq3A_393 = vector.broadcast %and3A_392 : i32 to vector<16xi32>
    %eq3A_394 = arith.cmpi eq, %iota3A, %eq3A_393 : vector<16xi32>
    %broadcast_in_dim3A_395 = arith.constant 0 : i32
    %broadcast_in_dim3A_396 = vector.broadcast %broadcast_in_dim3A_395 : i32 to vector<16xi32>
    %get3A_397 = arith.index_cast %multiple_of3A_389 : i32 to index
    %get3A_398 = tpu.vector_load %arg9[%get3A_397] {strides = array<i32>} : memref<512xi32, #tpu.memory_space<vmem>>, vector<16xi32>,
    %select_n3A_399 = arith.select %eq3A_394, %get3A_398, %broadcast_in_dim3A_396 : vector<16xi1>, vector<16xi32>
    %reduce_sum3A_400 = arith.constant true
    %reduce_sum3A_401 = vector.broadcast %reduce_sum3A_400 : i1 to vector<16xi1>
    %reduce_sum3A_402 = tpu.scan <sum>, %select_n3A_399 masked %reduce_sum3A_401 : vector<16xi32>, vector<16xi1> -> vector<16xi32>
    %reduce_sum3A_403 = vector.extract %reduce_sum3A_402[15] : i32 from vector<16xi32>
    %get3A_404 = arith.index_cast %multiple_of3A_389 : i32 to index
    %get3A_405 = tpu.vector_load %arg10[%get3A_404] {strides = array<i32>} : memref<512xi32, #tpu.memory_space<vmem>>, vector<16xi32>,
    %select_n3A_406 = arith.select %eq3A_394, %get3A_405, %broadcast_in_dim3A_396 : vector<16xi1>, vector<16xi32>
    %reduce_sum3A_407 = arith.constant true
    %reduce_sum3A_408 = vector.broadcast %reduce_sum3A_407 : i1 to vector<16xi1>
    %reduce_sum3A_409 = tpu.scan <sum>, %select_n3A_406 masked %reduce_sum3A_408 : vector<16xi32>, vector<16xi1> -> vector<16xi32>
    %reduce_sum3A_410 = vector.extract %reduce_sum3A_409[15] : i32 from vector<16xi32>
    %get3A_411 = arith.index_cast %multiple_of3A_389 : i32 to index
    %get3A_412 = tpu.vector_load %arg11[%get3A_411] {strides = array<i32>} : memref<512xi32, #tpu.memory_space<vmem>>, vector<16xi32>,
    %select_n3A_413 = arith.select %eq3A_394, %get3A_412, %broadcast_in_dim3A_396 : vector<16xi1>, vector<16xi32>
    %reduce_sum3A_414 = arith.constant true
    %reduce_sum3A_415 = vector.broadcast %reduce_sum3A_414 : i1 to vector<16xi1>
    %reduce_sum3A_416 = tpu.scan <sum>, %select_n3A_413 masked %reduce_sum3A_415 : vector<16xi32>, vector<16xi1> -> vector<16xi32>
    %reduce_sum3A_417 = vector.extract %reduce_sum3A_416[15] : i32 from vector<16xi32>
    %shift_right_logical3A_418 = arith.constant 7 : i32
    %shift_right_logical3A_419 = arith.shrui %reduce_sum3A_403, %shift_right_logical3A_418 : i32
    %shift_left3A_420 = arith.constant 7 : i32
    %shift_left3A_421 = arith.shli %shift_right_logical3A_419, %shift_left3A_420 : i32
    %multiple_of3A_422 = tpu.assume_multiple %shift_left3A_421, 128 : i32
    %shift_right_logical3A_423 = arith.constant 7 : i32
    %shift_right_logical3A_424 = arith.shrui %reduce_sum3A_410, %shift_right_logical3A_423 : i32
    %shift_left3A_425 = arith.constant 7 : i32
    %shift_left3A_426 = arith.shli %shift_right_logical3A_424, %shift_left3A_425 : i32
    %multiple_of3A_427 = tpu.assume_multiple %shift_left3A_426, 128 : i32
    %shift_right_logical3A_428 = arith.constant 7 : i32
    %shift_right_logical3A_429 = arith.shrui %reduce_sum3A_417, %shift_right_logical3A_428 : i32
    %shift_left3A_430 = arith.constant 7 : i32
    %shift_left3A_431 = arith.shli %shift_right_logical3A_429, %shift_left3A_430 : i32
    %multiple_of3A_432 = tpu.assume_multiple %shift_left3A_431, 128 : i32
    %dma_start3A_433 = arith.constant 4 : i32
    %dma_start3A_434 = arith.constant 4 : i32
    %dma_start3A_435 = arith.constant 0 : i32
    %dma_start3A_436 = arith.constant 0 : i32
    %dma_start3A_437 = tpu.memref_slice %arg12[%dma_start3A_433, %dma_start3A_435, %dma_start3A_436] : memref<8x32x128xf32, #tpu.memory_space<vmem>> -> memref<1x32x128xf32, #tpu.memory_space<vmem>>
    %dma_start3A_438 = tpu.memref_squeeze %dma_start3A_437 : memref<1x32x128xf32, #tpu.memory_space<vmem>> -> memref<32x128xf32, #tpu.memory_space<vmem>>
    %dma_start3A_439 = arith.constant 0 : i32
    %dma_start3A_440 = tpu.memref_slice %arg5[%dma_start3A_439, %multiple_of3A_422] : memref<32x1000000xf32, #tpu.memory_space<hbm>> -> memref<32x128xf32, #tpu.memory_space<hbm>>
    %dma_start3A_441 = tpu.memref_slice %arg17[%dma_start3A_434] : memref<8x!tpu.dma_semaphore, #tpu.memory_space<semaphore_mem>> -> memref<1x!tpu.dma_semaphore, #tpu.memory_space<semaphore_mem>>
    %dma_start3A_442 = tpu.memref_squeeze %dma_start3A_441 : memref<1x!tpu.dma_semaphore, #tpu.memory_space<semaphore_mem>> -> memref<!tpu.dma_semaphore, #tpu.memory_space<semaphore_mem>>
    %dma_start3A_443 = arith.constant 0 : i32
    %dma_start3A_444 = arith.constant 0 : i32
    %dma_start3A_445 = tpu.memref_slice %arg12[%dma_start3A_433, %dma_start3A_443, %dma_start3A_444] : memref<8x32x128xf32, #tpu.memory_space<vmem>> -> memref<1x32x128xf32, #tpu.memory_space<vmem>>
    %dma_start3A_446 = tpu.memref_squeeze %dma_start3A_445 : memref<1x32x128xf32, #tpu.memory_space<vmem>> -> memref<32x128xf32, #tpu.memory_space<vmem>>
    %dma_start3A_447 = arith.constant 0 : i32
    %dma_start3A_448 = tpu.memref_slice %arg5[%dma_start3A_447, %multiple_of3A_422] : memref<32x1000000xf32, #tpu.memory_space<hbm>> -> memref<32x128xf32, #tpu.memory_space<hbm>>
    tpu.enqueue_dma source(%dma_start3A_448 : memref<32x128xf32, #tpu.memory_space<hbm>>) target(%dma_start3A_446 : memref<32x128xf32, #tpu.memory_space<vmem>>) target_semaphore(%dma_start3A_442 : memref<!tpu.dma_semaphore, #tpu.memory_space<semaphore_mem>>)
    %dma_start3A_449 = arith.constant 4 : i32
    %dma_start3A_450 = arith.constant 4 : i32
    %dma_start3A_451 = arith.constant 0 : i32
    %dma_start3A_452 = arith.constant 0 : i32
    %dma_start3A_453 = tpu.memref_slice %arg13[%dma_start3A_449, %dma_start3A_451, %dma_start3A_452] : memref<8x32x128xf32, #tpu.memory_space<vmem>> -> memref<1x32x128xf32, #tpu.memory_space<vmem>>
    %dma_start3A_454 = tpu.memref_squeeze %dma_start3A_453 : memref<1x32x128xf32, #tpu.memory_space<vmem>> -> memref<32x128xf32, #tpu.memory_space<vmem>>
    %dma_start3A_455 = arith.constant 0 : i32
    %dma_start3A_456 = tpu.memref_slice %arg6[%dma_start3A_455, %multiple_of3A_427] : memref<32x1000000xf32, #tpu.memory_space<hbm>> -> memref<32x128xf32, #tpu.memory_space<hbm>>
    %dma_start3A_457 = tpu.memref_slice %arg17[%dma_start3A_450] : memref<8x!tpu.dma_semaphore, #tpu.memory_space<semaphore_mem>> -> memref<1x!tpu.dma_semaphore, #tpu.memory_space<semaphore_mem>>
    %dma_start3A_458 = tpu.memref_squeeze %dma_start3A_457 : memref<1x!tpu.dma_semaphore, #tpu.memory_space<semaphore_mem>> -> memref<!tpu.dma_semaphore, #tpu.memory_space<semaphore_mem>>
    %dma_start3A_459 = arith.constant 0 : i32
    %dma_start3A_460 = arith.constant 0 : i32
    %dma_start3A_461 = tpu.memref_slice %arg13[%dma_start3A_449, %dma_start3A_459, %dma_start3A_460] : memref<8x32x128xf32, #tpu.memory_space<vmem>> -> memref<1x32x128xf32, #tpu.memory_space<vmem>>
    %dma_start3A_462 = tpu.memref_squeeze %dma_start3A_461 : memref<1x32x128xf32, #tpu.memory_space<vmem>> -> memref<32x128xf32, #tpu.memory_space<vmem>>
    %dma_start3A_463 = arith.constant 0 : i32
    %dma_start3A_464 = tpu.memref_slice %arg6[%dma_start3A_463, %multiple_of3A_427] : memref<32x1000000xf32, #tpu.memory_space<hbm>> -> memref<32x128xf32, #tpu.memory_space<hbm>>
    tpu.enqueue_dma source(%dma_start3A_464 : memref<32x128xf32, #tpu.memory_space<hbm>>) target(%dma_start3A_462 : memref<32x128xf32, #tpu.memory_space<vmem>>) target_semaphore(%dma_start3A_458 : memref<!tpu.dma_semaphore, #tpu.memory_space<semaphore_mem>>)
    %dma_start3A_465 = arith.constant 4 : i32
    %dma_start3A_466 = arith.constant 4 : i32
    %dma_start3A_467 = arith.constant 0 : i32
    %dma_start3A_468 = arith.constant 0 : i32
    %dma_start3A_469 = tpu.memref_slice %arg14[%dma_start3A_465, %dma_start3A_467, %dma_start3A_468] : memref<8x32x128xf32, #tpu.memory_space<vmem>> -> memref<1x32x128xf32, #tpu.memory_space<vmem>>
    %dma_start3A_470 = tpu.memref_squeeze %dma_start3A_469 : memref<1x32x128xf32, #tpu.memory_space<vmem>> -> memref<32x128xf32, #tpu.memory_space<vmem>>
    %dma_start3A_471 = arith.constant 0 : i32
    %dma_start3A_472 = tpu.memref_slice %arg6[%dma_start3A_471, %multiple_of3A_432] : memref<32x1000000xf32, #tpu.memory_space<hbm>> -> memref<32x128xf32, #tpu.memory_space<hbm>>
    %dma_start3A_473 = tpu.memref_slice %arg17[%dma_start3A_466] : memref<8x!tpu.dma_semaphore, #tpu.memory_space<semaphore_mem>> -> memref<1x!tpu.dma_semaphore, #tpu.memory_space<semaphore_mem>>
    %dma_start3A_474 = tpu.memref_squeeze %dma_start3A_473 : memref<1x!tpu.dma_semaphore, #tpu.memory_space<semaphore_mem>> -> memref<!tpu.dma_semaphore, #tpu.memory_space<semaphore_mem>>
    %dma_start3A_475 = arith.constant 0 : i32
    %dma_start3A_476 = arith.constant 0 : i32
    %dma_start3A_477 = tpu.memref_slice %arg14[%dma_start3A_465, %dma_start3A_475, %dma_start3A_476] : memref<8x32x128xf32, #tpu.memory_space<vmem>> -> memref<1x32x128xf32, #tpu.memory_space<vmem>>
    %dma_start3A_478 = tpu.memref_squeeze %dma_start3A_477 : memref<1x32x128xf32, #tpu.memory_space<vmem>> -> memref<32x128xf32, #tpu.memory_space<vmem>>
    %dma_start3A_479 = arith.constant 0 : i32
    %dma_start3A_480 = tpu.memref_slice %arg6[%dma_start3A_479, %multiple_of3A_432] : memref<32x1000000xf32, #tpu.memory_space<hbm>> -> memref<32x128xf32, #tpu.memory_space<hbm>>
    tpu.enqueue_dma source(%dma_start3A_480 : memref<32x128xf32, #tpu.memory_space<hbm>>) target(%dma_start3A_478 : memref<32x128xf32, #tpu.memory_space<vmem>>) target_semaphore(%dma_start3A_474 : memref<!tpu.dma_semaphore, #tpu.memory_space<semaphore_mem>>)
    %shift_right_logical3A_481 = arith.constant 5 : i32
    %shift_right_logical3A_482 = arith.constant 4 : i32
    %shift_right_logical3A_483 = arith.shrui %shift_right_logical3A_481, %shift_right_logical3A_482 : i32
    %shift_left3A_484 = arith.constant 4 : i32
    %shift_left3A_485 = arith.shli %shift_right_logical3A_483, %shift_left3A_484 : i32
    %multiple_of3A_486 = tpu.assume_multiple %shift_left3A_485, 16 : i32
    %and3A_487 = arith.constant 5 : i32
    %and3A_488 = arith.constant 15 : i32
    %and3A_489 = arith.andi %and3A_487, %and3A_488 : i32
    %eq3A_490 = vector.broadcast %and3A_489 : i32 to vector<16xi32>
    %eq3A_491 = arith.cmpi eq, %iota3A, %eq3A_490 : vector<16xi32>
    %broadcast_in_dim3A_492 = arith.constant 0 : i32
    %broadcast_in_dim3A_493 = vector.broadcast %broadcast_in_dim3A_492 : i32 to vector<16xi32>
    %get3A_494 = arith.index_cast %multiple_of3A_486 : i32 to index
    %get3A_495 = tpu.vector_load %arg9[%get3A_494] {strides = array<i32>} : memref<512xi32, #tpu.memory_space<vmem>>, vector<16xi32>,
    %select_n3A_496 = arith.select %eq3A_491, %get3A_495, %broadcast_in_dim3A_493 : vector<16xi1>, vector<16xi32>
    %reduce_sum3A_497 = arith.constant true
    %reduce_sum3A_498 = vector.broadcast %reduce_sum3A_497 : i1 to vector<16xi1>
    %reduce_sum3A_499 = tpu.scan <sum>, %select_n3A_496 masked %reduce_sum3A_498 : vector<16xi32>, vector<16xi1> -> vector<16xi32>
    %reduce_sum3A_500 = vector.extract %reduce_sum3A_499[15] : i32 from vector<16xi32>
    %get3A_501 = arith.index_cast %multiple_of3A_486 : i32 to index
    %get3A_502 = tpu.vector_load %arg10[%get3A_501] {strides = array<i32>} : memref<512xi32, #tpu.memory_space<vmem>>, vector<16xi32>,
    %select_n3A_503 = arith.select %eq3A_491, %get3A_502, %broadcast_in_dim3A_493 : vector<16xi1>, vector<16xi32>
    %reduce_sum3A_504 = arith.constant true
    %reduce_sum3A_505 = vector.broadcast %reduce_sum3A_504 : i1 to vector<16xi1>
    %reduce_sum3A_506 = tpu.scan <sum>, %select_n3A_503 masked %reduce_sum3A_505 : vector<16xi32>, vector<16xi1> -> vector<16xi32>
    %reduce_sum3A_507 = vector.extract %reduce_sum3A_506[15] : i32 from vector<16xi32>
    %get3A_508 = arith.index_cast %multiple_of3A_486 : i32 to index
    %get3A_509 = tpu.vector_load %arg11[%get3A_508] {strides = array<i32>} : memref<512xi32, #tpu.memory_space<vmem>>, vector<16xi32>,
    %select_n3A_510 = arith.select %eq3A_491, %get3A_509, %broadcast_in_dim3A_493 : vector<16xi1>, vector<16xi32>
    %reduce_sum3A_511 = arith.constant true
    %reduce_sum3A_512 = vector.broadcast %reduce_sum3A_511 : i1 to vector<16xi1>
    %reduce_sum3A_513 = tpu.scan <sum>, %select_n3A_510 masked %reduce_sum3A_512 : vector<16xi32>, vector<16xi1> -> vector<16xi32>
    %reduce_sum3A_514 = vector.extract %reduce_sum3A_513[15] : i32 from vector<16xi32>
    %shift_right_logical3A_515 = arith.constant 7 : i32
    %shift_right_logical3A_516 = arith.shrui %reduce_sum3A_500, %shift_right_logical3A_515 : i32
    %shift_left3A_517 = arith.constant 7 : i32
    %shift_left3A_518 = arith.shli %shift_right_logical3A_516, %shift_left3A_517 : i32
    %multiple_of3A_519 = tpu.assume_multiple %shift_left3A_518, 128 : i32
    %shift_right_logical3A_520 = arith.constant 7 : i32
    %shift_right_logical3A_521 = arith.shrui %reduce_sum3A_507, %shift_right_logical3A_520 : i32
    %shift_left3A_522 = arith.constant 7 : i32
    %shift_left3A_523 = arith.shli %shift_right_logical3A_521, %shift_left3A_522 : i32
    %multiple_of3A_524 = tpu.assume_multiple %shift_left3A_523, 128 : i32
    %shift_right_logical3A_525 = arith.constant 7 : i32
    %shift_right_logical3A_526 = arith.shrui %reduce_sum3A_514, %shift_right_logical3A_525 : i32
    %shift_left3A_527 = arith.constant 7 : i32
    %shift_left3A_528 = arith.shli %shift_right_logical3A_526, %shift_left3A_527 : i32
    %multiple_of3A_529 = tpu.assume_multiple %shift_left3A_528, 128 : i32
    %dma_start3A_530 = arith.constant 5 : i32
    %dma_start3A_531 = arith.constant 5 : i32
    %dma_start3A_532 = arith.constant 0 : i32
    %dma_start3A_533 = arith.constant 0 : i32
    %dma_start3A_534 = tpu.memref_slice %arg12[%dma_start3A_530, %dma_start3A_532, %dma_start3A_533] : memref<8x32x128xf32, #tpu.memory_space<vmem>> -> memref<1x32x128xf32, #tpu.memory_space<vmem>>
    %dma_start3A_535 = tpu.memref_squeeze %dma_start3A_534 : memref<1x32x128xf32, #tpu.memory_space<vmem>> -> memref<32x128xf32, #tpu.memory_space<vmem>>
    %dma_start3A_536 = arith.constant 0 : i32
    %dma_start3A_537 = tpu.memref_slice %arg5[%dma_start3A_536, %multiple_of3A_519] : memref<32x1000000xf32, #tpu.memory_space<hbm>> -> memref<32x128xf32, #tpu.memory_space<hbm>>
    %dma_start3A_538 = tpu.memref_slice %arg17[%dma_start3A_531] : memref<8x!tpu.dma_semaphore, #tpu.memory_space<semaphore_mem>> -> memref<1x!tpu.dma_semaphore, #tpu.memory_space<semaphore_mem>>
    %dma_start3A_539 = tpu.memref_squeeze %dma_start3A_538 : memref<1x!tpu.dma_semaphore, #tpu.memory_space<semaphore_mem>> -> memref<!tpu.dma_semaphore, #tpu.memory_space<semaphore_mem>>
    %dma_start3A_540 = arith.constant 0 : i32
    %dma_start3A_541 = arith.constant 0 : i32
    %dma_start3A_542 = tpu.memref_slice %arg12[%dma_start3A_530, %dma_start3A_540, %dma_start3A_541] : memref<8x32x128xf32, #tpu.memory_space<vmem>> -> memref<1x32x128xf32, #tpu.memory_space<vmem>>
    %dma_start3A_543 = tpu.memref_squeeze %dma_start3A_542 : memref<1x32x128xf32, #tpu.memory_space<vmem>> -> memref<32x128xf32, #tpu.memory_space<vmem>>
    %dma_start3A_544 = arith.constant 0 : i32
    %dma_start3A_545 = tpu.memref_slice %arg5[%dma_start3A_544, %multiple_of3A_519] : memref<32x1000000xf32, #tpu.memory_space<hbm>> -> memref<32x128xf32, #tpu.memory_space<hbm>>
    tpu.enqueue_dma source(%dma_start3A_545 : memref<32x128xf32, #tpu.memory_space<hbm>>) target(%dma_start3A_543 : memref<32x128xf32, #tpu.memory_space<vmem>>) target_semaphore(%dma_start3A_539 : memref<!tpu.dma_semaphore, #tpu.memory_space<semaphore_mem>>)
    %dma_start3A_546 = arith.constant 5 : i32
    %dma_start3A_547 = arith.constant 5 : i32
    %dma_start3A_548 = arith.constant 0 : i32
    %dma_start3A_549 = arith.constant 0 : i32
    %dma_start3A_550 = tpu.memref_slice %arg13[%dma_start3A_546, %dma_start3A_548, %dma_start3A_549] : memref<8x32x128xf32, #tpu.memory_space<vmem>> -> memref<1x32x128xf32, #tpu.memory_space<vmem>>
    %dma_start3A_551 = tpu.memref_squeeze %dma_start3A_550 : memref<1x32x128xf32, #tpu.memory_space<vmem>> -> memref<32x128xf32, #tpu.memory_space<vmem>>
    %dma_start3A_552 = arith.constant 0 : i32
    %dma_start3A_553 = tpu.memref_slice %arg6[%dma_start3A_552, %multiple_of3A_524] : memref<32x1000000xf32, #tpu.memory_space<hbm>> -> memref<32x128xf32, #tpu.memory_space<hbm>>
    %dma_start3A_554 = tpu.memref_slice %arg17[%dma_start3A_547] : memref<8x!tpu.dma_semaphore, #tpu.memory_space<semaphore_mem>> -> memref<1x!tpu.dma_semaphore, #tpu.memory_space<semaphore_mem>>
    %dma_start3A_555 = tpu.memref_squeeze %dma_start3A_554 : memref<1x!tpu.dma_semaphore, #tpu.memory_space<semaphore_mem>> -> memref<!tpu.dma_semaphore, #tpu.memory_space<semaphore_mem>>
    %dma_start3A_556 = arith.constant 0 : i32
    %dma_start3A_557 = arith.constant 0 : i32
    %dma_start3A_558 = tpu.memref_slice %arg13[%dma_start3A_546, %dma_start3A_556, %dma_start3A_557] : memref<8x32x128xf32, #tpu.memory_space<vmem>> -> memref<1x32x128xf32, #tpu.memory_space<vmem>>
    %dma_start3A_559 = tpu.memref_squeeze %dma_start3A_558 : memref<1x32x128xf32, #tpu.memory_space<vmem>> -> memref<32x128xf32, #tpu.memory_space<vmem>>
    %dma_start3A_560 = arith.constant 0 : i32
    %dma_start3A_561 = tpu.memref_slice %arg6[%dma_start3A_560, %multiple_of3A_524] : memref<32x1000000xf32, #tpu.memory_space<hbm>> -> memref<32x128xf32, #tpu.memory_space<hbm>>
    tpu.enqueue_dma source(%dma_start3A_561 : memref<32x128xf32, #tpu.memory_space<hbm>>) target(%dma_start3A_559 : memref<32x128xf32, #tpu.memory_space<vmem>>) target_semaphore(%dma_start3A_555 : memref<!tpu.dma_semaphore, #tpu.memory_space<semaphore_mem>>)
    %dma_start3A_562 = arith.constant 5 : i32
    %dma_start3A_563 = arith.constant 5 : i32
    %dma_start3A_564 = arith.constant 0 : i32
    %dma_start3A_565 = arith.constant 0 : i32
    %dma_start3A_566 = tpu.memref_slice %arg14[%dma_start3A_562, %dma_start3A_564, %dma_start3A_565] : memref<8x32x128xf32, #tpu.memory_space<vmem>> -> memref<1x32x128xf32, #tpu.memory_space<vmem>>
    %dma_start3A_567 = tpu.memref_squeeze %dma_start3A_566 : memref<1x32x128xf32, #tpu.memory_space<vmem>> -> memref<32x128xf32, #tpu.memory_space<vmem>>
    %dma_start3A_568 = arith.constant 0 : i32
    %dma_start3A_569 = tpu.memref_slice %arg6[%dma_start3A_568, %multiple_of3A_529] : memref<32x1000000xf32, #tpu.memory_space<hbm>> -> memref<32x128xf32, #tpu.memory_space<hbm>>
    %dma_start3A_570 = tpu.memref_slice %arg17[%dma_start3A_563] : memref<8x!tpu.dma_semaphore, #tpu.memory_space<semaphore_mem>> -> memref<1x!tpu.dma_semaphore, #tpu.memory_space<semaphore_mem>>
    %dma_start3A_571 = tpu.memref_squeeze %dma_start3A_570 : memref<1x!tpu.dma_semaphore, #tpu.memory_space<semaphore_mem>> -> memref<!tpu.dma_semaphore, #tpu.memory_space<semaphore_mem>>
    %dma_start3A_572 = arith.constant 0 : i32
    %dma_start3A_573 = arith.constant 0 : i32
    %dma_start3A_574 = tpu.memref_slice %arg14[%dma_start3A_562, %dma_start3A_572, %dma_start3A_573] : memref<8x32x128xf32, #tpu.memory_space<vmem>> -> memref<1x32x128xf32, #tpu.memory_space<vmem>>
    %dma_start3A_575 = tpu.memref_squeeze %dma_start3A_574 : memref<1x32x128xf32, #tpu.memory_space<vmem>> -> memref<32x128xf32, #tpu.memory_space<vmem>>
    %dma_start3A_576 = arith.constant 0 : i32
    %dma_start3A_577 = tpu.memref_slice %arg6[%dma_start3A_576, %multiple_of3A_529] : memref<32x1000000xf32, #tpu.memory_space<hbm>> -> memref<32x128xf32, #tpu.memory_space<hbm>>
    tpu.enqueue_dma source(%dma_start3A_577 : memref<32x128xf32, #tpu.memory_space<hbm>>) target(%dma_start3A_575 : memref<32x128xf32, #tpu.memory_space<vmem>>) target_semaphore(%dma_start3A_571 : memref<!tpu.dma_semaphore, #tpu.memory_space<semaphore_mem>>)
    %shift_right_logical3A_578 = arith.constant 6 : i32
    %shift_right_logical3A_579 = arith.constant 4 : i32
    %shift_right_logical3A_580 = arith.shrui %shift_right_logical3A_578, %shift_right_logical3A_579 : i32
    %shift_left3A_581 = arith.constant 4 : i32
    %shift_left3A_582 = arith.shli %shift_right_logical3A_580, %shift_left3A_581 : i32
    %multiple_of3A_583 = tpu.assume_multiple %shift_left3A_582, 16 : i32
    %and3A_584 = arith.constant 6 : i32
    %and3A_585 = arith.constant 15 : i32
    %and3A_586 = arith.andi %and3A_584, %and3A_585 : i32
    %eq3A_587 = vector.broadcast %and3A_586 : i32 to vector<16xi32>
    %eq3A_588 = arith.cmpi eq, %iota3A, %eq3A_587 : vector<16xi32>
    %broadcast_in_dim3A_589 = arith.constant 0 : i32
    %broadcast_in_dim3A_590 = vector.broadcast %broadcast_in_dim3A_589 : i32 to vector<16xi32>
    %get3A_591 = arith.index_cast %multiple_of3A_583 : i32 to index
    %get3A_592 = tpu.vector_load %arg9[%get3A_591] {strides = array<i32>} : memref<512xi32, #tpu.memory_space<vmem>>, vector<16xi32>,
    %select_n3A_593 = arith.select %eq3A_588, %get3A_592, %broadcast_in_dim3A_590 : vector<16xi1>, vector<16xi32>
    %reduce_sum3A_594 = arith.constant true
    %reduce_sum3A_595 = vector.broadcast %reduce_sum3A_594 : i1 to vector<16xi1>
    %reduce_sum3A_596 = tpu.scan <sum>, %select_n3A_593 masked %reduce_sum3A_595 : vector<16xi32>, vector<16xi1> -> vector<16xi32>
    %reduce_sum3A_597 = vector.extract %reduce_sum3A_596[15] : i32 from vector<16xi32>
    %get3A_598 = arith.index_cast %multiple_of3A_583 : i32 to index
    %get3A_599 = tpu.vector_load %arg10[%get3A_598] {strides = array<i32>} : memref<512xi32, #tpu.memory_space<vmem>>, vector<16xi32>,
    %select_n3A_600 = arith.select %eq3A_588, %get3A_599, %broadcast_in_dim3A_590 : vector<16xi1>, vector<16xi32>
    %reduce_sum3A_601 = arith.constant true
    %reduce_sum3A_602 = vector.broadcast %reduce_sum3A_601 : i1 to vector<16xi1>
    %reduce_sum3A_603 = tpu.scan <sum>, %select_n3A_600 masked %reduce_sum3A_602 : vector<16xi32>, vector<16xi1> -> vector<16xi32>
    %reduce_sum3A_604 = vector.extract %reduce_sum3A_603[15] : i32 from vector<16xi32>
    %get3A_605 = arith.index_cast %multiple_of3A_583 : i32 to index
    %get3A_606 = tpu.vector_load %arg11[%get3A_605] {strides = array<i32>} : memref<512xi32, #tpu.memory_space<vmem>>, vector<16xi32>,
    %select_n3A_607 = arith.select %eq3A_588, %get3A_606, %broadcast_in_dim3A_590 : vector<16xi1>, vector<16xi32>
    %reduce_sum3A_608 = arith.constant true
    %reduce_sum3A_609 = vector.broadcast %reduce_sum3A_608 : i1 to vector<16xi1>
    %reduce_sum3A_610 = tpu.scan <sum>, %select_n3A_607 masked %reduce_sum3A_609 : vector<16xi32>, vector<16xi1> -> vector<16xi32>
    %reduce_sum3A_611 = vector.extract %reduce_sum3A_610[15] : i32 from vector<16xi32>
    %shift_right_logical3A_612 = arith.constant 7 : i32
    %shift_right_logical3A_613 = arith.shrui %reduce_sum3A_597, %shift_right_logical3A_612 : i32
    %shift_left3A_614 = arith.constant 7 : i32
    %shift_left3A_615 = arith.shli %shift_right_logical3A_613, %shift_left3A_614 : i32
    %multiple_of3A_616 = tpu.assume_multiple %shift_left3A_615, 128 : i32
    %shift_right_logical3A_617 = arith.constant 7 : i32
    %shift_right_logical3A_618 = arith.shrui %reduce_sum3A_604, %shift_right_logical3A_617 : i32
    %shift_left3A_619 = arith.constant 7 : i32
    %shift_left3A_620 = arith.shli %shift_right_logical3A_618, %shift_left3A_619 : i32
    %multiple_of3A_621 = tpu.assume_multiple %shift_left3A_620, 128 : i32
    %shift_right_logical3A_622 = arith.constant 7 : i32
    %shift_right_logical3A_623 = arith.shrui %reduce_sum3A_611, %shift_right_logical3A_622 : i32
    %shift_left3A_624 = arith.constant 7 : i32
    %shift_left3A_625 = arith.shli %shift_right_logical3A_623, %shift_left3A_624 : i32
    %multiple_of3A_626 = tpu.assume_multiple %shift_left3A_625, 128 : i32
    %dma_start3A_627 = arith.constant 6 : i32
    %dma_start3A_628 = arith.constant 6 : i32
    %dma_start3A_629 = arith.constant 0 : i32
    %dma_start3A_630 = arith.constant 0 : i32
    %dma_start3A_631 = tpu.memref_slice %arg12[%dma_start3A_627, %dma_start3A_629, %dma_start3A_630] : memref<8x32x128xf32, #tpu.memory_space<vmem>> -> memref<1x32x128xf32, #tpu.memory_space<vmem>>
    %dma_start3A_632 = tpu.memref_squeeze %dma_start3A_631 : memref<1x32x128xf32, #tpu.memory_space<vmem>> -> memref<32x128xf32, #tpu.memory_space<vmem>>
    %dma_start3A_633 = arith.constant 0 : i32
    %dma_start3A_634 = tpu.memref_slice %arg5[%dma_start3A_633, %multiple_of3A_616] : memref<32x1000000xf32, #tpu.memory_space<hbm>> -> memref<32x128xf32, #tpu.memory_space<hbm>>
    %dma_start3A_635 = tpu.memref_slice %arg17[%dma_start3A_628] : memref<8x!tpu.dma_semaphore, #tpu.memory_space<semaphore_mem>> -> memref<1x!tpu.dma_semaphore, #tpu.memory_space<semaphore_mem>>
    %dma_start3A_636 = tpu.memref_squeeze %dma_start3A_635 : memref<1x!tpu.dma_semaphore, #tpu.memory_space<semaphore_mem>> -> memref<!tpu.dma_semaphore, #tpu.memory_space<semaphore_mem>>
    %dma_start3A_637 = arith.constant 0 : i32
    %dma_start3A_638 = arith.constant 0 : i32
    %dma_start3A_639 = tpu.memref_slice %arg12[%dma_start3A_627, %dma_start3A_637, %dma_start3A_638] : memref<8x32x128xf32, #tpu.memory_space<vmem>> -> memref<1x32x128xf32, #tpu.memory_space<vmem>>
    %dma_start3A_640 = tpu.memref_squeeze %dma_start3A_639 : memref<1x32x128xf32, #tpu.memory_space<vmem>> -> memref<32x128xf32, #tpu.memory_space<vmem>>
    %dma_start3A_641 = arith.constant 0 : i32
    %dma_start3A_642 = tpu.memref_slice %arg5[%dma_start3A_641, %multiple_of3A_616] : memref<32x1000000xf32, #tpu.memory_space<hbm>> -> memref<32x128xf32, #tpu.memory_space<hbm>>
    tpu.enqueue_dma source(%dma_start3A_642 : memref<32x128xf32, #tpu.memory_space<hbm>>) target(%dma_start3A_640 : memref<32x128xf32, #tpu.memory_space<vmem>>) target_semaphore(%dma_start3A_636 : memref<!tpu.dma_semaphore, #tpu.memory_space<semaphore_mem>>)
    %dma_start3A_643 = arith.constant 6 : i32
    %dma_start3A_644 = arith.constant 6 : i32
    %dma_start3A_645 = arith.constant 0 : i32
    %dma_start3A_646 = arith.constant 0 : i32
    %dma_start3A_647 = tpu.memref_slice %arg13[%dma_start3A_643, %dma_start3A_645, %dma_start3A_646] : memref<8x32x128xf32, #tpu.memory_space<vmem>> -> memref<1x32x128xf32, #tpu.memory_space<vmem>>
    %dma_start3A_648 = tpu.memref_squeeze %dma_start3A_647 : memref<1x32x128xf32, #tpu.memory_space<vmem>> -> memref<32x128xf32, #tpu.memory_space<vmem>>
    %dma_start3A_649 = arith.constant 0 : i32
    %dma_start3A_650 = tpu.memref_slice %arg6[%dma_start3A_649, %multiple_of3A_621] : memref<32x1000000xf32, #tpu.memory_space<hbm>> -> memref<32x128xf32, #tpu.memory_space<hbm>>
    %dma_start3A_651 = tpu.memref_slice %arg17[%dma_start3A_644] : memref<8x!tpu.dma_semaphore, #tpu.memory_space<semaphore_mem>> -> memref<1x!tpu.dma_semaphore, #tpu.memory_space<semaphore_mem>>
    %dma_start3A_652 = tpu.memref_squeeze %dma_start3A_651 : memref<1x!tpu.dma_semaphore, #tpu.memory_space<semaphore_mem>> -> memref<!tpu.dma_semaphore, #tpu.memory_space<semaphore_mem>>
    %dma_start3A_653 = arith.constant 0 : i32
    %dma_start3A_654 = arith.constant 0 : i32
    %dma_start3A_655 = tpu.memref_slice %arg13[%dma_start3A_643, %dma_start3A_653, %dma_start3A_654] : memref<8x32x128xf32, #tpu.memory_space<vmem>> -> memref<1x32x128xf32, #tpu.memory_space<vmem>>
    %dma_start3A_656 = tpu.memref_squeeze %dma_start3A_655 : memref<1x32x128xf32, #tpu.memory_space<vmem>> -> memref<32x128xf32, #tpu.memory_space<vmem>>
    %dma_start3A_657 = arith.constant 0 : i32
    %dma_start3A_658 = tpu.memref_slice %arg6[%dma_start3A_657, %multiple_of3A_621] : memref<32x1000000xf32, #tpu.memory_space<hbm>> -> memref<32x128xf32, #tpu.memory_space<hbm>>
    tpu.enqueue_dma source(%dma_start3A_658 : memref<32x128xf32, #tpu.memory_space<hbm>>) target(%dma_start3A_656 : memref<32x128xf32, #tpu.memory_space<vmem>>) target_semaphore(%dma_start3A_652 : memref<!tpu.dma_semaphore, #tpu.memory_space<semaphore_mem>>)
    %dma_start3A_659 = arith.constant 6 : i32
    %dma_start3A_660 = arith.constant 6 : i32
    %dma_start3A_661 = arith.constant 0 : i32
    %dma_start3A_662 = arith.constant 0 : i32
    %dma_start3A_663 = tpu.memref_slice %arg14[%dma_start3A_659, %dma_start3A_661, %dma_start3A_662] : memref<8x32x128xf32, #tpu.memory_space<vmem>> -> memref<1x32x128xf32, #tpu.memory_space<vmem>>
    %dma_start3A_664 = tpu.memref_squeeze %dma_start3A_663 : memref<1x32x128xf32, #tpu.memory_space<vmem>> -> memref<32x128xf32, #tpu.memory_space<vmem>>
    %dma_start3A_665 = arith.constant 0 : i32
    %dma_start3A_666 = tpu.memref_slice %arg6[%dma_start3A_665, %multiple_of3A_626] : memref<32x1000000xf32, #tpu.memory_space<hbm>> -> memref<32x128xf32, #tpu.memory_space<hbm>>
    %dma_start3A_667 = tpu.memref_slice %arg17[%dma_start3A_660] : memref<8x!tpu.dma_semaphore, #tpu.memory_space<semaphore_mem>> -> memref<1x!tpu.dma_semaphore, #tpu.memory_space<semaphore_mem>>
    %dma_start3A_668 = tpu.memref_squeeze %dma_start3A_667 : memref<1x!tpu.dma_semaphore, #tpu.memory_space<semaphore_mem>> -> memref<!tpu.dma_semaphore, #tpu.memory_space<semaphore_mem>>
    %dma_start3A_669 = arith.constant 0 : i32
    %dma_start3A_670 = arith.constant 0 : i32
    %dma_start3A_671 = tpu.memref_slice %arg14[%dma_start3A_659, %dma_start3A_669, %dma_start3A_670] : memref<8x32x128xf32, #tpu.memory_space<vmem>> -> memref<1x32x128xf32, #tpu.memory_space<vmem>>
    %dma_start3A_672 = tpu.memref_squeeze %dma_start3A_671 : memref<1x32x128xf32, #tpu.memory_space<vmem>> -> memref<32x128xf32, #tpu.memory_space<vmem>>
    %dma_start3A_673 = arith.constant 0 : i32
    %dma_start3A_674 = tpu.memref_slice %arg6[%dma_start3A_673, %multiple_of3A_626] : memref<32x1000000xf32, #tpu.memory_space<hbm>> -> memref<32x128xf32, #tpu.memory_space<hbm>>
    tpu.enqueue_dma source(%dma_start3A_674 : memref<32x128xf32, #tpu.memory_space<hbm>>) target(%dma_start3A_672 : memref<32x128xf32, #tpu.memory_space<vmem>>) target_semaphore(%dma_start3A_668 : memref<!tpu.dma_semaphore, #tpu.memory_space<semaphore_mem>>)
    %shift_right_logical3A_675 = arith.constant 7 : i32
    %shift_right_logical3A_676 = arith.constant 4 : i32
    %shift_right_logical3A_677 = arith.shrui %shift_right_logical3A_675, %shift_right_logical3A_676 : i32
    %shift_left3A_678 = arith.constant 4 : i32
    %shift_left3A_679 = arith.shli %shift_right_logical3A_677, %shift_left3A_678 : i32
    %multiple_of3A_680 = tpu.assume_multiple %shift_left3A_679, 16 : i32
    %and3A_681 = arith.constant 7 : i32
    %and3A_682 = arith.constant 15 : i32
    %and3A_683 = arith.andi %and3A_681, %and3A_682 : i32
    %eq3A_684 = vector.broadcast %and3A_683 : i32 to vector<16xi32>
    %eq3A_685 = arith.cmpi eq, %iota3A, %eq3A_684 : vector<16xi32>
    %broadcast_in_dim3A_686 = arith.constant 0 : i32
    %broadcast_in_dim3A_687 = vector.broadcast %broadcast_in_dim3A_686 : i32 to vector<16xi32>
    %get3A_688 = arith.index_cast %multiple_of3A_680 : i32 to index
    %get3A_689 = tpu.vector_load %arg9[%get3A_688] {strides = array<i32>} : memref<512xi32, #tpu.memory_space<vmem>>, vector<16xi32>,
    %select_n3A_690 = arith.select %eq3A_685, %get3A_689, %broadcast_in_dim3A_687 : vector<16xi1>, vector<16xi32>
    %reduce_sum3A_691 = arith.constant true
    %reduce_sum3A_692 = vector.broadcast %reduce_sum3A_691 : i1 to vector<16xi1>
    %reduce_sum3A_693 = tpu.scan <sum>, %select_n3A_690 masked %reduce_sum3A_692 : vector<16xi32>, vector<16xi1> -> vector<16xi32>
    %reduce_sum3A_694 = vector.extract %reduce_sum3A_693[15] : i32 from vector<16xi32>
    %get3A_695 = arith.index_cast %multiple_of3A_680 : i32 to index
    %get3A_696 = tpu.vector_load %arg10[%get3A_695] {strides = array<i32>} : memref<512xi32, #tpu.memory_space<vmem>>, vector<16xi32>,
    %select_n3A_697 = arith.select %eq3A_685, %get3A_696, %broadcast_in_dim3A_687 : vector<16xi1>, vector<16xi32>
    %reduce_sum3A_698 = arith.constant true
    %reduce_sum3A_699 = vector.broadcast %reduce_sum3A_698 : i1 to vector<16xi1>
    %reduce_sum3A_700 = tpu.scan <sum>, %select_n3A_697 masked %reduce_sum3A_699 : vector<16xi32>, vector<16xi1> -> vector<16xi32>
    %reduce_sum3A_701 = vector.extract %reduce_sum3A_700[15] : i32 from vector<16xi32>
    %get3A_702 = arith.index_cast %multiple_of3A_680 : i32 to index
    %get3A_703 = tpu.vector_load %arg11[%get3A_702] {strides = array<i32>} : memref<512xi32, #tpu.memory_space<vmem>>, vector<16xi32>,
    %select_n3A_704 = arith.select %eq3A_685, %get3A_703, %broadcast_in_dim3A_687 : vector<16xi1>, vector<16xi32>
    %reduce_sum3A_705 = arith.constant true
    %reduce_sum3A_706 = vector.broadcast %reduce_sum3A_705 : i1 to vector<16xi1>
    %reduce_sum3A_707 = tpu.scan <sum>, %select_n3A_704 masked %reduce_sum3A_706 : vector<16xi32>, vector<16xi1> -> vector<16xi32>
    %reduce_sum3A_708 = vector.extract %reduce_sum3A_707[15] : i32 from vector<16xi32>
    %shift_right_logical3A_709 = arith.constant 7 : i32
    %shift_right_logical3A_710 = arith.shrui %reduce_sum3A_694, %shift_right_logical3A_709 : i32
    %shift_left3A_711 = arith.constant 7 : i32
    %shift_left3A_712 = arith.shli %shift_right_logical3A_710, %shift_left3A_711 : i32
    %multiple_of3A_713 = tpu.assume_multiple %shift_left3A_712, 128 : i32
    %shift_right_logical3A_714 = arith.constant 7 : i32
    %shift_right_logical3A_715 = arith.shrui %reduce_sum3A_701, %shift_right_logical3A_714 : i32
    %shift_left3A_716 = arith.constant 7 : i32
    %shift_left3A_717 = arith.shli %shift_right_logical3A_715, %shift_left3A_716 : i32
    %multiple_of3A_718 = tpu.assume_multiple %shift_left3A_717, 128 : i32
    %shift_right_logical3A_719 = arith.constant 7 : i32
    %shift_right_logical3A_720 = arith.shrui %reduce_sum3A_708, %shift_right_logical3A_719 : i32
    %shift_left3A_721 = arith.constant 7 : i32
    %shift_left3A_722 = arith.shli %shift_right_logical3A_720, %shift_left3A_721 : i32
    %multiple_of3A_723 = tpu.assume_multiple %shift_left3A_722, 128 : i32
    %dma_start3A_724 = arith.constant 7 : i32
    %dma_start3A_725 = arith.constant 7 : i32
    %dma_start3A_726 = arith.constant 0 : i32
    %dma_start3A_727 = arith.constant 0 : i32
    %dma_start3A_728 = tpu.memref_slice %arg12[%dma_start3A_724, %dma_start3A_726, %dma_start3A_727] : memref<8x32x128xf32, #tpu.memory_space<vmem>> -> memref<1x32x128xf32, #tpu.memory_space<vmem>>
    %dma_start3A_729 = tpu.memref_squeeze %dma_start3A_728 : memref<1x32x128xf32, #tpu.memory_space<vmem>> -> memref<32x128xf32, #tpu.memory_space<vmem>>
    %dma_start3A_730 = arith.constant 0 : i32
    %dma_start3A_731 = tpu.memref_slice %arg5[%dma_start3A_730, %multiple_of3A_713] : memref<32x1000000xf32, #tpu.memory_space<hbm>> -> memref<32x128xf32, #tpu.memory_space<hbm>>
    %dma_start3A_732 = tpu.memref_slice %arg17[%dma_start3A_725] : memref<8x!tpu.dma_semaphore, #tpu.memory_space<semaphore_mem>> -> memref<1x!tpu.dma_semaphore, #tpu.memory_space<semaphore_mem>>
    %dma_start3A_733 = tpu.memref_squeeze %dma_start3A_732 : memref<1x!tpu.dma_semaphore, #tpu.memory_space<semaphore_mem>> -> memref<!tpu.dma_semaphore, #tpu.memory_space<semaphore_mem>>
    %dma_start3A_734 = arith.constant 0 : i32
    %dma_start3A_735 = arith.constant 0 : i32
    %dma_start3A_736 = tpu.memref_slice %arg12[%dma_start3A_724, %dma_start3A_734, %dma_start3A_735] : memref<8x32x128xf32, #tpu.memory_space<vmem>> -> memref<1x32x128xf32, #tpu.memory_space<vmem>>
    %dma_start3A_737 = tpu.memref_squeeze %dma_start3A_736 : memref<1x32x128xf32, #tpu.memory_space<vmem>> -> memref<32x128xf32, #tpu.memory_space<vmem>>
    %dma_start3A_738 = arith.constant 0 : i32
    %dma_start3A_739 = tpu.memref_slice %arg5[%dma_start3A_738, %multiple_of3A_713] : memref<32x1000000xf32, #tpu.memory_space<hbm>> -> memref<32x128xf32, #tpu.memory_space<hbm>>
    tpu.enqueue_dma source(%dma_start3A_739 : memref<32x128xf32, #tpu.memory_space<hbm>>) target(%dma_start3A_737 : memref<32x128xf32, #tpu.memory_space<vmem>>) target_semaphore(%dma_start3A_733 : memref<!tpu.dma_semaphore, #tpu.memory_space<semaphore_mem>>)
    %dma_start3A_740 = arith.constant 7 : i32
    %dma_start3A_741 = arith.constant 7 : i32
    %dma_start3A_742 = arith.constant 0 : i32
    %dma_start3A_743 = arith.constant 0 : i32
    %dma_start3A_744 = tpu.memref_slice %arg13[%dma_start3A_740, %dma_start3A_742, %dma_start3A_743] : memref<8x32x128xf32, #tpu.memory_space<vmem>> -> memref<1x32x128xf32, #tpu.memory_space<vmem>>
    %dma_start3A_745 = tpu.memref_squeeze %dma_start3A_744 : memref<1x32x128xf32, #tpu.memory_space<vmem>> -> memref<32x128xf32, #tpu.memory_space<vmem>>
    %dma_start3A_746 = arith.constant 0 : i32
    %dma_start3A_747 = tpu.memref_slice %arg6[%dma_start3A_746, %multiple_of3A_718] : memref<32x1000000xf32, #tpu.memory_space<hbm>> -> memref<32x128xf32, #tpu.memory_space<hbm>>
    %dma_start3A_748 = tpu.memref_slice %arg17[%dma_start3A_741] : memref<8x!tpu.dma_semaphore, #tpu.memory_space<semaphore_mem>> -> memref<1x!tpu.dma_semaphore, #tpu.memory_space<semaphore_mem>>
    %dma_start3A_749 = tpu.memref_squeeze %dma_start3A_748 : memref<1x!tpu.dma_semaphore, #tpu.memory_space<semaphore_mem>> -> memref<!tpu.dma_semaphore, #tpu.memory_space<semaphore_mem>>
    %dma_start3A_750 = arith.constant 0 : i32
    %dma_start3A_751 = arith.constant 0 : i32
    %dma_start3A_752 = tpu.memref_slice %arg13[%dma_start3A_740, %dma_start3A_750, %dma_start3A_751] : memref<8x32x128xf32, #tpu.memory_space<vmem>> -> memref<1x32x128xf32, #tpu.memory_space<vmem>>
    %dma_start3A_753 = tpu.memref_squeeze %dma_start3A_752 : memref<1x32x128xf32, #tpu.memory_space<vmem>> -> memref<32x128xf32, #tpu.memory_space<vmem>>
    %dma_start3A_754 = arith.constant 0 : i32
    %dma_start3A_755 = tpu.memref_slice %arg6[%dma_start3A_754, %multiple_of3A_718] : memref<32x1000000xf32, #tpu.memory_space<hbm>> -> memref<32x128xf32, #tpu.memory_space<hbm>>
    tpu.enqueue_dma source(%dma_start3A_755 : memref<32x128xf32, #tpu.memory_space<hbm>>) target(%dma_start3A_753 : memref<32x128xf32, #tpu.memory_space<vmem>>) target_semaphore(%dma_start3A_749 : memref<!tpu.dma_semaphore, #tpu.memory_space<semaphore_mem>>)
    %dma_start3A_756 = arith.constant 7 : i32
    %dma_start3A_757 = arith.constant 7 : i32
    %dma_start3A_758 = arith.constant 0 : i32
    %dma_start3A_759 = arith.constant 0 : i32
    %dma_start3A_760 = tpu.memref_slice %arg14[%dma_start3A_756, %dma_start3A_758, %dma_start3A_759] : memref<8x32x128xf32, #tpu.memory_space<vmem>> -> memref<1x32x128xf32, #tpu.memory_space<vmem>>
    %dma_start3A_761 = tpu.memref_squeeze %dma_start3A_760 : memref<1x32x128xf32, #tpu.memory_space<vmem>> -> memref<32x128xf32, #tpu.memory_space<vmem>>
    %dma_start3A_762 = arith.constant 0 : i32
    %dma_start3A_763 = tpu.memref_slice %arg6[%dma_start3A_762, %multiple_of3A_723] : memref<32x1000000xf32, #tpu.memory_space<hbm>> -> memref<32x128xf32, #tpu.memory_space<hbm>>
    %dma_start3A_764 = tpu.memref_slice %arg17[%dma_start3A_757] : memref<8x!tpu.dma_semaphore, #tpu.memory_space<semaphore_mem>> -> memref<1x!tpu.dma_semaphore, #tpu.memory_space<semaphore_mem>>
    %dma_start3A_765 = tpu.memref_squeeze %dma_start3A_764 : memref<1x!tpu.dma_semaphore, #tpu.memory_space<semaphore_mem>> -> memref<!tpu.dma_semaphore, #tpu.memory_space<semaphore_mem>>
    %dma_start3A_766 = arith.constant 0 : i32
    %dma_start3A_767 = arith.constant 0 : i32
    %dma_start3A_768 = tpu.memref_slice %arg14[%dma_start3A_756, %dma_start3A_766, %dma_start3A_767] : memref<8x32x128xf32, #tpu.memory_space<vmem>> -> memref<1x32x128xf32, #tpu.memory_space<vmem>>
    %dma_start3A_769 = tpu.memref_squeeze %dma_start3A_768 : memref<1x32x128xf32, #tpu.memory_space<vmem>> -> memref<32x128xf32, #tpu.memory_space<vmem>>
    %dma_start3A_770 = arith.constant 0 : i32
    %dma_start3A_771 = tpu.memref_slice %arg6[%dma_start3A_770, %multiple_of3A_723] : memref<32x1000000xf32, #tpu.memory_space<hbm>> -> memref<32x128xf32, #tpu.memory_space<hbm>>
    tpu.enqueue_dma source(%dma_start3A_771 : memref<32x128xf32, #tpu.memory_space<hbm>>) target(%dma_start3A_769 : memref<32x128xf32, #tpu.memory_space<vmem>>) target_semaphore(%dma_start3A_765 : memref<!tpu.dma_semaphore, #tpu.memory_space<semaphore_mem>>)
    %broadcast_in_dim3A_772 = arith.constant 0.000000e+00 : f32
    %broadcast_in_dim3A_773 = vector.broadcast %broadcast_in_dim3A_772 : f32 to vector<16xf32>
    %scan3A = arith.constant 0 : i32
    %scan3A_774 = arith.constant 64 : i32
    %scan3A_775 = arith.addi %scan3A, %scan3A_774 : i32
    %scan3A_776 = arith.constant 1 : i32
    %scan3A_777:2 = scf.for %scan3A_779 = %scan3A to %scan3A_775 step %scan3A_776 iter_args(%scan3A_780 = %broadcast_in_dim3A_773, %scan3A_781 = %broadcast_in_dim3A_773) -> (vector<16xf32>, vector<16xf32>)  : i32 {
      %mul3A_782 = arith.constant 8 : i32
      %mul3A_783 = arith.muli %scan3A_779, %mul3A_782 : i32
      %add3A_784 = arith.constant 0 : i32
      %add3A_785 = arith.addi %mul3A_783, %add3A_784 : i32
      %dma_wait3A = arith.constant 0 : i32
      %dma_wait3A_786 = arith.constant 0 : i32
      %dma_wait3A_787 = arith.constant 0 : i32
      %dma_wait3A_788 = arith.constant 0 : i32
      %dma_wait3A_789 = tpu.memref_slice %arg12[%dma_wait3A, %dma_wait3A_787, %dma_wait3A_788] : memref<8x32x128xf32, #tpu.memory_space<vmem>> -> memref<1x32x128xf32, #tpu.memory_space<vmem>>
      %dma_wait3A_790 = tpu.memref_squeeze %dma_wait3A_789 : memref<1x32x128xf32, #tpu.memory_space<vmem>> -> memref<32x128xf32, #tpu.memory_space<vmem>>
      %dma_wait3A_791 = arith.constant 0 : i32
      %dma_wait3A_792 = arith.constant 0 : i32
      %dma_wait3A_793 = tpu.memref_slice %arg5[%dma_wait3A_791, %dma_wait3A_792] : memref<32x1000000xf32, #tpu.memory_space<hbm>> -> memref<32x128xf32, #tpu.memory_space<hbm>>
      %dma_wait3A_794 = tpu.memref_slice %arg17[%dma_wait3A_786] : memref<8x!tpu.dma_semaphore, #tpu.memory_space<semaphore_mem>> -> memref<1x!tpu.dma_semaphore, #tpu.memory_space<semaphore_mem>>
      %dma_wait3A_795 = tpu.memref_squeeze %dma_wait3A_794 : memref<1x!tpu.dma_semaphore, #tpu.memory_space<semaphore_mem>> -> memref<!tpu.dma_semaphore, #tpu.memory_space<semaphore_mem>>
      %dma_wait3A_796 = arith.constant 0 : i32
      %dma_wait3A_797 = arith.constant 0 : i32
      %dma_wait3A_798 = tpu.memref_slice %arg12[%dma_wait3A, %dma_wait3A_796, %dma_wait3A_797] : memref<8x32x128xf32, #tpu.memory_space<vmem>> -> memref<1x32x128xf32, #tpu.memory_space<vmem>>
      %dma_wait3A_799 = tpu.memref_squeeze %dma_wait3A_798 : memref<1x32x128xf32, #tpu.memory_space<vmem>> -> memref<32x128xf32, #tpu.memory_space<vmem>>
      %dma_wait3A_800 = arith.constant 0 : i32
      %dma_wait3A_801 = arith.constant 0 : i32
      %dma_wait3A_802 = tpu.memref_slice %arg5[%dma_wait3A_800, %dma_wait3A_801] : memref<32x1000000xf32, #tpu.memory_space<hbm>> -> memref<32x128xf32, #tpu.memory_space<hbm>>
      tpu.wait_dma2 semaphore(%dma_wait3A_795 : memref<!tpu.dma_semaphore, #tpu.memory_space<semaphore_mem>>) src(%dma_wait3A_802 : memref<32x128xf32, #tpu.memory_space<hbm>>) dst(%dma_wait3A_799 : memref<32x128xf32, #tpu.memory_space<vmem>>)
      %dma_wait3A_803 = arith.constant 0 : i32
      %dma_wait3A_804 = arith.constant 0 : i32
      %dma_wait3A_805 = arith.constant 0 : i32
      %dma_wait3A_806 = arith.constant 0 : i32
      %dma_wait3A_807 = tpu.memref_slice %arg13[%dma_wait3A_803, %dma_wait3A_805, %dma_wait3A_806] : memref<8x32x128xf32, #tpu.memory_space<vmem>> -> memref<1x32x128xf32, #tpu.memory_space<vmem>>
      %dma_wait3A_808 = tpu.memref_squeeze %dma_wait3A_807 : memref<1x32x128xf32, #tpu.memory_space<vmem>> -> memref<32x128xf32, #tpu.memory_space<vmem>>
      %dma_wait3A_809 = arith.constant 0 : i32
      %dma_wait3A_810 = arith.constant 0 : i32
      %dma_wait3A_811 = tpu.memref_slice %arg5[%dma_wait3A_809, %dma_wait3A_810] : memref<32x1000000xf32, #tpu.memory_space<hbm>> -> memref<32x128xf32, #tpu.memory_space<hbm>>
      %dma_wait3A_812 = tpu.memref_slice %arg17[%dma_wait3A_804] : memref<8x!tpu.dma_semaphore, #tpu.memory_space<semaphore_mem>> -> memref<1x!tpu.dma_semaphore, #tpu.memory_space<semaphore_mem>>
      %dma_wait3A_813 = tpu.memref_squeeze %dma_wait3A_812 : memref<1x!tpu.dma_semaphore, #tpu.memory_space<semaphore_mem>> -> memref<!tpu.dma_semaphore, #tpu.memory_space<semaphore_mem>>
      %dma_wait3A_814 = arith.constant 0 : i32
      %dma_wait3A_815 = arith.constant 0 : i32
      %dma_wait3A_816 = tpu.memref_slice %arg13[%dma_wait3A_803, %dma_wait3A_814, %dma_wait3A_815] : memref<8x32x128xf32, #tpu.memory_space<vmem>> -> memref<1x32x128xf32, #tpu.memory_space<vmem>>
      %dma_wait3A_817 = tpu.memref_squeeze %dma_wait3A_816 : memref<1x32x128xf32, #tpu.memory_space<vmem>> -> memref<32x128xf32, #tpu.memory_space<vmem>>
      %dma_wait3A_818 = arith.constant 0 : i32
      %dma_wait3A_819 = arith.constant 0 : i32
      %dma_wait3A_820 = tpu.memref_slice %arg5[%dma_wait3A_818, %dma_wait3A_819] : memref<32x1000000xf32, #tpu.memory_space<hbm>> -> memref<32x128xf32, #tpu.memory_space<hbm>>
      tpu.wait_dma2 semaphore(%dma_wait3A_813 : memref<!tpu.dma_semaphore, #tpu.memory_space<semaphore_mem>>) src(%dma_wait3A_820 : memref<32x128xf32, #tpu.memory_space<hbm>>) dst(%dma_wait3A_817 : memref<32x128xf32, #tpu.memory_space<vmem>>)
      %dma_wait3A_821 = arith.constant 0 : i32
      %dma_wait3A_822 = arith.constant 0 : i32
      %dma_wait3A_823 = arith.constant 0 : i32
      %dma_wait3A_824 = arith.constant 0 : i32
      %dma_wait3A_825 = tpu.memref_slice %arg14[%dma_wait3A_821, %dma_wait3A_823, %dma_wait3A_824] : memref<8x32x128xf32, #tpu.memory_space<vmem>> -> memref<1x32x128xf32, #tpu.memory_space<vmem>>
      %dma_wait3A_826 = tpu.memref_squeeze %dma_wait3A_825 : memref<1x32x128xf32, #tpu.memory_space<vmem>> -> memref<32x128xf32, #tpu.memory_space<vmem>>
      %dma_wait3A_827 = arith.constant 0 : i32
      %dma_wait3A_828 = arith.constant 0 : i32
      %dma_wait3A_829 = tpu.memref_slice %arg5[%dma_wait3A_827, %dma_wait3A_828] : memref<32x1000000xf32, #tpu.memory_space<hbm>> -> memref<32x128xf32, #tpu.memory_space<hbm>>
      %dma_wait3A_830 = tpu.memref_slice %arg17[%dma_wait3A_822] : memref<8x!tpu.dma_semaphore, #tpu.memory_space<semaphore_mem>> -> memref<1x!tpu.dma_semaphore, #tpu.memory_space<semaphore_mem>>
      %dma_wait3A_831 = tpu.memref_squeeze %dma_wait3A_830 : memref<1x!tpu.dma_semaphore, #tpu.memory_space<semaphore_mem>> -> memref<!tpu.dma_semaphore, #tpu.memory_space<semaphore_mem>>
      %dma_wait3A_832 = arith.constant 0 : i32
      %dma_wait3A_833 = arith.constant 0 : i32
      %dma_wait3A_834 = tpu.memref_slice %arg14[%dma_wait3A_821, %dma_wait3A_832, %dma_wait3A_833] : memref<8x32x128xf32, #tpu.memory_space<vmem>> -> memref<1x32x128xf32, #tpu.memory_space<vmem>>
      %dma_wait3A_835 = tpu.memref_squeeze %dma_wait3A_834 : memref<1x32x128xf32, #tpu.memory_space<vmem>> -> memref<32x128xf32, #tpu.memory_space<vmem>>
      %dma_wait3A_836 = arith.constant 0 : i32
      %dma_wait3A_837 = arith.constant 0 : i32
      %dma_wait3A_838 = tpu.memref_slice %arg5[%dma_wait3A_836, %dma_wait3A_837] : memref<32x1000000xf32, #tpu.memory_space<hbm>> -> memref<32x128xf32, #tpu.memory_space<hbm>>
      tpu.wait_dma2 semaphore(%dma_wait3A_831 : memref<!tpu.dma_semaphore, #tpu.memory_space<semaphore_mem>>) src(%dma_wait3A_838 : memref<32x128xf32, #tpu.memory_space<hbm>>) dst(%dma_wait3A_835 : memref<32x128xf32, #tpu.memory_space<vmem>>)
      %shift_right_logical3A_839 = arith.constant 4 : i32
      %shift_right_logical3A_840 = arith.shrui %add3A_785, %shift_right_logical3A_839 : i32
      %shift_left3A_841 = arith.constant 4 : i32
      %shift_left3A_842 = arith.shli %shift_right_logical3A_840, %shift_left3A_841 : i32
      %multiple_of3A_843 = tpu.assume_multiple %shift_left3A_842, 16 : i32
      %and3A_844 = arith.constant 15 : i32
      %and3A_845 = arith.andi %add3A_785, %and3A_844 : i32
      %eq3A_846 = vector.broadcast %and3A_845 : i32 to vector<16xi32>
      %eq3A_847 = arith.cmpi eq, %iota3A, %eq3A_846 : vector<16xi32>
      %broadcast_in_dim3A_848 = arith.constant 0 : i32
      %broadcast_in_dim3A_849 = vector.broadcast %broadcast_in_dim3A_848 : i32 to vector<16xi32>
      %get3A_850 = arith.index_cast %multiple_of3A_843 : i32 to index
      %get3A_851 = tpu.vector_load %arg9[%get3A_850] {strides = array<i32>} : memref<512xi32, #tpu.memory_space<vmem>>, vector<16xi32>,
      %select_n3A_852 = arith.select %eq3A_847, %get3A_851, %broadcast_in_dim3A_849 : vector<16xi1>, vector<16xi32>
      %reduce_sum3A_853 = arith.constant true
      %reduce_sum3A_854 = vector.broadcast %reduce_sum3A_853 : i1 to vector<16xi1>
      %reduce_sum3A_855 = tpu.scan <sum>, %select_n3A_852 masked %reduce_sum3A_854 : vector<16xi32>, vector<16xi1> -> vector<16xi32>
      %reduce_sum3A_856 = vector.extract %reduce_sum3A_855[15] : i32 from vector<16xi32>
      %get3A_857 = arith.index_cast %multiple_of3A_843 : i32 to index
      %get3A_858 = tpu.vector_load %arg10[%get3A_857] {strides = array<i32>} : memref<512xi32, #tpu.memory_space<vmem>>, vector<16xi32>,
      %select_n3A_859 = arith.select %eq3A_847, %get3A_858, %broadcast_in_dim3A_849 : vector<16xi1>, vector<16xi32>
      %reduce_sum3A_860 = arith.constant true
      %reduce_sum3A_861 = vector.broadcast %reduce_sum3A_860 : i1 to vector<16xi1>
      %reduce_sum3A_862 = tpu.scan <sum>, %select_n3A_859 masked %reduce_sum3A_861 : vector<16xi32>, vector<16xi1> -> vector<16xi32>
      %reduce_sum3A_863 = vector.extract %reduce_sum3A_862[15] : i32 from vector<16xi32>
      %get3A_864 = arith.index_cast %multiple_of3A_843 : i32 to index
      %get3A_865 = tpu.vector_load %arg11[%get3A_864] {strides = array<i32>} : memref<512xi32, #tpu.memory_space<vmem>>, vector<16xi32>,
      %select_n3A_866 = arith.select %eq3A_847, %get3A_865, %broadcast_in_dim3A_849 : vector<16xi1>, vector<16xi32>
      %reduce_sum3A_867 = arith.constant true
      %reduce_sum3A_868 = vector.broadcast %reduce_sum3A_867 : i1 to vector<16xi1>
      %reduce_sum3A_869 = tpu.scan <sum>, %select_n3A_866 masked %reduce_sum3A_868 : vector<16xi32>, vector<16xi1> -> vector<16xi32>
      %reduce_sum3A_870 = vector.extract %reduce_sum3A_869[15] : i32 from vector<16xi32>
      %and3A_871 = arith.constant 127 : i32
      %and3A_872 = arith.andi %reduce_sum3A_856, %and3A_871 : i32
      %broadcast_in_dim3A_873 = vector.broadcast %and3A_872 : i32 to vector<16xi32>
      %and3A_874 = arith.constant 127 : i32
      %and3A_875 = arith.andi %reduce_sum3A_863, %and3A_874 : i32
      %broadcast_in_dim3A_876 = vector.broadcast %and3A_875 : i32 to vector<16xi32>
      %and3A_877 = arith.constant 127 : i32
      %and3A_878 = arith.andi %reduce_sum3A_870, %and3A_877 : i32
      %broadcast_in_dim3A_879 = vector.broadcast %and3A_878 : i32 to vector<16xi32>
      %gather3A = arith.constant 0 : i32
      %gather3A_880 = arith.constant 0 : i32
      %gather3A_881 = arith.constant 0 : i32
      %gather3A_882 = tpu.memref_slice %arg12[%gather3A, %gather3A_880, %gather3A_881] : memref<8x32x128xf32, #tpu.memory_space<vmem>> -> memref<1x32x128xf32, #tpu.memory_space<vmem>>
      %gather3A_883 = tpu.memref_squeeze %gather3A_882 : memref<1x32x128xf32, #tpu.memory_space<vmem>> -> memref<32x128xf32, #tpu.memory_space<vmem>>
      %gather3A_884 = tpu.vector_load_idx %gather3A_883[%iota3A, %broadcast_in_dim3A_873] : memref<32x128xf32, #tpu.memory_space<vmem>>[vector<16xi32>, vector<16xi32>], vector<16xf32>,
      %gather3A_885 = arith.constant 0 : i32
      %gather3A_886 = arith.constant 0 : i32
      %gather3A_887 = arith.constant 0 : i32
      %gather3A_888 = tpu.memref_slice %arg12[%gather3A_885, %gather3A_886, %gather3A_887] : memref<8x32x128xf32, #tpu.memory_space<vmem>> -> memref<1x32x128xf32, #tpu.memory_space<vmem>>
      %gather3A_889 = tpu.memref_squeeze %gather3A_888 : memref<1x32x128xf32, #tpu.memory_space<vmem>> -> memref<32x128xf32, #tpu.memory_space<vmem>>
      %gather3A_890 = tpu.vector_load_idx %gather3A_889[%add3A_5, %broadcast_in_dim3A_873] : memref<32x128xf32, #tpu.memory_space<vmem>>[vector<16xi32>, vector<16xi32>], vector<16xf32>,
      %gather3A_891 = arith.constant 0 : i32
      %gather3A_892 = arith.constant 0 : i32
      %gather3A_893 = arith.constant 0 : i32
      %gather3A_894 = tpu.memref_slice %arg13[%gather3A_891, %gather3A_892, %gather3A_893] : memref<8x32x128xf32, #tpu.memory_space<vmem>> -> memref<1x32x128xf32, #tpu.memory_space<vmem>>
      %gather3A_895 = tpu.memref_squeeze %gather3A_894 : memref<1x32x128xf32, #tpu.memory_space<vmem>> -> memref<32x128xf32, #tpu.memory_space<vmem>>
      %gather3A_896 = tpu.vector_load_idx %gather3A_895[%iota3A, %broadcast_in_dim3A_876] : memref<32x128xf32, #tpu.memory_space<vmem>>[vector<16xi32>, vector<16xi32>], vector<16xf32>,
      %gather3A_897 = arith.constant 0 : i32
      %gather3A_898 = arith.constant 0 : i32
      %gather3A_899 = arith.constant 0 : i32
      %gather3A_900 = tpu.memref_slice %arg13[%gather3A_897, %gather3A_898, %gather3A_899] : memref<8x32x128xf32, #tpu.memory_space<vmem>> -> memref<1x32x128xf32, #tpu.memory_space<vmem>>
      %gather3A_901 = tpu.memref_squeeze %gather3A_900 : memref<1x32x128xf32, #tpu.memory_space<vmem>> -> memref<32x128xf32, #tpu.memory_space<vmem>>
      %gather3A_902 = tpu.vector_load_idx %gather3A_901[%add3A_5, %broadcast_in_dim3A_876] : memref<32x128xf32, #tpu.memory_space<vmem>>[vector<16xi32>, vector<16xi32>], vector<16xf32>,
      %gather3A_903 = arith.constant 0 : i32
      %gather3A_904 = arith.constant 0 : i32
      %gather3A_905 = arith.constant 0 : i32
      %gather3A_906 = tpu.memref_slice %arg14[%gather3A_903, %gather3A_904, %gather3A_905] : memref<8x32x128xf32, #tpu.memory_space<vmem>> -> memref<1x32x128xf32, #tpu.memory_space<vmem>>
      %gather3A_907 = tpu.memref_squeeze %gather3A_906 : memref<1x32x128xf32, #tpu.memory_space<vmem>> -> memref<32x128xf32, #tpu.memory_space<vmem>>
      %gather3A_908 = tpu.vector_load_idx %gather3A_907[%iota3A, %broadcast_in_dim3A_879] : memref<32x128xf32, #tpu.memory_space<vmem>>[vector<16xi32>, vector<16xi32>], vector<16xf32>,
      %gather3A_909 = arith.constant 0 : i32
      %gather3A_910 = arith.constant 0 : i32
      %gather3A_911 = arith.constant 0 : i32
      %gather3A_912 = tpu.memref_slice %arg14[%gather3A_909, %gather3A_910, %gather3A_911] : memref<8x32x128xf32, #tpu.memory_space<vmem>> -> memref<1x32x128xf32, #tpu.memory_space<vmem>>
      %gather3A_913 = tpu.memref_squeeze %gather3A_912 : memref<1x32x128xf32, #tpu.memory_space<vmem>> -> memref<32x128xf32, #tpu.memory_space<vmem>>
      %gather3A_914 = tpu.vector_load_idx %gather3A_913[%add3A_5, %broadcast_in_dim3A_879] : memref<32x128xf32, #tpu.memory_space<vmem>>[vector<16xi32>, vector<16xi32>], vector<16xf32>,
      %mul3A_915 = arith.mulf %gather3A_884, %gather3A_896 : vector<16xf32>
      %mul3A_916 = arith.mulf %gather3A_890, %gather3A_902 : vector<16xf32>
      %add3A_917 = arith.addf %mul3A_915, %mul3A_916 : vector<16xf32>
      %reduce_sum3A_918 = arith.constant true
      %reduce_sum3A_919 = vector.broadcast %reduce_sum3A_918 : i1 to vector<16xi1>
      %reduce_sum3A_920 = tpu.scan <sum>, %add3A_917 masked %reduce_sum3A_919 : vector<16xf32>, vector<16xi1> -> vector<16xf32>
      %reduce_sum3A_921 = vector.extract %reduce_sum3A_920[15] : f32 from vector<16xf32>
      %mul3A_922 = arith.mulf %gather3A_884, %gather3A_908 : vector<16xf32>
      %mul3A_923 = arith.mulf %gather3A_890, %gather3A_914 : vector<16xf32>
      %add3A_924 = arith.addf %mul3A_922, %mul3A_923 : vector<16xf32>
      %reduce_sum3A_925 = arith.constant true
      %reduce_sum3A_926 = vector.broadcast %reduce_sum3A_925 : i1 to vector<16xi1>
      %reduce_sum3A_927 = tpu.scan <sum>, %add3A_924 masked %reduce_sum3A_926 : vector<16xf32>, vector<16xi1> -> vector<16xf32>
      %reduce_sum3A_928 = vector.extract %reduce_sum3A_927[15] : f32 from vector<16xf32>
      %and3A_929 = arith.constant 15 : i32
      %and3A_930 = arith.andi %add3A_785, %and3A_929 : i32
      %eq3A_931 = vector.broadcast %and3A_930 : i32 to vector<16xi32>
      %eq3A_932 = arith.cmpi eq, %iota3A, %eq3A_931 : vector<16xi32>
      %broadcast_in_dim3A_933 = vector.broadcast %reduce_sum3A_921 : f32 to vector<16xf32>
      %select_n3A_934 = arith.select %eq3A_932, %broadcast_in_dim3A_933, %scan3A_780 : vector<16xi1>, vector<16xf32>
      %broadcast_in_dim3A_935 = vector.broadcast %reduce_sum3A_928 : f32 to vector<16xf32>
      %select_n3A_936 = arith.select %eq3A_932, %broadcast_in_dim3A_935, %scan3A_781 : vector<16xi1>, vector<16xf32>
      %lt3A = arith.constant 63 : i32
      %lt3A_937 = arith.cmpi slt, %scan3A_779, %lt3A : i32
      %convert_element_type3A = arith.extui %lt3A_937 : i1 to i32
      %cond3A = arith.constant 0 : i32
      %cond3A_938 = arith.cmpi ne, %convert_element_type3A, %cond3A : i32
      scf.if %cond3A_938 {
        %add3A_2086 = arith.constant 8 : i32
        %add3A_2087 = arith.addi %add3A_785, %add3A_2086 : i32
        %shift_right_logical3A_2088 = arith.constant 4 : i32
        %shift_right_logical3A_2089 = arith.shrui %add3A_2087, %shift_right_logical3A_2088 : i32
        %shift_left3A_2090 = arith.constant 4 : i32
        %shift_left3A_2091 = arith.shli %shift_right_logical3A_2089, %shift_left3A_2090 : i32
        %multiple_of3A_2092 = tpu.assume_multiple %shift_left3A_2091, 16 : i32
        %and3A_2093 = arith.constant 15 : i32
        %and3A_2094 = arith.andi %add3A_2087, %and3A_2093 : i32
        %eq3A_2095 = vector.broadcast %and3A_2094 : i32 to vector<16xi32>
        %eq3A_2096 = arith.cmpi eq, %iota3A, %eq3A_2095 : vector<16xi32>
        %broadcast_in_dim3A_2097 = arith.constant 0 : i32
        %broadcast_in_dim3A_2098 = vector.broadcast %broadcast_in_dim3A_2097 : i32 to vector<16xi32>
        %get3A_2099 = arith.index_cast %multiple_of3A_2092 : i32 to index
        %get3A_2100 = tpu.vector_load %arg9[%get3A_2099] {strides = array<i32>} : memref<512xi32, #tpu.memory_space<vmem>>, vector<16xi32>,
        %select_n3A_2101 = arith.select %eq3A_2096, %get3A_2100, %broadcast_in_dim3A_2098 : vector<16xi1>, vector<16xi32>
        %reduce_sum3A_2102 = arith.constant true
        %reduce_sum3A_2103 = vector.broadcast %reduce_sum3A_2102 : i1 to vector<16xi1>
        %reduce_sum3A_2104 = tpu.scan <sum>, %select_n3A_2101 masked %reduce_sum3A_2103 : vector<16xi32>, vector<16xi1> -> vector<16xi32>
        %reduce_sum3A_2105 = vector.extract %reduce_sum3A_2104[15] : i32 from vector<16xi32>
        %get3A_2106 = arith.index_cast %multiple_of3A_2092 : i32 to index
        %get3A_2107 = tpu.vector_load %arg10[%get3A_2106] {strides = array<i32>} : memref<512xi32, #tpu.memory_space<vmem>>, vector<16xi32>,
        %select_n3A_2108 = arith.select %eq3A_2096, %get3A_2107, %broadcast_in_dim3A_2098 : vector<16xi1>, vector<16xi32>
        %reduce_sum3A_2109 = arith.constant true
        %reduce_sum3A_2110 = vector.broadcast %reduce_sum3A_2109 : i1 to vector<16xi1>
        %reduce_sum3A_2111 = tpu.scan <sum>, %select_n3A_2108 masked %reduce_sum3A_2110 : vector<16xi32>, vector<16xi1> -> vector<16xi32>
        %reduce_sum3A_2112 = vector.extract %reduce_sum3A_2111[15] : i32 from vector<16xi32>
        %get3A_2113 = arith.index_cast %multiple_of3A_2092 : i32 to index
        %get3A_2114 = tpu.vector_load %arg11[%get3A_2113] {strides = array<i32>} : memref<512xi32, #tpu.memory_space<vmem>>, vector<16xi32>,
        %select_n3A_2115 = arith.select %eq3A_2096, %get3A_2114, %broadcast_in_dim3A_2098 : vector<16xi1>, vector<16xi32>
        %reduce_sum3A_2116 = arith.constant true
        %reduce_sum3A_2117 = vector.broadcast %reduce_sum3A_2116 : i1 to vector<16xi1>
        %reduce_sum3A_2118 = tpu.scan <sum>, %select_n3A_2115 masked %reduce_sum3A_2117 : vector<16xi32>, vector<16xi1> -> vector<16xi32>
        %reduce_sum3A_2119 = vector.extract %reduce_sum3A_2118[15] : i32 from vector<16xi32>
        %shift_right_logical3A_2120 = arith.constant 7 : i32
        %shift_right_logical3A_2121 = arith.shrui %reduce_sum3A_2105, %shift_right_logical3A_2120 : i32
        %shift_left3A_2122 = arith.constant 7 : i32
        %shift_left3A_2123 = arith.shli %shift_right_logical3A_2121, %shift_left3A_2122 : i32
        %multiple_of3A_2124 = tpu.assume_multiple %shift_left3A_2123, 128 : i32
        %shift_right_logical3A_2125 = arith.constant 7 : i32
        %shift_right_logical3A_2126 = arith.shrui %reduce_sum3A_2112, %shift_right_logical3A_2125 : i32
        %shift_left3A_2127 = arith.constant 7 : i32
        %shift_left3A_2128 = arith.shli %shift_right_logical3A_2126, %shift_left3A_2127 : i32
        %multiple_of3A_2129 = tpu.assume_multiple %shift_left3A_2128, 128 : i32
        %shift_right_logical3A_2130 = arith.constant 7 : i32
        %shift_right_logical3A_2131 = arith.shrui %reduce_sum3A_2119, %shift_right_logical3A_2130 : i32
        %shift_left3A_2132 = arith.constant 7 : i32
        %shift_left3A_2133 = arith.shli %shift_right_logical3A_2131, %shift_left3A_2132 : i32
        %multiple_of3A_2134 = tpu.assume_multiple %shift_left3A_2133, 128 : i32
        %dma_start3A_2135 = arith.constant 0 : i32
        %dma_start3A_2136 = arith.constant 0 : i32
        %dma_start3A_2137 = arith.constant 0 : i32
        %dma_start3A_2138 = arith.constant 0 : i32
        %dma_start3A_2139 = tpu.memref_slice %arg12[%dma_start3A_2135, %dma_start3A_2137, %dma_start3A_2138] : memref<8x32x128xf32, #tpu.memory_space<vmem>> -> memref<1x32x128xf32, #tpu.memory_space<vmem>>
        %dma_start3A_2140 = tpu.memref_squeeze %dma_start3A_2139 : memref<1x32x128xf32, #tpu.memory_space<vmem>> -> memref<32x128xf32, #tpu.memory_space<vmem>>
        %dma_start3A_2141 = arith.constant 0 : i32
        %dma_start3A_2142 = tpu.memref_slice %arg5[%dma_start3A_2141, %multiple_of3A_2124] : memref<32x1000000xf32, #tpu.memory_space<hbm>> -> memref<32x128xf32, #tpu.memory_space<hbm>>
        %dma_start3A_2143 = tpu.memref_slice %arg17[%dma_start3A_2136] : memref<8x!tpu.dma_semaphore, #tpu.memory_space<semaphore_mem>> -> memref<1x!tpu.dma_semaphore, #tpu.memory_space<semaphore_mem>>
        %dma_start3A_2144 = tpu.memref_squeeze %dma_start3A_2143 : memref<1x!tpu.dma_semaphore, #tpu.memory_space<semaphore_mem>> -> memref<!tpu.dma_semaphore, #tpu.memory_space<semaphore_mem>>
        %dma_start3A_2145 = arith.constant 0 : i32
        %dma_start3A_2146 = arith.constant 0 : i32
        %dma_start3A_2147 = tpu.memref_slice %arg12[%dma_start3A_2135, %dma_start3A_2145, %dma_start3A_2146] : memref<8x32x128xf32, #tpu.memory_space<vmem>> -> memref<1x32x128xf32, #tpu.memory_space<vmem>>
        %dma_start3A_2148 = tpu.memref_squeeze %dma_start3A_2147 : memref<1x32x128xf32, #tpu.memory_space<vmem>> -> memref<32x128xf32, #tpu.memory_space<vmem>>
        %dma_start3A_2149 = arith.constant 0 : i32
        %dma_start3A_2150 = tpu.memref_slice %arg5[%dma_start3A_2149, %multiple_of3A_2124] : memref<32x1000000xf32, #tpu.memory_space<hbm>> -> memref<32x128xf32, #tpu.memory_space<hbm>>
        tpu.enqueue_dma source(%dma_start3A_2150 : memref<32x128xf32, #tpu.memory_space<hbm>>) target(%dma_start3A_2148 : memref<32x128xf32, #tpu.memory_space<vmem>>) target_semaphore(%dma_start3A_2144 : memref<!tpu.dma_semaphore, #tpu.memory_space<semaphore_mem>>)
        %dma_start3A_2151 = arith.constant 0 : i32
        %dma_start3A_2152 = arith.constant 0 : i32
        %dma_start3A_2153 = arith.constant 0 : i32
        %dma_start3A_2154 = arith.constant 0 : i32
        %dma_start3A_2155 = tpu.memref_slice %arg13[%dma_start3A_2151, %dma_start3A_2153, %dma_start3A_2154] : memref<8x32x128xf32, #tpu.memory_space<vmem>> -> memref<1x32x128xf32, #tpu.memory_space<vmem>>
        %dma_start3A_2156 = tpu.memref_squeeze %dma_start3A_2155 : memref<1x32x128xf32, #tpu.memory_space<vmem>> -> memref<32x128xf32, #tpu.memory_space<vmem>>
        %dma_start3A_2157 = arith.constant 0 : i32
        %dma_start3A_2158 = tpu.memref_slice %arg6[%dma_start3A_2157, %multiple_of3A_2129] : memref<32x1000000xf32, #tpu.memory_space<hbm>> -> memref<32x128xf32, #tpu.memory_space<hbm>>
        %dma_start3A_2159 = tpu.memref_slice %arg17[%dma_start3A_2152] : memref<8x!tpu.dma_semaphore, #tpu.memory_space<semaphore_mem>> -> memref<1x!tpu.dma_semaphore, #tpu.memory_space<semaphore_mem>>
        %dma_start3A_2160 = tpu.memref_squeeze %dma_start3A_2159 : memref<1x!tpu.dma_semaphore, #tpu.memory_space<semaphore_mem>> -> memref<!tpu.dma_semaphore, #tpu.memory_space<semaphore_mem>>
        %dma_start3A_2161 = arith.constant 0 : i32
        %dma_start3A_2162 = arith.constant 0 : i32
        %dma_start3A_2163 = tpu.memref_slice %arg13[%dma_start3A_2151, %dma_start3A_2161, %dma_start3A_2162] : memref<8x32x128xf32, #tpu.memory_space<vmem>> -> memref<1x32x128xf32, #tpu.memory_space<vmem>>
        %dma_start3A_2164 = tpu.memref_squeeze %dma_start3A_2163 : memref<1x32x128xf32, #tpu.memory_space<vmem>> -> memref<32x128xf32, #tpu.memory_space<vmem>>
        %dma_start3A_2165 = arith.constant 0 : i32
        %dma_start3A_2166 = tpu.memref_slice %arg6[%dma_start3A_2165, %multiple_of3A_2129] : memref<32x1000000xf32, #tpu.memory_space<hbm>> -> memref<32x128xf32, #tpu.memory_space<hbm>>
        tpu.enqueue_dma source(%dma_start3A_2166 : memref<32x128xf32, #tpu.memory_space<hbm>>) target(%dma_start3A_2164 : memref<32x128xf32, #tpu.memory_space<vmem>>) target_semaphore(%dma_start3A_2160 : memref<!tpu.dma_semaphore, #tpu.memory_space<semaphore_mem>>)
        %dma_start3A_2167 = arith.constant 0 : i32
        %dma_start3A_2168 = arith.constant 0 : i32
        %dma_start3A_2169 = arith.constant 0 : i32
        %dma_start3A_2170 = arith.constant 0 : i32
        %dma_start3A_2171 = tpu.memref_slice %arg14[%dma_start3A_2167, %dma_start3A_2169, %dma_start3A_2170] : memref<8x32x128xf32, #tpu.memory_space<vmem>> -> memref<1x32x128xf32, #tpu.memory_space<vmem>>
        %dma_start3A_2172 = tpu.memref_squeeze %dma_start3A_2171 : memref<1x32x128xf32, #tpu.memory_space<vmem>> -> memref<32x128xf32, #tpu.memory_space<vmem>>
        %dma_start3A_2173 = arith.constant 0 : i32
        %dma_start3A_2174 = tpu.memref_slice %arg6[%dma_start3A_2173, %multiple_of3A_2134] : memref<32x1000000xf32, #tpu.memory_space<hbm>> -> memref<32x128xf32, #tpu.memory_space<hbm>>
        %dma_start3A_2175 = tpu.memref_slice %arg17[%dma_start3A_2168] : memref<8x!tpu.dma_semaphore, #tpu.memory_space<semaphore_mem>> -> memref<1x!tpu.dma_semaphore, #tpu.memory_space<semaphore_mem>>
        %dma_start3A_2176 = tpu.memref_squeeze %dma_start3A_2175 : memref<1x!tpu.dma_semaphore, #tpu.memory_space<semaphore_mem>> -> memref<!tpu.dma_semaphore, #tpu.memory_space<semaphore_mem>>
        %dma_start3A_2177 = arith.constant 0 : i32
        %dma_start3A_2178 = arith.constant 0 : i32
        %dma_start3A_2179 = tpu.memref_slice %arg14[%dma_start3A_2167, %dma_start3A_2177, %dma_start3A_2178] : memref<8x32x128xf32, #tpu.memory_space<vmem>> -> memref<1x32x128xf32, #tpu.memory_space<vmem>>
        %dma_start3A_2180 = tpu.memref_squeeze %dma_start3A_2179 : memref<1x32x128xf32, #tpu.memory_space<vmem>> -> memref<32x128xf32, #tpu.memory_space<vmem>>
        %dma_start3A_2181 = arith.constant 0 : i32
        %dma_start3A_2182 = tpu.memref_slice %arg6[%dma_start3A_2181, %multiple_of3A_2134] : memref<32x1000000xf32, #tpu.memory_space<hbm>> -> memref<32x128xf32, #tpu.memory_space<hbm>>
        tpu.enqueue_dma source(%dma_start3A_2182 : memref<32x128xf32, #tpu.memory_space<hbm>>) target(%dma_start3A_2180 : memref<32x128xf32, #tpu.memory_space<vmem>>) target_semaphore(%dma_start3A_2176 : memref<!tpu.dma_semaphore, #tpu.memory_space<semaphore_mem>>)
      } else {
      }
      %mul3A_939 = arith.constant 8 : i32
      %mul3A_940 = arith.muli %scan3A_779, %mul3A_939 : i32
      %add3A_941 = arith.constant 1 : i32
      %add3A_942 = arith.addi %mul3A_940, %add3A_941 : i32
      %dma_wait3A_943 = arith.constant 1 : i32
      %dma_wait3A_944 = arith.constant 1 : i32
      %dma_wait3A_945 = arith.constant 0 : i32
      %dma_wait3A_946 = arith.constant 0 : i32
      %dma_wait3A_947 = tpu.memref_slice %arg12[%dma_wait3A_943, %dma_wait3A_945, %dma_wait3A_946] : memref<8x32x128xf32, #tpu.memory_space<vmem>> -> memref<1x32x128xf32, #tpu.memory_space<vmem>>
      %dma_wait3A_948 = tpu.memref_squeeze %dma_wait3A_947 : memref<1x32x128xf32, #tpu.memory_space<vmem>> -> memref<32x128xf32, #tpu.memory_space<vmem>>
      %dma_wait3A_949 = arith.constant 0 : i32
      %dma_wait3A_950 = arith.constant 0 : i32
      %dma_wait3A_951 = tpu.memref_slice %arg5[%dma_wait3A_949, %dma_wait3A_950] : memref<32x1000000xf32, #tpu.memory_space<hbm>> -> memref<32x128xf32, #tpu.memory_space<hbm>>
      %dma_wait3A_952 = tpu.memref_slice %arg17[%dma_wait3A_944] : memref<8x!tpu.dma_semaphore, #tpu.memory_space<semaphore_mem>> -> memref<1x!tpu.dma_semaphore, #tpu.memory_space<semaphore_mem>>
      %dma_wait3A_953 = tpu.memref_squeeze %dma_wait3A_952 : memref<1x!tpu.dma_semaphore, #tpu.memory_space<semaphore_mem>> -> memref<!tpu.dma_semaphore, #tpu.memory_space<semaphore_mem>>
      %dma_wait3A_954 = arith.constant 0 : i32
      %dma_wait3A_955 = arith.constant 0 : i32
      %dma_wait3A_956 = tpu.memref_slice %arg12[%dma_wait3A_943, %dma_wait3A_954, %dma_wait3A_955] : memref<8x32x128xf32, #tpu.memory_space<vmem>> -> memref<1x32x128xf32, #tpu.memory_space<vmem>>
      %dma_wait3A_957 = tpu.memref_squeeze %dma_wait3A_956 : memref<1x32x128xf32, #tpu.memory_space<vmem>> -> memref<32x128xf32, #tpu.memory_space<vmem>>
      %dma_wait3A_958 = arith.constant 0 : i32
      %dma_wait3A_959 = arith.constant 0 : i32
      %dma_wait3A_960 = tpu.memref_slice %arg5[%dma_wait3A_958, %dma_wait3A_959] : memref<32x1000000xf32, #tpu.memory_space<hbm>> -> memref<32x128xf32, #tpu.memory_space<hbm>>
      tpu.wait_dma2 semaphore(%dma_wait3A_953 : memref<!tpu.dma_semaphore, #tpu.memory_space<semaphore_mem>>) src(%dma_wait3A_960 : memref<32x128xf32, #tpu.memory_space<hbm>>) dst(%dma_wait3A_957 : memref<32x128xf32, #tpu.memory_space<vmem>>)
      %dma_wait3A_961 = arith.constant 1 : i32
      %dma_wait3A_962 = arith.constant 1 : i32
      %dma_wait3A_963 = arith.constant 0 : i32
      %dma_wait3A_964 = arith.constant 0 : i32
      %dma_wait3A_965 = tpu.memref_slice %arg13[%dma_wait3A_961, %dma_wait3A_963, %dma_wait3A_964] : memref<8x32x128xf32, #tpu.memory_space<vmem>> -> memref<1x32x128xf32, #tpu.memory_space<vmem>>
      %dma_wait3A_966 = tpu.memref_squeeze %dma_wait3A_965 : memref<1x32x128xf32, #tpu.memory_space<vmem>> -> memref<32x128xf32, #tpu.memory_space<vmem>>
      %dma_wait3A_967 = arith.constant 0 : i32
      %dma_wait3A_968 = arith.constant 0 : i32
      %dma_wait3A_969 = tpu.memref_slice %arg5[%dma_wait3A_967, %dma_wait3A_968] : memref<32x1000000xf32, #tpu.memory_space<hbm>> -> memref<32x128xf32, #tpu.memory_space<hbm>>
      %dma_wait3A_970 = tpu.memref_slice %arg17[%dma_wait3A_962] : memref<8x!tpu.dma_semaphore, #tpu.memory_space<semaphore_mem>> -> memref<1x!tpu.dma_semaphore, #tpu.memory_space<semaphore_mem>>
      %dma_wait3A_971 = tpu.memref_squeeze %dma_wait3A_970 : memref<1x!tpu.dma_semaphore, #tpu.memory_space<semaphore_mem>> -> memref<!tpu.dma_semaphore, #tpu.memory_space<semaphore_mem>>
      %dma_wait3A_972 = arith.constant 0 : i32
      %dma_wait3A_973 = arith.constant 0 : i32
      %dma_wait3A_974 = tpu.memref_slice %arg13[%dma_wait3A_961, %dma_wait3A_972, %dma_wait3A_973] : memref<8x32x128xf32, #tpu.memory_space<vmem>> -> memref<1x32x128xf32, #tpu.memory_space<vmem>>
      %dma_wait3A_975 = tpu.memref_squeeze %dma_wait3A_974 : memref<1x32x128xf32, #tpu.memory_space<vmem>> -> memref<32x128xf32, #tpu.memory_space<vmem>>
      %dma_wait3A_976 = arith.constant 0 : i32
      %dma_wait3A_977 = arith.constant 0 : i32
      %dma_wait3A_978 = tpu.memref_slice %arg5[%dma_wait3A_976, %dma_wait3A_977] : memref<32x1000000xf32, #tpu.memory_space<hbm>> -> memref<32x128xf32, #tpu.memory_space<hbm>>
      tpu.wait_dma2 semaphore(%dma_wait3A_971 : memref<!tpu.dma_semaphore, #tpu.memory_space<semaphore_mem>>) src(%dma_wait3A_978 : memref<32x128xf32, #tpu.memory_space<hbm>>) dst(%dma_wait3A_975 : memref<32x128xf32, #tpu.memory_space<vmem>>)
      %dma_wait3A_979 = arith.constant 1 : i32
      %dma_wait3A_980 = arith.constant 1 : i32
      %dma_wait3A_981 = arith.constant 0 : i32
      %dma_wait3A_982 = arith.constant 0 : i32
      %dma_wait3A_983 = tpu.memref_slice %arg14[%dma_wait3A_979, %dma_wait3A_981, %dma_wait3A_982] : memref<8x32x128xf32, #tpu.memory_space<vmem>> -> memref<1x32x128xf32, #tpu.memory_space<vmem>>
      %dma_wait3A_984 = tpu.memref_squeeze %dma_wait3A_983 : memref<1x32x128xf32, #tpu.memory_space<vmem>> -> memref<32x128xf32, #tpu.memory_space<vmem>>
      %dma_wait3A_985 = arith.constant 0 : i32
      %dma_wait3A_986 = arith.constant 0 : i32
      %dma_wait3A_987 = tpu.memref_slice %arg5[%dma_wait3A_985, %dma_wait3A_986] : memref<32x1000000xf32, #tpu.memory_space<hbm>> -> memref<32x128xf32, #tpu.memory_space<hbm>>
      %dma_wait3A_988 = tpu.memref_slice %arg17[%dma_wait3A_980] : memref<8x!tpu.dma_semaphore, #tpu.memory_space<semaphore_mem>> -> memref<1x!tpu.dma_semaphore, #tpu.memory_space<semaphore_mem>>
      %dma_wait3A_989 = tpu.memref_squeeze %dma_wait3A_988 : memref<1x!tpu.dma_semaphore, #tpu.memory_space<semaphore_mem>> -> memref<!tpu.dma_semaphore, #tpu.memory_space<semaphore_mem>>
      %dma_wait3A_990 = arith.constant 0 : i32
      %dma_wait3A_991 = arith.constant 0 : i32
      %dma_wait3A_992 = tpu.memref_slice %arg14[%dma_wait3A_979, %dma_wait3A_990, %dma_wait3A_991] : memref<8x32x128xf32, #tpu.memory_space<vmem>> -> memref<1x32x128xf32, #tpu.memory_space<vmem>>
      %dma_wait3A_993 = tpu.memref_squeeze %dma_wait3A_992 : memref<1x32x128xf32, #tpu.memory_space<vmem>> -> memref<32x128xf32, #tpu.memory_space<vmem>>
      %dma_wait3A_994 = arith.constant 0 : i32
      %dma_wait3A_995 = arith.constant 0 : i32
      %dma_wait3A_996 = tpu.memref_slice %arg5[%dma_wait3A_994, %dma_wait3A_995] : memref<32x1000000xf32, #tpu.memory_space<hbm>> -> memref<32x128xf32, #tpu.memory_space<hbm>>
      tpu.wait_dma2 semaphore(%dma_wait3A_989 : memref<!tpu.dma_semaphore, #tpu.memory_space<semaphore_mem>>) src(%dma_wait3A_996 : memref<32x128xf32, #tpu.memory_space<hbm>>) dst(%dma_wait3A_993 : memref<32x128xf32, #tpu.memory_space<vmem>>)
      %shift_right_logical3A_997 = arith.constant 4 : i32
      %shift_right_logical3A_998 = arith.shrui %add3A_942, %shift_right_logical3A_997 : i32
      %shift_left3A_999 = arith.constant 4 : i32
      %shift_left3A_1000 = arith.shli %shift_right_logical3A_998, %shift_left3A_999 : i32
      %multiple_of3A_1001 = tpu.assume_multiple %shift_left3A_1000, 16 : i32
      %and3A_1002 = arith.constant 15 : i32
      %and3A_1003 = arith.andi %add3A_942, %and3A_1002 : i32
      %eq3A_1004 = vector.broadcast %and3A_1003 : i32 to vector<16xi32>
      %eq3A_1005 = arith.cmpi eq, %iota3A, %eq3A_1004 : vector<16xi32>
      %broadcast_in_dim3A_1006 = arith.constant 0 : i32
      %broadcast_in_dim3A_1007 = vector.broadcast %broadcast_in_dim3A_1006 : i32 to vector<16xi32>
      %get3A_1008 = arith.index_cast %multiple_of3A_1001 : i32 to index
      %get3A_1009 = tpu.vector_load %arg9[%get3A_1008] {strides = array<i32>} : memref<512xi32, #tpu.memory_space<vmem>>, vector<16xi32>,
      %select_n3A_1010 = arith.select %eq3A_1005, %get3A_1009, %broadcast_in_dim3A_1007 : vector<16xi1>, vector<16xi32>
      %reduce_sum3A_1011 = arith.constant true
      %reduce_sum3A_1012 = vector.broadcast %reduce_sum3A_1011 : i1 to vector<16xi1>
      %reduce_sum3A_1013 = tpu.scan <sum>, %select_n3A_1010 masked %reduce_sum3A_1012 : vector<16xi32>, vector<16xi1> -> vector<16xi32>
      %reduce_sum3A_1014 = vector.extract %reduce_sum3A_1013[15] : i32 from vector<16xi32>
      %get3A_1015 = arith.index_cast %multiple_of3A_1001 : i32 to index
      %get3A_1016 = tpu.vector_load %arg10[%get3A_1015] {strides = array<i32>} : memref<512xi32, #tpu.memory_space<vmem>>, vector<16xi32>,
      %select_n3A_1017 = arith.select %eq3A_1005, %get3A_1016, %broadcast_in_dim3A_1007 : vector<16xi1>, vector<16xi32>
      %reduce_sum3A_1018 = arith.constant true
      %reduce_sum3A_1019 = vector.broadcast %reduce_sum3A_1018 : i1 to vector<16xi1>
      %reduce_sum3A_1020 = tpu.scan <sum>, %select_n3A_1017 masked %reduce_sum3A_1019 : vector<16xi32>, vector<16xi1> -> vector<16xi32>
      %reduce_sum3A_1021 = vector.extract %reduce_sum3A_1020[15] : i32 from vector<16xi32>
      %get3A_1022 = arith.index_cast %multiple_of3A_1001 : i32 to index
      %get3A_1023 = tpu.vector_load %arg11[%get3A_1022] {strides = array<i32>} : memref<512xi32, #tpu.memory_space<vmem>>, vector<16xi32>,
      %select_n3A_1024 = arith.select %eq3A_1005, %get3A_1023, %broadcast_in_dim3A_1007 : vector<16xi1>, vector<16xi32>
      %reduce_sum3A_1025 = arith.constant true
      %reduce_sum3A_1026 = vector.broadcast %reduce_sum3A_1025 : i1 to vector<16xi1>
      %reduce_sum3A_1027 = tpu.scan <sum>, %select_n3A_1024 masked %reduce_sum3A_1026 : vector<16xi32>, vector<16xi1> -> vector<16xi32>
      %reduce_sum3A_1028 = vector.extract %reduce_sum3A_1027[15] : i32 from vector<16xi32>
      %and3A_1029 = arith.constant 127 : i32
      %and3A_1030 = arith.andi %reduce_sum3A_1014, %and3A_1029 : i32
      %broadcast_in_dim3A_1031 = vector.broadcast %and3A_1030 : i32 to vector<16xi32>
      %and3A_1032 = arith.constant 127 : i32
      %and3A_1033 = arith.andi %reduce_sum3A_1021, %and3A_1032 : i32
      %broadcast_in_dim3A_1034 = vector.broadcast %and3A_1033 : i32 to vector<16xi32>
      %and3A_1035 = arith.constant 127 : i32
      %and3A_1036 = arith.andi %reduce_sum3A_1028, %and3A_1035 : i32
      %broadcast_in_dim3A_1037 = vector.broadcast %and3A_1036 : i32 to vector<16xi32>
      %gather3A_1038 = arith.constant 1 : i32
      %gather3A_1039 = arith.constant 0 : i32
      %gather3A_1040 = arith.constant 0 : i32
      %gather3A_1041 = tpu.memref_slice %arg12[%gather3A_1038, %gather3A_1039, %gather3A_1040] : memref<8x32x128xf32, #tpu.memory_space<vmem>> -> memref<1x32x128xf32, #tpu.memory_space<vmem>>
      %gather3A_1042 = tpu.memref_squeeze %gather3A_1041 : memref<1x32x128xf32, #tpu.memory_space<vmem>> -> memref<32x128xf32, #tpu.memory_space<vmem>>
      %gather3A_1043 = tpu.vector_load_idx %gather3A_1042[%iota3A, %broadcast_in_dim3A_1031] : memref<32x128xf32, #tpu.memory_space<vmem>>[vector<16xi32>, vector<16xi32>], vector<16xf32>,
      %gather3A_1044 = arith.constant 1 : i32
      %gather3A_1045 = arith.constant 0 : i32
      %gather3A_1046 = arith.constant 0 : i32
      %gather3A_1047 = tpu.memref_slice %arg12[%gather3A_1044, %gather3A_1045, %gather3A_1046] : memref<8x32x128xf32, #tpu.memory_space<vmem>> -> memref<1x32x128xf32, #tpu.memory_space<vmem>>
      %gather3A_1048 = tpu.memref_squeeze %gather3A_1047 : memref<1x32x128xf32, #tpu.memory_space<vmem>> -> memref<32x128xf32, #tpu.memory_space<vmem>>
      %gather3A_1049 = tpu.vector_load_idx %gather3A_1048[%add3A_5, %broadcast_in_dim3A_1031] : memref<32x128xf32, #tpu.memory_space<vmem>>[vector<16xi32>, vector<16xi32>], vector<16xf32>,
      %gather3A_1050 = arith.constant 1 : i32
      %gather3A_1051 = arith.constant 0 : i32
      %gather3A_1052 = arith.constant 0 : i32
      %gather3A_1053 = tpu.memref_slice %arg13[%gather3A_1050, %gather3A_1051, %gather3A_1052] : memref<8x32x128xf32, #tpu.memory_space<vmem>> -> memref<1x32x128xf32, #tpu.memory_space<vmem>>
      %gather3A_1054 = tpu.memref_squeeze %gather3A_1053 : memref<1x32x128xf32, #tpu.memory_space<vmem>> -> memref<32x128xf32, #tpu.memory_space<vmem>>
      %gather3A_1055 = tpu.vector_load_idx %gather3A_1054[%iota3A, %broadcast_in_dim3A_1034] : memref<32x128xf32, #tpu.memory_space<vmem>>[vector<16xi32>, vector<16xi32>], vector<16xf32>,
      %gather3A_1056 = arith.constant 1 : i32
      %gather3A_1057 = arith.constant 0 : i32
      %gather3A_1058 = arith.constant 0 : i32
      %gather3A_1059 = tpu.memref_slice %arg13[%gather3A_1056, %gather3A_1057, %gather3A_1058] : memref<8x32x128xf32, #tpu.memory_space<vmem>> -> memref<1x32x128xf32, #tpu.memory_space<vmem>>
      %gather3A_1060 = tpu.memref_squeeze %gather3A_1059 : memref<1x32x128xf32, #tpu.memory_space<vmem>> -> memref<32x128xf32, #tpu.memory_space<vmem>>
      %gather3A_1061 = tpu.vector_load_idx %gather3A_1060[%add3A_5, %broadcast_in_dim3A_1034] : memref<32x128xf32, #tpu.memory_space<vmem>>[vector<16xi32>, vector<16xi32>], vector<16xf32>,
      %gather3A_1062 = arith.constant 1 : i32
      %gather3A_1063 = arith.constant 0 : i32
      %gather3A_1064 = arith.constant 0 : i32
      %gather3A_1065 = tpu.memref_slice %arg14[%gather3A_1062, %gather3A_1063, %gather3A_1064] : memref<8x32x128xf32, #tpu.memory_space<vmem>> -> memref<1x32x128xf32, #tpu.memory_space<vmem>>
      %gather3A_1066 = tpu.memref_squeeze %gather3A_1065 : memref<1x32x128xf32, #tpu.memory_space<vmem>> -> memref<32x128xf32, #tpu.memory_space<vmem>>
      %gather3A_1067 = tpu.vector_load_idx %gather3A_1066[%iota3A, %broadcast_in_dim3A_1037] : memref<32x128xf32, #tpu.memory_space<vmem>>[vector<16xi32>, vector<16xi32>], vector<16xf32>,
      %gather3A_1068 = arith.constant 1 : i32
      %gather3A_1069 = arith.constant 0 : i32
      %gather3A_1070 = arith.constant 0 : i32
      %gather3A_1071 = tpu.memref_slice %arg14[%gather3A_1068, %gather3A_1069, %gather3A_1070] : memref<8x32x128xf32, #tpu.memory_space<vmem>> -> memref<1x32x128xf32, #tpu.memory_space<vmem>>
      %gather3A_1072 = tpu.memref_squeeze %gather3A_1071 : memref<1x32x128xf32, #tpu.memory_space<vmem>> -> memref<32x128xf32, #tpu.memory_space<vmem>>
      %gather3A_1073 = tpu.vector_load_idx %gather3A_1072[%add3A_5, %broadcast_in_dim3A_1037] : memref<32x128xf32, #tpu.memory_space<vmem>>[vector<16xi32>, vector<16xi32>], vector<16xf32>,
      %mul3A_1074 = arith.mulf %gather3A_1043, %gather3A_1055 : vector<16xf32>
      %mul3A_1075 = arith.mulf %gather3A_1049, %gather3A_1061 : vector<16xf32>
      %add3A_1076 = arith.addf %mul3A_1074, %mul3A_1075 : vector<16xf32>
      %reduce_sum3A_1077 = arith.constant true
      %reduce_sum3A_1078 = vector.broadcast %reduce_sum3A_1077 : i1 to vector<16xi1>
      %reduce_sum3A_1079 = tpu.scan <sum>, %add3A_1076 masked %reduce_sum3A_1078 : vector<16xf32>, vector<16xi1> -> vector<16xf32>
      %reduce_sum3A_1080 = vector.extract %reduce_sum3A_1079[15] : f32 from vector<16xf32>
      %mul3A_1081 = arith.mulf %gather3A_1043, %gather3A_1067 : vector<16xf32>
      %mul3A_1082 = arith.mulf %gather3A_1049, %gather3A_1073 : vector<16xf32>
      %add3A_1083 = arith.addf %mul3A_1081, %mul3A_1082 : vector<16xf32>
      %reduce_sum3A_1084 = arith.constant true
      %reduce_sum3A_1085 = vector.broadcast %reduce_sum3A_1084 : i1 to vector<16xi1>
      %reduce_sum3A_1086 = tpu.scan <sum>, %add3A_1083 masked %reduce_sum3A_1085 : vector<16xf32>, vector<16xi1> -> vector<16xf32>
      %reduce_sum3A_1087 = vector.extract %reduce_sum3A_1086[15] : f32 from vector<16xf32>
      %and3A_1088 = arith.constant 15 : i32
      %and3A_1089 = arith.andi %add3A_942, %and3A_1088 : i32
      %eq3A_1090 = vector.broadcast %and3A_1089 : i32 to vector<16xi32>
      %eq3A_1091 = arith.cmpi eq, %iota3A, %eq3A_1090 : vector<16xi32>
      %broadcast_in_dim3A_1092 = vector.broadcast %reduce_sum3A_1080 : f32 to vector<16xf32>
      %select_n3A_1093 = arith.select %eq3A_1091, %broadcast_in_dim3A_1092, %select_n3A_934 : vector<16xi1>, vector<16xf32>
      %broadcast_in_dim3A_1094 = vector.broadcast %reduce_sum3A_1087 : f32 to vector<16xf32>
      %select_n3A_1095 = arith.select %eq3A_1091, %broadcast_in_dim3A_1094, %select_n3A_936 : vector<16xi1>, vector<16xf32>
      %lt3A_1096 = arith.constant 63 : i32
      %lt3A_1097 = arith.cmpi slt, %scan3A_779, %lt3A_1096 : i32
      %convert_element_type3A_1098 = arith.extui %lt3A_1097 : i1 to i32
      %cond3A_1099 = arith.constant 0 : i32
      %cond3A_1100 = arith.cmpi ne, %convert_element_type3A_1098, %cond3A_1099 : i32
      scf.if %cond3A_1100 {
        %add3A_2086 = arith.constant 8 : i32
        %add3A_2087 = arith.addi %add3A_942, %add3A_2086 : i32
        %shift_right_logical3A_2088 = arith.constant 4 : i32
        %shift_right_logical3A_2089 = arith.shrui %add3A_2087, %shift_right_logical3A_2088 : i32
        %shift_left3A_2090 = arith.constant 4 : i32
        %shift_left3A_2091 = arith.shli %shift_right_logical3A_2089, %shift_left3A_2090 : i32
        %multiple_of3A_2092 = tpu.assume_multiple %shift_left3A_2091, 16 : i32
        %and3A_2093 = arith.constant 15 : i32
        %and3A_2094 = arith.andi %add3A_2087, %and3A_2093 : i32
        %eq3A_2095 = vector.broadcast %and3A_2094 : i32 to vector<16xi32>
        %eq3A_2096 = arith.cmpi eq, %iota3A, %eq3A_2095 : vector<16xi32>
        %broadcast_in_dim3A_2097 = arith.constant 0 : i32
        %broadcast_in_dim3A_2098 = vector.broadcast %broadcast_in_dim3A_2097 : i32 to vector<16xi32>
        %get3A_2099 = arith.index_cast %multiple_of3A_2092 : i32 to index
        %get3A_2100 = tpu.vector_load %arg9[%get3A_2099] {strides = array<i32>} : memref<512xi32, #tpu.memory_space<vmem>>, vector<16xi32>,
        %select_n3A_2101 = arith.select %eq3A_2096, %get3A_2100, %broadcast_in_dim3A_2098 : vector<16xi1>, vector<16xi32>
        %reduce_sum3A_2102 = arith.constant true
        %reduce_sum3A_2103 = vector.broadcast %reduce_sum3A_2102 : i1 to vector<16xi1>
        %reduce_sum3A_2104 = tpu.scan <sum>, %select_n3A_2101 masked %reduce_sum3A_2103 : vector<16xi32>, vector<16xi1> -> vector<16xi32>
        %reduce_sum3A_2105 = vector.extract %reduce_sum3A_2104[15] : i32 from vector<16xi32>
        %get3A_2106 = arith.index_cast %multiple_of3A_2092 : i32 to index
        %get3A_2107 = tpu.vector_load %arg10[%get3A_2106] {strides = array<i32>} : memref<512xi32, #tpu.memory_space<vmem>>, vector<16xi32>,
        %select_n3A_2108 = arith.select %eq3A_2096, %get3A_2107, %broadcast_in_dim3A_2098 : vector<16xi1>, vector<16xi32>
        %reduce_sum3A_2109 = arith.constant true
        %reduce_sum3A_2110 = vector.broadcast %reduce_sum3A_2109 : i1 to vector<16xi1>
        %reduce_sum3A_2111 = tpu.scan <sum>, %select_n3A_2108 masked %reduce_sum3A_2110 : vector<16xi32>, vector<16xi1> -> vector<16xi32>
        %reduce_sum3A_2112 = vector.extract %reduce_sum3A_2111[15] : i32 from vector<16xi32>
        %get3A_2113 = arith.index_cast %multiple_of3A_2092 : i32 to index
        %get3A_2114 = tpu.vector_load %arg11[%get3A_2113] {strides = array<i32>} : memref<512xi32, #tpu.memory_space<vmem>>, vector<16xi32>,
        %select_n3A_2115 = arith.select %eq3A_2096, %get3A_2114, %broadcast_in_dim3A_2098 : vector<16xi1>, vector<16xi32>
        %reduce_sum3A_2116 = arith.constant true
        %reduce_sum3A_2117 = vector.broadcast %reduce_sum3A_2116 : i1 to vector<16xi1>
        %reduce_sum3A_2118 = tpu.scan <sum>, %select_n3A_2115 masked %reduce_sum3A_2117 : vector<16xi32>, vector<16xi1> -> vector<16xi32>
        %reduce_sum3A_2119 = vector.extract %reduce_sum3A_2118[15] : i32 from vector<16xi32>
        %shift_right_logical3A_2120 = arith.constant 7 : i32
        %shift_right_logical3A_2121 = arith.shrui %reduce_sum3A_2105, %shift_right_logical3A_2120 : i32
        %shift_left3A_2122 = arith.constant 7 : i32
        %shift_left3A_2123 = arith.shli %shift_right_logical3A_2121, %shift_left3A_2122 : i32
        %multiple_of3A_2124 = tpu.assume_multiple %shift_left3A_2123, 128 : i32
        %shift_right_logical3A_2125 = arith.constant 7 : i32
        %shift_right_logical3A_2126 = arith.shrui %reduce_sum3A_2112, %shift_right_logical3A_2125 : i32
        %shift_left3A_2127 = arith.constant 7 : i32
        %shift_left3A_2128 = arith.shli %shift_right_logical3A_2126, %shift_left3A_2127 : i32
        %multiple_of3A_2129 = tpu.assume_multiple %shift_left3A_2128, 128 : i32
        %shift_right_logical3A_2130 = arith.constant 7 : i32
        %shift_right_logical3A_2131 = arith.shrui %reduce_sum3A_2119, %shift_right_logical3A_2130 : i32
        %shift_left3A_2132 = arith.constant 7 : i32
        %shift_left3A_2133 = arith.shli %shift_right_logical3A_2131, %shift_left3A_2132 : i32
        %multiple_of3A_2134 = tpu.assume_multiple %shift_left3A_2133, 128 : i32
        %dma_start3A_2135 = arith.constant 1 : i32
        %dma_start3A_2136 = arith.constant 1 : i32
        %dma_start3A_2137 = arith.constant 0 : i32
        %dma_start3A_2138 = arith.constant 0 : i32
        %dma_start3A_2139 = tpu.memref_slice %arg12[%dma_start3A_2135, %dma_start3A_2137, %dma_start3A_2138] : memref<8x32x128xf32, #tpu.memory_space<vmem>> -> memref<1x32x128xf32, #tpu.memory_space<vmem>>
        %dma_start3A_2140 = tpu.memref_squeeze %dma_start3A_2139 : memref<1x32x128xf32, #tpu.memory_space<vmem>> -> memref<32x128xf32, #tpu.memory_space<vmem>>
        %dma_start3A_2141 = arith.constant 0 : i32
        %dma_start3A_2142 = tpu.memref_slice %arg5[%dma_start3A_2141, %multiple_of3A_2124] : memref<32x1000000xf32, #tpu.memory_space<hbm>> -> memref<32x128xf32, #tpu.memory_space<hbm>>
        %dma_start3A_2143 = tpu.memref_slice %arg17[%dma_start3A_2136] : memref<8x!tpu.dma_semaphore, #tpu.memory_space<semaphore_mem>> -> memref<1x!tpu.dma_semaphore, #tpu.memory_space<semaphore_mem>>
        %dma_start3A_2144 = tpu.memref_squeeze %dma_start3A_2143 : memref<1x!tpu.dma_semaphore, #tpu.memory_space<semaphore_mem>> -> memref<!tpu.dma_semaphore, #tpu.memory_space<semaphore_mem>>
        %dma_start3A_2145 = arith.constant 0 : i32
        %dma_start3A_2146 = arith.constant 0 : i32
        %dma_start3A_2147 = tpu.memref_slice %arg12[%dma_start3A_2135, %dma_start3A_2145, %dma_start3A_2146] : memref<8x32x128xf32, #tpu.memory_space<vmem>> -> memref<1x32x128xf32, #tpu.memory_space<vmem>>
        %dma_start3A_2148 = tpu.memref_squeeze %dma_start3A_2147 : memref<1x32x128xf32, #tpu.memory_space<vmem>> -> memref<32x128xf32, #tpu.memory_space<vmem>>
        %dma_start3A_2149 = arith.constant 0 : i32
        %dma_start3A_2150 = tpu.memref_slice %arg5[%dma_start3A_2149, %multiple_of3A_2124] : memref<32x1000000xf32, #tpu.memory_space<hbm>> -> memref<32x128xf32, #tpu.memory_space<hbm>>
        tpu.enqueue_dma source(%dma_start3A_2150 : memref<32x128xf32, #tpu.memory_space<hbm>>) target(%dma_start3A_2148 : memref<32x128xf32, #tpu.memory_space<vmem>>) target_semaphore(%dma_start3A_2144 : memref<!tpu.dma_semaphore, #tpu.memory_space<semaphore_mem>>)
        %dma_start3A_2151 = arith.constant 1 : i32
        %dma_start3A_2152 = arith.constant 1 : i32
        %dma_start3A_2153 = arith.constant 0 : i32
        %dma_start3A_2154 = arith.constant 0 : i32
        %dma_start3A_2155 = tpu.memref_slice %arg13[%dma_start3A_2151, %dma_start3A_2153, %dma_start3A_2154] : memref<8x32x128xf32, #tpu.memory_space<vmem>> -> memref<1x32x128xf32, #tpu.memory_space<vmem>>
        %dma_start3A_2156 = tpu.memref_squeeze %dma_start3A_2155 : memref<1x32x128xf32, #tpu.memory_space<vmem>> -> memref<32x128xf32, #tpu.memory_space<vmem>>
        %dma_start3A_2157 = arith.constant 0 : i32
        %dma_start3A_2158 = tpu.memref_slice %arg6[%dma_start3A_2157, %multiple_of3A_2129] : memref<32x1000000xf32, #tpu.memory_space<hbm>> -> memref<32x128xf32, #tpu.memory_space<hbm>>
        %dma_start3A_2159 = tpu.memref_slice %arg17[%dma_start3A_2152] : memref<8x!tpu.dma_semaphore, #tpu.memory_space<semaphore_mem>> -> memref<1x!tpu.dma_semaphore, #tpu.memory_space<semaphore_mem>>
        %dma_start3A_2160 = tpu.memref_squeeze %dma_start3A_2159 : memref<1x!tpu.dma_semaphore, #tpu.memory_space<semaphore_mem>> -> memref<!tpu.dma_semaphore, #tpu.memory_space<semaphore_mem>>
        %dma_start3A_2161 = arith.constant 0 : i32
        %dma_start3A_2162 = arith.constant 0 : i32
        %dma_start3A_2163 = tpu.memref_slice %arg13[%dma_start3A_2151, %dma_start3A_2161, %dma_start3A_2162] : memref<8x32x128xf32, #tpu.memory_space<vmem>> -> memref<1x32x128xf32, #tpu.memory_space<vmem>>
        %dma_start3A_2164 = tpu.memref_squeeze %dma_start3A_2163 : memref<1x32x128xf32, #tpu.memory_space<vmem>> -> memref<32x128xf32, #tpu.memory_space<vmem>>
        %dma_start3A_2165 = arith.constant 0 : i32
        %dma_start3A_2166 = tpu.memref_slice %arg6[%dma_start3A_2165, %multiple_of3A_2129] : memref<32x1000000xf32, #tpu.memory_space<hbm>> -> memref<32x128xf32, #tpu.memory_space<hbm>>
        tpu.enqueue_dma source(%dma_start3A_2166 : memref<32x128xf32, #tpu.memory_space<hbm>>) target(%dma_start3A_2164 : memref<32x128xf32, #tpu.memory_space<vmem>>) target_semaphore(%dma_start3A_2160 : memref<!tpu.dma_semaphore, #tpu.memory_space<semaphore_mem>>)
        %dma_start3A_2167 = arith.constant 1 : i32
        %dma_start3A_2168 = arith.constant 1 : i32
        %dma_start3A_2169 = arith.constant 0 : i32
        %dma_start3A_2170 = arith.constant 0 : i32
        %dma_start3A_2171 = tpu.memref_slice %arg14[%dma_start3A_2167, %dma_start3A_2169, %dma_start3A_2170] : memref<8x32x128xf32, #tpu.memory_space<vmem>> -> memref<1x32x128xf32, #tpu.memory_space<vmem>>
        %dma_start3A_2172 = tpu.memref_squeeze %dma_start3A_2171 : memref<1x32x128xf32, #tpu.memory_space<vmem>> -> memref<32x128xf32, #tpu.memory_space<vmem>>
        %dma_start3A_2173 = arith.constant 0 : i32
        %dma_start3A_2174 = tpu.memref_slice %arg6[%dma_start3A_2173, %multiple_of3A_2134] : memref<32x1000000xf32, #tpu.memory_space<hbm>> -> memref<32x128xf32, #tpu.memory_space<hbm>>
        %dma_start3A_2175 = tpu.memref_slice %arg17[%dma_start3A_2168] : memref<8x!tpu.dma_semaphore, #tpu.memory_space<semaphore_mem>> -> memref<1x!tpu.dma_semaphore, #tpu.memory_space<semaphore_mem>>
        %dma_start3A_2176 = tpu.memref_squeeze %dma_start3A_2175 : memref<1x!tpu.dma_semaphore, #tpu.memory_space<semaphore_mem>> -> memref<!tpu.dma_semaphore, #tpu.memory_space<semaphore_mem>>
        %dma_start3A_2177 = arith.constant 0 : i32
        %dma_start3A_2178 = arith.constant 0 : i32
        %dma_start3A_2179 = tpu.memref_slice %arg14[%dma_start3A_2167, %dma_start3A_2177, %dma_start3A_2178] : memref<8x32x128xf32, #tpu.memory_space<vmem>> -> memref<1x32x128xf32, #tpu.memory_space<vmem>>
        %dma_start3A_2180 = tpu.memref_squeeze %dma_start3A_2179 : memref<1x32x128xf32, #tpu.memory_space<vmem>> -> memref<32x128xf32, #tpu.memory_space<vmem>>
        %dma_start3A_2181 = arith.constant 0 : i32
        %dma_start3A_2182 = tpu.memref_slice %arg6[%dma_start3A_2181, %multiple_of3A_2134] : memref<32x1000000xf32, #tpu.memory_space<hbm>> -> memref<32x128xf32, #tpu.memory_space<hbm>>
        tpu.enqueue_dma source(%dma_start3A_2182 : memref<32x128xf32, #tpu.memory_space<hbm>>) target(%dma_start3A_2180 : memref<32x128xf32, #tpu.memory_space<vmem>>) target_semaphore(%dma_start3A_2176 : memref<!tpu.dma_semaphore, #tpu.memory_space<semaphore_mem>>)
      } else {
      }
      %mul3A_1101 = arith.constant 8 : i32
      %mul3A_1102 = arith.muli %scan3A_779, %mul3A_1101 : i32
      %add3A_1103 = arith.constant 2 : i32
      %add3A_1104 = arith.addi %mul3A_1102, %add3A_1103 : i32
      %dma_wait3A_1105 = arith.constant 2 : i32
      %dma_wait3A_1106 = arith.constant 2 : i32
      %dma_wait3A_1107 = arith.constant 0 : i32
      %dma_wait3A_1108 = arith.constant 0 : i32
      %dma_wait3A_1109 = tpu.memref_slice %arg12[%dma_wait3A_1105, %dma_wait3A_1107, %dma_wait3A_1108] : memref<8x32x128xf32, #tpu.memory_space<vmem>> -> memref<1x32x128xf32, #tpu.memory_space<vmem>>
      %dma_wait3A_1110 = tpu.memref_squeeze %dma_wait3A_1109 : memref<1x32x128xf32, #tpu.memory_space<vmem>> -> memref<32x128xf32, #tpu.memory_space<vmem>>
      %dma_wait3A_1111 = arith.constant 0 : i32
      %dma_wait3A_1112 = arith.constant 0 : i32
      %dma_wait3A_1113 = tpu.memref_slice %arg5[%dma_wait3A_1111, %dma_wait3A_1112] : memref<32x1000000xf32, #tpu.memory_space<hbm>> -> memref<32x128xf32, #tpu.memory_space<hbm>>
      %dma_wait3A_1114 = tpu.memref_slice %arg17[%dma_wait3A_1106] : memref<8x!tpu.dma_semaphore, #tpu.memory_space<semaphore_mem>> -> memref<1x!tpu.dma_semaphore, #tpu.memory_space<semaphore_mem>>
      %dma_wait3A_1115 = tpu.memref_squeeze %dma_wait3A_1114 : memref<1x!tpu.dma_semaphore, #tpu.memory_space<semaphore_mem>> -> memref<!tpu.dma_semaphore, #tpu.memory_space<semaphore_mem>>
      %dma_wait3A_1116 = arith.constant 0 : i32
      %dma_wait3A_1117 = arith.constant 0 : i32
      %dma_wait3A_1118 = tpu.memref_slice %arg12[%dma_wait3A_1105, %dma_wait3A_1116, %dma_wait3A_1117] : memref<8x32x128xf32, #tpu.memory_space<vmem>> -> memref<1x32x128xf32, #tpu.memory_space<vmem>>
      %dma_wait3A_1119 = tpu.memref_squeeze %dma_wait3A_1118 : memref<1x32x128xf32, #tpu.memory_space<vmem>> -> memref<32x128xf32, #tpu.memory_space<vmem>>
      %dma_wait3A_1120 = arith.constant 0 : i32
      %dma_wait3A_1121 = arith.constant 0 : i32
      %dma_wait3A_1122 = tpu.memref_slice %arg5[%dma_wait3A_1120, %dma_wait3A_1121] : memref<32x1000000xf32, #tpu.memory_space<hbm>> -> memref<32x128xf32, #tpu.memory_space<hbm>>
      tpu.wait_dma2 semaphore(%dma_wait3A_1115 : memref<!tpu.dma_semaphore, #tpu.memory_space<semaphore_mem>>) src(%dma_wait3A_1122 : memref<32x128xf32, #tpu.memory_space<hbm>>) dst(%dma_wait3A_1119 : memref<32x128xf32, #tpu.memory_space<vmem>>)
      %dma_wait3A_1123 = arith.constant 2 : i32
      %dma_wait3A_1124 = arith.constant 2 : i32
      %dma_wait3A_1125 = arith.constant 0 : i32
      %dma_wait3A_1126 = arith.constant 0 : i32
      %dma_wait3A_1127 = tpu.memref_slice %arg13[%dma_wait3A_1123, %dma_wait3A_1125, %dma_wait3A_1126] : memref<8x32x128xf32, #tpu.memory_space<vmem>> -> memref<1x32x128xf32, #tpu.memory_space<vmem>>
      %dma_wait3A_1128 = tpu.memref_squeeze %dma_wait3A_1127 : memref<1x32x128xf32, #tpu.memory_space<vmem>> -> memref<32x128xf32, #tpu.memory_space<vmem>>
      %dma_wait3A_1129 = arith.constant 0 : i32
      %dma_wait3A_1130 = arith.constant 0 : i32
      %dma_wait3A_1131 = tpu.memref_slice %arg5[%dma_wait3A_1129, %dma_wait3A_1130] : memref<32x1000000xf32, #tpu.memory_space<hbm>> -> memref<32x128xf32, #tpu.memory_space<hbm>>
      %dma_wait3A_1132 = tpu.memref_slice %arg17[%dma_wait3A_1124] : memref<8x!tpu.dma_semaphore, #tpu.memory_space<semaphore_mem>> -> memref<1x!tpu.dma_semaphore, #tpu.memory_space<semaphore_mem>>
      %dma_wait3A_1133 = tpu.memref_squeeze %dma_wait3A_1132 : memref<1x!tpu.dma_semaphore, #tpu.memory_space<semaphore_mem>> -> memref<!tpu.dma_semaphore, #tpu.memory_space<semaphore_mem>>
      %dma_wait3A_1134 = arith.constant 0 : i32
      %dma_wait3A_1135 = arith.constant 0 : i32
      %dma_wait3A_1136 = tpu.memref_slice %arg13[%dma_wait3A_1123, %dma_wait3A_1134, %dma_wait3A_1135] : memref<8x32x128xf32, #tpu.memory_space<vmem>> -> memref<1x32x128xf32, #tpu.memory_space<vmem>>
      %dma_wait3A_1137 = tpu.memref_squeeze %dma_wait3A_1136 : memref<1x32x128xf32, #tpu.memory_space<vmem>> -> memref<32x128xf32, #tpu.memory_space<vmem>>
      %dma_wait3A_1138 = arith.constant 0 : i32
      %dma_wait3A_1139 = arith.constant 0 : i32
      %dma_wait3A_1140 = tpu.memref_slice %arg5[%dma_wait3A_1138, %dma_wait3A_1139] : memref<32x1000000xf32, #tpu.memory_space<hbm>> -> memref<32x128xf32, #tpu.memory_space<hbm>>
      tpu.wait_dma2 semaphore(%dma_wait3A_1133 : memref<!tpu.dma_semaphore, #tpu.memory_space<semaphore_mem>>) src(%dma_wait3A_1140 : memref<32x128xf32, #tpu.memory_space<hbm>>) dst(%dma_wait3A_1137 : memref<32x128xf32, #tpu.memory_space<vmem>>)
      %dma_wait3A_1141 = arith.constant 2 : i32
      %dma_wait3A_1142 = arith.constant 2 : i32
      %dma_wait3A_1143 = arith.constant 0 : i32
      %dma_wait3A_1144 = arith.constant 0 : i32
      %dma_wait3A_1145 = tpu.memref_slice %arg14[%dma_wait3A_1141, %dma_wait3A_1143, %dma_wait3A_1144] : memref<8x32x128xf32, #tpu.memory_space<vmem>> -> memref<1x32x128xf32, #tpu.memory_space<vmem>>
      %dma_wait3A_1146 = tpu.memref_squeeze %dma_wait3A_1145 : memref<1x32x128xf32, #tpu.memory_space<vmem>> -> memref<32x128xf32, #tpu.memory_space<vmem>>
      %dma_wait3A_1147 = arith.constant 0 : i32
      %dma_wait3A_1148 = arith.constant 0 : i32
      %dma_wait3A_1149 = tpu.memref_slice %arg5[%dma_wait3A_1147, %dma_wait3A_1148] : memref<32x1000000xf32, #tpu.memory_space<hbm>> -> memref<32x128xf32, #tpu.memory_space<hbm>>
      %dma_wait3A_1150 = tpu.memref_slice %arg17[%dma_wait3A_1142] : memref<8x!tpu.dma_semaphore, #tpu.memory_space<semaphore_mem>> -> memref<1x!tpu.dma_semaphore, #tpu.memory_space<semaphore_mem>>
      %dma_wait3A_1151 = tpu.memref_squeeze %dma_wait3A_1150 : memref<1x!tpu.dma_semaphore, #tpu.memory_space<semaphore_mem>> -> memref<!tpu.dma_semaphore, #tpu.memory_space<semaphore_mem>>
      %dma_wait3A_1152 = arith.constant 0 : i32
      %dma_wait3A_1153 = arith.constant 0 : i32
      %dma_wait3A_1154 = tpu.memref_slice %arg14[%dma_wait3A_1141, %dma_wait3A_1152, %dma_wait3A_1153] : memref<8x32x128xf32, #tpu.memory_space<vmem>> -> memref<1x32x128xf32, #tpu.memory_space<vmem>>
      %dma_wait3A_1155 = tpu.memref_squeeze %dma_wait3A_1154 : memref<1x32x128xf32, #tpu.memory_space<vmem>> -> memref<32x128xf32, #tpu.memory_space<vmem>>
      %dma_wait3A_1156 = arith.constant 0 : i32
      %dma_wait3A_1157 = arith.constant 0 : i32
      %dma_wait3A_1158 = tpu.memref_slice %arg5[%dma_wait3A_1156, %dma_wait3A_1157] : memref<32x1000000xf32, #tpu.memory_space<hbm>> -> memref<32x128xf32, #tpu.memory_space<hbm>>
      tpu.wait_dma2 semaphore(%dma_wait3A_1151 : memref<!tpu.dma_semaphore, #tpu.memory_space<semaphore_mem>>) src(%dma_wait3A_1158 : memref<32x128xf32, #tpu.memory_space<hbm>>) dst(%dma_wait3A_1155 : memref<32x128xf32, #tpu.memory_space<vmem>>)
      %shift_right_logical3A_1159 = arith.constant 4 : i32
      %shift_right_logical3A_1160 = arith.shrui %add3A_1104, %shift_right_logical3A_1159 : i32
      %shift_left3A_1161 = arith.constant 4 : i32
      %shift_left3A_1162 = arith.shli %shift_right_logical3A_1160, %shift_left3A_1161 : i32
      %multiple_of3A_1163 = tpu.assume_multiple %shift_left3A_1162, 16 : i32
      %and3A_1164 = arith.constant 15 : i32
      %and3A_1165 = arith.andi %add3A_1104, %and3A_1164 : i32
      %eq3A_1166 = vector.broadcast %and3A_1165 : i32 to vector<16xi32>
      %eq3A_1167 = arith.cmpi eq, %iota3A, %eq3A_1166 : vector<16xi32>
      %broadcast_in_dim3A_1168 = arith.constant 0 : i32
      %broadcast_in_dim3A_1169 = vector.broadcast %broadcast_in_dim3A_1168 : i32 to vector<16xi32>
      %get3A_1170 = arith.index_cast %multiple_of3A_1163 : i32 to index
      %get3A_1171 = tpu.vector_load %arg9[%get3A_1170] {strides = array<i32>} : memref<512xi32, #tpu.memory_space<vmem>>, vector<16xi32>,
      %select_n3A_1172 = arith.select %eq3A_1167, %get3A_1171, %broadcast_in_dim3A_1169 : vector<16xi1>, vector<16xi32>
      %reduce_sum3A_1173 = arith.constant true
      %reduce_sum3A_1174 = vector.broadcast %reduce_sum3A_1173 : i1 to vector<16xi1>
      %reduce_sum3A_1175 = tpu.scan <sum>, %select_n3A_1172 masked %reduce_sum3A_1174 : vector<16xi32>, vector<16xi1> -> vector<16xi32>
      %reduce_sum3A_1176 = vector.extract %reduce_sum3A_1175[15] : i32 from vector<16xi32>
      %get3A_1177 = arith.index_cast %multiple_of3A_1163 : i32 to index
      %get3A_1178 = tpu.vector_load %arg10[%get3A_1177] {strides = array<i32>} : memref<512xi32, #tpu.memory_space<vmem>>, vector<16xi32>,
      %select_n3A_1179 = arith.select %eq3A_1167, %get3A_1178, %broadcast_in_dim3A_1169 : vector<16xi1>, vector<16xi32>
      %reduce_sum3A_1180 = arith.constant true
      %reduce_sum3A_1181 = vector.broadcast %reduce_sum3A_1180 : i1 to vector<16xi1>
      %reduce_sum3A_1182 = tpu.scan <sum>, %select_n3A_1179 masked %reduce_sum3A_1181 : vector<16xi32>, vector<16xi1> -> vector<16xi32>
      %reduce_sum3A_1183 = vector.extract %reduce_sum3A_1182[15] : i32 from vector<16xi32>
      %get3A_1184 = arith.index_cast %multiple_of3A_1163 : i32 to index
      %get3A_1185 = tpu.vector_load %arg11[%get3A_1184] {strides = array<i32>} : memref<512xi32, #tpu.memory_space<vmem>>, vector<16xi32>,
      %select_n3A_1186 = arith.select %eq3A_1167, %get3A_1185, %broadcast_in_dim3A_1169 : vector<16xi1>, vector<16xi32>
      %reduce_sum3A_1187 = arith.constant true
      %reduce_sum3A_1188 = vector.broadcast %reduce_sum3A_1187 : i1 to vector<16xi1>
      %reduce_sum3A_1189 = tpu.scan <sum>, %select_n3A_1186 masked %reduce_sum3A_1188 : vector<16xi32>, vector<16xi1> -> vector<16xi32>
      %reduce_sum3A_1190 = vector.extract %reduce_sum3A_1189[15] : i32 from vector<16xi32>
      %and3A_1191 = arith.constant 127 : i32
      %and3A_1192 = arith.andi %reduce_sum3A_1176, %and3A_1191 : i32
      %broadcast_in_dim3A_1193 = vector.broadcast %and3A_1192 : i32 to vector<16xi32>
      %and3A_1194 = arith.constant 127 : i32
      %and3A_1195 = arith.andi %reduce_sum3A_1183, %and3A_1194 : i32
      %broadcast_in_dim3A_1196 = vector.broadcast %and3A_1195 : i32 to vector<16xi32>
      %and3A_1197 = arith.constant 127 : i32
      %and3A_1198 = arith.andi %reduce_sum3A_1190, %and3A_1197 : i32
      %broadcast_in_dim3A_1199 = vector.broadcast %and3A_1198 : i32 to vector<16xi32>
      %gather3A_1200 = arith.constant 2 : i32
      %gather3A_1201 = arith.constant 0 : i32
      %gather3A_1202 = arith.constant 0 : i32
      %gather3A_1203 = tpu.memref_slice %arg12[%gather3A_1200, %gather3A_1201, %gather3A_1202] : memref<8x32x128xf32, #tpu.memory_space<vmem>> -> memref<1x32x128xf32, #tpu.memory_space<vmem>>
      %gather3A_1204 = tpu.memref_squeeze %gather3A_1203 : memref<1x32x128xf32, #tpu.memory_space<vmem>> -> memref<32x128xf32, #tpu.memory_space<vmem>>
      %gather3A_1205 = tpu.vector_load_idx %gather3A_1204[%iota3A, %broadcast_in_dim3A_1193] : memref<32x128xf32, #tpu.memory_space<vmem>>[vector<16xi32>, vector<16xi32>], vector<16xf32>,
      %gather3A_1206 = arith.constant 2 : i32
      %gather3A_1207 = arith.constant 0 : i32
      %gather3A_1208 = arith.constant 0 : i32
      %gather3A_1209 = tpu.memref_slice %arg12[%gather3A_1206, %gather3A_1207, %gather3A_1208] : memref<8x32x128xf32, #tpu.memory_space<vmem>> -> memref<1x32x128xf32, #tpu.memory_space<vmem>>
      %gather3A_1210 = tpu.memref_squeeze %gather3A_1209 : memref<1x32x128xf32, #tpu.memory_space<vmem>> -> memref<32x128xf32, #tpu.memory_space<vmem>>
      %gather3A_1211 = tpu.vector_load_idx %gather3A_1210[%add3A_5, %broadcast_in_dim3A_1193] : memref<32x128xf32, #tpu.memory_space<vmem>>[vector<16xi32>, vector<16xi32>], vector<16xf32>,
      %gather3A_1212 = arith.constant 2 : i32
      %gather3A_1213 = arith.constant 0 : i32
      %gather3A_1214 = arith.constant 0 : i32
      %gather3A_1215 = tpu.memref_slice %arg13[%gather3A_1212, %gather3A_1213, %gather3A_1214] : memref<8x32x128xf32, #tpu.memory_space<vmem>> -> memref<1x32x128xf32, #tpu.memory_space<vmem>>
      %gather3A_1216 = tpu.memref_squeeze %gather3A_1215 : memref<1x32x128xf32, #tpu.memory_space<vmem>> -> memref<32x128xf32, #tpu.memory_space<vmem>>
      %gather3A_1217 = tpu.vector_load_idx %gather3A_1216[%iota3A, %broadcast_in_dim3A_1196] : memref<32x128xf32, #tpu.memory_space<vmem>>[vector<16xi32>, vector<16xi32>], vector<16xf32>,
      %gather3A_1218 = arith.constant 2 : i32
      %gather3A_1219 = arith.constant 0 : i32
      %gather3A_1220 = arith.constant 0 : i32
      %gather3A_1221 = tpu.memref_slice %arg13[%gather3A_1218, %gather3A_1219, %gather3A_1220] : memref<8x32x128xf32, #tpu.memory_space<vmem>> -> memref<1x32x128xf32, #tpu.memory_space<vmem>>
      %gather3A_1222 = tpu.memref_squeeze %gather3A_1221 : memref<1x32x128xf32, #tpu.memory_space<vmem>> -> memref<32x128xf32, #tpu.memory_space<vmem>>
      %gather3A_1223 = tpu.vector_load_idx %gather3A_1222[%add3A_5, %broadcast_in_dim3A_1196] : memref<32x128xf32, #tpu.memory_space<vmem>>[vector<16xi32>, vector<16xi32>], vector<16xf32>,
      %gather3A_1224 = arith.constant 2 : i32
      %gather3A_1225 = arith.constant 0 : i32
      %gather3A_1226 = arith.constant 0 : i32
      %gather3A_1227 = tpu.memref_slice %arg14[%gather3A_1224, %gather3A_1225, %gather3A_1226] : memref<8x32x128xf32, #tpu.memory_space<vmem>> -> memref<1x32x128xf32, #tpu.memory_space<vmem>>
      %gather3A_1228 = tpu.memref_squeeze %gather3A_1227 : memref<1x32x128xf32, #tpu.memory_space<vmem>> -> memref<32x128xf32, #tpu.memory_space<vmem>>
      %gather3A_1229 = tpu.vector_load_idx %gather3A_1228[%iota3A, %broadcast_in_dim3A_1199] : memref<32x128xf32, #tpu.memory_space<vmem>>[vector<16xi32>, vector<16xi32>], vector<16xf32>,
      %gather3A_1230 = arith.constant 2 : i32
      %gather3A_1231 = arith.constant 0 : i32
      %gather3A_1232 = arith.constant 0 : i32
      %gather3A_1233 = tpu.memref_slice %arg14[%gather3A_1230, %gather3A_1231, %gather3A_1232] : memref<8x32x128xf32, #tpu.memory_space<vmem>> -> memref<1x32x128xf32, #tpu.memory_space<vmem>>
      %gather3A_1234 = tpu.memref_squeeze %gather3A_1233 : memref<1x32x128xf32, #tpu.memory_space<vmem>> -> memref<32x128xf32, #tpu.memory_space<vmem>>
      %gather3A_1235 = tpu.vector_load_idx %gather3A_1234[%add3A_5, %broadcast_in_dim3A_1199] : memref<32x128xf32, #tpu.memory_space<vmem>>[vector<16xi32>, vector<16xi32>], vector<16xf32>,
      %mul3A_1236 = arith.mulf %gather3A_1205, %gather3A_1217 : vector<16xf32>
      %mul3A_1237 = arith.mulf %gather3A_1211, %gather3A_1223 : vector<16xf32>
      %add3A_1238 = arith.addf %mul3A_1236, %mul3A_1237 : vector<16xf32>
      %reduce_sum3A_1239 = arith.constant true
      %reduce_sum3A_1240 = vector.broadcast %reduce_sum3A_1239 : i1 to vector<16xi1>
      %reduce_sum3A_1241 = tpu.scan <sum>, %add3A_1238 masked %reduce_sum3A_1240 : vector<16xf32>, vector<16xi1> -> vector<16xf32>
      %reduce_sum3A_1242 = vector.extract %reduce_sum3A_1241[15] : f32 from vector<16xf32>
      %mul3A_1243 = arith.mulf %gather3A_1205, %gather3A_1229 : vector<16xf32>
      %mul3A_1244 = arith.mulf %gather3A_1211, %gather3A_1235 : vector<16xf32>
      %add3A_1245 = arith.addf %mul3A_1243, %mul3A_1244 : vector<16xf32>
      %reduce_sum3A_1246 = arith.constant true
      %reduce_sum3A_1247 = vector.broadcast %reduce_sum3A_1246 : i1 to vector<16xi1>
      %reduce_sum3A_1248 = tpu.scan <sum>, %add3A_1245 masked %reduce_sum3A_1247 : vector<16xf32>, vector<16xi1> -> vector<16xf32>
      %reduce_sum3A_1249 = vector.extract %reduce_sum3A_1248[15] : f32 from vector<16xf32>
      %and3A_1250 = arith.constant 15 : i32
      %and3A_1251 = arith.andi %add3A_1104, %and3A_1250 : i32
      %eq3A_1252 = vector.broadcast %and3A_1251 : i32 to vector<16xi32>
      %eq3A_1253 = arith.cmpi eq, %iota3A, %eq3A_1252 : vector<16xi32>
      %broadcast_in_dim3A_1254 = vector.broadcast %reduce_sum3A_1242 : f32 to vector<16xf32>
      %select_n3A_1255 = arith.select %eq3A_1253, %broadcast_in_dim3A_1254, %select_n3A_1093 : vector<16xi1>, vector<16xf32>
      %broadcast_in_dim3A_1256 = vector.broadcast %reduce_sum3A_1249 : f32 to vector<16xf32>
      %select_n3A_1257 = arith.select %eq3A_1253, %broadcast_in_dim3A_1256, %select_n3A_1095 : vector<16xi1>, vector<16xf32>
      %lt3A_1258 = arith.constant 63 : i32
      %lt3A_1259 = arith.cmpi slt, %scan3A_779, %lt3A_1258 : i32
      %convert_element_type3A_1260 = arith.extui %lt3A_1259 : i1 to i32
      %cond3A_1261 = arith.constant 0 : i32
      %cond3A_1262 = arith.cmpi ne, %convert_element_type3A_1260, %cond3A_1261 : i32
      scf.if %cond3A_1262 {
        %add3A_2086 = arith.constant 8 : i32
        %add3A_2087 = arith.addi %add3A_1104, %add3A_2086 : i32
        %shift_right_logical3A_2088 = arith.constant 4 : i32
        %shift_right_logical3A_2089 = arith.shrui %add3A_2087, %shift_right_logical3A_2088 : i32
        %shift_left3A_2090 = arith.constant 4 : i32
        %shift_left3A_2091 = arith.shli %shift_right_logical3A_2089, %shift_left3A_2090 : i32
        %multiple_of3A_2092 = tpu.assume_multiple %shift_left3A_2091, 16 : i32
        %and3A_2093 = arith.constant 15 : i32
        %and3A_2094 = arith.andi %add3A_2087, %and3A_2093 : i32
        %eq3A_2095 = vector.broadcast %and3A_2094 : i32 to vector<16xi32>
        %eq3A_2096 = arith.cmpi eq, %iota3A, %eq3A_2095 : vector<16xi32>
        %broadcast_in_dim3A_2097 = arith.constant 0 : i32
        %broadcast_in_dim3A_2098 = vector.broadcast %broadcast_in_dim3A_2097 : i32 to vector<16xi32>
        %get3A_2099 = arith.index_cast %multiple_of3A_2092 : i32 to index
        %get3A_2100 = tpu.vector_load %arg9[%get3A_2099] {strides = array<i32>} : memref<512xi32, #tpu.memory_space<vmem>>, vector<16xi32>,
        %select_n3A_2101 = arith.select %eq3A_2096, %get3A_2100, %broadcast_in_dim3A_2098 : vector<16xi1>, vector<16xi32>
        %reduce_sum3A_2102 = arith.constant true
        %reduce_sum3A_2103 = vector.broadcast %reduce_sum3A_2102 : i1 to vector<16xi1>
        %reduce_sum3A_2104 = tpu.scan <sum>, %select_n3A_2101 masked %reduce_sum3A_2103 : vector<16xi32>, vector<16xi1> -> vector<16xi32>
        %reduce_sum3A_2105 = vector.extract %reduce_sum3A_2104[15] : i32 from vector<16xi32>
        %get3A_2106 = arith.index_cast %multiple_of3A_2092 : i32 to index
        %get3A_2107 = tpu.vector_load %arg10[%get3A_2106] {strides = array<i32>} : memref<512xi32, #tpu.memory_space<vmem>>, vector<16xi32>,
        %select_n3A_2108 = arith.select %eq3A_2096, %get3A_2107, %broadcast_in_dim3A_2098 : vector<16xi1>, vector<16xi32>
        %reduce_sum3A_2109 = arith.constant true
        %reduce_sum3A_2110 = vector.broadcast %reduce_sum3A_2109 : i1 to vector<16xi1>
        %reduce_sum3A_2111 = tpu.scan <sum>, %select_n3A_2108 masked %reduce_sum3A_2110 : vector<16xi32>, vector<16xi1> -> vector<16xi32>
        %reduce_sum3A_2112 = vector.extract %reduce_sum3A_2111[15] : i32 from vector<16xi32>
        %get3A_2113 = arith.index_cast %multiple_of3A_2092 : i32 to index
        %get3A_2114 = tpu.vector_load %arg11[%get3A_2113] {strides = array<i32>} : memref<512xi32, #tpu.memory_space<vmem>>, vector<16xi32>,
        %select_n3A_2115 = arith.select %eq3A_2096, %get3A_2114, %broadcast_in_dim3A_2098 : vector<16xi1>, vector<16xi32>
        %reduce_sum3A_2116 = arith.constant true
        %reduce_sum3A_2117 = vector.broadcast %reduce_sum3A_2116 : i1 to vector<16xi1>
        %reduce_sum3A_2118 = tpu.scan <sum>, %select_n3A_2115 masked %reduce_sum3A_2117 : vector<16xi32>, vector<16xi1> -> vector<16xi32>
        %reduce_sum3A_2119 = vector.extract %reduce_sum3A_2118[15] : i32 from vector<16xi32>
        %shift_right_logical3A_2120 = arith.constant 7 : i32
        %shift_right_logical3A_2121 = arith.shrui %reduce_sum3A_2105, %shift_right_logical3A_2120 : i32
        %shift_left3A_2122 = arith.constant 7 : i32
        %shift_left3A_2123 = arith.shli %shift_right_logical3A_2121, %shift_left3A_2122 : i32
        %multiple_of3A_2124 = tpu.assume_multiple %shift_left3A_2123, 128 : i32
        %shift_right_logical3A_2125 = arith.constant 7 : i32
        %shift_right_logical3A_2126 = arith.shrui %reduce_sum3A_2112, %shift_right_logical3A_2125 : i32
        %shift_left3A_2127 = arith.constant 7 : i32
        %shift_left3A_2128 = arith.shli %shift_right_logical3A_2126, %shift_left3A_2127 : i32
        %multiple_of3A_2129 = tpu.assume_multiple %shift_left3A_2128, 128 : i32
        %shift_right_logical3A_2130 = arith.constant 7 : i32
        %shift_right_logical3A_2131 = arith.shrui %reduce_sum3A_2119, %shift_right_logical3A_2130 : i32
        %shift_left3A_2132 = arith.constant 7 : i32
        %shift_left3A_2133 = arith.shli %shift_right_logical3A_2131, %shift_left3A_2132 : i32
        %multiple_of3A_2134 = tpu.assume_multiple %shift_left3A_2133, 128 : i32
        %dma_start3A_2135 = arith.constant 2 : i32
        %dma_start3A_2136 = arith.constant 2 : i32
        %dma_start3A_2137 = arith.constant 0 : i32
        %dma_start3A_2138 = arith.constant 0 : i32
        %dma_start3A_2139 = tpu.memref_slice %arg12[%dma_start3A_2135, %dma_start3A_2137, %dma_start3A_2138] : memref<8x32x128xf32, #tpu.memory_space<vmem>> -> memref<1x32x128xf32, #tpu.memory_space<vmem>>
        %dma_start3A_2140 = tpu.memref_squeeze %dma_start3A_2139 : memref<1x32x128xf32, #tpu.memory_space<vmem>> -> memref<32x128xf32, #tpu.memory_space<vmem>>
        %dma_start3A_2141 = arith.constant 0 : i32
        %dma_start3A_2142 = tpu.memref_slice %arg5[%dma_start3A_2141, %multiple_of3A_2124] : memref<32x1000000xf32, #tpu.memory_space<hbm>> -> memref<32x128xf32, #tpu.memory_space<hbm>>
        %dma_start3A_2143 = tpu.memref_slice %arg17[%dma_start3A_2136] : memref<8x!tpu.dma_semaphore, #tpu.memory_space<semaphore_mem>> -> memref<1x!tpu.dma_semaphore, #tpu.memory_space<semaphore_mem>>
        %dma_start3A_2144 = tpu.memref_squeeze %dma_start3A_2143 : memref<1x!tpu.dma_semaphore, #tpu.memory_space<semaphore_mem>> -> memref<!tpu.dma_semaphore, #tpu.memory_space<semaphore_mem>>
        %dma_start3A_2145 = arith.constant 0 : i32
        %dma_start3A_2146 = arith.constant 0 : i32
        %dma_start3A_2147 = tpu.memref_slice %arg12[%dma_start3A_2135, %dma_start3A_2145, %dma_start3A_2146] : memref<8x32x128xf32, #tpu.memory_space<vmem>> -> memref<1x32x128xf32, #tpu.memory_space<vmem>>
        %dma_start3A_2148 = tpu.memref_squeeze %dma_start3A_2147 : memref<1x32x128xf32, #tpu.memory_space<vmem>> -> memref<32x128xf32, #tpu.memory_space<vmem>>
        %dma_start3A_2149 = arith.constant 0 : i32
        %dma_start3A_2150 = tpu.memref_slice %arg5[%dma_start3A_2149, %multiple_of3A_2124] : memref<32x1000000xf32, #tpu.memory_space<hbm>> -> memref<32x128xf32, #tpu.memory_space<hbm>>
        tpu.enqueue_dma source(%dma_start3A_2150 : memref<32x128xf32, #tpu.memory_space<hbm>>) target(%dma_start3A_2148 : memref<32x128xf32, #tpu.memory_space<vmem>>) target_semaphore(%dma_start3A_2144 : memref<!tpu.dma_semaphore, #tpu.memory_space<semaphore_mem>>)
        %dma_start3A_2151 = arith.constant 2 : i32
        %dma_start3A_2152 = arith.constant 2 : i32
        %dma_start3A_2153 = arith.constant 0 : i32
        %dma_start3A_2154 = arith.constant 0 : i32
        %dma_start3A_2155 = tpu.memref_slice %arg13[%dma_start3A_2151, %dma_start3A_2153, %dma_start3A_2154] : memref<8x32x128xf32, #tpu.memory_space<vmem>> -> memref<1x32x128xf32, #tpu.memory_space<vmem>>
        %dma_start3A_2156 = tpu.memref_squeeze %dma_start3A_2155 : memref<1x32x128xf32, #tpu.memory_space<vmem>> -> memref<32x128xf32, #tpu.memory_space<vmem>>
        %dma_start3A_2157 = arith.constant 0 : i32
        %dma_start3A_2158 = tpu.memref_slice %arg6[%dma_start3A_2157, %multiple_of3A_2129] : memref<32x1000000xf32, #tpu.memory_space<hbm>> -> memref<32x128xf32, #tpu.memory_space<hbm>>
        %dma_start3A_2159 = tpu.memref_slice %arg17[%dma_start3A_2152] : memref<8x!tpu.dma_semaphore, #tpu.memory_space<semaphore_mem>> -> memref<1x!tpu.dma_semaphore, #tpu.memory_space<semaphore_mem>>
        %dma_start3A_2160 = tpu.memref_squeeze %dma_start3A_2159 : memref<1x!tpu.dma_semaphore, #tpu.memory_space<semaphore_mem>> -> memref<!tpu.dma_semaphore, #tpu.memory_space<semaphore_mem>>
        %dma_start3A_2161 = arith.constant 0 : i32
        %dma_start3A_2162 = arith.constant 0 : i32
        %dma_start3A_2163 = tpu.memref_slice %arg13[%dma_start3A_2151, %dma_start3A_2161, %dma_start3A_2162] : memref<8x32x128xf32, #tpu.memory_space<vmem>> -> memref<1x32x128xf32, #tpu.memory_space<vmem>>
        %dma_start3A_2164 = tpu.memref_squeeze %dma_start3A_2163 : memref<1x32x128xf32, #tpu.memory_space<vmem>> -> memref<32x128xf32, #tpu.memory_space<vmem>>
        %dma_start3A_2165 = arith.constant 0 : i32
        %dma_start3A_2166 = tpu.memref_slice %arg6[%dma_start3A_2165, %multiple_of3A_2129] : memref<32x1000000xf32, #tpu.memory_space<hbm>> -> memref<32x128xf32, #tpu.memory_space<hbm>>
        tpu.enqueue_dma source(%dma_start3A_2166 : memref<32x128xf32, #tpu.memory_space<hbm>>) target(%dma_start3A_2164 : memref<32x128xf32, #tpu.memory_space<vmem>>) target_semaphore(%dma_start3A_2160 : memref<!tpu.dma_semaphore, #tpu.memory_space<semaphore_mem>>)
        %dma_start3A_2167 = arith.constant 2 : i32
        %dma_start3A_2168 = arith.constant 2 : i32
        %dma_start3A_2169 = arith.constant 0 : i32
        %dma_start3A_2170 = arith.constant 0 : i32
        %dma_start3A_2171 = tpu.memref_slice %arg14[%dma_start3A_2167, %dma_start3A_2169, %dma_start3A_2170] : memref<8x32x128xf32, #tpu.memory_space<vmem>> -> memref<1x32x128xf32, #tpu.memory_space<vmem>>
        %dma_start3A_2172 = tpu.memref_squeeze %dma_start3A_2171 : memref<1x32x128xf32, #tpu.memory_space<vmem>> -> memref<32x128xf32, #tpu.memory_space<vmem>>
        %dma_start3A_2173 = arith.constant 0 : i32
        %dma_start3A_2174 = tpu.memref_slice %arg6[%dma_start3A_2173, %multiple_of3A_2134] : memref<32x1000000xf32, #tpu.memory_space<hbm>> -> memref<32x128xf32, #tpu.memory_space<hbm>>
        %dma_start3A_2175 = tpu.memref_slice %arg17[%dma_start3A_2168] : memref<8x!tpu.dma_semaphore, #tpu.memory_space<semaphore_mem>> -> memref<1x!tpu.dma_semaphore, #tpu.memory_space<semaphore_mem>>
        %dma_start3A_2176 = tpu.memref_squeeze %dma_start3A_2175 : memref<1x!tpu.dma_semaphore, #tpu.memory_space<semaphore_mem>> -> memref<!tpu.dma_semaphore, #tpu.memory_space<semaphore_mem>>
        %dma_start3A_2177 = arith.constant 0 : i32
        %dma_start3A_2178 = arith.constant 0 : i32
        %dma_start3A_2179 = tpu.memref_slice %arg14[%dma_start3A_2167, %dma_start3A_2177, %dma_start3A_2178] : memref<8x32x128xf32, #tpu.memory_space<vmem>> -> memref<1x32x128xf32, #tpu.memory_space<vmem>>
        %dma_start3A_2180 = tpu.memref_squeeze %dma_start3A_2179 : memref<1x32x128xf32, #tpu.memory_space<vmem>> -> memref<32x128xf32, #tpu.memory_space<vmem>>
        %dma_start3A_2181 = arith.constant 0 : i32
        %dma_start3A_2182 = tpu.memref_slice %arg6[%dma_start3A_2181, %multiple_of3A_2134] : memref<32x1000000xf32, #tpu.memory_space<hbm>> -> memref<32x128xf32, #tpu.memory_space<hbm>>
        tpu.enqueue_dma source(%dma_start3A_2182 : memref<32x128xf32, #tpu.memory_space<hbm>>) target(%dma_start3A_2180 : memref<32x128xf32, #tpu.memory_space<vmem>>) target_semaphore(%dma_start3A_2176 : memref<!tpu.dma_semaphore, #tpu.memory_space<semaphore_mem>>)
      } else {
      }
      %mul3A_1263 = arith.constant 8 : i32
      %mul3A_1264 = arith.muli %scan3A_779, %mul3A_1263 : i32
      %add3A_1265 = arith.constant 3 : i32
      %add3A_1266 = arith.addi %mul3A_1264, %add3A_1265 : i32
      %dma_wait3A_1267 = arith.constant 3 : i32
      %dma_wait3A_1268 = arith.constant 3 : i32
      %dma_wait3A_1269 = arith.constant 0 : i32
      %dma_wait3A_1270 = arith.constant 0 : i32
      %dma_wait3A_1271 = tpu.memref_slice %arg12[%dma_wait3A_1267, %dma_wait3A_1269, %dma_wait3A_1270] : memref<8x32x128xf32, #tpu.memory_space<vmem>> -> memref<1x32x128xf32, #tpu.memory_space<vmem>>
      %dma_wait3A_1272 = tpu.memref_squeeze %dma_wait3A_1271 : memref<1x32x128xf32, #tpu.memory_space<vmem>> -> memref<32x128xf32, #tpu.memory_space<vmem>>
      %dma_wait3A_1273 = arith.constant 0 : i32
      %dma_wait3A_1274 = arith.constant 0 : i32
      %dma_wait3A_1275 = tpu.memref_slice %arg5[%dma_wait3A_1273, %dma_wait3A_1274] : memref<32x1000000xf32, #tpu.memory_space<hbm>> -> memref<32x128xf32, #tpu.memory_space<hbm>>
      %dma_wait3A_1276 = tpu.memref_slice %arg17[%dma_wait3A_1268] : memref<8x!tpu.dma_semaphore, #tpu.memory_space<semaphore_mem>> -> memref<1x!tpu.dma_semaphore, #tpu.memory_space<semaphore_mem>>
      %dma_wait3A_1277 = tpu.memref_squeeze %dma_wait3A_1276 : memref<1x!tpu.dma_semaphore, #tpu.memory_space<semaphore_mem>> -> memref<!tpu.dma_semaphore, #tpu.memory_space<semaphore_mem>>
      %dma_wait3A_1278 = arith.constant 0 : i32
      %dma_wait3A_1279 = arith.constant 0 : i32
      %dma_wait3A_1280 = tpu.memref_slice %arg12[%dma_wait3A_1267, %dma_wait3A_1278, %dma_wait3A_1279] : memref<8x32x128xf32, #tpu.memory_space<vmem>> -> memref<1x32x128xf32, #tpu.memory_space<vmem>>
      %dma_wait3A_1281 = tpu.memref_squeeze %dma_wait3A_1280 : memref<1x32x128xf32, #tpu.memory_space<vmem>> -> memref<32x128xf32, #tpu.memory_space<vmem>>
      %dma_wait3A_1282 = arith.constant 0 : i32
      %dma_wait3A_1283 = arith.constant 0 : i32
      %dma_wait3A_1284 = tpu.memref_slice %arg5[%dma_wait3A_1282, %dma_wait3A_1283] : memref<32x1000000xf32, #tpu.memory_space<hbm>> -> memref<32x128xf32, #tpu.memory_space<hbm>>
      tpu.wait_dma2 semaphore(%dma_wait3A_1277 : memref<!tpu.dma_semaphore, #tpu.memory_space<semaphore_mem>>) src(%dma_wait3A_1284 : memref<32x128xf32, #tpu.memory_space<hbm>>) dst(%dma_wait3A_1281 : memref<32x128xf32, #tpu.memory_space<vmem>>)
      %dma_wait3A_1285 = arith.constant 3 : i32
      %dma_wait3A_1286 = arith.constant 3 : i32
      %dma_wait3A_1287 = arith.constant 0 : i32
      %dma_wait3A_1288 = arith.constant 0 : i32
      %dma_wait3A_1289 = tpu.memref_slice %arg13[%dma_wait3A_1285, %dma_wait3A_1287, %dma_wait3A_1288] : memref<8x32x128xf32, #tpu.memory_space<vmem>> -> memref<1x32x128xf32, #tpu.memory_space<vmem>>
      %dma_wait3A_1290 = tpu.memref_squeeze %dma_wait3A_1289 : memref<1x32x128xf32, #tpu.memory_space<vmem>> -> memref<32x128xf32, #tpu.memory_space<vmem>>
      %dma_wait3A_1291 = arith.constant 0 : i32
      %dma_wait3A_1292 = arith.constant 0 : i32
      %dma_wait3A_1293 = tpu.memref_slice %arg5[%dma_wait3A_1291, %dma_wait3A_1292] : memref<32x1000000xf32, #tpu.memory_space<hbm>> -> memref<32x128xf32, #tpu.memory_space<hbm>>
      %dma_wait3A_1294 = tpu.memref_slice %arg17[%dma_wait3A_1286] : memref<8x!tpu.dma_semaphore, #tpu.memory_space<semaphore_mem>> -> memref<1x!tpu.dma_semaphore, #tpu.memory_space<semaphore_mem>>
      %dma_wait3A_1295 = tpu.memref_squeeze %dma_wait3A_1294 : memref<1x!tpu.dma_semaphore, #tpu.memory_space<semaphore_mem>> -> memref<!tpu.dma_semaphore, #tpu.memory_space<semaphore_mem>>
      %dma_wait3A_1296 = arith.constant 0 : i32
      %dma_wait3A_1297 = arith.constant 0 : i32
      %dma_wait3A_1298 = tpu.memref_slice %arg13[%dma_wait3A_1285, %dma_wait3A_1296, %dma_wait3A_1297] : memref<8x32x128xf32, #tpu.memory_space<vmem>> -> memref<1x32x128xf32, #tpu.memory_space<vmem>>
      %dma_wait3A_1299 = tpu.memref_squeeze %dma_wait3A_1298 : memref<1x32x128xf32, #tpu.memory_space<vmem>> -> memref<32x128xf32, #tpu.memory_space<vmem>>
      %dma_wait3A_1300 = arith.constant 0 : i32
      %dma_wait3A_1301 = arith.constant 0 : i32
      %dma_wait3A_1302 = tpu.memref_slice %arg5[%dma_wait3A_1300, %dma_wait3A_1301] : memref<32x1000000xf32, #tpu.memory_space<hbm>> -> memref<32x128xf32, #tpu.memory_space<hbm>>
      tpu.wait_dma2 semaphore(%dma_wait3A_1295 : memref<!tpu.dma_semaphore, #tpu.memory_space<semaphore_mem>>) src(%dma_wait3A_1302 : memref<32x128xf32, #tpu.memory_space<hbm>>) dst(%dma_wait3A_1299 : memref<32x128xf32, #tpu.memory_space<vmem>>)
      %dma_wait3A_1303 = arith.constant 3 : i32
      %dma_wait3A_1304 = arith.constant 3 : i32
      %dma_wait3A_1305 = arith.constant 0 : i32
      %dma_wait3A_1306 = arith.constant 0 : i32
      %dma_wait3A_1307 = tpu.memref_slice %arg14[%dma_wait3A_1303, %dma_wait3A_1305, %dma_wait3A_1306] : memref<8x32x128xf32, #tpu.memory_space<vmem>> -> memref<1x32x128xf32, #tpu.memory_space<vmem>>
      %dma_wait3A_1308 = tpu.memref_squeeze %dma_wait3A_1307 : memref<1x32x128xf32, #tpu.memory_space<vmem>> -> memref<32x128xf32, #tpu.memory_space<vmem>>
      %dma_wait3A_1309 = arith.constant 0 : i32
      %dma_wait3A_1310 = arith.constant 0 : i32
      %dma_wait3A_1311 = tpu.memref_slice %arg5[%dma_wait3A_1309, %dma_wait3A_1310] : memref<32x1000000xf32, #tpu.memory_space<hbm>> -> memref<32x128xf32, #tpu.memory_space<hbm>>
      %dma_wait3A_1312 = tpu.memref_slice %arg17[%dma_wait3A_1304] : memref<8x!tpu.dma_semaphore, #tpu.memory_space<semaphore_mem>> -> memref<1x!tpu.dma_semaphore, #tpu.memory_space<semaphore_mem>>
      %dma_wait3A_1313 = tpu.memref_squeeze %dma_wait3A_1312 : memref<1x!tpu.dma_semaphore, #tpu.memory_space<semaphore_mem>> -> memref<!tpu.dma_semaphore, #tpu.memory_space<semaphore_mem>>
      %dma_wait3A_1314 = arith.constant 0 : i32
      %dma_wait3A_1315 = arith.constant 0 : i32
      %dma_wait3A_1316 = tpu.memref_slice %arg14[%dma_wait3A_1303, %dma_wait3A_1314, %dma_wait3A_1315] : memref<8x32x128xf32, #tpu.memory_space<vmem>> -> memref<1x32x128xf32, #tpu.memory_space<vmem>>
      %dma_wait3A_1317 = tpu.memref_squeeze %dma_wait3A_1316 : memref<1x32x128xf32, #tpu.memory_space<vmem>> -> memref<32x128xf32, #tpu.memory_space<vmem>>
      %dma_wait3A_1318 = arith.constant 0 : i32
      %dma_wait3A_1319 = arith.constant 0 : i32
      %dma_wait3A_1320 = tpu.memref_slice %arg5[%dma_wait3A_1318, %dma_wait3A_1319] : memref<32x1000000xf32, #tpu.memory_space<hbm>> -> memref<32x128xf32, #tpu.memory_space<hbm>>
      tpu.wait_dma2 semaphore(%dma_wait3A_1313 : memref<!tpu.dma_semaphore, #tpu.memory_space<semaphore_mem>>) src(%dma_wait3A_1320 : memref<32x128xf32, #tpu.memory_space<hbm>>) dst(%dma_wait3A_1317 : memref<32x128xf32, #tpu.memory_space<vmem>>)
      %shift_right_logical3A_1321 = arith.constant 4 : i32
      %shift_right_logical3A_1322 = arith.shrui %add3A_1266, %shift_right_logical3A_1321 : i32
      %shift_left3A_1323 = arith.constant 4 : i32
      %shift_left3A_1324 = arith.shli %shift_right_logical3A_1322, %shift_left3A_1323 : i32
      %multiple_of3A_1325 = tpu.assume_multiple %shift_left3A_1324, 16 : i32
      %and3A_1326 = arith.constant 15 : i32
      %and3A_1327 = arith.andi %add3A_1266, %and3A_1326 : i32
      %eq3A_1328 = vector.broadcast %and3A_1327 : i32 to vector<16xi32>
      %eq3A_1329 = arith.cmpi eq, %iota3A, %eq3A_1328 : vector<16xi32>
      %broadcast_in_dim3A_1330 = arith.constant 0 : i32
      %broadcast_in_dim3A_1331 = vector.broadcast %broadcast_in_dim3A_1330 : i32 to vector<16xi32>
      %get3A_1332 = arith.index_cast %multiple_of3A_1325 : i32 to index
      %get3A_1333 = tpu.vector_load %arg9[%get3A_1332] {strides = array<i32>} : memref<512xi32, #tpu.memory_space<vmem>>, vector<16xi32>,
      %select_n3A_1334 = arith.select %eq3A_1329, %get3A_1333, %broadcast_in_dim3A_1331 : vector<16xi1>, vector<16xi32>
      %reduce_sum3A_1335 = arith.constant true
      %reduce_sum3A_1336 = vector.broadcast %reduce_sum3A_1335 : i1 to vector<16xi1>
      %reduce_sum3A_1337 = tpu.scan <sum>, %select_n3A_1334 masked %reduce_sum3A_1336 : vector<16xi32>, vector<16xi1> -> vector<16xi32>
      %reduce_sum3A_1338 = vector.extract %reduce_sum3A_1337[15] : i32 from vector<16xi32>
      %get3A_1339 = arith.index_cast %multiple_of3A_1325 : i32 to index
      %get3A_1340 = tpu.vector_load %arg10[%get3A_1339] {strides = array<i32>} : memref<512xi32, #tpu.memory_space<vmem>>, vector<16xi32>,
      %select_n3A_1341 = arith.select %eq3A_1329, %get3A_1340, %broadcast_in_dim3A_1331 : vector<16xi1>, vector<16xi32>
      %reduce_sum3A_1342 = arith.constant true
      %reduce_sum3A_1343 = vector.broadcast %reduce_sum3A_1342 : i1 to vector<16xi1>
      %reduce_sum3A_1344 = tpu.scan <sum>, %select_n3A_1341 masked %reduce_sum3A_1343 : vector<16xi32>, vector<16xi1> -> vector<16xi32>
      %reduce_sum3A_1345 = vector.extract %reduce_sum3A_1344[15] : i32 from vector<16xi32>
      %get3A_1346 = arith.index_cast %multiple_of3A_1325 : i32 to index
      %get3A_1347 = tpu.vector_load %arg11[%get3A_1346] {strides = array<i32>} : memref<512xi32, #tpu.memory_space<vmem>>, vector<16xi32>,
      %select_n3A_1348 = arith.select %eq3A_1329, %get3A_1347, %broadcast_in_dim3A_1331 : vector<16xi1>, vector<16xi32>
      %reduce_sum3A_1349 = arith.constant true
      %reduce_sum3A_1350 = vector.broadcast %reduce_sum3A_1349 : i1 to vector<16xi1>
      %reduce_sum3A_1351 = tpu.scan <sum>, %select_n3A_1348 masked %reduce_sum3A_1350 : vector<16xi32>, vector<16xi1> -> vector<16xi32>
      %reduce_sum3A_1352 = vector.extract %reduce_sum3A_1351[15] : i32 from vector<16xi32>
      %and3A_1353 = arith.constant 127 : i32
      %and3A_1354 = arith.andi %reduce_sum3A_1338, %and3A_1353 : i32
      %broadcast_in_dim3A_1355 = vector.broadcast %and3A_1354 : i32 to vector<16xi32>
      %and3A_1356 = arith.constant 127 : i32
      %and3A_1357 = arith.andi %reduce_sum3A_1345, %and3A_1356 : i32
      %broadcast_in_dim3A_1358 = vector.broadcast %and3A_1357 : i32 to vector<16xi32>
      %and3A_1359 = arith.constant 127 : i32
      %and3A_1360 = arith.andi %reduce_sum3A_1352, %and3A_1359 : i32
      %broadcast_in_dim3A_1361 = vector.broadcast %and3A_1360 : i32 to vector<16xi32>
      %gather3A_1362 = arith.constant 3 : i32
      %gather3A_1363 = arith.constant 0 : i32
      %gather3A_1364 = arith.constant 0 : i32
      %gather3A_1365 = tpu.memref_slice %arg12[%gather3A_1362, %gather3A_1363, %gather3A_1364] : memref<8x32x128xf32, #tpu.memory_space<vmem>> -> memref<1x32x128xf32, #tpu.memory_space<vmem>>
      %gather3A_1366 = tpu.memref_squeeze %gather3A_1365 : memref<1x32x128xf32, #tpu.memory_space<vmem>> -> memref<32x128xf32, #tpu.memory_space<vmem>>
      %gather3A_1367 = tpu.vector_load_idx %gather3A_1366[%iota3A, %broadcast_in_dim3A_1355] : memref<32x128xf32, #tpu.memory_space<vmem>>[vector<16xi32>, vector<16xi32>], vector<16xf32>,
      %gather3A_1368 = arith.constant 3 : i32
      %gather3A_1369 = arith.constant 0 : i32
      %gather3A_1370 = arith.constant 0 : i32
      %gather3A_1371 = tpu.memref_slice %arg12[%gather3A_1368, %gather3A_1369, %gather3A_1370] : memref<8x32x128xf32, #tpu.memory_space<vmem>> -> memref<1x32x128xf32, #tpu.memory_space<vmem>>
      %gather3A_1372 = tpu.memref_squeeze %gather3A_1371 : memref<1x32x128xf32, #tpu.memory_space<vmem>> -> memref<32x128xf32, #tpu.memory_space<vmem>>
      %gather3A_1373 = tpu.vector_load_idx %gather3A_1372[%add3A_5, %broadcast_in_dim3A_1355] : memref<32x128xf32, #tpu.memory_space<vmem>>[vector<16xi32>, vector<16xi32>], vector<16xf32>,
      %gather3A_1374 = arith.constant 3 : i32
      %gather3A_1375 = arith.constant 0 : i32
      %gather3A_1376 = arith.constant 0 : i32
      %gather3A_1377 = tpu.memref_slice %arg13[%gather3A_1374, %gather3A_1375, %gather3A_1376] : memref<8x32x128xf32, #tpu.memory_space<vmem>> -> memref<1x32x128xf32, #tpu.memory_space<vmem>>
      %gather3A_1378 = tpu.memref_squeeze %gather3A_1377 : memref<1x32x128xf32, #tpu.memory_space<vmem>> -> memref<32x128xf32, #tpu.memory_space<vmem>>
      %gather3A_1379 = tpu.vector_load_idx %gather3A_1378[%iota3A, %broadcast_in_dim3A_1358] : memref<32x128xf32, #tpu.memory_space<vmem>>[vector<16xi32>, vector<16xi32>], vector<16xf32>,
      %gather3A_1380 = arith.constant 3 : i32
      %gather3A_1381 = arith.constant 0 : i32
      %gather3A_1382 = arith.constant 0 : i32
      %gather3A_1383 = tpu.memref_slice %arg13[%gather3A_1380, %gather3A_1381, %gather3A_1382] : memref<8x32x128xf32, #tpu.memory_space<vmem>> -> memref<1x32x128xf32, #tpu.memory_space<vmem>>
      %gather3A_1384 = tpu.memref_squeeze %gather3A_1383 : memref<1x32x128xf32, #tpu.memory_space<vmem>> -> memref<32x128xf32, #tpu.memory_space<vmem>>
      %gather3A_1385 = tpu.vector_load_idx %gather3A_1384[%add3A_5, %broadcast_in_dim3A_1358] : memref<32x128xf32, #tpu.memory_space<vmem>>[vector<16xi32>, vector<16xi32>], vector<16xf32>,
      %gather3A_1386 = arith.constant 3 : i32
      %gather3A_1387 = arith.constant 0 : i32
      %gather3A_1388 = arith.constant 0 : i32
      %gather3A_1389 = tpu.memref_slice %arg14[%gather3A_1386, %gather3A_1387, %gather3A_1388] : memref<8x32x128xf32, #tpu.memory_space<vmem>> -> memref<1x32x128xf32, #tpu.memory_space<vmem>>
      %gather3A_1390 = tpu.memref_squeeze %gather3A_1389 : memref<1x32x128xf32, #tpu.memory_space<vmem>> -> memref<32x128xf32, #tpu.memory_space<vmem>>
      %gather3A_1391 = tpu.vector_load_idx %gather3A_1390[%iota3A, %broadcast_in_dim3A_1361] : memref<32x128xf32, #tpu.memory_space<vmem>>[vector<16xi32>, vector<16xi32>], vector<16xf32>,
      %gather3A_1392 = arith.constant 3 : i32
      %gather3A_1393 = arith.constant 0 : i32
      %gather3A_1394 = arith.constant 0 : i32
      %gather3A_1395 = tpu.memref_slice %arg14[%gather3A_1392, %gather3A_1393, %gather3A_1394] : memref<8x32x128xf32, #tpu.memory_space<vmem>> -> memref<1x32x128xf32, #tpu.memory_space<vmem>>
      %gather3A_1396 = tpu.memref_squeeze %gather3A_1395 : memref<1x32x128xf32, #tpu.memory_space<vmem>> -> memref<32x128xf32, #tpu.memory_space<vmem>>
      %gather3A_1397 = tpu.vector_load_idx %gather3A_1396[%add3A_5, %broadcast_in_dim3A_1361] : memref<32x128xf32, #tpu.memory_space<vmem>>[vector<16xi32>, vector<16xi32>], vector<16xf32>,
      %mul3A_1398 = arith.mulf %gather3A_1367, %gather3A_1379 : vector<16xf32>
      %mul3A_1399 = arith.mulf %gather3A_1373, %gather3A_1385 : vector<16xf32>
      %add3A_1400 = arith.addf %mul3A_1398, %mul3A_1399 : vector<16xf32>
      %reduce_sum3A_1401 = arith.constant true
      %reduce_sum3A_1402 = vector.broadcast %reduce_sum3A_1401 : i1 to vector<16xi1>
      %reduce_sum3A_1403 = tpu.scan <sum>, %add3A_1400 masked %reduce_sum3A_1402 : vector<16xf32>, vector<16xi1> -> vector<16xf32>
      %reduce_sum3A_1404 = vector.extract %reduce_sum3A_1403[15] : f32 from vector<16xf32>
      %mul3A_1405 = arith.mulf %gather3A_1367, %gather3A_1391 : vector<16xf32>
      %mul3A_1406 = arith.mulf %gather3A_1373, %gather3A_1397 : vector<16xf32>
      %add3A_1407 = arith.addf %mul3A_1405, %mul3A_1406 : vector<16xf32>
      %reduce_sum3A_1408 = arith.constant true
      %reduce_sum3A_1409 = vector.broadcast %reduce_sum3A_1408 : i1 to vector<16xi1>
      %reduce_sum3A_1410 = tpu.scan <sum>, %add3A_1407 masked %reduce_sum3A_1409 : vector<16xf32>, vector<16xi1> -> vector<16xf32>
      %reduce_sum3A_1411 = vector.extract %reduce_sum3A_1410[15] : f32 from vector<16xf32>
      %and3A_1412 = arith.constant 15 : i32
      %and3A_1413 = arith.andi %add3A_1266, %and3A_1412 : i32
      %eq3A_1414 = vector.broadcast %and3A_1413 : i32 to vector<16xi32>
      %eq3A_1415 = arith.cmpi eq, %iota3A, %eq3A_1414 : vector<16xi32>
      %broadcast_in_dim3A_1416 = vector.broadcast %reduce_sum3A_1404 : f32 to vector<16xf32>
      %select_n3A_1417 = arith.select %eq3A_1415, %broadcast_in_dim3A_1416, %select_n3A_1255 : vector<16xi1>, vector<16xf32>
      %broadcast_in_dim3A_1418 = vector.broadcast %reduce_sum3A_1411 : f32 to vector<16xf32>
      %select_n3A_1419 = arith.select %eq3A_1415, %broadcast_in_dim3A_1418, %select_n3A_1257 : vector<16xi1>, vector<16xf32>
      %lt3A_1420 = arith.constant 63 : i32
      %lt3A_1421 = arith.cmpi slt, %scan3A_779, %lt3A_1420 : i32
      %convert_element_type3A_1422 = arith.extui %lt3A_1421 : i1 to i32
      %cond3A_1423 = arith.constant 0 : i32
      %cond3A_1424 = arith.cmpi ne, %convert_element_type3A_1422, %cond3A_1423 : i32
      scf.if %cond3A_1424 {
        %add3A_2086 = arith.constant 8 : i32
        %add3A_2087 = arith.addi %add3A_1266, %add3A_2086 : i32
        %shift_right_logical3A_2088 = arith.constant 4 : i32
        %shift_right_logical3A_2089 = arith.shrui %add3A_2087, %shift_right_logical3A_2088 : i32
        %shift_left3A_2090 = arith.constant 4 : i32
        %shift_left3A_2091 = arith.shli %shift_right_logical3A_2089, %shift_left3A_2090 : i32
        %multiple_of3A_2092 = tpu.assume_multiple %shift_left3A_2091, 16 : i32
        %and3A_2093 = arith.constant 15 : i32
        %and3A_2094 = arith.andi %add3A_2087, %and3A_2093 : i32
        %eq3A_2095 = vector.broadcast %and3A_2094 : i32 to vector<16xi32>
        %eq3A_2096 = arith.cmpi eq, %iota3A, %eq3A_2095 : vector<16xi32>
        %broadcast_in_dim3A_2097 = arith.constant 0 : i32
        %broadcast_in_dim3A_2098 = vector.broadcast %broadcast_in_dim3A_2097 : i32 to vector<16xi32>
        %get3A_2099 = arith.index_cast %multiple_of3A_2092 : i32 to index
        %get3A_2100 = tpu.vector_load %arg9[%get3A_2099] {strides = array<i32>} : memref<512xi32, #tpu.memory_space<vmem>>, vector<16xi32>,
        %select_n3A_2101 = arith.select %eq3A_2096, %get3A_2100, %broadcast_in_dim3A_2098 : vector<16xi1>, vector<16xi32>
        %reduce_sum3A_2102 = arith.constant true
        %reduce_sum3A_2103 = vector.broadcast %reduce_sum3A_2102 : i1 to vector<16xi1>
        %reduce_sum3A_2104 = tpu.scan <sum>, %select_n3A_2101 masked %reduce_sum3A_2103 : vector<16xi32>, vector<16xi1> -> vector<16xi32>
        %reduce_sum3A_2105 = vector.extract %reduce_sum3A_2104[15] : i32 from vector<16xi32>
        %get3A_2106 = arith.index_cast %multiple_of3A_2092 : i32 to index
        %get3A_2107 = tpu.vector_load %arg10[%get3A_2106] {strides = array<i32>} : memref<512xi32, #tpu.memory_space<vmem>>, vector<16xi32>,
        %select_n3A_2108 = arith.select %eq3A_2096, %get3A_2107, %broadcast_in_dim3A_2098 : vector<16xi1>, vector<16xi32>
        %reduce_sum3A_2109 = arith.constant true
        %reduce_sum3A_2110 = vector.broadcast %reduce_sum3A_2109 : i1 to vector<16xi1>
        %reduce_sum3A_2111 = tpu.scan <sum>, %select_n3A_2108 masked %reduce_sum3A_2110 : vector<16xi32>, vector<16xi1> -> vector<16xi32>
        %reduce_sum3A_2112 = vector.extract %reduce_sum3A_2111[15] : i32 from vector<16xi32>
        %get3A_2113 = arith.index_cast %multiple_of3A_2092 : i32 to index
        %get3A_2114 = tpu.vector_load %arg11[%get3A_2113] {strides = array<i32>} : memref<512xi32, #tpu.memory_space<vmem>>, vector<16xi32>,
        %select_n3A_2115 = arith.select %eq3A_2096, %get3A_2114, %broadcast_in_dim3A_2098 : vector<16xi1>, vector<16xi32>
        %reduce_sum3A_2116 = arith.constant true
        %reduce_sum3A_2117 = vector.broadcast %reduce_sum3A_2116 : i1 to vector<16xi1>
        %reduce_sum3A_2118 = tpu.scan <sum>, %select_n3A_2115 masked %reduce_sum3A_2117 : vector<16xi32>, vector<16xi1> -> vector<16xi32>
        %reduce_sum3A_2119 = vector.extract %reduce_sum3A_2118[15] : i32 from vector<16xi32>
        %shift_right_logical3A_2120 = arith.constant 7 : i32
        %shift_right_logical3A_2121 = arith.shrui %reduce_sum3A_2105, %shift_right_logical3A_2120 : i32
        %shift_left3A_2122 = arith.constant 7 : i32
        %shift_left3A_2123 = arith.shli %shift_right_logical3A_2121, %shift_left3A_2122 : i32
        %multiple_of3A_2124 = tpu.assume_multiple %shift_left3A_2123, 128 : i32
        %shift_right_logical3A_2125 = arith.constant 7 : i32
        %shift_right_logical3A_2126 = arith.shrui %reduce_sum3A_2112, %shift_right_logical3A_2125 : i32
        %shift_left3A_2127 = arith.constant 7 : i32
        %shift_left3A_2128 = arith.shli %shift_right_logical3A_2126, %shift_left3A_2127 : i32
        %multiple_of3A_2129 = tpu.assume_multiple %shift_left3A_2128, 128 : i32
        %shift_right_logical3A_2130 = arith.constant 7 : i32
        %shift_right_logical3A_2131 = arith.shrui %reduce_sum3A_2119, %shift_right_logical3A_2130 : i32
        %shift_left3A_2132 = arith.constant 7 : i32
        %shift_left3A_2133 = arith.shli %shift_right_logical3A_2131, %shift_left3A_2132 : i32
        %multiple_of3A_2134 = tpu.assume_multiple %shift_left3A_2133, 128 : i32
        %dma_start3A_2135 = arith.constant 3 : i32
        %dma_start3A_2136 = arith.constant 3 : i32
        %dma_start3A_2137 = arith.constant 0 : i32
        %dma_start3A_2138 = arith.constant 0 : i32
        %dma_start3A_2139 = tpu.memref_slice %arg12[%dma_start3A_2135, %dma_start3A_2137, %dma_start3A_2138] : memref<8x32x128xf32, #tpu.memory_space<vmem>> -> memref<1x32x128xf32, #tpu.memory_space<vmem>>
        %dma_start3A_2140 = tpu.memref_squeeze %dma_start3A_2139 : memref<1x32x128xf32, #tpu.memory_space<vmem>> -> memref<32x128xf32, #tpu.memory_space<vmem>>
        %dma_start3A_2141 = arith.constant 0 : i32
        %dma_start3A_2142 = tpu.memref_slice %arg5[%dma_start3A_2141, %multiple_of3A_2124] : memref<32x1000000xf32, #tpu.memory_space<hbm>> -> memref<32x128xf32, #tpu.memory_space<hbm>>
        %dma_start3A_2143 = tpu.memref_slice %arg17[%dma_start3A_2136] : memref<8x!tpu.dma_semaphore, #tpu.memory_space<semaphore_mem>> -> memref<1x!tpu.dma_semaphore, #tpu.memory_space<semaphore_mem>>
        %dma_start3A_2144 = tpu.memref_squeeze %dma_start3A_2143 : memref<1x!tpu.dma_semaphore, #tpu.memory_space<semaphore_mem>> -> memref<!tpu.dma_semaphore, #tpu.memory_space<semaphore_mem>>
        %dma_start3A_2145 = arith.constant 0 : i32
        %dma_start3A_2146 = arith.constant 0 : i32
        %dma_start3A_2147 = tpu.memref_slice %arg12[%dma_start3A_2135, %dma_start3A_2145, %dma_start3A_2146] : memref<8x32x128xf32, #tpu.memory_space<vmem>> -> memref<1x32x128xf32, #tpu.memory_space<vmem>>
        %dma_start3A_2148 = tpu.memref_squeeze %dma_start3A_2147 : memref<1x32x128xf32, #tpu.memory_space<vmem>> -> memref<32x128xf32, #tpu.memory_space<vmem>>
        %dma_start3A_2149 = arith.constant 0 : i32
        %dma_start3A_2150 = tpu.memref_slice %arg5[%dma_start3A_2149, %multiple_of3A_2124] : memref<32x1000000xf32, #tpu.memory_space<hbm>> -> memref<32x128xf32, #tpu.memory_space<hbm>>
        tpu.enqueue_dma source(%dma_start3A_2150 : memref<32x128xf32, #tpu.memory_space<hbm>>) target(%dma_start3A_2148 : memref<32x128xf32, #tpu.memory_space<vmem>>) target_semaphore(%dma_start3A_2144 : memref<!tpu.dma_semaphore, #tpu.memory_space<semaphore_mem>>)
        %dma_start3A_2151 = arith.constant 3 : i32
        %dma_start3A_2152 = arith.constant 3 : i32
        %dma_start3A_2153 = arith.constant 0 : i32
        %dma_start3A_2154 = arith.constant 0 : i32
        %dma_start3A_2155 = tpu.memref_slice %arg13[%dma_start3A_2151, %dma_start3A_2153, %dma_start3A_2154] : memref<8x32x128xf32, #tpu.memory_space<vmem>> -> memref<1x32x128xf32, #tpu.memory_space<vmem>>
        %dma_start3A_2156 = tpu.memref_squeeze %dma_start3A_2155 : memref<1x32x128xf32, #tpu.memory_space<vmem>> -> memref<32x128xf32, #tpu.memory_space<vmem>>
        %dma_start3A_2157 = arith.constant 0 : i32
        %dma_start3A_2158 = tpu.memref_slice %arg6[%dma_start3A_2157, %multiple_of3A_2129] : memref<32x1000000xf32, #tpu.memory_space<hbm>> -> memref<32x128xf32, #tpu.memory_space<hbm>>
        %dma_start3A_2159 = tpu.memref_slice %arg17[%dma_start3A_2152] : memref<8x!tpu.dma_semaphore, #tpu.memory_space<semaphore_mem>> -> memref<1x!tpu.dma_semaphore, #tpu.memory_space<semaphore_mem>>
        %dma_start3A_2160 = tpu.memref_squeeze %dma_start3A_2159 : memref<1x!tpu.dma_semaphore, #tpu.memory_space<semaphore_mem>> -> memref<!tpu.dma_semaphore, #tpu.memory_space<semaphore_mem>>
        %dma_start3A_2161 = arith.constant 0 : i32
        %dma_start3A_2162 = arith.constant 0 : i32
        %dma_start3A_2163 = tpu.memref_slice %arg13[%dma_start3A_2151, %dma_start3A_2161, %dma_start3A_2162] : memref<8x32x128xf32, #tpu.memory_space<vmem>> -> memref<1x32x128xf32, #tpu.memory_space<vmem>>
        %dma_start3A_2164 = tpu.memref_squeeze %dma_start3A_2163 : memref<1x32x128xf32, #tpu.memory_space<vmem>> -> memref<32x128xf32, #tpu.memory_space<vmem>>
        %dma_start3A_2165 = arith.constant 0 : i32
        %dma_start3A_2166 = tpu.memref_slice %arg6[%dma_start3A_2165, %multiple_of3A_2129] : memref<32x1000000xf32, #tpu.memory_space<hbm>> -> memref<32x128xf32, #tpu.memory_space<hbm>>
        tpu.enqueue_dma source(%dma_start3A_2166 : memref<32x128xf32, #tpu.memory_space<hbm>>) target(%dma_start3A_2164 : memref<32x128xf32, #tpu.memory_space<vmem>>) target_semaphore(%dma_start3A_2160 : memref<!tpu.dma_semaphore, #tpu.memory_space<semaphore_mem>>)
        %dma_start3A_2167 = arith.constant 3 : i32
        %dma_start3A_2168 = arith.constant 3 : i32
        %dma_start3A_2169 = arith.constant 0 : i32
        %dma_start3A_2170 = arith.constant 0 : i32
        %dma_start3A_2171 = tpu.memref_slice %arg14[%dma_start3A_2167, %dma_start3A_2169, %dma_start3A_2170] : memref<8x32x128xf32, #tpu.memory_space<vmem>> -> memref<1x32x128xf32, #tpu.memory_space<vmem>>
        %dma_start3A_2172 = tpu.memref_squeeze %dma_start3A_2171 : memref<1x32x128xf32, #tpu.memory_space<vmem>> -> memref<32x128xf32, #tpu.memory_space<vmem>>
        %dma_start3A_2173 = arith.constant 0 : i32
        %dma_start3A_2174 = tpu.memref_slice %arg6[%dma_start3A_2173, %multiple_of3A_2134] : memref<32x1000000xf32, #tpu.memory_space<hbm>> -> memref<32x128xf32, #tpu.memory_space<hbm>>
        %dma_start3A_2175 = tpu.memref_slice %arg17[%dma_start3A_2168] : memref<8x!tpu.dma_semaphore, #tpu.memory_space<semaphore_mem>> -> memref<1x!tpu.dma_semaphore, #tpu.memory_space<semaphore_mem>>
        %dma_start3A_2176 = tpu.memref_squeeze %dma_start3A_2175 : memref<1x!tpu.dma_semaphore, #tpu.memory_space<semaphore_mem>> -> memref<!tpu.dma_semaphore, #tpu.memory_space<semaphore_mem>>
        %dma_start3A_2177 = arith.constant 0 : i32
        %dma_start3A_2178 = arith.constant 0 : i32
        %dma_start3A_2179 = tpu.memref_slice %arg14[%dma_start3A_2167, %dma_start3A_2177, %dma_start3A_2178] : memref<8x32x128xf32, #tpu.memory_space<vmem>> -> memref<1x32x128xf32, #tpu.memory_space<vmem>>
        %dma_start3A_2180 = tpu.memref_squeeze %dma_start3A_2179 : memref<1x32x128xf32, #tpu.memory_space<vmem>> -> memref<32x128xf32, #tpu.memory_space<vmem>>
        %dma_start3A_2181 = arith.constant 0 : i32
        %dma_start3A_2182 = tpu.memref_slice %arg6[%dma_start3A_2181, %multiple_of3A_2134] : memref<32x1000000xf32, #tpu.memory_space<hbm>> -> memref<32x128xf32, #tpu.memory_space<hbm>>
        tpu.enqueue_dma source(%dma_start3A_2182 : memref<32x128xf32, #tpu.memory_space<hbm>>) target(%dma_start3A_2180 : memref<32x128xf32, #tpu.memory_space<vmem>>) target_semaphore(%dma_start3A_2176 : memref<!tpu.dma_semaphore, #tpu.memory_space<semaphore_mem>>)
      } else {
      }
      %mul3A_1425 = arith.constant 8 : i32
      %mul3A_1426 = arith.muli %scan3A_779, %mul3A_1425 : i32
      %add3A_1427 = arith.constant 4 : i32
      %add3A_1428 = arith.addi %mul3A_1426, %add3A_1427 : i32
      %dma_wait3A_1429 = arith.constant 4 : i32
      %dma_wait3A_1430 = arith.constant 4 : i32
      %dma_wait3A_1431 = arith.constant 0 : i32
      %dma_wait3A_1432 = arith.constant 0 : i32
      %dma_wait3A_1433 = tpu.memref_slice %arg12[%dma_wait3A_1429, %dma_wait3A_1431, %dma_wait3A_1432] : memref<8x32x128xf32, #tpu.memory_space<vmem>> -> memref<1x32x128xf32, #tpu.memory_space<vmem>>
      %dma_wait3A_1434 = tpu.memref_squeeze %dma_wait3A_1433 : memref<1x32x128xf32, #tpu.memory_space<vmem>> -> memref<32x128xf32, #tpu.memory_space<vmem>>
      %dma_wait3A_1435 = arith.constant 0 : i32
      %dma_wait3A_1436 = arith.constant 0 : i32
      %dma_wait3A_1437 = tpu.memref_slice %arg5[%dma_wait3A_1435, %dma_wait3A_1436] : memref<32x1000000xf32, #tpu.memory_space<hbm>> -> memref<32x128xf32, #tpu.memory_space<hbm>>
      %dma_wait3A_1438 = tpu.memref_slice %arg17[%dma_wait3A_1430] : memref<8x!tpu.dma_semaphore, #tpu.memory_space<semaphore_mem>> -> memref<1x!tpu.dma_semaphore, #tpu.memory_space<semaphore_mem>>
      %dma_wait3A_1439 = tpu.memref_squeeze %dma_wait3A_1438 : memref<1x!tpu.dma_semaphore, #tpu.memory_space<semaphore_mem>> -> memref<!tpu.dma_semaphore, #tpu.memory_space<semaphore_mem>>
      %dma_wait3A_1440 = arith.constant 0 : i32
      %dma_wait3A_1441 = arith.constant 0 : i32
      %dma_wait3A_1442 = tpu.memref_slice %arg12[%dma_wait3A_1429, %dma_wait3A_1440, %dma_wait3A_1441] : memref<8x32x128xf32, #tpu.memory_space<vmem>> -> memref<1x32x128xf32, #tpu.memory_space<vmem>>
      %dma_wait3A_1443 = tpu.memref_squeeze %dma_wait3A_1442 : memref<1x32x128xf32, #tpu.memory_space<vmem>> -> memref<32x128xf32, #tpu.memory_space<vmem>>
      %dma_wait3A_1444 = arith.constant 0 : i32
      %dma_wait3A_1445 = arith.constant 0 : i32
      %dma_wait3A_1446 = tpu.memref_slice %arg5[%dma_wait3A_1444, %dma_wait3A_1445] : memref<32x1000000xf32, #tpu.memory_space<hbm>> -> memref<32x128xf32, #tpu.memory_space<hbm>>
      tpu.wait_dma2 semaphore(%dma_wait3A_1439 : memref<!tpu.dma_semaphore, #tpu.memory_space<semaphore_mem>>) src(%dma_wait3A_1446 : memref<32x128xf32, #tpu.memory_space<hbm>>) dst(%dma_wait3A_1443 : memref<32x128xf32, #tpu.memory_space<vmem>>)
      %dma_wait3A_1447 = arith.constant 4 : i32
      %dma_wait3A_1448 = arith.constant 4 : i32
      %dma_wait3A_1449 = arith.constant 0 : i32
      %dma_wait3A_1450 = arith.constant 0 : i32
      %dma_wait3A_1451 = tpu.memref_slice %arg13[%dma_wait3A_1447, %dma_wait3A_1449, %dma_wait3A_1450] : memref<8x32x128xf32, #tpu.memory_space<vmem>> -> memref<1x32x128xf32, #tpu.memory_space<vmem>>
      %dma_wait3A_1452 = tpu.memref_squeeze %dma_wait3A_1451 : memref<1x32x128xf32, #tpu.memory_space<vmem>> -> memref<32x128xf32, #tpu.memory_space<vmem>>
      %dma_wait3A_1453 = arith.constant 0 : i32
      %dma_wait3A_1454 = arith.constant 0 : i32
      %dma_wait3A_1455 = tpu.memref_slice %arg5[%dma_wait3A_1453, %dma_wait3A_1454] : memref<32x1000000xf32, #tpu.memory_space<hbm>> -> memref<32x128xf32, #tpu.memory_space<hbm>>
      %dma_wait3A_1456 = tpu.memref_slice %arg17[%dma_wait3A_1448] : memref<8x!tpu.dma_semaphore, #tpu.memory_space<semaphore_mem>> -> memref<1x!tpu.dma_semaphore, #tpu.memory_space<semaphore_mem>>
      %dma_wait3A_1457 = tpu.memref_squeeze %dma_wait3A_1456 : memref<1x!tpu.dma_semaphore, #tpu.memory_space<semaphore_mem>> -> memref<!tpu.dma_semaphore, #tpu.memory_space<semaphore_mem>>
      %dma_wait3A_1458 = arith.constant 0 : i32
      %dma_wait3A_1459 = arith.constant 0 : i32
      %dma_wait3A_1460 = tpu.memref_slice %arg13[%dma_wait3A_1447, %dma_wait3A_1458, %dma_wait3A_1459] : memref<8x32x128xf32, #tpu.memory_space<vmem>> -> memref<1x32x128xf32, #tpu.memory_space<vmem>>
      %dma_wait3A_1461 = tpu.memref_squeeze %dma_wait3A_1460 : memref<1x32x128xf32, #tpu.memory_space<vmem>> -> memref<32x128xf32, #tpu.memory_space<vmem>>
      %dma_wait3A_1462 = arith.constant 0 : i32
      %dma_wait3A_1463 = arith.constant 0 : i32
      %dma_wait3A_1464 = tpu.memref_slice %arg5[%dma_wait3A_1462, %dma_wait3A_1463] : memref<32x1000000xf32, #tpu.memory_space<hbm>> -> memref<32x128xf32, #tpu.memory_space<hbm>>
      tpu.wait_dma2 semaphore(%dma_wait3A_1457 : memref<!tpu.dma_semaphore, #tpu.memory_space<semaphore_mem>>) src(%dma_wait3A_1464 : memref<32x128xf32, #tpu.memory_space<hbm>>) dst(%dma_wait3A_1461 : memref<32x128xf32, #tpu.memory_space<vmem>>)
      %dma_wait3A_1465 = arith.constant 4 : i32
      %dma_wait3A_1466 = arith.constant 4 : i32
      %dma_wait3A_1467 = arith.constant 0 : i32
      %dma_wait3A_1468 = arith.constant 0 : i32
      %dma_wait3A_1469 = tpu.memref_slice %arg14[%dma_wait3A_1465, %dma_wait3A_1467, %dma_wait3A_1468] : memref<8x32x128xf32, #tpu.memory_space<vmem>> -> memref<1x32x128xf32, #tpu.memory_space<vmem>>
      %dma_wait3A_1470 = tpu.memref_squeeze %dma_wait3A_1469 : memref<1x32x128xf32, #tpu.memory_space<vmem>> -> memref<32x128xf32, #tpu.memory_space<vmem>>
      %dma_wait3A_1471 = arith.constant 0 : i32
      %dma_wait3A_1472 = arith.constant 0 : i32
      %dma_wait3A_1473 = tpu.memref_slice %arg5[%dma_wait3A_1471, %dma_wait3A_1472] : memref<32x1000000xf32, #tpu.memory_space<hbm>> -> memref<32x128xf32, #tpu.memory_space<hbm>>
      %dma_wait3A_1474 = tpu.memref_slice %arg17[%dma_wait3A_1466] : memref<8x!tpu.dma_semaphore, #tpu.memory_space<semaphore_mem>> -> memref<1x!tpu.dma_semaphore, #tpu.memory_space<semaphore_mem>>
      %dma_wait3A_1475 = tpu.memref_squeeze %dma_wait3A_1474 : memref<1x!tpu.dma_semaphore, #tpu.memory_space<semaphore_mem>> -> memref<!tpu.dma_semaphore, #tpu.memory_space<semaphore_mem>>
      %dma_wait3A_1476 = arith.constant 0 : i32
      %dma_wait3A_1477 = arith.constant 0 : i32
      %dma_wait3A_1478 = tpu.memref_slice %arg14[%dma_wait3A_1465, %dma_wait3A_1476, %dma_wait3A_1477] : memref<8x32x128xf32, #tpu.memory_space<vmem>> -> memref<1x32x128xf32, #tpu.memory_space<vmem>>
      %dma_wait3A_1479 = tpu.memref_squeeze %dma_wait3A_1478 : memref<1x32x128xf32, #tpu.memory_space<vmem>> -> memref<32x128xf32, #tpu.memory_space<vmem>>
      %dma_wait3A_1480 = arith.constant 0 : i32
      %dma_wait3A_1481 = arith.constant 0 : i32
      %dma_wait3A_1482 = tpu.memref_slice %arg5[%dma_wait3A_1480, %dma_wait3A_1481] : memref<32x1000000xf32, #tpu.memory_space<hbm>> -> memref<32x128xf32, #tpu.memory_space<hbm>>
      tpu.wait_dma2 semaphore(%dma_wait3A_1475 : memref<!tpu.dma_semaphore, #tpu.memory_space<semaphore_mem>>) src(%dma_wait3A_1482 : memref<32x128xf32, #tpu.memory_space<hbm>>) dst(%dma_wait3A_1479 : memref<32x128xf32, #tpu.memory_space<vmem>>)
      %shift_right_logical3A_1483 = arith.constant 4 : i32
      %shift_right_logical3A_1484 = arith.shrui %add3A_1428, %shift_right_logical3A_1483 : i32
      %shift_left3A_1485 = arith.constant 4 : i32
      %shift_left3A_1486 = arith.shli %shift_right_logical3A_1484, %shift_left3A_1485 : i32
      %multiple_of3A_1487 = tpu.assume_multiple %shift_left3A_1486, 16 : i32
      %and3A_1488 = arith.constant 15 : i32
      %and3A_1489 = arith.andi %add3A_1428, %and3A_1488 : i32
      %eq3A_1490 = vector.broadcast %and3A_1489 : i32 to vector<16xi32>
      %eq3A_1491 = arith.cmpi eq, %iota3A, %eq3A_1490 : vector<16xi32>
      %broadcast_in_dim3A_1492 = arith.constant 0 : i32
      %broadcast_in_dim3A_1493 = vector.broadcast %broadcast_in_dim3A_1492 : i32 to vector<16xi32>
      %get3A_1494 = arith.index_cast %multiple_of3A_1487 : i32 to index
      %get3A_1495 = tpu.vector_load %arg9[%get3A_1494] {strides = array<i32>} : memref<512xi32, #tpu.memory_space<vmem>>, vector<16xi32>,
      %select_n3A_1496 = arith.select %eq3A_1491, %get3A_1495, %broadcast_in_dim3A_1493 : vector<16xi1>, vector<16xi32>
      %reduce_sum3A_1497 = arith.constant true
      %reduce_sum3A_1498 = vector.broadcast %reduce_sum3A_1497 : i1 to vector<16xi1>
      %reduce_sum3A_1499 = tpu.scan <sum>, %select_n3A_1496 masked %reduce_sum3A_1498 : vector<16xi32>, vector<16xi1> -> vector<16xi32>
      %reduce_sum3A_1500 = vector.extract %reduce_sum3A_1499[15] : i32 from vector<16xi32>
      %get3A_1501 = arith.index_cast %multiple_of3A_1487 : i32 to index
      %get3A_1502 = tpu.vector_load %arg10[%get3A_1501] {strides = array<i32>} : memref<512xi32, #tpu.memory_space<vmem>>, vector<16xi32>,
      %select_n3A_1503 = arith.select %eq3A_1491, %get3A_1502, %broadcast_in_dim3A_1493 : vector<16xi1>, vector<16xi32>
      %reduce_sum3A_1504 = arith.constant true
      %reduce_sum3A_1505 = vector.broadcast %reduce_sum3A_1504 : i1 to vector<16xi1>
      %reduce_sum3A_1506 = tpu.scan <sum>, %select_n3A_1503 masked %reduce_sum3A_1505 : vector<16xi32>, vector<16xi1> -> vector<16xi32>
      %reduce_sum3A_1507 = vector.extract %reduce_sum3A_1506[15] : i32 from vector<16xi32>
      %get3A_1508 = arith.index_cast %multiple_of3A_1487 : i32 to index
      %get3A_1509 = tpu.vector_load %arg11[%get3A_1508] {strides = array<i32>} : memref<512xi32, #tpu.memory_space<vmem>>, vector<16xi32>,
      %select_n3A_1510 = arith.select %eq3A_1491, %get3A_1509, %broadcast_in_dim3A_1493 : vector<16xi1>, vector<16xi32>
      %reduce_sum3A_1511 = arith.constant true
      %reduce_sum3A_1512 = vector.broadcast %reduce_sum3A_1511 : i1 to vector<16xi1>
      %reduce_sum3A_1513 = tpu.scan <sum>, %select_n3A_1510 masked %reduce_sum3A_1512 : vector<16xi32>, vector<16xi1> -> vector<16xi32>
      %reduce_sum3A_1514 = vector.extract %reduce_sum3A_1513[15] : i32 from vector<16xi32>
      %and3A_1515 = arith.constant 127 : i32
      %and3A_1516 = arith.andi %reduce_sum3A_1500, %and3A_1515 : i32
      %broadcast_in_dim3A_1517 = vector.broadcast %and3A_1516 : i32 to vector<16xi32>
      %and3A_1518 = arith.constant 127 : i32
      %and3A_1519 = arith.andi %reduce_sum3A_1507, %and3A_1518 : i32
      %broadcast_in_dim3A_1520 = vector.broadcast %and3A_1519 : i32 to vector<16xi32>
      %and3A_1521 = arith.constant 127 : i32
      %and3A_1522 = arith.andi %reduce_sum3A_1514, %and3A_1521 : i32
      %broadcast_in_dim3A_1523 = vector.broadcast %and3A_1522 : i32 to vector<16xi32>
      %gather3A_1524 = arith.constant 4 : i32
      %gather3A_1525 = arith.constant 0 : i32
      %gather3A_1526 = arith.constant 0 : i32
      %gather3A_1527 = tpu.memref_slice %arg12[%gather3A_1524, %gather3A_1525, %gather3A_1526] : memref<8x32x128xf32, #tpu.memory_space<vmem>> -> memref<1x32x128xf32, #tpu.memory_space<vmem>>
      %gather3A_1528 = tpu.memref_squeeze %gather3A_1527 : memref<1x32x128xf32, #tpu.memory_space<vmem>> -> memref<32x128xf32, #tpu.memory_space<vmem>>
      %gather3A_1529 = tpu.vector_load_idx %gather3A_1528[%iota3A, %broadcast_in_dim3A_1517] : memref<32x128xf32, #tpu.memory_space<vmem>>[vector<16xi32>, vector<16xi32>], vector<16xf32>,
      %gather3A_1530 = arith.constant 4 : i32
      %gather3A_1531 = arith.constant 0 : i32
      %gather3A_1532 = arith.constant 0 : i32
      %gather3A_1533 = tpu.memref_slice %arg12[%gather3A_1530, %gather3A_1531, %gather3A_1532] : memref<8x32x128xf32, #tpu.memory_space<vmem>> -> memref<1x32x128xf32, #tpu.memory_space<vmem>>
      %gather3A_1534 = tpu.memref_squeeze %gather3A_1533 : memref<1x32x128xf32, #tpu.memory_space<vmem>> -> memref<32x128xf32, #tpu.memory_space<vmem>>
      %gather3A_1535 = tpu.vector_load_idx %gather3A_1534[%add3A_5, %broadcast_in_dim3A_1517] : memref<32x128xf32, #tpu.memory_space<vmem>>[vector<16xi32>, vector<16xi32>], vector<16xf32>,
      %gather3A_1536 = arith.constant 4 : i32
      %gather3A_1537 = arith.constant 0 : i32
      %gather3A_1538 = arith.constant 0 : i32
      %gather3A_1539 = tpu.memref_slice %arg13[%gather3A_1536, %gather3A_1537, %gather3A_1538] : memref<8x32x128xf32, #tpu.memory_space<vmem>> -> memref<1x32x128xf32, #tpu.memory_space<vmem>>
      %gather3A_1540 = tpu.memref_squeeze %gather3A_1539 : memref<1x32x128xf32, #tpu.memory_space<vmem>> -> memref<32x128xf32, #tpu.memory_space<vmem>>
      %gather3A_1541 = tpu.vector_load_idx %gather3A_1540[%iota3A, %broadcast_in_dim3A_1520] : memref<32x128xf32, #tpu.memory_space<vmem>>[vector<16xi32>, vector<16xi32>], vector<16xf32>,
      %gather3A_1542 = arith.constant 4 : i32
      %gather3A_1543 = arith.constant 0 : i32
      %gather3A_1544 = arith.constant 0 : i32
      %gather3A_1545 = tpu.memref_slice %arg13[%gather3A_1542, %gather3A_1543, %gather3A_1544] : memref<8x32x128xf32, #tpu.memory_space<vmem>> -> memref<1x32x128xf32, #tpu.memory_space<vmem>>
      %gather3A_1546 = tpu.memref_squeeze %gather3A_1545 : memref<1x32x128xf32, #tpu.memory_space<vmem>> -> memref<32x128xf32, #tpu.memory_space<vmem>>
      %gather3A_1547 = tpu.vector_load_idx %gather3A_1546[%add3A_5, %broadcast_in_dim3A_1520] : memref<32x128xf32, #tpu.memory_space<vmem>>[vector<16xi32>, vector<16xi32>], vector<16xf32>,
      %gather3A_1548 = arith.constant 4 : i32
      %gather3A_1549 = arith.constant 0 : i32
      %gather3A_1550 = arith.constant 0 : i32
      %gather3A_1551 = tpu.memref_slice %arg14[%gather3A_1548, %gather3A_1549, %gather3A_1550] : memref<8x32x128xf32, #tpu.memory_space<vmem>> -> memref<1x32x128xf32, #tpu.memory_space<vmem>>
      %gather3A_1552 = tpu.memref_squeeze %gather3A_1551 : memref<1x32x128xf32, #tpu.memory_space<vmem>> -> memref<32x128xf32, #tpu.memory_space<vmem>>
      %gather3A_1553 = tpu.vector_load_idx %gather3A_1552[%iota3A, %broadcast_in_dim3A_1523] : memref<32x128xf32, #tpu.memory_space<vmem>>[vector<16xi32>, vector<16xi32>], vector<16xf32>,
      %gather3A_1554 = arith.constant 4 : i32
      %gather3A_1555 = arith.constant 0 : i32
      %gather3A_1556 = arith.constant 0 : i32
      %gather3A_1557 = tpu.memref_slice %arg14[%gather3A_1554, %gather3A_1555, %gather3A_1556] : memref<8x32x128xf32, #tpu.memory_space<vmem>> -> memref<1x32x128xf32, #tpu.memory_space<vmem>>
      %gather3A_1558 = tpu.memref_squeeze %gather3A_1557 : memref<1x32x128xf32, #tpu.memory_space<vmem>> -> memref<32x128xf32, #tpu.memory_space<vmem>>
      %gather3A_1559 = tpu.vector_load_idx %gather3A_1558[%add3A_5, %broadcast_in_dim3A_1523] : memref<32x128xf32, #tpu.memory_space<vmem>>[vector<16xi32>, vector<16xi32>], vector<16xf32>,
      %mul3A_1560 = arith.mulf %gather3A_1529, %gather3A_1541 : vector<16xf32>
      %mul3A_1561 = arith.mulf %gather3A_1535, %gather3A_1547 : vector<16xf32>
      %add3A_1562 = arith.addf %mul3A_1560, %mul3A_1561 : vector<16xf32>
      %reduce_sum3A_1563 = arith.constant true
      %reduce_sum3A_1564 = vector.broadcast %reduce_sum3A_1563 : i1 to vector<16xi1>
      %reduce_sum3A_1565 = tpu.scan <sum>, %add3A_1562 masked %reduce_sum3A_1564 : vector<16xf32>, vector<16xi1> -> vector<16xf32>
      %reduce_sum3A_1566 = vector.extract %reduce_sum3A_1565[15] : f32 from vector<16xf32>
      %mul3A_1567 = arith.mulf %gather3A_1529, %gather3A_1553 : vector<16xf32>
      %mul3A_1568 = arith.mulf %gather3A_1535, %gather3A_1559 : vector<16xf32>
      %add3A_1569 = arith.addf %mul3A_1567, %mul3A_1568 : vector<16xf32>
      %reduce_sum3A_1570 = arith.constant true
      %reduce_sum3A_1571 = vector.broadcast %reduce_sum3A_1570 : i1 to vector<16xi1>
      %reduce_sum3A_1572 = tpu.scan <sum>, %add3A_1569 masked %reduce_sum3A_1571 : vector<16xf32>, vector<16xi1> -> vector<16xf32>
      %reduce_sum3A_1573 = vector.extract %reduce_sum3A_1572[15] : f32 from vector<16xf32>
      %and3A_1574 = arith.constant 15 : i32
      %and3A_1575 = arith.andi %add3A_1428, %and3A_1574 : i32
      %eq3A_1576 = vector.broadcast %and3A_1575 : i32 to vector<16xi32>
      %eq3A_1577 = arith.cmpi eq, %iota3A, %eq3A_1576 : vector<16xi32>
      %broadcast_in_dim3A_1578 = vector.broadcast %reduce_sum3A_1566 : f32 to vector<16xf32>
      %select_n3A_1579 = arith.select %eq3A_1577, %broadcast_in_dim3A_1578, %select_n3A_1417 : vector<16xi1>, vector<16xf32>
      %broadcast_in_dim3A_1580 = vector.broadcast %reduce_sum3A_1573 : f32 to vector<16xf32>
      %select_n3A_1581 = arith.select %eq3A_1577, %broadcast_in_dim3A_1580, %select_n3A_1419 : vector<16xi1>, vector<16xf32>
      %lt3A_1582 = arith.constant 63 : i32
      %lt3A_1583 = arith.cmpi slt, %scan3A_779, %lt3A_1582 : i32
      %convert_element_type3A_1584 = arith.extui %lt3A_1583 : i1 to i32
      %cond3A_1585 = arith.constant 0 : i32
      %cond3A_1586 = arith.cmpi ne, %convert_element_type3A_1584, %cond3A_1585 : i32
      scf.if %cond3A_1586 {
        %add3A_2086 = arith.constant 8 : i32
        %add3A_2087 = arith.addi %add3A_1428, %add3A_2086 : i32
        %shift_right_logical3A_2088 = arith.constant 4 : i32
        %shift_right_logical3A_2089 = arith.shrui %add3A_2087, %shift_right_logical3A_2088 : i32
        %shift_left3A_2090 = arith.constant 4 : i32
        %shift_left3A_2091 = arith.shli %shift_right_logical3A_2089, %shift_left3A_2090 : i32
        %multiple_of3A_2092 = tpu.assume_multiple %shift_left3A_2091, 16 : i32
        %and3A_2093 = arith.constant 15 : i32
        %and3A_2094 = arith.andi %add3A_2087, %and3A_2093 : i32
        %eq3A_2095 = vector.broadcast %and3A_2094 : i32 to vector<16xi32>
        %eq3A_2096 = arith.cmpi eq, %iota3A, %eq3A_2095 : vector<16xi32>
        %broadcast_in_dim3A_2097 = arith.constant 0 : i32
        %broadcast_in_dim3A_2098 = vector.broadcast %broadcast_in_dim3A_2097 : i32 to vector<16xi32>
        %get3A_2099 = arith.index_cast %multiple_of3A_2092 : i32 to index
        %get3A_2100 = tpu.vector_load %arg9[%get3A_2099] {strides = array<i32>} : memref<512xi32, #tpu.memory_space<vmem>>, vector<16xi32>,
        %select_n3A_2101 = arith.select %eq3A_2096, %get3A_2100, %broadcast_in_dim3A_2098 : vector<16xi1>, vector<16xi32>
        %reduce_sum3A_2102 = arith.constant true
        %reduce_sum3A_2103 = vector.broadcast %reduce_sum3A_2102 : i1 to vector<16xi1>
        %reduce_sum3A_2104 = tpu.scan <sum>, %select_n3A_2101 masked %reduce_sum3A_2103 : vector<16xi32>, vector<16xi1> -> vector<16xi32>
        %reduce_sum3A_2105 = vector.extract %reduce_sum3A_2104[15] : i32 from vector<16xi32>
        %get3A_2106 = arith.index_cast %multiple_of3A_2092 : i32 to index
        %get3A_2107 = tpu.vector_load %arg10[%get3A_2106] {strides = array<i32>} : memref<512xi32, #tpu.memory_space<vmem>>, vector<16xi32>,
        %select_n3A_2108 = arith.select %eq3A_2096, %get3A_2107, %broadcast_in_dim3A_2098 : vector<16xi1>, vector<16xi32>
        %reduce_sum3A_2109 = arith.constant true
        %reduce_sum3A_2110 = vector.broadcast %reduce_sum3A_2109 : i1 to vector<16xi1>
        %reduce_sum3A_2111 = tpu.scan <sum>, %select_n3A_2108 masked %reduce_sum3A_2110 : vector<16xi32>, vector<16xi1> -> vector<16xi32>
        %reduce_sum3A_2112 = vector.extract %reduce_sum3A_2111[15] : i32 from vector<16xi32>
        %get3A_2113 = arith.index_cast %multiple_of3A_2092 : i32 to index
        %get3A_2114 = tpu.vector_load %arg11[%get3A_2113] {strides = array<i32>} : memref<512xi32, #tpu.memory_space<vmem>>, vector<16xi32>,
        %select_n3A_2115 = arith.select %eq3A_2096, %get3A_2114, %broadcast_in_dim3A_2098 : vector<16xi1>, vector<16xi32>
        %reduce_sum3A_2116 = arith.constant true
        %reduce_sum3A_2117 = vector.broadcast %reduce_sum3A_2116 : i1 to vector<16xi1>
        %reduce_sum3A_2118 = tpu.scan <sum>, %select_n3A_2115 masked %reduce_sum3A_2117 : vector<16xi32>, vector<16xi1> -> vector<16xi32>
        %reduce_sum3A_2119 = vector.extract %reduce_sum3A_2118[15] : i32 from vector<16xi32>
        %shift_right_logical3A_2120 = arith.constant 7 : i32
        %shift_right_logical3A_2121 = arith.shrui %reduce_sum3A_2105, %shift_right_logical3A_2120 : i32
        %shift_left3A_2122 = arith.constant 7 : i32
        %shift_left3A_2123 = arith.shli %shift_right_logical3A_2121, %shift_left3A_2122 : i32
        %multiple_of3A_2124 = tpu.assume_multiple %shift_left3A_2123, 128 : i32
        %shift_right_logical3A_2125 = arith.constant 7 : i32
        %shift_right_logical3A_2126 = arith.shrui %reduce_sum3A_2112, %shift_right_logical3A_2125 : i32
        %shift_left3A_2127 = arith.constant 7 : i32
        %shift_left3A_2128 = arith.shli %shift_right_logical3A_2126, %shift_left3A_2127 : i32
        %multiple_of3A_2129 = tpu.assume_multiple %shift_left3A_2128, 128 : i32
        %shift_right_logical3A_2130 = arith.constant 7 : i32
        %shift_right_logical3A_2131 = arith.shrui %reduce_sum3A_2119, %shift_right_logical3A_2130 : i32
        %shift_left3A_2132 = arith.constant 7 : i32
        %shift_left3A_2133 = arith.shli %shift_right_logical3A_2131, %shift_left3A_2132 : i32
        %multiple_of3A_2134 = tpu.assume_multiple %shift_left3A_2133, 128 : i32
        %dma_start3A_2135 = arith.constant 4 : i32
        %dma_start3A_2136 = arith.constant 4 : i32
        %dma_start3A_2137 = arith.constant 0 : i32
        %dma_start3A_2138 = arith.constant 0 : i32
        %dma_start3A_2139 = tpu.memref_slice %arg12[%dma_start3A_2135, %dma_start3A_2137, %dma_start3A_2138] : memref<8x32x128xf32, #tpu.memory_space<vmem>> -> memref<1x32x128xf32, #tpu.memory_space<vmem>>
        %dma_start3A_2140 = tpu.memref_squeeze %dma_start3A_2139 : memref<1x32x128xf32, #tpu.memory_space<vmem>> -> memref<32x128xf32, #tpu.memory_space<vmem>>
        %dma_start3A_2141 = arith.constant 0 : i32
        %dma_start3A_2142 = tpu.memref_slice %arg5[%dma_start3A_2141, %multiple_of3A_2124] : memref<32x1000000xf32, #tpu.memory_space<hbm>> -> memref<32x128xf32, #tpu.memory_space<hbm>>
        %dma_start3A_2143 = tpu.memref_slice %arg17[%dma_start3A_2136] : memref<8x!tpu.dma_semaphore, #tpu.memory_space<semaphore_mem>> -> memref<1x!tpu.dma_semaphore, #tpu.memory_space<semaphore_mem>>
        %dma_start3A_2144 = tpu.memref_squeeze %dma_start3A_2143 : memref<1x!tpu.dma_semaphore, #tpu.memory_space<semaphore_mem>> -> memref<!tpu.dma_semaphore, #tpu.memory_space<semaphore_mem>>
        %dma_start3A_2145 = arith.constant 0 : i32
        %dma_start3A_2146 = arith.constant 0 : i32
        %dma_start3A_2147 = tpu.memref_slice %arg12[%dma_start3A_2135, %dma_start3A_2145, %dma_start3A_2146] : memref<8x32x128xf32, #tpu.memory_space<vmem>> -> memref<1x32x128xf32, #tpu.memory_space<vmem>>
        %dma_start3A_2148 = tpu.memref_squeeze %dma_start3A_2147 : memref<1x32x128xf32, #tpu.memory_space<vmem>> -> memref<32x128xf32, #tpu.memory_space<vmem>>
        %dma_start3A_2149 = arith.constant 0 : i32
        %dma_start3A_2150 = tpu.memref_slice %arg5[%dma_start3A_2149, %multiple_of3A_2124] : memref<32x1000000xf32, #tpu.memory_space<hbm>> -> memref<32x128xf32, #tpu.memory_space<hbm>>
        tpu.enqueue_dma source(%dma_start3A_2150 : memref<32x128xf32, #tpu.memory_space<hbm>>) target(%dma_start3A_2148 : memref<32x128xf32, #tpu.memory_space<vmem>>) target_semaphore(%dma_start3A_2144 : memref<!tpu.dma_semaphore, #tpu.memory_space<semaphore_mem>>)
        %dma_start3A_2151 = arith.constant 4 : i32
        %dma_start3A_2152 = arith.constant 4 : i32
        %dma_start3A_2153 = arith.constant 0 : i32
        %dma_start3A_2154 = arith.constant 0 : i32
        %dma_start3A_2155 = tpu.memref_slice %arg13[%dma_start3A_2151, %dma_start3A_2153, %dma_start3A_2154] : memref<8x32x128xf32, #tpu.memory_space<vmem>> -> memref<1x32x128xf32, #tpu.memory_space<vmem>>
        %dma_start3A_2156 = tpu.memref_squeeze %dma_start3A_2155 : memref<1x32x128xf32, #tpu.memory_space<vmem>> -> memref<32x128xf32, #tpu.memory_space<vmem>>
        %dma_start3A_2157 = arith.constant 0 : i32
        %dma_start3A_2158 = tpu.memref_slice %arg6[%dma_start3A_2157, %multiple_of3A_2129] : memref<32x1000000xf32, #tpu.memory_space<hbm>> -> memref<32x128xf32, #tpu.memory_space<hbm>>
        %dma_start3A_2159 = tpu.memref_slice %arg17[%dma_start3A_2152] : memref<8x!tpu.dma_semaphore, #tpu.memory_space<semaphore_mem>> -> memref<1x!tpu.dma_semaphore, #tpu.memory_space<semaphore_mem>>
        %dma_start3A_2160 = tpu.memref_squeeze %dma_start3A_2159 : memref<1x!tpu.dma_semaphore, #tpu.memory_space<semaphore_mem>> -> memref<!tpu.dma_semaphore, #tpu.memory_space<semaphore_mem>>
        %dma_start3A_2161 = arith.constant 0 : i32
        %dma_start3A_2162 = arith.constant 0 : i32
        %dma_start3A_2163 = tpu.memref_slice %arg13[%dma_start3A_2151, %dma_start3A_2161, %dma_start3A_2162] : memref<8x32x128xf32, #tpu.memory_space<vmem>> -> memref<1x32x128xf32, #tpu.memory_space<vmem>>
        %dma_start3A_2164 = tpu.memref_squeeze %dma_start3A_2163 : memref<1x32x128xf32, #tpu.memory_space<vmem>> -> memref<32x128xf32, #tpu.memory_space<vmem>>
        %dma_start3A_2165 = arith.constant 0 : i32
        %dma_start3A_2166 = tpu.memref_slice %arg6[%dma_start3A_2165, %multiple_of3A_2129] : memref<32x1000000xf32, #tpu.memory_space<hbm>> -> memref<32x128xf32, #tpu.memory_space<hbm>>
        tpu.enqueue_dma source(%dma_start3A_2166 : memref<32x128xf32, #tpu.memory_space<hbm>>) target(%dma_start3A_2164 : memref<32x128xf32, #tpu.memory_space<vmem>>) target_semaphore(%dma_start3A_2160 : memref<!tpu.dma_semaphore, #tpu.memory_space<semaphore_mem>>)
        %dma_start3A_2167 = arith.constant 4 : i32
        %dma_start3A_2168 = arith.constant 4 : i32
        %dma_start3A_2169 = arith.constant 0 : i32
        %dma_start3A_2170 = arith.constant 0 : i32
        %dma_start3A_2171 = tpu.memref_slice %arg14[%dma_start3A_2167, %dma_start3A_2169, %dma_start3A_2170] : memref<8x32x128xf32, #tpu.memory_space<vmem>> -> memref<1x32x128xf32, #tpu.memory_space<vmem>>
        %dma_start3A_2172 = tpu.memref_squeeze %dma_start3A_2171 : memref<1x32x128xf32, #tpu.memory_space<vmem>> -> memref<32x128xf32, #tpu.memory_space<vmem>>
        %dma_start3A_2173 = arith.constant 0 : i32
        %dma_start3A_2174 = tpu.memref_slice %arg6[%dma_start3A_2173, %multiple_of3A_2134] : memref<32x1000000xf32, #tpu.memory_space<hbm>> -> memref<32x128xf32, #tpu.memory_space<hbm>>
        %dma_start3A_2175 = tpu.memref_slice %arg17[%dma_start3A_2168] : memref<8x!tpu.dma_semaphore, #tpu.memory_space<semaphore_mem>> -> memref<1x!tpu.dma_semaphore, #tpu.memory_space<semaphore_mem>>
        %dma_start3A_2176 = tpu.memref_squeeze %dma_start3A_2175 : memref<1x!tpu.dma_semaphore, #tpu.memory_space<semaphore_mem>> -> memref<!tpu.dma_semaphore, #tpu.memory_space<semaphore_mem>>
        %dma_start3A_2177 = arith.constant 0 : i32
        %dma_start3A_2178 = arith.constant 0 : i32
        %dma_start3A_2179 = tpu.memref_slice %arg14[%dma_start3A_2167, %dma_start3A_2177, %dma_start3A_2178] : memref<8x32x128xf32, #tpu.memory_space<vmem>> -> memref<1x32x128xf32, #tpu.memory_space<vmem>>
        %dma_start3A_2180 = tpu.memref_squeeze %dma_start3A_2179 : memref<1x32x128xf32, #tpu.memory_space<vmem>> -> memref<32x128xf32, #tpu.memory_space<vmem>>
        %dma_start3A_2181 = arith.constant 0 : i32
        %dma_start3A_2182 = tpu.memref_slice %arg6[%dma_start3A_2181, %multiple_of3A_2134] : memref<32x1000000xf32, #tpu.memory_space<hbm>> -> memref<32x128xf32, #tpu.memory_space<hbm>>
        tpu.enqueue_dma source(%dma_start3A_2182 : memref<32x128xf32, #tpu.memory_space<hbm>>) target(%dma_start3A_2180 : memref<32x128xf32, #tpu.memory_space<vmem>>) target_semaphore(%dma_start3A_2176 : memref<!tpu.dma_semaphore, #tpu.memory_space<semaphore_mem>>)
      } else {
      }
      %mul3A_1587 = arith.constant 8 : i32
      %mul3A_1588 = arith.muli %scan3A_779, %mul3A_1587 : i32
      %add3A_1589 = arith.constant 5 : i32
      %add3A_1590 = arith.addi %mul3A_1588, %add3A_1589 : i32
      %dma_wait3A_1591 = arith.constant 5 : i32
      %dma_wait3A_1592 = arith.constant 5 : i32
      %dma_wait3A_1593 = arith.constant 0 : i32
      %dma_wait3A_1594 = arith.constant 0 : i32
      %dma_wait3A_1595 = tpu.memref_slice %arg12[%dma_wait3A_1591, %dma_wait3A_1593, %dma_wait3A_1594] : memref<8x32x128xf32, #tpu.memory_space<vmem>> -> memref<1x32x128xf32, #tpu.memory_space<vmem>>
      %dma_wait3A_1596 = tpu.memref_squeeze %dma_wait3A_1595 : memref<1x32x128xf32, #tpu.memory_space<vmem>> -> memref<32x128xf32, #tpu.memory_space<vmem>>
      %dma_wait3A_1597 = arith.constant 0 : i32
      %dma_wait3A_1598 = arith.constant 0 : i32
      %dma_wait3A_1599 = tpu.memref_slice %arg5[%dma_wait3A_1597, %dma_wait3A_1598] : memref<32x1000000xf32, #tpu.memory_space<hbm>> -> memref<32x128xf32, #tpu.memory_space<hbm>>
      %dma_wait3A_1600 = tpu.memref_slice %arg17[%dma_wait3A_1592] : memref<8x!tpu.dma_semaphore, #tpu.memory_space<semaphore_mem>> -> memref<1x!tpu.dma_semaphore, #tpu.memory_space<semaphore_mem>>
      %dma_wait3A_1601 = tpu.memref_squeeze %dma_wait3A_1600 : memref<1x!tpu.dma_semaphore, #tpu.memory_space<semaphore_mem>> -> memref<!tpu.dma_semaphore, #tpu.memory_space<semaphore_mem>>
      %dma_wait3A_1602 = arith.constant 0 : i32
      %dma_wait3A_1603 = arith.constant 0 : i32
      %dma_wait3A_1604 = tpu.memref_slice %arg12[%dma_wait3A_1591, %dma_wait3A_1602, %dma_wait3A_1603] : memref<8x32x128xf32, #tpu.memory_space<vmem>> -> memref<1x32x128xf32, #tpu.memory_space<vmem>>
      %dma_wait3A_1605 = tpu.memref_squeeze %dma_wait3A_1604 : memref<1x32x128xf32, #tpu.memory_space<vmem>> -> memref<32x128xf32, #tpu.memory_space<vmem>>
      %dma_wait3A_1606 = arith.constant 0 : i32
      %dma_wait3A_1607 = arith.constant 0 : i32
      %dma_wait3A_1608 = tpu.memref_slice %arg5[%dma_wait3A_1606, %dma_wait3A_1607] : memref<32x1000000xf32, #tpu.memory_space<hbm>> -> memref<32x128xf32, #tpu.memory_space<hbm>>
      tpu.wait_dma2 semaphore(%dma_wait3A_1601 : memref<!tpu.dma_semaphore, #tpu.memory_space<semaphore_mem>>) src(%dma_wait3A_1608 : memref<32x128xf32, #tpu.memory_space<hbm>>) dst(%dma_wait3A_1605 : memref<32x128xf32, #tpu.memory_space<vmem>>)
      %dma_wait3A_1609 = arith.constant 5 : i32
      %dma_wait3A_1610 = arith.constant 5 : i32
      %dma_wait3A_1611 = arith.constant 0 : i32
      %dma_wait3A_1612 = arith.constant 0 : i32
      %dma_wait3A_1613 = tpu.memref_slice %arg13[%dma_wait3A_1609, %dma_wait3A_1611, %dma_wait3A_1612] : memref<8x32x128xf32, #tpu.memory_space<vmem>> -> memref<1x32x128xf32, #tpu.memory_space<vmem>>
      %dma_wait3A_1614 = tpu.memref_squeeze %dma_wait3A_1613 : memref<1x32x128xf32, #tpu.memory_space<vmem>> -> memref<32x128xf32, #tpu.memory_space<vmem>>
      %dma_wait3A_1615 = arith.constant 0 : i32
      %dma_wait3A_1616 = arith.constant 0 : i32
      %dma_wait3A_1617 = tpu.memref_slice %arg5[%dma_wait3A_1615, %dma_wait3A_1616] : memref<32x1000000xf32, #tpu.memory_space<hbm>> -> memref<32x128xf32, #tpu.memory_space<hbm>>
      %dma_wait3A_1618 = tpu.memref_slice %arg17[%dma_wait3A_1610] : memref<8x!tpu.dma_semaphore, #tpu.memory_space<semaphore_mem>> -> memref<1x!tpu.dma_semaphore, #tpu.memory_space<semaphore_mem>>
      %dma_wait3A_1619 = tpu.memref_squeeze %dma_wait3A_1618 : memref<1x!tpu.dma_semaphore, #tpu.memory_space<semaphore_mem>> -> memref<!tpu.dma_semaphore, #tpu.memory_space<semaphore_mem>>
      %dma_wait3A_1620 = arith.constant 0 : i32
      %dma_wait3A_1621 = arith.constant 0 : i32
      %dma_wait3A_1622 = tpu.memref_slice %arg13[%dma_wait3A_1609, %dma_wait3A_1620, %dma_wait3A_1621] : memref<8x32x128xf32, #tpu.memory_space<vmem>> -> memref<1x32x128xf32, #tpu.memory_space<vmem>>
      %dma_wait3A_1623 = tpu.memref_squeeze %dma_wait3A_1622 : memref<1x32x128xf32, #tpu.memory_space<vmem>> -> memref<32x128xf32, #tpu.memory_space<vmem>>
      %dma_wait3A_1624 = arith.constant 0 : i32
      %dma_wait3A_1625 = arith.constant 0 : i32
      %dma_wait3A_1626 = tpu.memref_slice %arg5[%dma_wait3A_1624, %dma_wait3A_1625] : memref<32x1000000xf32, #tpu.memory_space<hbm>> -> memref<32x128xf32, #tpu.memory_space<hbm>>
      tpu.wait_dma2 semaphore(%dma_wait3A_1619 : memref<!tpu.dma_semaphore, #tpu.memory_space<semaphore_mem>>) src(%dma_wait3A_1626 : memref<32x128xf32, #tpu.memory_space<hbm>>) dst(%dma_wait3A_1623 : memref<32x128xf32, #tpu.memory_space<vmem>>)
      %dma_wait3A_1627 = arith.constant 5 : i32
      %dma_wait3A_1628 = arith.constant 5 : i32
      %dma_wait3A_1629 = arith.constant 0 : i32
      %dma_wait3A_1630 = arith.constant 0 : i32
      %dma_wait3A_1631 = tpu.memref_slice %arg14[%dma_wait3A_1627, %dma_wait3A_1629, %dma_wait3A_1630] : memref<8x32x128xf32, #tpu.memory_space<vmem>> -> memref<1x32x128xf32, #tpu.memory_space<vmem>>
      %dma_wait3A_1632 = tpu.memref_squeeze %dma_wait3A_1631 : memref<1x32x128xf32, #tpu.memory_space<vmem>> -> memref<32x128xf32, #tpu.memory_space<vmem>>
      %dma_wait3A_1633 = arith.constant 0 : i32
      %dma_wait3A_1634 = arith.constant 0 : i32
      %dma_wait3A_1635 = tpu.memref_slice %arg5[%dma_wait3A_1633, %dma_wait3A_1634] : memref<32x1000000xf32, #tpu.memory_space<hbm>> -> memref<32x128xf32, #tpu.memory_space<hbm>>
      %dma_wait3A_1636 = tpu.memref_slice %arg17[%dma_wait3A_1628] : memref<8x!tpu.dma_semaphore, #tpu.memory_space<semaphore_mem>> -> memref<1x!tpu.dma_semaphore, #tpu.memory_space<semaphore_mem>>
      %dma_wait3A_1637 = tpu.memref_squeeze %dma_wait3A_1636 : memref<1x!tpu.dma_semaphore, #tpu.memory_space<semaphore_mem>> -> memref<!tpu.dma_semaphore, #tpu.memory_space<semaphore_mem>>
      %dma_wait3A_1638 = arith.constant 0 : i32
      %dma_wait3A_1639 = arith.constant 0 : i32
      %dma_wait3A_1640 = tpu.memref_slice %arg14[%dma_wait3A_1627, %dma_wait3A_1638, %dma_wait3A_1639] : memref<8x32x128xf32, #tpu.memory_space<vmem>> -> memref<1x32x128xf32, #tpu.memory_space<vmem>>
      %dma_wait3A_1641 = tpu.memref_squeeze %dma_wait3A_1640 : memref<1x32x128xf32, #tpu.memory_space<vmem>> -> memref<32x128xf32, #tpu.memory_space<vmem>>
      %dma_wait3A_1642 = arith.constant 0 : i32
      %dma_wait3A_1643 = arith.constant 0 : i32
      %dma_wait3A_1644 = tpu.memref_slice %arg5[%dma_wait3A_1642, %dma_wait3A_1643] : memref<32x1000000xf32, #tpu.memory_space<hbm>> -> memref<32x128xf32, #tpu.memory_space<hbm>>
      tpu.wait_dma2 semaphore(%dma_wait3A_1637 : memref<!tpu.dma_semaphore, #tpu.memory_space<semaphore_mem>>) src(%dma_wait3A_1644 : memref<32x128xf32, #tpu.memory_space<hbm>>) dst(%dma_wait3A_1641 : memref<32x128xf32, #tpu.memory_space<vmem>>)
      %shift_right_logical3A_1645 = arith.constant 4 : i32
      %shift_right_logical3A_1646 = arith.shrui %add3A_1590, %shift_right_logical3A_1645 : i32
      %shift_left3A_1647 = arith.constant 4 : i32
      %shift_left3A_1648 = arith.shli %shift_right_logical3A_1646, %shift_left3A_1647 : i32
      %multiple_of3A_1649 = tpu.assume_multiple %shift_left3A_1648, 16 : i32
      %and3A_1650 = arith.constant 15 : i32
      %and3A_1651 = arith.andi %add3A_1590, %and3A_1650 : i32
      %eq3A_1652 = vector.broadcast %and3A_1651 : i32 to vector<16xi32>
      %eq3A_1653 = arith.cmpi eq, %iota3A, %eq3A_1652 : vector<16xi32>
      %broadcast_in_dim3A_1654 = arith.constant 0 : i32
      %broadcast_in_dim3A_1655 = vector.broadcast %broadcast_in_dim3A_1654 : i32 to vector<16xi32>
      %get3A_1656 = arith.index_cast %multiple_of3A_1649 : i32 to index
      %get3A_1657 = tpu.vector_load %arg9[%get3A_1656] {strides = array<i32>} : memref<512xi32, #tpu.memory_space<vmem>>, vector<16xi32>,
      %select_n3A_1658 = arith.select %eq3A_1653, %get3A_1657, %broadcast_in_dim3A_1655 : vector<16xi1>, vector<16xi32>
      %reduce_sum3A_1659 = arith.constant true
      %reduce_sum3A_1660 = vector.broadcast %reduce_sum3A_1659 : i1 to vector<16xi1>
      %reduce_sum3A_1661 = tpu.scan <sum>, %select_n3A_1658 masked %reduce_sum3A_1660 : vector<16xi32>, vector<16xi1> -> vector<16xi32>
      %reduce_sum3A_1662 = vector.extract %reduce_sum3A_1661[15] : i32 from vector<16xi32>
      %get3A_1663 = arith.index_cast %multiple_of3A_1649 : i32 to index
      %get3A_1664 = tpu.vector_load %arg10[%get3A_1663] {strides = array<i32>} : memref<512xi32, #tpu.memory_space<vmem>>, vector<16xi32>,
      %select_n3A_1665 = arith.select %eq3A_1653, %get3A_1664, %broadcast_in_dim3A_1655 : vector<16xi1>, vector<16xi32>
      %reduce_sum3A_1666 = arith.constant true
      %reduce_sum3A_1667 = vector.broadcast %reduce_sum3A_1666 : i1 to vector<16xi1>
      %reduce_sum3A_1668 = tpu.scan <sum>, %select_n3A_1665 masked %reduce_sum3A_1667 : vector<16xi32>, vector<16xi1> -> vector<16xi32>
      %reduce_sum3A_1669 = vector.extract %reduce_sum3A_1668[15] : i32 from vector<16xi32>
      %get3A_1670 = arith.index_cast %multiple_of3A_1649 : i32 to index
      %get3A_1671 = tpu.vector_load %arg11[%get3A_1670] {strides = array<i32>} : memref<512xi32, #tpu.memory_space<vmem>>, vector<16xi32>,
      %select_n3A_1672 = arith.select %eq3A_1653, %get3A_1671, %broadcast_in_dim3A_1655 : vector<16xi1>, vector<16xi32>
      %reduce_sum3A_1673 = arith.constant true
      %reduce_sum3A_1674 = vector.broadcast %reduce_sum3A_1673 : i1 to vector<16xi1>
      %reduce_sum3A_1675 = tpu.scan <sum>, %select_n3A_1672 masked %reduce_sum3A_1674 : vector<16xi32>, vector<16xi1> -> vector<16xi32>
      %reduce_sum3A_1676 = vector.extract %reduce_sum3A_1675[15] : i32 from vector<16xi32>
      %and3A_1677 = arith.constant 127 : i32
      %and3A_1678 = arith.andi %reduce_sum3A_1662, %and3A_1677 : i32
      %broadcast_in_dim3A_1679 = vector.broadcast %and3A_1678 : i32 to vector<16xi32>
      %and3A_1680 = arith.constant 127 : i32
      %and3A_1681 = arith.andi %reduce_sum3A_1669, %and3A_1680 : i32
      %broadcast_in_dim3A_1682 = vector.broadcast %and3A_1681 : i32 to vector<16xi32>
      %and3A_1683 = arith.constant 127 : i32
      %and3A_1684 = arith.andi %reduce_sum3A_1676, %and3A_1683 : i32
      %broadcast_in_dim3A_1685 = vector.broadcast %and3A_1684 : i32 to vector<16xi32>
      %gather3A_1686 = arith.constant 5 : i32
      %gather3A_1687 = arith.constant 0 : i32
      %gather3A_1688 = arith.constant 0 : i32
      %gather3A_1689 = tpu.memref_slice %arg12[%gather3A_1686, %gather3A_1687, %gather3A_1688] : memref<8x32x128xf32, #tpu.memory_space<vmem>> -> memref<1x32x128xf32, #tpu.memory_space<vmem>>
      %gather3A_1690 = tpu.memref_squeeze %gather3A_1689 : memref<1x32x128xf32, #tpu.memory_space<vmem>> -> memref<32x128xf32, #tpu.memory_space<vmem>>
      %gather3A_1691 = tpu.vector_load_idx %gather3A_1690[%iota3A, %broadcast_in_dim3A_1679] : memref<32x128xf32, #tpu.memory_space<vmem>>[vector<16xi32>, vector<16xi32>], vector<16xf32>,
      %gather3A_1692 = arith.constant 5 : i32
      %gather3A_1693 = arith.constant 0 : i32
      %gather3A_1694 = arith.constant 0 : i32
      %gather3A_1695 = tpu.memref_slice %arg12[%gather3A_1692, %gather3A_1693, %gather3A_1694] : memref<8x32x128xf32, #tpu.memory_space<vmem>> -> memref<1x32x128xf32, #tpu.memory_space<vmem>>
      %gather3A_1696 = tpu.memref_squeeze %gather3A_1695 : memref<1x32x128xf32, #tpu.memory_space<vmem>> -> memref<32x128xf32, #tpu.memory_space<vmem>>
      %gather3A_1697 = tpu.vector_load_idx %gather3A_1696[%add3A_5, %broadcast_in_dim3A_1679] : memref<32x128xf32, #tpu.memory_space<vmem>>[vector<16xi32>, vector<16xi32>], vector<16xf32>,
      %gather3A_1698 = arith.constant 5 : i32
      %gather3A_1699 = arith.constant 0 : i32
      %gather3A_1700 = arith.constant 0 : i32
      %gather3A_1701 = tpu.memref_slice %arg13[%gather3A_1698, %gather3A_1699, %gather3A_1700] : memref<8x32x128xf32, #tpu.memory_space<vmem>> -> memref<1x32x128xf32, #tpu.memory_space<vmem>>
      %gather3A_1702 = tpu.memref_squeeze %gather3A_1701 : memref<1x32x128xf32, #tpu.memory_space<vmem>> -> memref<32x128xf32, #tpu.memory_space<vmem>>
      %gather3A_1703 = tpu.vector_load_idx %gather3A_1702[%iota3A, %broadcast_in_dim3A_1682] : memref<32x128xf32, #tpu.memory_space<vmem>>[vector<16xi32>, vector<16xi32>], vector<16xf32>,
      %gather3A_1704 = arith.constant 5 : i32
      %gather3A_1705 = arith.constant 0 : i32
      %gather3A_1706 = arith.constant 0 : i32
      %gather3A_1707 = tpu.memref_slice %arg13[%gather3A_1704, %gather3A_1705, %gather3A_1706] : memref<8x32x128xf32, #tpu.memory_space<vmem>> -> memref<1x32x128xf32, #tpu.memory_space<vmem>>
      %gather3A_1708 = tpu.memref_squeeze %gather3A_1707 : memref<1x32x128xf32, #tpu.memory_space<vmem>> -> memref<32x128xf32, #tpu.memory_space<vmem>>
      %gather3A_1709 = tpu.vector_load_idx %gather3A_1708[%add3A_5, %broadcast_in_dim3A_1682] : memref<32x128xf32, #tpu.memory_space<vmem>>[vector<16xi32>, vector<16xi32>], vector<16xf32>,
      %gather3A_1710 = arith.constant 5 : i32
      %gather3A_1711 = arith.constant 0 : i32
      %gather3A_1712 = arith.constant 0 : i32
      %gather3A_1713 = tpu.memref_slice %arg14[%gather3A_1710, %gather3A_1711, %gather3A_1712] : memref<8x32x128xf32, #tpu.memory_space<vmem>> -> memref<1x32x128xf32, #tpu.memory_space<vmem>>
      %gather3A_1714 = tpu.memref_squeeze %gather3A_1713 : memref<1x32x128xf32, #tpu.memory_space<vmem>> -> memref<32x128xf32, #tpu.memory_space<vmem>>
      %gather3A_1715 = tpu.vector_load_idx %gather3A_1714[%iota3A, %broadcast_in_dim3A_1685] : memref<32x128xf32, #tpu.memory_space<vmem>>[vector<16xi32>, vector<16xi32>], vector<16xf32>,
      %gather3A_1716 = arith.constant 5 : i32
      %gather3A_1717 = arith.constant 0 : i32
      %gather3A_1718 = arith.constant 0 : i32
      %gather3A_1719 = tpu.memref_slice %arg14[%gather3A_1716, %gather3A_1717, %gather3A_1718] : memref<8x32x128xf32, #tpu.memory_space<vmem>> -> memref<1x32x128xf32, #tpu.memory_space<vmem>>
      %gather3A_1720 = tpu.memref_squeeze %gather3A_1719 : memref<1x32x128xf32, #tpu.memory_space<vmem>> -> memref<32x128xf32, #tpu.memory_space<vmem>>
      %gather3A_1721 = tpu.vector_load_idx %gather3A_1720[%add3A_5, %broadcast_in_dim3A_1685] : memref<32x128xf32, #tpu.memory_space<vmem>>[vector<16xi32>, vector<16xi32>], vector<16xf32>,
      %mul3A_1722 = arith.mulf %gather3A_1691, %gather3A_1703 : vector<16xf32>
      %mul3A_1723 = arith.mulf %gather3A_1697, %gather3A_1709 : vector<16xf32>
      %add3A_1724 = arith.addf %mul3A_1722, %mul3A_1723 : vector<16xf32>
      %reduce_sum3A_1725 = arith.constant true
      %reduce_sum3A_1726 = vector.broadcast %reduce_sum3A_1725 : i1 to vector<16xi1>
      %reduce_sum3A_1727 = tpu.scan <sum>, %add3A_1724 masked %reduce_sum3A_1726 : vector<16xf32>, vector<16xi1> -> vector<16xf32>
      %reduce_sum3A_1728 = vector.extract %reduce_sum3A_1727[15] : f32 from vector<16xf32>
      %mul3A_1729 = arith.mulf %gather3A_1691, %gather3A_1715 : vector<16xf32>
      %mul3A_1730 = arith.mulf %gather3A_1697, %gather3A_1721 : vector<16xf32>
      %add3A_1731 = arith.addf %mul3A_1729, %mul3A_1730 : vector<16xf32>
      %reduce_sum3A_1732 = arith.constant true
      %reduce_sum3A_1733 = vector.broadcast %reduce_sum3A_1732 : i1 to vector<16xi1>
      %reduce_sum3A_1734 = tpu.scan <sum>, %add3A_1731 masked %reduce_sum3A_1733 : vector<16xf32>, vector<16xi1> -> vector<16xf32>
      %reduce_sum3A_1735 = vector.extract %reduce_sum3A_1734[15] : f32 from vector<16xf32>
      %and3A_1736 = arith.constant 15 : i32
      %and3A_1737 = arith.andi %add3A_1590, %and3A_1736 : i32
      %eq3A_1738 = vector.broadcast %and3A_1737 : i32 to vector<16xi32>
      %eq3A_1739 = arith.cmpi eq, %iota3A, %eq3A_1738 : vector<16xi32>
      %broadcast_in_dim3A_1740 = vector.broadcast %reduce_sum3A_1728 : f32 to vector<16xf32>
      %select_n3A_1741 = arith.select %eq3A_1739, %broadcast_in_dim3A_1740, %select_n3A_1579 : vector<16xi1>, vector<16xf32>
      %broadcast_in_dim3A_1742 = vector.broadcast %reduce_sum3A_1735 : f32 to vector<16xf32>
      %select_n3A_1743 = arith.select %eq3A_1739, %broadcast_in_dim3A_1742, %select_n3A_1581 : vector<16xi1>, vector<16xf32>
      %lt3A_1744 = arith.constant 63 : i32
      %lt3A_1745 = arith.cmpi slt, %scan3A_779, %lt3A_1744 : i32
      %convert_element_type3A_1746 = arith.extui %lt3A_1745 : i1 to i32
      %cond3A_1747 = arith.constant 0 : i32
      %cond3A_1748 = arith.cmpi ne, %convert_element_type3A_1746, %cond3A_1747 : i32
      scf.if %cond3A_1748 {
        %add3A_2086 = arith.constant 8 : i32
        %add3A_2087 = arith.addi %add3A_1590, %add3A_2086 : i32
        %shift_right_logical3A_2088 = arith.constant 4 : i32
        %shift_right_logical3A_2089 = arith.shrui %add3A_2087, %shift_right_logical3A_2088 : i32
        %shift_left3A_2090 = arith.constant 4 : i32
        %shift_left3A_2091 = arith.shli %shift_right_logical3A_2089, %shift_left3A_2090 : i32
        %multiple_of3A_2092 = tpu.assume_multiple %shift_left3A_2091, 16 : i32
        %and3A_2093 = arith.constant 15 : i32
        %and3A_2094 = arith.andi %add3A_2087, %and3A_2093 : i32
        %eq3A_2095 = vector.broadcast %and3A_2094 : i32 to vector<16xi32>
        %eq3A_2096 = arith.cmpi eq, %iota3A, %eq3A_2095 : vector<16xi32>
        %broadcast_in_dim3A_2097 = arith.constant 0 : i32
        %broadcast_in_dim3A_2098 = vector.broadcast %broadcast_in_dim3A_2097 : i32 to vector<16xi32>
        %get3A_2099 = arith.index_cast %multiple_of3A_2092 : i32 to index
        %get3A_2100 = tpu.vector_load %arg9[%get3A_2099] {strides = array<i32>} : memref<512xi32, #tpu.memory_space<vmem>>, vector<16xi32>,
        %select_n3A_2101 = arith.select %eq3A_2096, %get3A_2100, %broadcast_in_dim3A_2098 : vector<16xi1>, vector<16xi32>
        %reduce_sum3A_2102 = arith.constant true
        %reduce_sum3A_2103 = vector.broadcast %reduce_sum3A_2102 : i1 to vector<16xi1>
        %reduce_sum3A_2104 = tpu.scan <sum>, %select_n3A_2101 masked %reduce_sum3A_2103 : vector<16xi32>, vector<16xi1> -> vector<16xi32>
        %reduce_sum3A_2105 = vector.extract %reduce_sum3A_2104[15] : i32 from vector<16xi32>
        %get3A_2106 = arith.index_cast %multiple_of3A_2092 : i32 to index
        %get3A_2107 = tpu.vector_load %arg10[%get3A_2106] {strides = array<i32>} : memref<512xi32, #tpu.memory_space<vmem>>, vector<16xi32>,
        %select_n3A_2108 = arith.select %eq3A_2096, %get3A_2107, %broadcast_in_dim3A_2098 : vector<16xi1>, vector<16xi32>
        %reduce_sum3A_2109 = arith.constant true
        %reduce_sum3A_2110 = vector.broadcast %reduce_sum3A_2109 : i1 to vector<16xi1>
        %reduce_sum3A_2111 = tpu.scan <sum>, %select_n3A_2108 masked %reduce_sum3A_2110 : vector<16xi32>, vector<16xi1> -> vector<16xi32>
        %reduce_sum3A_2112 = vector.extract %reduce_sum3A_2111[15] : i32 from vector<16xi32>
        %get3A_2113 = arith.index_cast %multiple_of3A_2092 : i32 to index
        %get3A_2114 = tpu.vector_load %arg11[%get3A_2113] {strides = array<i32>} : memref<512xi32, #tpu.memory_space<vmem>>, vector<16xi32>,
        %select_n3A_2115 = arith.select %eq3A_2096, %get3A_2114, %broadcast_in_dim3A_2098 : vector<16xi1>, vector<16xi32>
        %reduce_sum3A_2116 = arith.constant true
        %reduce_sum3A_2117 = vector.broadcast %reduce_sum3A_2116 : i1 to vector<16xi1>
        %reduce_sum3A_2118 = tpu.scan <sum>, %select_n3A_2115 masked %reduce_sum3A_2117 : vector<16xi32>, vector<16xi1> -> vector<16xi32>
        %reduce_sum3A_2119 = vector.extract %reduce_sum3A_2118[15] : i32 from vector<16xi32>
        %shift_right_logical3A_2120 = arith.constant 7 : i32
        %shift_right_logical3A_2121 = arith.shrui %reduce_sum3A_2105, %shift_right_logical3A_2120 : i32
        %shift_left3A_2122 = arith.constant 7 : i32
        %shift_left3A_2123 = arith.shli %shift_right_logical3A_2121, %shift_left3A_2122 : i32
        %multiple_of3A_2124 = tpu.assume_multiple %shift_left3A_2123, 128 : i32
        %shift_right_logical3A_2125 = arith.constant 7 : i32
        %shift_right_logical3A_2126 = arith.shrui %reduce_sum3A_2112, %shift_right_logical3A_2125 : i32
        %shift_left3A_2127 = arith.constant 7 : i32
        %shift_left3A_2128 = arith.shli %shift_right_logical3A_2126, %shift_left3A_2127 : i32
        %multiple_of3A_2129 = tpu.assume_multiple %shift_left3A_2128, 128 : i32
        %shift_right_logical3A_2130 = arith.constant 7 : i32
        %shift_right_logical3A_2131 = arith.shrui %reduce_sum3A_2119, %shift_right_logical3A_2130 : i32
        %shift_left3A_2132 = arith.constant 7 : i32
        %shift_left3A_2133 = arith.shli %shift_right_logical3A_2131, %shift_left3A_2132 : i32
        %multiple_of3A_2134 = tpu.assume_multiple %shift_left3A_2133, 128 : i32
        %dma_start3A_2135 = arith.constant 5 : i32
        %dma_start3A_2136 = arith.constant 5 : i32
        %dma_start3A_2137 = arith.constant 0 : i32
        %dma_start3A_2138 = arith.constant 0 : i32
        %dma_start3A_2139 = tpu.memref_slice %arg12[%dma_start3A_2135, %dma_start3A_2137, %dma_start3A_2138] : memref<8x32x128xf32, #tpu.memory_space<vmem>> -> memref<1x32x128xf32, #tpu.memory_space<vmem>>
        %dma_start3A_2140 = tpu.memref_squeeze %dma_start3A_2139 : memref<1x32x128xf32, #tpu.memory_space<vmem>> -> memref<32x128xf32, #tpu.memory_space<vmem>>
        %dma_start3A_2141 = arith.constant 0 : i32
        %dma_start3A_2142 = tpu.memref_slice %arg5[%dma_start3A_2141, %multiple_of3A_2124] : memref<32x1000000xf32, #tpu.memory_space<hbm>> -> memref<32x128xf32, #tpu.memory_space<hbm>>
        %dma_start3A_2143 = tpu.memref_slice %arg17[%dma_start3A_2136] : memref<8x!tpu.dma_semaphore, #tpu.memory_space<semaphore_mem>> -> memref<1x!tpu.dma_semaphore, #tpu.memory_space<semaphore_mem>>
        %dma_start3A_2144 = tpu.memref_squeeze %dma_start3A_2143 : memref<1x!tpu.dma_semaphore, #tpu.memory_space<semaphore_mem>> -> memref<!tpu.dma_semaphore, #tpu.memory_space<semaphore_mem>>
        %dma_start3A_2145 = arith.constant 0 : i32
        %dma_start3A_2146 = arith.constant 0 : i32
        %dma_start3A_2147 = tpu.memref_slice %arg12[%dma_start3A_2135, %dma_start3A_2145, %dma_start3A_2146] : memref<8x32x128xf32, #tpu.memory_space<vmem>> -> memref<1x32x128xf32, #tpu.memory_space<vmem>>
        %dma_start3A_2148 = tpu.memref_squeeze %dma_start3A_2147 : memref<1x32x128xf32, #tpu.memory_space<vmem>> -> memref<32x128xf32, #tpu.memory_space<vmem>>
        %dma_start3A_2149 = arith.constant 0 : i32
        %dma_start3A_2150 = tpu.memref_slice %arg5[%dma_start3A_2149, %multiple_of3A_2124] : memref<32x1000000xf32, #tpu.memory_space<hbm>> -> memref<32x128xf32, #tpu.memory_space<hbm>>
        tpu.enqueue_dma source(%dma_start3A_2150 : memref<32x128xf32, #tpu.memory_space<hbm>>) target(%dma_start3A_2148 : memref<32x128xf32, #tpu.memory_space<vmem>>) target_semaphore(%dma_start3A_2144 : memref<!tpu.dma_semaphore, #tpu.memory_space<semaphore_mem>>)
        %dma_start3A_2151 = arith.constant 5 : i32
        %dma_start3A_2152 = arith.constant 5 : i32
        %dma_start3A_2153 = arith.constant 0 : i32
        %dma_start3A_2154 = arith.constant 0 : i32
        %dma_start3A_2155 = tpu.memref_slice %arg13[%dma_start3A_2151, %dma_start3A_2153, %dma_start3A_2154] : memref<8x32x128xf32, #tpu.memory_space<vmem>> -> memref<1x32x128xf32, #tpu.memory_space<vmem>>
        %dma_start3A_2156 = tpu.memref_squeeze %dma_start3A_2155 : memref<1x32x128xf32, #tpu.memory_space<vmem>> -> memref<32x128xf32, #tpu.memory_space<vmem>>
        %dma_start3A_2157 = arith.constant 0 : i32
        %dma_start3A_2158 = tpu.memref_slice %arg6[%dma_start3A_2157, %multiple_of3A_2129] : memref<32x1000000xf32, #tpu.memory_space<hbm>> -> memref<32x128xf32, #tpu.memory_space<hbm>>
        %dma_start3A_2159 = tpu.memref_slice %arg17[%dma_start3A_2152] : memref<8x!tpu.dma_semaphore, #tpu.memory_space<semaphore_mem>> -> memref<1x!tpu.dma_semaphore, #tpu.memory_space<semaphore_mem>>
        %dma_start3A_2160 = tpu.memref_squeeze %dma_start3A_2159 : memref<1x!tpu.dma_semaphore, #tpu.memory_space<semaphore_mem>> -> memref<!tpu.dma_semaphore, #tpu.memory_space<semaphore_mem>>
        %dma_start3A_2161 = arith.constant 0 : i32
        %dma_start3A_2162 = arith.constant 0 : i32
        %dma_start3A_2163 = tpu.memref_slice %arg13[%dma_start3A_2151, %dma_start3A_2161, %dma_start3A_2162] : memref<8x32x128xf32, #tpu.memory_space<vmem>> -> memref<1x32x128xf32, #tpu.memory_space<vmem>>
        %dma_start3A_2164 = tpu.memref_squeeze %dma_start3A_2163 : memref<1x32x128xf32, #tpu.memory_space<vmem>> -> memref<32x128xf32, #tpu.memory_space<vmem>>
        %dma_start3A_2165 = arith.constant 0 : i32
        %dma_start3A_2166 = tpu.memref_slice %arg6[%dma_start3A_2165, %multiple_of3A_2129] : memref<32x1000000xf32, #tpu.memory_space<hbm>> -> memref<32x128xf32, #tpu.memory_space<hbm>>
        tpu.enqueue_dma source(%dma_start3A_2166 : memref<32x128xf32, #tpu.memory_space<hbm>>) target(%dma_start3A_2164 : memref<32x128xf32, #tpu.memory_space<vmem>>) target_semaphore(%dma_start3A_2160 : memref<!tpu.dma_semaphore, #tpu.memory_space<semaphore_mem>>)
        %dma_start3A_2167 = arith.constant 5 : i32
        %dma_start3A_2168 = arith.constant 5 : i32
        %dma_start3A_2169 = arith.constant 0 : i32
        %dma_start3A_2170 = arith.constant 0 : i32
        %dma_start3A_2171 = tpu.memref_slice %arg14[%dma_start3A_2167, %dma_start3A_2169, %dma_start3A_2170] : memref<8x32x128xf32, #tpu.memory_space<vmem>> -> memref<1x32x128xf32, #tpu.memory_space<vmem>>
        %dma_start3A_2172 = tpu.memref_squeeze %dma_start3A_2171 : memref<1x32x128xf32, #tpu.memory_space<vmem>> -> memref<32x128xf32, #tpu.memory_space<vmem>>
        %dma_start3A_2173 = arith.constant 0 : i32
        %dma_start3A_2174 = tpu.memref_slice %arg6[%dma_start3A_2173, %multiple_of3A_2134] : memref<32x1000000xf32, #tpu.memory_space<hbm>> -> memref<32x128xf32, #tpu.memory_space<hbm>>
        %dma_start3A_2175 = tpu.memref_slice %arg17[%dma_start3A_2168] : memref<8x!tpu.dma_semaphore, #tpu.memory_space<semaphore_mem>> -> memref<1x!tpu.dma_semaphore, #tpu.memory_space<semaphore_mem>>
        %dma_start3A_2176 = tpu.memref_squeeze %dma_start3A_2175 : memref<1x!tpu.dma_semaphore, #tpu.memory_space<semaphore_mem>> -> memref<!tpu.dma_semaphore, #tpu.memory_space<semaphore_mem>>
        %dma_start3A_2177 = arith.constant 0 : i32
        %dma_start3A_2178 = arith.constant 0 : i32
        %dma_start3A_2179 = tpu.memref_slice %arg14[%dma_start3A_2167, %dma_start3A_2177, %dma_start3A_2178] : memref<8x32x128xf32, #tpu.memory_space<vmem>> -> memref<1x32x128xf32, #tpu.memory_space<vmem>>
        %dma_start3A_2180 = tpu.memref_squeeze %dma_start3A_2179 : memref<1x32x128xf32, #tpu.memory_space<vmem>> -> memref<32x128xf32, #tpu.memory_space<vmem>>
        %dma_start3A_2181 = arith.constant 0 : i32
        %dma_start3A_2182 = tpu.memref_slice %arg6[%dma_start3A_2181, %multiple_of3A_2134] : memref<32x1000000xf32, #tpu.memory_space<hbm>> -> memref<32x128xf32, #tpu.memory_space<hbm>>
        tpu.enqueue_dma source(%dma_start3A_2182 : memref<32x128xf32, #tpu.memory_space<hbm>>) target(%dma_start3A_2180 : memref<32x128xf32, #tpu.memory_space<vmem>>) target_semaphore(%dma_start3A_2176 : memref<!tpu.dma_semaphore, #tpu.memory_space<semaphore_mem>>)
      } else {
      }
      %mul3A_1749 = arith.constant 8 : i32
      %mul3A_1750 = arith.muli %scan3A_779, %mul3A_1749 : i32
      %add3A_1751 = arith.constant 6 : i32
      %add3A_1752 = arith.addi %mul3A_1750, %add3A_1751 : i32
      %dma_wait3A_1753 = arith.constant 6 : i32
      %dma_wait3A_1754 = arith.constant 6 : i32
      %dma_wait3A_1755 = arith.constant 0 : i32
      %dma_wait3A_1756 = arith.constant 0 : i32
      %dma_wait3A_1757 = tpu.memref_slice %arg12[%dma_wait3A_1753, %dma_wait3A_1755, %dma_wait3A_1756] : memref<8x32x128xf32, #tpu.memory_space<vmem>> -> memref<1x32x128xf32, #tpu.memory_space<vmem>>
      %dma_wait3A_1758 = tpu.memref_squeeze %dma_wait3A_1757 : memref<1x32x128xf32, #tpu.memory_space<vmem>> -> memref<32x128xf32, #tpu.memory_space<vmem>>
      %dma_wait3A_1759 = arith.constant 0 : i32
      %dma_wait3A_1760 = arith.constant 0 : i32
      %dma_wait3A_1761 = tpu.memref_slice %arg5[%dma_wait3A_1759, %dma_wait3A_1760] : memref<32x1000000xf32, #tpu.memory_space<hbm>> -> memref<32x128xf32, #tpu.memory_space<hbm>>
      %dma_wait3A_1762 = tpu.memref_slice %arg17[%dma_wait3A_1754] : memref<8x!tpu.dma_semaphore, #tpu.memory_space<semaphore_mem>> -> memref<1x!tpu.dma_semaphore, #tpu.memory_space<semaphore_mem>>
      %dma_wait3A_1763 = tpu.memref_squeeze %dma_wait3A_1762 : memref<1x!tpu.dma_semaphore, #tpu.memory_space<semaphore_mem>> -> memref<!tpu.dma_semaphore, #tpu.memory_space<semaphore_mem>>
      %dma_wait3A_1764 = arith.constant 0 : i32
      %dma_wait3A_1765 = arith.constant 0 : i32
      %dma_wait3A_1766 = tpu.memref_slice %arg12[%dma_wait3A_1753, %dma_wait3A_1764, %dma_wait3A_1765] : memref<8x32x128xf32, #tpu.memory_space<vmem>> -> memref<1x32x128xf32, #tpu.memory_space<vmem>>
      %dma_wait3A_1767 = tpu.memref_squeeze %dma_wait3A_1766 : memref<1x32x128xf32, #tpu.memory_space<vmem>> -> memref<32x128xf32, #tpu.memory_space<vmem>>
      %dma_wait3A_1768 = arith.constant 0 : i32
      %dma_wait3A_1769 = arith.constant 0 : i32
      %dma_wait3A_1770 = tpu.memref_slice %arg5[%dma_wait3A_1768, %dma_wait3A_1769] : memref<32x1000000xf32, #tpu.memory_space<hbm>> -> memref<32x128xf32, #tpu.memory_space<hbm>>
      tpu.wait_dma2 semaphore(%dma_wait3A_1763 : memref<!tpu.dma_semaphore, #tpu.memory_space<semaphore_mem>>) src(%dma_wait3A_1770 : memref<32x128xf32, #tpu.memory_space<hbm>>) dst(%dma_wait3A_1767 : memref<32x128xf32, #tpu.memory_space<vmem>>)
      %dma_wait3A_1771 = arith.constant 6 : i32
      %dma_wait3A_1772 = arith.constant 6 : i32
      %dma_wait3A_1773 = arith.constant 0 : i32
      %dma_wait3A_1774 = arith.constant 0 : i32
      %dma_wait3A_1775 = tpu.memref_slice %arg13[%dma_wait3A_1771, %dma_wait3A_1773, %dma_wait3A_1774] : memref<8x32x128xf32, #tpu.memory_space<vmem>> -> memref<1x32x128xf32, #tpu.memory_space<vmem>>
      %dma_wait3A_1776 = tpu.memref_squeeze %dma_wait3A_1775 : memref<1x32x128xf32, #tpu.memory_space<vmem>> -> memref<32x128xf32, #tpu.memory_space<vmem>>
      %dma_wait3A_1777 = arith.constant 0 : i32
      %dma_wait3A_1778 = arith.constant 0 : i32
      %dma_wait3A_1779 = tpu.memref_slice %arg5[%dma_wait3A_1777, %dma_wait3A_1778] : memref<32x1000000xf32, #tpu.memory_space<hbm>> -> memref<32x128xf32, #tpu.memory_space<hbm>>
      %dma_wait3A_1780 = tpu.memref_slice %arg17[%dma_wait3A_1772] : memref<8x!tpu.dma_semaphore, #tpu.memory_space<semaphore_mem>> -> memref<1x!tpu.dma_semaphore, #tpu.memory_space<semaphore_mem>>
      %dma_wait3A_1781 = tpu.memref_squeeze %dma_wait3A_1780 : memref<1x!tpu.dma_semaphore, #tpu.memory_space<semaphore_mem>> -> memref<!tpu.dma_semaphore, #tpu.memory_space<semaphore_mem>>
      %dma_wait3A_1782 = arith.constant 0 : i32
      %dma_wait3A_1783 = arith.constant 0 : i32
      %dma_wait3A_1784 = tpu.memref_slice %arg13[%dma_wait3A_1771, %dma_wait3A_1782, %dma_wait3A_1783] : memref<8x32x128xf32, #tpu.memory_space<vmem>> -> memref<1x32x128xf32, #tpu.memory_space<vmem>>
      %dma_wait3A_1785 = tpu.memref_squeeze %dma_wait3A_1784 : memref<1x32x128xf32, #tpu.memory_space<vmem>> -> memref<32x128xf32, #tpu.memory_space<vmem>>
      %dma_wait3A_1786 = arith.constant 0 : i32
      %dma_wait3A_1787 = arith.constant 0 : i32
      %dma_wait3A_1788 = tpu.memref_slice %arg5[%dma_wait3A_1786, %dma_wait3A_1787] : memref<32x1000000xf32, #tpu.memory_space<hbm>> -> memref<32x128xf32, #tpu.memory_space<hbm>>
      tpu.wait_dma2 semaphore(%dma_wait3A_1781 : memref<!tpu.dma_semaphore, #tpu.memory_space<semaphore_mem>>) src(%dma_wait3A_1788 : memref<32x128xf32, #tpu.memory_space<hbm>>) dst(%dma_wait3A_1785 : memref<32x128xf32, #tpu.memory_space<vmem>>)
      %dma_wait3A_1789 = arith.constant 6 : i32
      %dma_wait3A_1790 = arith.constant 6 : i32
      %dma_wait3A_1791 = arith.constant 0 : i32
      %dma_wait3A_1792 = arith.constant 0 : i32
      %dma_wait3A_1793 = tpu.memref_slice %arg14[%dma_wait3A_1789, %dma_wait3A_1791, %dma_wait3A_1792] : memref<8x32x128xf32, #tpu.memory_space<vmem>> -> memref<1x32x128xf32, #tpu.memory_space<vmem>>
      %dma_wait3A_1794 = tpu.memref_squeeze %dma_wait3A_1793 : memref<1x32x128xf32, #tpu.memory_space<vmem>> -> memref<32x128xf32, #tpu.memory_space<vmem>>
      %dma_wait3A_1795 = arith.constant 0 : i32
      %dma_wait3A_1796 = arith.constant 0 : i32
      %dma_wait3A_1797 = tpu.memref_slice %arg5[%dma_wait3A_1795, %dma_wait3A_1796] : memref<32x1000000xf32, #tpu.memory_space<hbm>> -> memref<32x128xf32, #tpu.memory_space<hbm>>
      %dma_wait3A_1798 = tpu.memref_slice %arg17[%dma_wait3A_1790] : memref<8x!tpu.dma_semaphore, #tpu.memory_space<semaphore_mem>> -> memref<1x!tpu.dma_semaphore, #tpu.memory_space<semaphore_mem>>
      %dma_wait3A_1799 = tpu.memref_squeeze %dma_wait3A_1798 : memref<1x!tpu.dma_semaphore, #tpu.memory_space<semaphore_mem>> -> memref<!tpu.dma_semaphore, #tpu.memory_space<semaphore_mem>>
      %dma_wait3A_1800 = arith.constant 0 : i32
      %dma_wait3A_1801 = arith.constant 0 : i32
      %dma_wait3A_1802 = tpu.memref_slice %arg14[%dma_wait3A_1789, %dma_wait3A_1800, %dma_wait3A_1801] : memref<8x32x128xf32, #tpu.memory_space<vmem>> -> memref<1x32x128xf32, #tpu.memory_space<vmem>>
      %dma_wait3A_1803 = tpu.memref_squeeze %dma_wait3A_1802 : memref<1x32x128xf32, #tpu.memory_space<vmem>> -> memref<32x128xf32, #tpu.memory_space<vmem>>
      %dma_wait3A_1804 = arith.constant 0 : i32
      %dma_wait3A_1805 = arith.constant 0 : i32
      %dma_wait3A_1806 = tpu.memref_slice %arg5[%dma_wait3A_1804, %dma_wait3A_1805] : memref<32x1000000xf32, #tpu.memory_space<hbm>> -> memref<32x128xf32, #tpu.memory_space<hbm>>
      tpu.wait_dma2 semaphore(%dma_wait3A_1799 : memref<!tpu.dma_semaphore, #tpu.memory_space<semaphore_mem>>) src(%dma_wait3A_1806 : memref<32x128xf32, #tpu.memory_space<hbm>>) dst(%dma_wait3A_1803 : memref<32x128xf32, #tpu.memory_space<vmem>>)
      %shift_right_logical3A_1807 = arith.constant 4 : i32
      %shift_right_logical3A_1808 = arith.shrui %add3A_1752, %shift_right_logical3A_1807 : i32
      %shift_left3A_1809 = arith.constant 4 : i32
      %shift_left3A_1810 = arith.shli %shift_right_logical3A_1808, %shift_left3A_1809 : i32
      %multiple_of3A_1811 = tpu.assume_multiple %shift_left3A_1810, 16 : i32
      %and3A_1812 = arith.constant 15 : i32
      %and3A_1813 = arith.andi %add3A_1752, %and3A_1812 : i32
      %eq3A_1814 = vector.broadcast %and3A_1813 : i32 to vector<16xi32>
      %eq3A_1815 = arith.cmpi eq, %iota3A, %eq3A_1814 : vector<16xi32>
      %broadcast_in_dim3A_1816 = arith.constant 0 : i32
      %broadcast_in_dim3A_1817 = vector.broadcast %broadcast_in_dim3A_1816 : i32 to vector<16xi32>
      %get3A_1818 = arith.index_cast %multiple_of3A_1811 : i32 to index
      %get3A_1819 = tpu.vector_load %arg9[%get3A_1818] {strides = array<i32>} : memref<512xi32, #tpu.memory_space<vmem>>, vector<16xi32>,
      %select_n3A_1820 = arith.select %eq3A_1815, %get3A_1819, %broadcast_in_dim3A_1817 : vector<16xi1>, vector<16xi32>
      %reduce_sum3A_1821 = arith.constant true
      %reduce_sum3A_1822 = vector.broadcast %reduce_sum3A_1821 : i1 to vector<16xi1>
      %reduce_sum3A_1823 = tpu.scan <sum>, %select_n3A_1820 masked %reduce_sum3A_1822 : vector<16xi32>, vector<16xi1> -> vector<16xi32>
      %reduce_sum3A_1824 = vector.extract %reduce_sum3A_1823[15] : i32 from vector<16xi32>
      %get3A_1825 = arith.index_cast %multiple_of3A_1811 : i32 to index
      %get3A_1826 = tpu.vector_load %arg10[%get3A_1825] {strides = array<i32>} : memref<512xi32, #tpu.memory_space<vmem>>, vector<16xi32>,
      %select_n3A_1827 = arith.select %eq3A_1815, %get3A_1826, %broadcast_in_dim3A_1817 : vector<16xi1>, vector<16xi32>
      %reduce_sum3A_1828 = arith.constant true
      %reduce_sum3A_1829 = vector.broadcast %reduce_sum3A_1828 : i1 to vector<16xi1>
      %reduce_sum3A_1830 = tpu.scan <sum>, %select_n3A_1827 masked %reduce_sum3A_1829 : vector<16xi32>, vector<16xi1> -> vector<16xi32>
      %reduce_sum3A_1831 = vector.extract %reduce_sum3A_1830[15] : i32 from vector<16xi32>
      %get3A_1832 = arith.index_cast %multiple_of3A_1811 : i32 to index
      %get3A_1833 = tpu.vector_load %arg11[%get3A_1832] {strides = array<i32>} : memref<512xi32, #tpu.memory_space<vmem>>, vector<16xi32>,
      %select_n3A_1834 = arith.select %eq3A_1815, %get3A_1833, %broadcast_in_dim3A_1817 : vector<16xi1>, vector<16xi32>
      %reduce_sum3A_1835 = arith.constant true
      %reduce_sum3A_1836 = vector.broadcast %reduce_sum3A_1835 : i1 to vector<16xi1>
      %reduce_sum3A_1837 = tpu.scan <sum>, %select_n3A_1834 masked %reduce_sum3A_1836 : vector<16xi32>, vector<16xi1> -> vector<16xi32>
      %reduce_sum3A_1838 = vector.extract %reduce_sum3A_1837[15] : i32 from vector<16xi32>
      %and3A_1839 = arith.constant 127 : i32
      %and3A_1840 = arith.andi %reduce_sum3A_1824, %and3A_1839 : i32
      %broadcast_in_dim3A_1841 = vector.broadcast %and3A_1840 : i32 to vector<16xi32>
      %and3A_1842 = arith.constant 127 : i32
      %and3A_1843 = arith.andi %reduce_sum3A_1831, %and3A_1842 : i32
      %broadcast_in_dim3A_1844 = vector.broadcast %and3A_1843 : i32 to vector<16xi32>
      %and3A_1845 = arith.constant 127 : i32
      %and3A_1846 = arith.andi %reduce_sum3A_1838, %and3A_1845 : i32
      %broadcast_in_dim3A_1847 = vector.broadcast %and3A_1846 : i32 to vector<16xi32>
      %gather3A_1848 = arith.constant 6 : i32
      %gather3A_1849 = arith.constant 0 : i32
      %gather3A_1850 = arith.constant 0 : i32
      %gather3A_1851 = tpu.memref_slice %arg12[%gather3A_1848, %gather3A_1849, %gather3A_1850] : memref<8x32x128xf32, #tpu.memory_space<vmem>> -> memref<1x32x128xf32, #tpu.memory_space<vmem>>
      %gather3A_1852 = tpu.memref_squeeze %gather3A_1851 : memref<1x32x128xf32, #tpu.memory_space<vmem>> -> memref<32x128xf32, #tpu.memory_space<vmem>>
      %gather3A_1853 = tpu.vector_load_idx %gather3A_1852[%iota3A, %broadcast_in_dim3A_1841] : memref<32x128xf32, #tpu.memory_space<vmem>>[vector<16xi32>, vector<16xi32>], vector<16xf32>,
      %gather3A_1854 = arith.constant 6 : i32
      %gather3A_1855 = arith.constant 0 : i32
      %gather3A_1856 = arith.constant 0 : i32
      %gather3A_1857 = tpu.memref_slice %arg12[%gather3A_1854, %gather3A_1855, %gather3A_1856] : memref<8x32x128xf32, #tpu.memory_space<vmem>> -> memref<1x32x128xf32, #tpu.memory_space<vmem>>
      %gather3A_1858 = tpu.memref_squeeze %gather3A_1857 : memref<1x32x128xf32, #tpu.memory_space<vmem>> -> memref<32x128xf32, #tpu.memory_space<vmem>>
      %gather3A_1859 = tpu.vector_load_idx %gather3A_1858[%add3A_5, %broadcast_in_dim3A_1841] : memref<32x128xf32, #tpu.memory_space<vmem>>[vector<16xi32>, vector<16xi32>], vector<16xf32>,
      %gather3A_1860 = arith.constant 6 : i32
      %gather3A_1861 = arith.constant 0 : i32
      %gather3A_1862 = arith.constant 0 : i32
      %gather3A_1863 = tpu.memref_slice %arg13[%gather3A_1860, %gather3A_1861, %gather3A_1862] : memref<8x32x128xf32, #tpu.memory_space<vmem>> -> memref<1x32x128xf32, #tpu.memory_space<vmem>>
      %gather3A_1864 = tpu.memref_squeeze %gather3A_1863 : memref<1x32x128xf32, #tpu.memory_space<vmem>> -> memref<32x128xf32, #tpu.memory_space<vmem>>
      %gather3A_1865 = tpu.vector_load_idx %gather3A_1864[%iota3A, %broadcast_in_dim3A_1844] : memref<32x128xf32, #tpu.memory_space<vmem>>[vector<16xi32>, vector<16xi32>], vector<16xf32>,
      %gather3A_1866 = arith.constant 6 : i32
      %gather3A_1867 = arith.constant 0 : i32
      %gather3A_1868 = arith.constant 0 : i32
      %gather3A_1869 = tpu.memref_slice %arg13[%gather3A_1866, %gather3A_1867, %gather3A_1868] : memref<8x32x128xf32, #tpu.memory_space<vmem>> -> memref<1x32x128xf32, #tpu.memory_space<vmem>>
      %gather3A_1870 = tpu.memref_squeeze %gather3A_1869 : memref<1x32x128xf32, #tpu.memory_space<vmem>> -> memref<32x128xf32, #tpu.memory_space<vmem>>
      %gather3A_1871 = tpu.vector_load_idx %gather3A_1870[%add3A_5, %broadcast_in_dim3A_1844] : memref<32x128xf32, #tpu.memory_space<vmem>>[vector<16xi32>, vector<16xi32>], vector<16xf32>,
      %gather3A_1872 = arith.constant 6 : i32
      %gather3A_1873 = arith.constant 0 : i32
      %gather3A_1874 = arith.constant 0 : i32
      %gather3A_1875 = tpu.memref_slice %arg14[%gather3A_1872, %gather3A_1873, %gather3A_1874] : memref<8x32x128xf32, #tpu.memory_space<vmem>> -> memref<1x32x128xf32, #tpu.memory_space<vmem>>
      %gather3A_1876 = tpu.memref_squeeze %gather3A_1875 : memref<1x32x128xf32, #tpu.memory_space<vmem>> -> memref<32x128xf32, #tpu.memory_space<vmem>>
      %gather3A_1877 = tpu.vector_load_idx %gather3A_1876[%iota3A, %broadcast_in_dim3A_1847] : memref<32x128xf32, #tpu.memory_space<vmem>>[vector<16xi32>, vector<16xi32>], vector<16xf32>,
      %gather3A_1878 = arith.constant 6 : i32
      %gather3A_1879 = arith.constant 0 : i32
      %gather3A_1880 = arith.constant 0 : i32
      %gather3A_1881 = tpu.memref_slice %arg14[%gather3A_1878, %gather3A_1879, %gather3A_1880] : memref<8x32x128xf32, #tpu.memory_space<vmem>> -> memref<1x32x128xf32, #tpu.memory_space<vmem>>
      %gather3A_1882 = tpu.memref_squeeze %gather3A_1881 : memref<1x32x128xf32, #tpu.memory_space<vmem>> -> memref<32x128xf32, #tpu.memory_space<vmem>>
      %gather3A_1883 = tpu.vector_load_idx %gather3A_1882[%add3A_5, %broadcast_in_dim3A_1847] : memref<32x128xf32, #tpu.memory_space<vmem>>[vector<16xi32>, vector<16xi32>], vector<16xf32>,
      %mul3A_1884 = arith.mulf %gather3A_1853, %gather3A_1865 : vector<16xf32>
      %mul3A_1885 = arith.mulf %gather3A_1859, %gather3A_1871 : vector<16xf32>
      %add3A_1886 = arith.addf %mul3A_1884, %mul3A_1885 : vector<16xf32>
      %reduce_sum3A_1887 = arith.constant true
      %reduce_sum3A_1888 = vector.broadcast %reduce_sum3A_1887 : i1 to vector<16xi1>
      %reduce_sum3A_1889 = tpu.scan <sum>, %add3A_1886 masked %reduce_sum3A_1888 : vector<16xf32>, vector<16xi1> -> vector<16xf32>
      %reduce_sum3A_1890 = vector.extract %reduce_sum3A_1889[15] : f32 from vector<16xf32>
      %mul3A_1891 = arith.mulf %gather3A_1853, %gather3A_1877 : vector<16xf32>
      %mul3A_1892 = arith.mulf %gather3A_1859, %gather3A_1883 : vector<16xf32>
      %add3A_1893 = arith.addf %mul3A_1891, %mul3A_1892 : vector<16xf32>
      %reduce_sum3A_1894 = arith.constant true
      %reduce_sum3A_1895 = vector.broadcast %reduce_sum3A_1894 : i1 to vector<16xi1>
      %reduce_sum3A_1896 = tpu.scan <sum>, %add3A_1893 masked %reduce_sum3A_1895 : vector<16xf32>, vector<16xi1> -> vector<16xf32>
      %reduce_sum3A_1897 = vector.extract %reduce_sum3A_1896[15] : f32 from vector<16xf32>
      %and3A_1898 = arith.constant 15 : i32
      %and3A_1899 = arith.andi %add3A_1752, %and3A_1898 : i32
      %eq3A_1900 = vector.broadcast %and3A_1899 : i32 to vector<16xi32>
      %eq3A_1901 = arith.cmpi eq, %iota3A, %eq3A_1900 : vector<16xi32>
      %broadcast_in_dim3A_1902 = vector.broadcast %reduce_sum3A_1890 : f32 to vector<16xf32>
      %select_n3A_1903 = arith.select %eq3A_1901, %broadcast_in_dim3A_1902, %select_n3A_1741 : vector<16xi1>, vector<16xf32>
      %broadcast_in_dim3A_1904 = vector.broadcast %reduce_sum3A_1897 : f32 to vector<16xf32>
      %select_n3A_1905 = arith.select %eq3A_1901, %broadcast_in_dim3A_1904, %select_n3A_1743 : vector<16xi1>, vector<16xf32>
      %lt3A_1906 = arith.constant 63 : i32
      %lt3A_1907 = arith.cmpi slt, %scan3A_779, %lt3A_1906 : i32
      %convert_element_type3A_1908 = arith.extui %lt3A_1907 : i1 to i32
      %cond3A_1909 = arith.constant 0 : i32
      %cond3A_1910 = arith.cmpi ne, %convert_element_type3A_1908, %cond3A_1909 : i32
      scf.if %cond3A_1910 {
        %add3A_2086 = arith.constant 8 : i32
        %add3A_2087 = arith.addi %add3A_1752, %add3A_2086 : i32
        %shift_right_logical3A_2088 = arith.constant 4 : i32
        %shift_right_logical3A_2089 = arith.shrui %add3A_2087, %shift_right_logical3A_2088 : i32
        %shift_left3A_2090 = arith.constant 4 : i32
        %shift_left3A_2091 = arith.shli %shift_right_logical3A_2089, %shift_left3A_2090 : i32
        %multiple_of3A_2092 = tpu.assume_multiple %shift_left3A_2091, 16 : i32
        %and3A_2093 = arith.constant 15 : i32
        %and3A_2094 = arith.andi %add3A_2087, %and3A_2093 : i32
        %eq3A_2095 = vector.broadcast %and3A_2094 : i32 to vector<16xi32>
        %eq3A_2096 = arith.cmpi eq, %iota3A, %eq3A_2095 : vector<16xi32>
        %broadcast_in_dim3A_2097 = arith.constant 0 : i32
        %broadcast_in_dim3A_2098 = vector.broadcast %broadcast_in_dim3A_2097 : i32 to vector<16xi32>
        %get3A_2099 = arith.index_cast %multiple_of3A_2092 : i32 to index
        %get3A_2100 = tpu.vector_load %arg9[%get3A_2099] {strides = array<i32>} : memref<512xi32, #tpu.memory_space<vmem>>, vector<16xi32>,
        %select_n3A_2101 = arith.select %eq3A_2096, %get3A_2100, %broadcast_in_dim3A_2098 : vector<16xi1>, vector<16xi32>
        %reduce_sum3A_2102 = arith.constant true
        %reduce_sum3A_2103 = vector.broadcast %reduce_sum3A_2102 : i1 to vector<16xi1>
        %reduce_sum3A_2104 = tpu.scan <sum>, %select_n3A_2101 masked %reduce_sum3A_2103 : vector<16xi32>, vector<16xi1> -> vector<16xi32>
        %reduce_sum3A_2105 = vector.extract %reduce_sum3A_2104[15] : i32 from vector<16xi32>
        %get3A_2106 = arith.index_cast %multiple_of3A_2092 : i32 to index
        %get3A_2107 = tpu.vector_load %arg10[%get3A_2106] {strides = array<i32>} : memref<512xi32, #tpu.memory_space<vmem>>, vector<16xi32>,
        %select_n3A_2108 = arith.select %eq3A_2096, %get3A_2107, %broadcast_in_dim3A_2098 : vector<16xi1>, vector<16xi32>
        %reduce_sum3A_2109 = arith.constant true
        %reduce_sum3A_2110 = vector.broadcast %reduce_sum3A_2109 : i1 to vector<16xi1>
        %reduce_sum3A_2111 = tpu.scan <sum>, %select_n3A_2108 masked %reduce_sum3A_2110 : vector<16xi32>, vector<16xi1> -> vector<16xi32>
        %reduce_sum3A_2112 = vector.extract %reduce_sum3A_2111[15] : i32 from vector<16xi32>
        %get3A_2113 = arith.index_cast %multiple_of3A_2092 : i32 to index
        %get3A_2114 = tpu.vector_load %arg11[%get3A_2113] {strides = array<i32>} : memref<512xi32, #tpu.memory_space<vmem>>, vector<16xi32>,
        %select_n3A_2115 = arith.select %eq3A_2096, %get3A_2114, %broadcast_in_dim3A_2098 : vector<16xi1>, vector<16xi32>
        %reduce_sum3A_2116 = arith.constant true
        %reduce_sum3A_2117 = vector.broadcast %reduce_sum3A_2116 : i1 to vector<16xi1>
        %reduce_sum3A_2118 = tpu.scan <sum>, %select_n3A_2115 masked %reduce_sum3A_2117 : vector<16xi32>, vector<16xi1> -> vector<16xi32>
        %reduce_sum3A_2119 = vector.extract %reduce_sum3A_2118[15] : i32 from vector<16xi32>
        %shift_right_logical3A_2120 = arith.constant 7 : i32
        %shift_right_logical3A_2121 = arith.shrui %reduce_sum3A_2105, %shift_right_logical3A_2120 : i32
        %shift_left3A_2122 = arith.constant 7 : i32
        %shift_left3A_2123 = arith.shli %shift_right_logical3A_2121, %shift_left3A_2122 : i32
        %multiple_of3A_2124 = tpu.assume_multiple %shift_left3A_2123, 128 : i32
        %shift_right_logical3A_2125 = arith.constant 7 : i32
        %shift_right_logical3A_2126 = arith.shrui %reduce_sum3A_2112, %shift_right_logical3A_2125 : i32
        %shift_left3A_2127 = arith.constant 7 : i32
        %shift_left3A_2128 = arith.shli %shift_right_logical3A_2126, %shift_left3A_2127 : i32
        %multiple_of3A_2129 = tpu.assume_multiple %shift_left3A_2128, 128 : i32
        %shift_right_logical3A_2130 = arith.constant 7 : i32
        %shift_right_logical3A_2131 = arith.shrui %reduce_sum3A_2119, %shift_right_logical3A_2130 : i32
        %shift_left3A_2132 = arith.constant 7 : i32
        %shift_left3A_2133 = arith.shli %shift_right_logical3A_2131, %shift_left3A_2132 : i32
        %multiple_of3A_2134 = tpu.assume_multiple %shift_left3A_2133, 128 : i32
        %dma_start3A_2135 = arith.constant 6 : i32
        %dma_start3A_2136 = arith.constant 6 : i32
        %dma_start3A_2137 = arith.constant 0 : i32
        %dma_start3A_2138 = arith.constant 0 : i32
        %dma_start3A_2139 = tpu.memref_slice %arg12[%dma_start3A_2135, %dma_start3A_2137, %dma_start3A_2138] : memref<8x32x128xf32, #tpu.memory_space<vmem>> -> memref<1x32x128xf32, #tpu.memory_space<vmem>>
        %dma_start3A_2140 = tpu.memref_squeeze %dma_start3A_2139 : memref<1x32x128xf32, #tpu.memory_space<vmem>> -> memref<32x128xf32, #tpu.memory_space<vmem>>
        %dma_start3A_2141 = arith.constant 0 : i32
        %dma_start3A_2142 = tpu.memref_slice %arg5[%dma_start3A_2141, %multiple_of3A_2124] : memref<32x1000000xf32, #tpu.memory_space<hbm>> -> memref<32x128xf32, #tpu.memory_space<hbm>>
        %dma_start3A_2143 = tpu.memref_slice %arg17[%dma_start3A_2136] : memref<8x!tpu.dma_semaphore, #tpu.memory_space<semaphore_mem>> -> memref<1x!tpu.dma_semaphore, #tpu.memory_space<semaphore_mem>>
        %dma_start3A_2144 = tpu.memref_squeeze %dma_start3A_2143 : memref<1x!tpu.dma_semaphore, #tpu.memory_space<semaphore_mem>> -> memref<!tpu.dma_semaphore, #tpu.memory_space<semaphore_mem>>
        %dma_start3A_2145 = arith.constant 0 : i32
        %dma_start3A_2146 = arith.constant 0 : i32
        %dma_start3A_2147 = tpu.memref_slice %arg12[%dma_start3A_2135, %dma_start3A_2145, %dma_start3A_2146] : memref<8x32x128xf32, #tpu.memory_space<vmem>> -> memref<1x32x128xf32, #tpu.memory_space<vmem>>
        %dma_start3A_2148 = tpu.memref_squeeze %dma_start3A_2147 : memref<1x32x128xf32, #tpu.memory_space<vmem>> -> memref<32x128xf32, #tpu.memory_space<vmem>>
        %dma_start3A_2149 = arith.constant 0 : i32
        %dma_start3A_2150 = tpu.memref_slice %arg5[%dma_start3A_2149, %multiple_of3A_2124] : memref<32x1000000xf32, #tpu.memory_space<hbm>> -> memref<32x128xf32, #tpu.memory_space<hbm>>
        tpu.enqueue_dma source(%dma_start3A_2150 : memref<32x128xf32, #tpu.memory_space<hbm>>) target(%dma_start3A_2148 : memref<32x128xf32, #tpu.memory_space<vmem>>) target_semaphore(%dma_start3A_2144 : memref<!tpu.dma_semaphore, #tpu.memory_space<semaphore_mem>>)
        %dma_start3A_2151 = arith.constant 6 : i32
        %dma_start3A_2152 = arith.constant 6 : i32
        %dma_start3A_2153 = arith.constant 0 : i32
        %dma_start3A_2154 = arith.constant 0 : i32
        %dma_start3A_2155 = tpu.memref_slice %arg13[%dma_start3A_2151, %dma_start3A_2153, %dma_start3A_2154] : memref<8x32x128xf32, #tpu.memory_space<vmem>> -> memref<1x32x128xf32, #tpu.memory_space<vmem>>
        %dma_start3A_2156 = tpu.memref_squeeze %dma_start3A_2155 : memref<1x32x128xf32, #tpu.memory_space<vmem>> -> memref<32x128xf32, #tpu.memory_space<vmem>>
        %dma_start3A_2157 = arith.constant 0 : i32
        %dma_start3A_2158 = tpu.memref_slice %arg6[%dma_start3A_2157, %multiple_of3A_2129] : memref<32x1000000xf32, #tpu.memory_space<hbm>> -> memref<32x128xf32, #tpu.memory_space<hbm>>
        %dma_start3A_2159 = tpu.memref_slice %arg17[%dma_start3A_2152] : memref<8x!tpu.dma_semaphore, #tpu.memory_space<semaphore_mem>> -> memref<1x!tpu.dma_semaphore, #tpu.memory_space<semaphore_mem>>
        %dma_start3A_2160 = tpu.memref_squeeze %dma_start3A_2159 : memref<1x!tpu.dma_semaphore, #tpu.memory_space<semaphore_mem>> -> memref<!tpu.dma_semaphore, #tpu.memory_space<semaphore_mem>>
        %dma_start3A_2161 = arith.constant 0 : i32
        %dma_start3A_2162 = arith.constant 0 : i32
        %dma_start3A_2163 = tpu.memref_slice %arg13[%dma_start3A_2151, %dma_start3A_2161, %dma_start3A_2162] : memref<8x32x128xf32, #tpu.memory_space<vmem>> -> memref<1x32x128xf32, #tpu.memory_space<vmem>>
        %dma_start3A_2164 = tpu.memref_squeeze %dma_start3A_2163 : memref<1x32x128xf32, #tpu.memory_space<vmem>> -> memref<32x128xf32, #tpu.memory_space<vmem>>
        %dma_start3A_2165 = arith.constant 0 : i32
        %dma_start3A_2166 = tpu.memref_slice %arg6[%dma_start3A_2165, %multiple_of3A_2129] : memref<32x1000000xf32, #tpu.memory_space<hbm>> -> memref<32x128xf32, #tpu.memory_space<hbm>>
        tpu.enqueue_dma source(%dma_start3A_2166 : memref<32x128xf32, #tpu.memory_space<hbm>>) target(%dma_start3A_2164 : memref<32x128xf32, #tpu.memory_space<vmem>>) target_semaphore(%dma_start3A_2160 : memref<!tpu.dma_semaphore, #tpu.memory_space<semaphore_mem>>)
        %dma_start3A_2167 = arith.constant 6 : i32
        %dma_start3A_2168 = arith.constant 6 : i32
        %dma_start3A_2169 = arith.constant 0 : i32
        %dma_start3A_2170 = arith.constant 0 : i32
        %dma_start3A_2171 = tpu.memref_slice %arg14[%dma_start3A_2167, %dma_start3A_2169, %dma_start3A_2170] : memref<8x32x128xf32, #tpu.memory_space<vmem>> -> memref<1x32x128xf32, #tpu.memory_space<vmem>>
        %dma_start3A_2172 = tpu.memref_squeeze %dma_start3A_2171 : memref<1x32x128xf32, #tpu.memory_space<vmem>> -> memref<32x128xf32, #tpu.memory_space<vmem>>
        %dma_start3A_2173 = arith.constant 0 : i32
        %dma_start3A_2174 = tpu.memref_slice %arg6[%dma_start3A_2173, %multiple_of3A_2134] : memref<32x1000000xf32, #tpu.memory_space<hbm>> -> memref<32x128xf32, #tpu.memory_space<hbm>>
        %dma_start3A_2175 = tpu.memref_slice %arg17[%dma_start3A_2168] : memref<8x!tpu.dma_semaphore, #tpu.memory_space<semaphore_mem>> -> memref<1x!tpu.dma_semaphore, #tpu.memory_space<semaphore_mem>>
        %dma_start3A_2176 = tpu.memref_squeeze %dma_start3A_2175 : memref<1x!tpu.dma_semaphore, #tpu.memory_space<semaphore_mem>> -> memref<!tpu.dma_semaphore, #tpu.memory_space<semaphore_mem>>
        %dma_start3A_2177 = arith.constant 0 : i32
        %dma_start3A_2178 = arith.constant 0 : i32
        %dma_start3A_2179 = tpu.memref_slice %arg14[%dma_start3A_2167, %dma_start3A_2177, %dma_start3A_2178] : memref<8x32x128xf32, #tpu.memory_space<vmem>> -> memref<1x32x128xf32, #tpu.memory_space<vmem>>
        %dma_start3A_2180 = tpu.memref_squeeze %dma_start3A_2179 : memref<1x32x128xf32, #tpu.memory_space<vmem>> -> memref<32x128xf32, #tpu.memory_space<vmem>>
        %dma_start3A_2181 = arith.constant 0 : i32
        %dma_start3A_2182 = tpu.memref_slice %arg6[%dma_start3A_2181, %multiple_of3A_2134] : memref<32x1000000xf32, #tpu.memory_space<hbm>> -> memref<32x128xf32, #tpu.memory_space<hbm>>
        tpu.enqueue_dma source(%dma_start3A_2182 : memref<32x128xf32, #tpu.memory_space<hbm>>) target(%dma_start3A_2180 : memref<32x128xf32, #tpu.memory_space<vmem>>) target_semaphore(%dma_start3A_2176 : memref<!tpu.dma_semaphore, #tpu.memory_space<semaphore_mem>>)
      } else {
      }
      %mul3A_1911 = arith.constant 8 : i32
      %mul3A_1912 = arith.muli %scan3A_779, %mul3A_1911 : i32
      %add3A_1913 = arith.constant 7 : i32
      %add3A_1914 = arith.addi %mul3A_1912, %add3A_1913 : i32
      %dma_wait3A_1915 = arith.constant 7 : i32
      %dma_wait3A_1916 = arith.constant 7 : i32
      %dma_wait3A_1917 = arith.constant 0 : i32
      %dma_wait3A_1918 = arith.constant 0 : i32
      %dma_wait3A_1919 = tpu.memref_slice %arg12[%dma_wait3A_1915, %dma_wait3A_1917, %dma_wait3A_1918] : memref<8x32x128xf32, #tpu.memory_space<vmem>> -> memref<1x32x128xf32, #tpu.memory_space<vmem>>
      %dma_wait3A_1920 = tpu.memref_squeeze %dma_wait3A_1919 : memref<1x32x128xf32, #tpu.memory_space<vmem>> -> memref<32x128xf32, #tpu.memory_space<vmem>>
      %dma_wait3A_1921 = arith.constant 0 : i32
      %dma_wait3A_1922 = arith.constant 0 : i32
      %dma_wait3A_1923 = tpu.memref_slice %arg5[%dma_wait3A_1921, %dma_wait3A_1922] : memref<32x1000000xf32, #tpu.memory_space<hbm>> -> memref<32x128xf32, #tpu.memory_space<hbm>>
      %dma_wait3A_1924 = tpu.memref_slice %arg17[%dma_wait3A_1916] : memref<8x!tpu.dma_semaphore, #tpu.memory_space<semaphore_mem>> -> memref<1x!tpu.dma_semaphore, #tpu.memory_space<semaphore_mem>>
      %dma_wait3A_1925 = tpu.memref_squeeze %dma_wait3A_1924 : memref<1x!tpu.dma_semaphore, #tpu.memory_space<semaphore_mem>> -> memref<!tpu.dma_semaphore, #tpu.memory_space<semaphore_mem>>
      %dma_wait3A_1926 = arith.constant 0 : i32
      %dma_wait3A_1927 = arith.constant 0 : i32
      %dma_wait3A_1928 = tpu.memref_slice %arg12[%dma_wait3A_1915, %dma_wait3A_1926, %dma_wait3A_1927] : memref<8x32x128xf32, #tpu.memory_space<vmem>> -> memref<1x32x128xf32, #tpu.memory_space<vmem>>
      %dma_wait3A_1929 = tpu.memref_squeeze %dma_wait3A_1928 : memref<1x32x128xf32, #tpu.memory_space<vmem>> -> memref<32x128xf32, #tpu.memory_space<vmem>>
      %dma_wait3A_1930 = arith.constant 0 : i32
      %dma_wait3A_1931 = arith.constant 0 : i32
      %dma_wait3A_1932 = tpu.memref_slice %arg5[%dma_wait3A_1930, %dma_wait3A_1931] : memref<32x1000000xf32, #tpu.memory_space<hbm>> -> memref<32x128xf32, #tpu.memory_space<hbm>>
      tpu.wait_dma2 semaphore(%dma_wait3A_1925 : memref<!tpu.dma_semaphore, #tpu.memory_space<semaphore_mem>>) src(%dma_wait3A_1932 : memref<32x128xf32, #tpu.memory_space<hbm>>) dst(%dma_wait3A_1929 : memref<32x128xf32, #tpu.memory_space<vmem>>)
      %dma_wait3A_1933 = arith.constant 7 : i32
      %dma_wait3A_1934 = arith.constant 7 : i32
      %dma_wait3A_1935 = arith.constant 0 : i32
      %dma_wait3A_1936 = arith.constant 0 : i32
      %dma_wait3A_1937 = tpu.memref_slice %arg13[%dma_wait3A_1933, %dma_wait3A_1935, %dma_wait3A_1936] : memref<8x32x128xf32, #tpu.memory_space<vmem>> -> memref<1x32x128xf32, #tpu.memory_space<vmem>>
      %dma_wait3A_1938 = tpu.memref_squeeze %dma_wait3A_1937 : memref<1x32x128xf32, #tpu.memory_space<vmem>> -> memref<32x128xf32, #tpu.memory_space<vmem>>
      %dma_wait3A_1939 = arith.constant 0 : i32
      %dma_wait3A_1940 = arith.constant 0 : i32
      %dma_wait3A_1941 = tpu.memref_slice %arg5[%dma_wait3A_1939, %dma_wait3A_1940] : memref<32x1000000xf32, #tpu.memory_space<hbm>> -> memref<32x128xf32, #tpu.memory_space<hbm>>
      %dma_wait3A_1942 = tpu.memref_slice %arg17[%dma_wait3A_1934] : memref<8x!tpu.dma_semaphore, #tpu.memory_space<semaphore_mem>> -> memref<1x!tpu.dma_semaphore, #tpu.memory_space<semaphore_mem>>
      %dma_wait3A_1943 = tpu.memref_squeeze %dma_wait3A_1942 : memref<1x!tpu.dma_semaphore, #tpu.memory_space<semaphore_mem>> -> memref<!tpu.dma_semaphore, #tpu.memory_space<semaphore_mem>>
      %dma_wait3A_1944 = arith.constant 0 : i32
      %dma_wait3A_1945 = arith.constant 0 : i32
      %dma_wait3A_1946 = tpu.memref_slice %arg13[%dma_wait3A_1933, %dma_wait3A_1944, %dma_wait3A_1945] : memref<8x32x128xf32, #tpu.memory_space<vmem>> -> memref<1x32x128xf32, #tpu.memory_space<vmem>>
      %dma_wait3A_1947 = tpu.memref_squeeze %dma_wait3A_1946 : memref<1x32x128xf32, #tpu.memory_space<vmem>> -> memref<32x128xf32, #tpu.memory_space<vmem>>
      %dma_wait3A_1948 = arith.constant 0 : i32
      %dma_wait3A_1949 = arith.constant 0 : i32
      %dma_wait3A_1950 = tpu.memref_slice %arg5[%dma_wait3A_1948, %dma_wait3A_1949] : memref<32x1000000xf32, #tpu.memory_space<hbm>> -> memref<32x128xf32, #tpu.memory_space<hbm>>
      tpu.wait_dma2 semaphore(%dma_wait3A_1943 : memref<!tpu.dma_semaphore, #tpu.memory_space<semaphore_mem>>) src(%dma_wait3A_1950 : memref<32x128xf32, #tpu.memory_space<hbm>>) dst(%dma_wait3A_1947 : memref<32x128xf32, #tpu.memory_space<vmem>>)
      %dma_wait3A_1951 = arith.constant 7 : i32
      %dma_wait3A_1952 = arith.constant 7 : i32
      %dma_wait3A_1953 = arith.constant 0 : i32
      %dma_wait3A_1954 = arith.constant 0 : i32
      %dma_wait3A_1955 = tpu.memref_slice %arg14[%dma_wait3A_1951, %dma_wait3A_1953, %dma_wait3A_1954] : memref<8x32x128xf32, #tpu.memory_space<vmem>> -> memref<1x32x128xf32, #tpu.memory_space<vmem>>
      %dma_wait3A_1956 = tpu.memref_squeeze %dma_wait3A_1955 : memref<1x32x128xf32, #tpu.memory_space<vmem>> -> memref<32x128xf32, #tpu.memory_space<vmem>>
      %dma_wait3A_1957 = arith.constant 0 : i32
      %dma_wait3A_1958 = arith.constant 0 : i32
      %dma_wait3A_1959 = tpu.memref_slice %arg5[%dma_wait3A_1957, %dma_wait3A_1958] : memref<32x1000000xf32, #tpu.memory_space<hbm>> -> memref<32x128xf32, #tpu.memory_space<hbm>>
      %dma_wait3A_1960 = tpu.memref_slice %arg17[%dma_wait3A_1952] : memref<8x!tpu.dma_semaphore, #tpu.memory_space<semaphore_mem>> -> memref<1x!tpu.dma_semaphore, #tpu.memory_space<semaphore_mem>>
      %dma_wait3A_1961 = tpu.memref_squeeze %dma_wait3A_1960 : memref<1x!tpu.dma_semaphore, #tpu.memory_space<semaphore_mem>> -> memref<!tpu.dma_semaphore, #tpu.memory_space<semaphore_mem>>
      %dma_wait3A_1962 = arith.constant 0 : i32
      %dma_wait3A_1963 = arith.constant 0 : i32
      %dma_wait3A_1964 = tpu.memref_slice %arg14[%dma_wait3A_1951, %dma_wait3A_1962, %dma_wait3A_1963] : memref<8x32x128xf32, #tpu.memory_space<vmem>> -> memref<1x32x128xf32, #tpu.memory_space<vmem>>
      %dma_wait3A_1965 = tpu.memref_squeeze %dma_wait3A_1964 : memref<1x32x128xf32, #tpu.memory_space<vmem>> -> memref<32x128xf32, #tpu.memory_space<vmem>>
      %dma_wait3A_1966 = arith.constant 0 : i32
      %dma_wait3A_1967 = arith.constant 0 : i32
      %dma_wait3A_1968 = tpu.memref_slice %arg5[%dma_wait3A_1966, %dma_wait3A_1967] : memref<32x1000000xf32, #tpu.memory_space<hbm>> -> memref<32x128xf32, #tpu.memory_space<hbm>>
      tpu.wait_dma2 semaphore(%dma_wait3A_1961 : memref<!tpu.dma_semaphore, #tpu.memory_space<semaphore_mem>>) src(%dma_wait3A_1968 : memref<32x128xf32, #tpu.memory_space<hbm>>) dst(%dma_wait3A_1965 : memref<32x128xf32, #tpu.memory_space<vmem>>)
      %shift_right_logical3A_1969 = arith.constant 4 : i32
      %shift_right_logical3A_1970 = arith.shrui %add3A_1914, %shift_right_logical3A_1969 : i32
      %shift_left3A_1971 = arith.constant 4 : i32
      %shift_left3A_1972 = arith.shli %shift_right_logical3A_1970, %shift_left3A_1971 : i32
      %multiple_of3A_1973 = tpu.assume_multiple %shift_left3A_1972, 16 : i32
      %and3A_1974 = arith.constant 15 : i32
      %and3A_1975 = arith.andi %add3A_1914, %and3A_1974 : i32
      %eq3A_1976 = vector.broadcast %and3A_1975 : i32 to vector<16xi32>
      %eq3A_1977 = arith.cmpi eq, %iota3A, %eq3A_1976 : vector<16xi32>
      %broadcast_in_dim3A_1978 = arith.constant 0 : i32
      %broadcast_in_dim3A_1979 = vector.broadcast %broadcast_in_dim3A_1978 : i32 to vector<16xi32>
      %get3A_1980 = arith.index_cast %multiple_of3A_1973 : i32 to index
      %get3A_1981 = tpu.vector_load %arg9[%get3A_1980] {strides = array<i32>} : memref<512xi32, #tpu.memory_space<vmem>>, vector<16xi32>,
      %select_n3A_1982 = arith.select %eq3A_1977, %get3A_1981, %broadcast_in_dim3A_1979 : vector<16xi1>, vector<16xi32>
      %reduce_sum3A_1983 = arith.constant true
      %reduce_sum3A_1984 = vector.broadcast %reduce_sum3A_1983 : i1 to vector<16xi1>
      %reduce_sum3A_1985 = tpu.scan <sum>, %select_n3A_1982 masked %reduce_sum3A_1984 : vector<16xi32>, vector<16xi1> -> vector<16xi32>
      %reduce_sum3A_1986 = vector.extract %reduce_sum3A_1985[15] : i32 from vector<16xi32>
      %get3A_1987 = arith.index_cast %multiple_of3A_1973 : i32 to index
      %get3A_1988 = tpu.vector_load %arg10[%get3A_1987] {strides = array<i32>} : memref<512xi32, #tpu.memory_space<vmem>>, vector<16xi32>,
      %select_n3A_1989 = arith.select %eq3A_1977, %get3A_1988, %broadcast_in_dim3A_1979 : vector<16xi1>, vector<16xi32>
      %reduce_sum3A_1990 = arith.constant true
      %reduce_sum3A_1991 = vector.broadcast %reduce_sum3A_1990 : i1 to vector<16xi1>
      %reduce_sum3A_1992 = tpu.scan <sum>, %select_n3A_1989 masked %reduce_sum3A_1991 : vector<16xi32>, vector<16xi1> -> vector<16xi32>
      %reduce_sum3A_1993 = vector.extract %reduce_sum3A_1992[15] : i32 from vector<16xi32>
      %get3A_1994 = arith.index_cast %multiple_of3A_1973 : i32 to index
      %get3A_1995 = tpu.vector_load %arg11[%get3A_1994] {strides = array<i32>} : memref<512xi32, #tpu.memory_space<vmem>>, vector<16xi32>,
      %select_n3A_1996 = arith.select %eq3A_1977, %get3A_1995, %broadcast_in_dim3A_1979 : vector<16xi1>, vector<16xi32>
      %reduce_sum3A_1997 = arith.constant true
      %reduce_sum3A_1998 = vector.broadcast %reduce_sum3A_1997 : i1 to vector<16xi1>
      %reduce_sum3A_1999 = tpu.scan <sum>, %select_n3A_1996 masked %reduce_sum3A_1998 : vector<16xi32>, vector<16xi1> -> vector<16xi32>
      %reduce_sum3A_2000 = vector.extract %reduce_sum3A_1999[15] : i32 from vector<16xi32>
      %and3A_2001 = arith.constant 127 : i32
      %and3A_2002 = arith.andi %reduce_sum3A_1986, %and3A_2001 : i32
      %broadcast_in_dim3A_2003 = vector.broadcast %and3A_2002 : i32 to vector<16xi32>
      %and3A_2004 = arith.constant 127 : i32
      %and3A_2005 = arith.andi %reduce_sum3A_1993, %and3A_2004 : i32
      %broadcast_in_dim3A_2006 = vector.broadcast %and3A_2005 : i32 to vector<16xi32>
      %and3A_2007 = arith.constant 127 : i32
      %and3A_2008 = arith.andi %reduce_sum3A_2000, %and3A_2007 : i32
      %broadcast_in_dim3A_2009 = vector.broadcast %and3A_2008 : i32 to vector<16xi32>
      %gather3A_2010 = arith.constant 7 : i32
      %gather3A_2011 = arith.constant 0 : i32
      %gather3A_2012 = arith.constant 0 : i32
      %gather3A_2013 = tpu.memref_slice %arg12[%gather3A_2010, %gather3A_2011, %gather3A_2012] : memref<8x32x128xf32, #tpu.memory_space<vmem>> -> memref<1x32x128xf32, #tpu.memory_space<vmem>>
      %gather3A_2014 = tpu.memref_squeeze %gather3A_2013 : memref<1x32x128xf32, #tpu.memory_space<vmem>> -> memref<32x128xf32, #tpu.memory_space<vmem>>
      %gather3A_2015 = tpu.vector_load_idx %gather3A_2014[%iota3A, %broadcast_in_dim3A_2003] : memref<32x128xf32, #tpu.memory_space<vmem>>[vector<16xi32>, vector<16xi32>], vector<16xf32>,
      %gather3A_2016 = arith.constant 7 : i32
      %gather3A_2017 = arith.constant 0 : i32
      %gather3A_2018 = arith.constant 0 : i32
      %gather3A_2019 = tpu.memref_slice %arg12[%gather3A_2016, %gather3A_2017, %gather3A_2018] : memref<8x32x128xf32, #tpu.memory_space<vmem>> -> memref<1x32x128xf32, #tpu.memory_space<vmem>>
      %gather3A_2020 = tpu.memref_squeeze %gather3A_2019 : memref<1x32x128xf32, #tpu.memory_space<vmem>> -> memref<32x128xf32, #tpu.memory_space<vmem>>
      %gather3A_2021 = tpu.vector_load_idx %gather3A_2020[%add3A_5, %broadcast_in_dim3A_2003] : memref<32x128xf32, #tpu.memory_space<vmem>>[vector<16xi32>, vector<16xi32>], vector<16xf32>,
      %gather3A_2022 = arith.constant 7 : i32
      %gather3A_2023 = arith.constant 0 : i32
      %gather3A_2024 = arith.constant 0 : i32
      %gather3A_2025 = tpu.memref_slice %arg13[%gather3A_2022, %gather3A_2023, %gather3A_2024] : memref<8x32x128xf32, #tpu.memory_space<vmem>> -> memref<1x32x128xf32, #tpu.memory_space<vmem>>
      %gather3A_2026 = tpu.memref_squeeze %gather3A_2025 : memref<1x32x128xf32, #tpu.memory_space<vmem>> -> memref<32x128xf32, #tpu.memory_space<vmem>>
      %gather3A_2027 = tpu.vector_load_idx %gather3A_2026[%iota3A, %broadcast_in_dim3A_2006] : memref<32x128xf32, #tpu.memory_space<vmem>>[vector<16xi32>, vector<16xi32>], vector<16xf32>,
      %gather3A_2028 = arith.constant 7 : i32
      %gather3A_2029 = arith.constant 0 : i32
      %gather3A_2030 = arith.constant 0 : i32
      %gather3A_2031 = tpu.memref_slice %arg13[%gather3A_2028, %gather3A_2029, %gather3A_2030] : memref<8x32x128xf32, #tpu.memory_space<vmem>> -> memref<1x32x128xf32, #tpu.memory_space<vmem>>
      %gather3A_2032 = tpu.memref_squeeze %gather3A_2031 : memref<1x32x128xf32, #tpu.memory_space<vmem>> -> memref<32x128xf32, #tpu.memory_space<vmem>>
      %gather3A_2033 = tpu.vector_load_idx %gather3A_2032[%add3A_5, %broadcast_in_dim3A_2006] : memref<32x128xf32, #tpu.memory_space<vmem>>[vector<16xi32>, vector<16xi32>], vector<16xf32>,
      %gather3A_2034 = arith.constant 7 : i32
      %gather3A_2035 = arith.constant 0 : i32
      %gather3A_2036 = arith.constant 0 : i32
      %gather3A_2037 = tpu.memref_slice %arg14[%gather3A_2034, %gather3A_2035, %gather3A_2036] : memref<8x32x128xf32, #tpu.memory_space<vmem>> -> memref<1x32x128xf32, #tpu.memory_space<vmem>>
      %gather3A_2038 = tpu.memref_squeeze %gather3A_2037 : memref<1x32x128xf32, #tpu.memory_space<vmem>> -> memref<32x128xf32, #tpu.memory_space<vmem>>
      %gather3A_2039 = tpu.vector_load_idx %gather3A_2038[%iota3A, %broadcast_in_dim3A_2009] : memref<32x128xf32, #tpu.memory_space<vmem>>[vector<16xi32>, vector<16xi32>], vector<16xf32>,
      %gather3A_2040 = arith.constant 7 : i32
      %gather3A_2041 = arith.constant 0 : i32
      %gather3A_2042 = arith.constant 0 : i32
      %gather3A_2043 = tpu.memref_slice %arg14[%gather3A_2040, %gather3A_2041, %gather3A_2042] : memref<8x32x128xf32, #tpu.memory_space<vmem>> -> memref<1x32x128xf32, #tpu.memory_space<vmem>>
      %gather3A_2044 = tpu.memref_squeeze %gather3A_2043 : memref<1x32x128xf32, #tpu.memory_space<vmem>> -> memref<32x128xf32, #tpu.memory_space<vmem>>
      %gather3A_2045 = tpu.vector_load_idx %gather3A_2044[%add3A_5, %broadcast_in_dim3A_2009] : memref<32x128xf32, #tpu.memory_space<vmem>>[vector<16xi32>, vector<16xi32>], vector<16xf32>,
      %mul3A_2046 = arith.mulf %gather3A_2015, %gather3A_2027 : vector<16xf32>
      %mul3A_2047 = arith.mulf %gather3A_2021, %gather3A_2033 : vector<16xf32>
      %add3A_2048 = arith.addf %mul3A_2046, %mul3A_2047 : vector<16xf32>
      %reduce_sum3A_2049 = arith.constant true
      %reduce_sum3A_2050 = vector.broadcast %reduce_sum3A_2049 : i1 to vector<16xi1>
      %reduce_sum3A_2051 = tpu.scan <sum>, %add3A_2048 masked %reduce_sum3A_2050 : vector<16xf32>, vector<16xi1> -> vector<16xf32>
      %reduce_sum3A_2052 = vector.extract %reduce_sum3A_2051[15] : f32 from vector<16xf32>
      %mul3A_2053 = arith.mulf %gather3A_2015, %gather3A_2039 : vector<16xf32>
      %mul3A_2054 = arith.mulf %gather3A_2021, %gather3A_2045 : vector<16xf32>
      %add3A_2055 = arith.addf %mul3A_2053, %mul3A_2054 : vector<16xf32>
      %reduce_sum3A_2056 = arith.constant true
      %reduce_sum3A_2057 = vector.broadcast %reduce_sum3A_2056 : i1 to vector<16xi1>
      %reduce_sum3A_2058 = tpu.scan <sum>, %add3A_2055 masked %reduce_sum3A_2057 : vector<16xf32>, vector<16xi1> -> vector<16xf32>
      %reduce_sum3A_2059 = vector.extract %reduce_sum3A_2058[15] : f32 from vector<16xf32>
      %and3A_2060 = arith.constant 15 : i32
      %and3A_2061 = arith.andi %add3A_1914, %and3A_2060 : i32
      %eq3A_2062 = vector.broadcast %and3A_2061 : i32 to vector<16xi32>
      %eq3A_2063 = arith.cmpi eq, %iota3A, %eq3A_2062 : vector<16xi32>
      %broadcast_in_dim3A_2064 = vector.broadcast %reduce_sum3A_2052 : f32 to vector<16xf32>
      %select_n3A_2065 = arith.select %eq3A_2063, %broadcast_in_dim3A_2064, %select_n3A_1903 : vector<16xi1>, vector<16xf32>
      %broadcast_in_dim3A_2066 = vector.broadcast %reduce_sum3A_2059 : f32 to vector<16xf32>
      %select_n3A_2067 = arith.select %eq3A_2063, %broadcast_in_dim3A_2066, %select_n3A_1905 : vector<16xi1>, vector<16xf32>
      %lt3A_2068 = arith.constant 63 : i32
      %lt3A_2069 = arith.cmpi slt, %scan3A_779, %lt3A_2068 : i32
      %convert_element_type3A_2070 = arith.extui %lt3A_2069 : i1 to i32
      %cond3A_2071 = arith.constant 0 : i32
      %cond3A_2072 = arith.cmpi ne, %convert_element_type3A_2070, %cond3A_2071 : i32
      scf.if %cond3A_2072 {
        %add3A_2086 = arith.constant 8 : i32
        %add3A_2087 = arith.addi %add3A_1914, %add3A_2086 : i32
        %shift_right_logical3A_2088 = arith.constant 4 : i32
        %shift_right_logical3A_2089 = arith.shrui %add3A_2087, %shift_right_logical3A_2088 : i32
        %shift_left3A_2090 = arith.constant 4 : i32
        %shift_left3A_2091 = arith.shli %shift_right_logical3A_2089, %shift_left3A_2090 : i32
        %multiple_of3A_2092 = tpu.assume_multiple %shift_left3A_2091, 16 : i32
        %and3A_2093 = arith.constant 15 : i32
        %and3A_2094 = arith.andi %add3A_2087, %and3A_2093 : i32
        %eq3A_2095 = vector.broadcast %and3A_2094 : i32 to vector<16xi32>
        %eq3A_2096 = arith.cmpi eq, %iota3A, %eq3A_2095 : vector<16xi32>
        %broadcast_in_dim3A_2097 = arith.constant 0 : i32
        %broadcast_in_dim3A_2098 = vector.broadcast %broadcast_in_dim3A_2097 : i32 to vector<16xi32>
        %get3A_2099 = arith.index_cast %multiple_of3A_2092 : i32 to index
        %get3A_2100 = tpu.vector_load %arg9[%get3A_2099] {strides = array<i32>} : memref<512xi32, #tpu.memory_space<vmem>>, vector<16xi32>,
        %select_n3A_2101 = arith.select %eq3A_2096, %get3A_2100, %broadcast_in_dim3A_2098 : vector<16xi1>, vector<16xi32>
        %reduce_sum3A_2102 = arith.constant true
        %reduce_sum3A_2103 = vector.broadcast %reduce_sum3A_2102 : i1 to vector<16xi1>
        %reduce_sum3A_2104 = tpu.scan <sum>, %select_n3A_2101 masked %reduce_sum3A_2103 : vector<16xi32>, vector<16xi1> -> vector<16xi32>
        %reduce_sum3A_2105 = vector.extract %reduce_sum3A_2104[15] : i32 from vector<16xi32>
        %get3A_2106 = arith.index_cast %multiple_of3A_2092 : i32 to index
        %get3A_2107 = tpu.vector_load %arg10[%get3A_2106] {strides = array<i32>} : memref<512xi32, #tpu.memory_space<vmem>>, vector<16xi32>,
        %select_n3A_2108 = arith.select %eq3A_2096, %get3A_2107, %broadcast_in_dim3A_2098 : vector<16xi1>, vector<16xi32>
        %reduce_sum3A_2109 = arith.constant true
        %reduce_sum3A_2110 = vector.broadcast %reduce_sum3A_2109 : i1 to vector<16xi1>
        %reduce_sum3A_2111 = tpu.scan <sum>, %select_n3A_2108 masked %reduce_sum3A_2110 : vector<16xi32>, vector<16xi1> -> vector<16xi32>
        %reduce_sum3A_2112 = vector.extract %reduce_sum3A_2111[15] : i32 from vector<16xi32>
        %get3A_2113 = arith.index_cast %multiple_of3A_2092 : i32 to index
        %get3A_2114 = tpu.vector_load %arg11[%get3A_2113] {strides = array<i32>} : memref<512xi32, #tpu.memory_space<vmem>>, vector<16xi32>,
        %select_n3A_2115 = arith.select %eq3A_2096, %get3A_2114, %broadcast_in_dim3A_2098 : vector<16xi1>, vector<16xi32>
        %reduce_sum3A_2116 = arith.constant true
        %reduce_sum3A_2117 = vector.broadcast %reduce_sum3A_2116 : i1 to vector<16xi1>
        %reduce_sum3A_2118 = tpu.scan <sum>, %select_n3A_2115 masked %reduce_sum3A_2117 : vector<16xi32>, vector<16xi1> -> vector<16xi32>
        %reduce_sum3A_2119 = vector.extract %reduce_sum3A_2118[15] : i32 from vector<16xi32>
        %shift_right_logical3A_2120 = arith.constant 7 : i32
        %shift_right_logical3A_2121 = arith.shrui %reduce_sum3A_2105, %shift_right_logical3A_2120 : i32
        %shift_left3A_2122 = arith.constant 7 : i32
        %shift_left3A_2123 = arith.shli %shift_right_logical3A_2121, %shift_left3A_2122 : i32
        %multiple_of3A_2124 = tpu.assume_multiple %shift_left3A_2123, 128 : i32
        %shift_right_logical3A_2125 = arith.constant 7 : i32
        %shift_right_logical3A_2126 = arith.shrui %reduce_sum3A_2112, %shift_right_logical3A_2125 : i32
        %shift_left3A_2127 = arith.constant 7 : i32
        %shift_left3A_2128 = arith.shli %shift_right_logical3A_2126, %shift_left3A_2127 : i32
        %multiple_of3A_2129 = tpu.assume_multiple %shift_left3A_2128, 128 : i32
        %shift_right_logical3A_2130 = arith.constant 7 : i32
        %shift_right_logical3A_2131 = arith.shrui %reduce_sum3A_2119, %shift_right_logical3A_2130 : i32
        %shift_left3A_2132 = arith.constant 7 : i32
        %shift_left3A_2133 = arith.shli %shift_right_logical3A_2131, %shift_left3A_2132 : i32
        %multiple_of3A_2134 = tpu.assume_multiple %shift_left3A_2133, 128 : i32
        %dma_start3A_2135 = arith.constant 7 : i32
        %dma_start3A_2136 = arith.constant 7 : i32
        %dma_start3A_2137 = arith.constant 0 : i32
        %dma_start3A_2138 = arith.constant 0 : i32
        %dma_start3A_2139 = tpu.memref_slice %arg12[%dma_start3A_2135, %dma_start3A_2137, %dma_start3A_2138] : memref<8x32x128xf32, #tpu.memory_space<vmem>> -> memref<1x32x128xf32, #tpu.memory_space<vmem>>
        %dma_start3A_2140 = tpu.memref_squeeze %dma_start3A_2139 : memref<1x32x128xf32, #tpu.memory_space<vmem>> -> memref<32x128xf32, #tpu.memory_space<vmem>>
        %dma_start3A_2141 = arith.constant 0 : i32
        %dma_start3A_2142 = tpu.memref_slice %arg5[%dma_start3A_2141, %multiple_of3A_2124] : memref<32x1000000xf32, #tpu.memory_space<hbm>> -> memref<32x128xf32, #tpu.memory_space<hbm>>
        %dma_start3A_2143 = tpu.memref_slice %arg17[%dma_start3A_2136] : memref<8x!tpu.dma_semaphore, #tpu.memory_space<semaphore_mem>> -> memref<1x!tpu.dma_semaphore, #tpu.memory_space<semaphore_mem>>
        %dma_start3A_2144 = tpu.memref_squeeze %dma_start3A_2143 : memref<1x!tpu.dma_semaphore, #tpu.memory_space<semaphore_mem>> -> memref<!tpu.dma_semaphore, #tpu.memory_space<semaphore_mem>>
        %dma_start3A_2145 = arith.constant 0 : i32
        %dma_start3A_2146 = arith.constant 0 : i32
        %dma_start3A_2147 = tpu.memref_slice %arg12[%dma_start3A_2135, %dma_start3A_2145, %dma_start3A_2146] : memref<8x32x128xf32, #tpu.memory_space<vmem>> -> memref<1x32x128xf32, #tpu.memory_space<vmem>>
        %dma_start3A_2148 = tpu.memref_squeeze %dma_start3A_2147 : memref<1x32x128xf32, #tpu.memory_space<vmem>> -> memref<32x128xf32, #tpu.memory_space<vmem>>
        %dma_start3A_2149 = arith.constant 0 : i32
        %dma_start3A_2150 = tpu.memref_slice %arg5[%dma_start3A_2149, %multiple_of3A_2124] : memref<32x1000000xf32, #tpu.memory_space<hbm>> -> memref<32x128xf32, #tpu.memory_space<hbm>>
        tpu.enqueue_dma source(%dma_start3A_2150 : memref<32x128xf32, #tpu.memory_space<hbm>>) target(%dma_start3A_2148 : memref<32x128xf32, #tpu.memory_space<vmem>>) target_semaphore(%dma_start3A_2144 : memref<!tpu.dma_semaphore, #tpu.memory_space<semaphore_mem>>)
        %dma_start3A_2151 = arith.constant 7 : i32
        %dma_start3A_2152 = arith.constant 7 : i32
        %dma_start3A_2153 = arith.constant 0 : i32
        %dma_start3A_2154 = arith.constant 0 : i32
        %dma_start3A_2155 = tpu.memref_slice %arg13[%dma_start3A_2151, %dma_start3A_2153, %dma_start3A_2154] : memref<8x32x128xf32, #tpu.memory_space<vmem>> -> memref<1x32x128xf32, #tpu.memory_space<vmem>>
        %dma_start3A_2156 = tpu.memref_squeeze %dma_start3A_2155 : memref<1x32x128xf32, #tpu.memory_space<vmem>> -> memref<32x128xf32, #tpu.memory_space<vmem>>
        %dma_start3A_2157 = arith.constant 0 : i32
        %dma_start3A_2158 = tpu.memref_slice %arg6[%dma_start3A_2157, %multiple_of3A_2129] : memref<32x1000000xf32, #tpu.memory_space<hbm>> -> memref<32x128xf32, #tpu.memory_space<hbm>>
        %dma_start3A_2159 = tpu.memref_slice %arg17[%dma_start3A_2152] : memref<8x!tpu.dma_semaphore, #tpu.memory_space<semaphore_mem>> -> memref<1x!tpu.dma_semaphore, #tpu.memory_space<semaphore_mem>>
        %dma_start3A_2160 = tpu.memref_squeeze %dma_start3A_2159 : memref<1x!tpu.dma_semaphore, #tpu.memory_space<semaphore_mem>> -> memref<!tpu.dma_semaphore, #tpu.memory_space<semaphore_mem>>
        %dma_start3A_2161 = arith.constant 0 : i32
        %dma_start3A_2162 = arith.constant 0 : i32
        %dma_start3A_2163 = tpu.memref_slice %arg13[%dma_start3A_2151, %dma_start3A_2161, %dma_start3A_2162] : memref<8x32x128xf32, #tpu.memory_space<vmem>> -> memref<1x32x128xf32, #tpu.memory_space<vmem>>
        %dma_start3A_2164 = tpu.memref_squeeze %dma_start3A_2163 : memref<1x32x128xf32, #tpu.memory_space<vmem>> -> memref<32x128xf32, #tpu.memory_space<vmem>>
        %dma_start3A_2165 = arith.constant 0 : i32
        %dma_start3A_2166 = tpu.memref_slice %arg6[%dma_start3A_2165, %multiple_of3A_2129] : memref<32x1000000xf32, #tpu.memory_space<hbm>> -> memref<32x128xf32, #tpu.memory_space<hbm>>
        tpu.enqueue_dma source(%dma_start3A_2166 : memref<32x128xf32, #tpu.memory_space<hbm>>) target(%dma_start3A_2164 : memref<32x128xf32, #tpu.memory_space<vmem>>) target_semaphore(%dma_start3A_2160 : memref<!tpu.dma_semaphore, #tpu.memory_space<semaphore_mem>>)
        %dma_start3A_2167 = arith.constant 7 : i32
        %dma_start3A_2168 = arith.constant 7 : i32
        %dma_start3A_2169 = arith.constant 0 : i32
        %dma_start3A_2170 = arith.constant 0 : i32
        %dma_start3A_2171 = tpu.memref_slice %arg14[%dma_start3A_2167, %dma_start3A_2169, %dma_start3A_2170] : memref<8x32x128xf32, #tpu.memory_space<vmem>> -> memref<1x32x128xf32, #tpu.memory_space<vmem>>
        %dma_start3A_2172 = tpu.memref_squeeze %dma_start3A_2171 : memref<1x32x128xf32, #tpu.memory_space<vmem>> -> memref<32x128xf32, #tpu.memory_space<vmem>>
        %dma_start3A_2173 = arith.constant 0 : i32
        %dma_start3A_2174 = tpu.memref_slice %arg6[%dma_start3A_2173, %multiple_of3A_2134] : memref<32x1000000xf32, #tpu.memory_space<hbm>> -> memref<32x128xf32, #tpu.memory_space<hbm>>
        %dma_start3A_2175 = tpu.memref_slice %arg17[%dma_start3A_2168] : memref<8x!tpu.dma_semaphore, #tpu.memory_space<semaphore_mem>> -> memref<1x!tpu.dma_semaphore, #tpu.memory_space<semaphore_mem>>
        %dma_start3A_2176 = tpu.memref_squeeze %dma_start3A_2175 : memref<1x!tpu.dma_semaphore, #tpu.memory_space<semaphore_mem>> -> memref<!tpu.dma_semaphore, #tpu.memory_space<semaphore_mem>>
        %dma_start3A_2177 = arith.constant 0 : i32
        %dma_start3A_2178 = arith.constant 0 : i32
        %dma_start3A_2179 = tpu.memref_slice %arg14[%dma_start3A_2167, %dma_start3A_2177, %dma_start3A_2178] : memref<8x32x128xf32, #tpu.memory_space<vmem>> -> memref<1x32x128xf32, #tpu.memory_space<vmem>>
        %dma_start3A_2180 = tpu.memref_squeeze %dma_start3A_2179 : memref<1x32x128xf32, #tpu.memory_space<vmem>> -> memref<32x128xf32, #tpu.memory_space<vmem>>
        %dma_start3A_2181 = arith.constant 0 : i32
        %dma_start3A_2182 = tpu.memref_slice %arg6[%dma_start3A_2181, %multiple_of3A_2134] : memref<32x1000000xf32, #tpu.memory_space<hbm>> -> memref<32x128xf32, #tpu.memory_space<hbm>>
        tpu.enqueue_dma source(%dma_start3A_2182 : memref<32x128xf32, #tpu.memory_space<hbm>>) target(%dma_start3A_2180 : memref<32x128xf32, #tpu.memory_space<vmem>>) target_semaphore(%dma_start3A_2176 : memref<!tpu.dma_semaphore, #tpu.memory_space<semaphore_mem>>)
      } else {
      }
      %and3A_2073 = arith.constant 1 : i32
      %and3A_2074 = arith.andi %scan3A_779, %and3A_2073 : i32
      %eq3A_2075 = arith.constant 1 : i32
      %eq3A_2076 = arith.cmpi eq, %and3A_2074, %eq3A_2075 : i32
      %convert_element_type3A_2077 = arith.extui %eq3A_2076 : i1 to i32
      %cond3A_2078 = arith.constant 0 : i32
      %cond3A_2079 = arith.cmpi ne, %convert_element_type3A_2077, %cond3A_2078 : i32
      scf.if %cond3A_2079 {
        %sub3A = arith.constant 1 : i32
        %sub3A_2086 = arith.subi %scan3A_779, %sub3A : i32
        %mul3A_2087 = arith.constant 8 : i32
        %mul3A_2088 = arith.muli %sub3A_2086, %mul3A_2087 : i32
        %multiple_of3A_2089 = tpu.assume_multiple %mul3A_2088, 16 : i32
        %swap3A = arith.index_cast %multiple_of3A_2089 : i32 to index
        %swap3A_2090 = tpu.vector_load %arg15[%swap3A] {strides = array<i32>} : memref<512xf32, #tpu.memory_space<vmem>>, vector<16xf32>,
        tpu.vector_store %arg15[%swap3A], %select_n3A_2065 {strides = array<i32>} : memref<512xf32, #tpu.memory_space<vmem>>, vector<16xf32>,
        %swap3A_2091 = arith.index_cast %multiple_of3A_2089 : i32 to index
        %swap3A_2092 = tpu.vector_load %arg16[%swap3A_2091] {strides = array<i32>} : memref<512xf32, #tpu.memory_space<vmem>>, vector<16xf32>,
        tpu.vector_store %arg16[%swap3A_2091], %select_n3A_2067 {strides = array<i32>} : memref<512xf32, #tpu.memory_space<vmem>>, vector<16xf32>,
      } else {
      }
      %and3A_2080 = arith.constant 1 : i32
      %and3A_2081 = arith.andi %scan3A_779, %and3A_2080 : i32
      %eq3A_2082 = arith.constant 1 : i32
      %eq3A_2083 = arith.cmpi eq, %and3A_2081, %eq3A_2082 : i32
      %select_n3A_2084 = arith.select %eq3A_2083, %broadcast_in_dim3A_773, %select_n3A_2065 : vector<16xf32>
      %select_n3A_2085 = arith.select %eq3A_2083, %broadcast_in_dim3A_773, %select_n3A_2067 : vector<16xf32>
      scf.yield %select_n3A_2084, %select_n3A_2085 : vector<16xf32>, vector<16xf32>
    }
    %scan3A_778 = arith.constant 64 : i32
    "tpu.region"() ({
      %run_scoped3A = tpu.sem_alloc : memref<!tpu.dma_semaphore, #tpu.memory_space<semaphore_mem>>
      %dma_start3A_779 = tpu.memref_slice %arg7[%mul3A_2] : memref<16384xf32, #tpu.memory_space<hbm>> -> memref<512xf32, #tpu.memory_space<hbm>>
      %dma_start3A_780 = tpu.memref_slice %arg7[%mul3A_2] : memref<16384xf32, #tpu.memory_space<hbm>> -> memref<512xf32, #tpu.memory_space<hbm>>
      tpu.enqueue_dma source(%arg15 : memref<512xf32, #tpu.memory_space<vmem>>) target(%dma_start3A_780 : memref<512xf32, #tpu.memory_space<hbm>>) target_semaphore(%run_scoped3A : memref<!tpu.dma_semaphore, #tpu.memory_space<semaphore_mem>>)
      %dma_wait3A = tpu.memref_slice %arg7[%mul3A_2] : memref<16384xf32, #tpu.memory_space<hbm>> -> memref<512xf32, #tpu.memory_space<hbm>>
      %dma_wait3A_781 = tpu.memref_slice %arg7[%mul3A_2] : memref<16384xf32, #tpu.memory_space<hbm>> -> memref<512xf32, #tpu.memory_space<hbm>>
      tpu.wait_dma2 semaphore(%run_scoped3A : memref<!tpu.dma_semaphore, #tpu.memory_space<semaphore_mem>>) src(%arg15 : memref<512xf32, #tpu.memory_space<vmem>>) dst(%dma_wait3A_781 : memref<512xf32, #tpu.memory_space<hbm>>)
      tpu.yield
    }) : () -> ()
    "tpu.region"() ({
      %run_scoped3A = tpu.sem_alloc : memref<!tpu.dma_semaphore, #tpu.memory_space<semaphore_mem>>
      %dma_start3A_779 = tpu.memref_slice %arg8[%mul3A_2] : memref<16384xf32, #tpu.memory_space<hbm>> -> memref<512xf32, #tpu.memory_space<hbm>>
      %dma_start3A_780 = tpu.memref_slice %arg8[%mul3A_2] : memref<16384xf32, #tpu.memory_space<hbm>> -> memref<512xf32, #tpu.memory_space<hbm>>
      tpu.enqueue_dma source(%arg16 : memref<512xf32, #tpu.memory_space<vmem>>) target(%dma_start3A_780 : memref<512xf32, #tpu.memory_space<hbm>>) target_semaphore(%run_scoped3A : memref<!tpu.dma_semaphore, #tpu.memory_space<semaphore_mem>>)
      %dma_wait3A = tpu.memref_slice %arg8[%mul3A_2] : memref<16384xf32, #tpu.memory_space<hbm>> -> memref<512xf32, #tpu.memory_space<hbm>>
      %dma_wait3A_781 = tpu.memref_slice %arg8[%mul3A_2] : memref<16384xf32, #tpu.memory_space<hbm>> -> memref<512xf32, #tpu.memory_space<hbm>>
      tpu.wait_dma2 semaphore(%run_scoped3A : memref<!tpu.dma_semaphore, #tpu.memory_space<semaphore_mem>>) src(%arg16 : memref<512xf32, #tpu.memory_space<vmem>>) dst(%dma_wait3A_781 : memref<512xf32, #tpu.memory_space<hbm>>)
      tpu.yield
    }) : () -> ()
    return
  }
}

</mosaic_0001>

<sc_bundles>
// kernel: kernel.3.cloned.1.call-start
scs
__scs_entry_jumppad:
0x0: {  	(pc) =	sbr.rel $0x88, $3  }
0x1: {  	(tag) =	ssettag $0x0;
	lr =	simm.s32 $0x1  }
0x2: {  	[smem:$0x3F9C] =	sst lr;
	_ =	strace $0xD0000000  }
0x3: {  	_ = 	snop  }
0x4: {  	_ = 	snop  }
0x5: {  	_ = 	snop  }
0x6: {  	_ = 	snop  }
0x7: {  	_ = 	snop  }
__scs_overlays_trampoline_lowered:
0x8: {  	[smem:$0x3FAB] =	sst s0  }
0x9: {  	[smem:$0x3FAC] =	sst s1  }
0xa: {  	[smem:$0x3FAD] =	sst s2  }
0xb: {  	[smem:$0x3FAE] =	sst s3  }
0xc: {  	[smem:$0x3FAF] =	sst s4  }
0xd: {  	[smem:$0x3FB0] =	sst s5  }
0xe: {  	[smem:$0x3FB1] =	sst s6  }
0xf: {  	[smem:$0x3FB2] =	sst s7  }
0x10: {  	[smem:$0x3FB3] =	sst s8  }
0x11: {  	[smem:$0x3FB4] =	sst s9;
	s0 =	simm.s32 @!p0 $0x0  }
0x12: {  	s1 =	sld [smem:$0x3F9A];
	s0 =	simm.s32 @p0 $0x1  }
0x13: {  	[smem:$0x3FB5] =	sst s0;
	s0 =	simm.s32 @!p1 $0x0  }
0x14: {  	s2 =	sld [smem:$0x3F99];
	s0 =	simm.s32 @p1 $0x1  }
0x15: {  	[smem:$0x3FB6] =	sst s0;
	s0 =	simm.s32 @!p2 $0x0  }
0x16: {  	s3 =	sld [smem:$0x3FDB];
	s0 =	simm.s32 @p2 $0x1  }
0x17: {  	s4 =	simm.s32 $0x1BF5;
	[smem:$0x3FB8] =	sst s0  }
0x18: {  	s0 =	sld [smem:$0x3F9B];
	_ =	swait.ge [sflag:s4], $0x0  }
0x19: {  	s7 =	sld [smem:$0x3F9C]  }
0x1a: {  	s8 =	sadd.s32 $0xFFFFE003, lr  }
0x1b: {  	s9 =	sadd.s32 $0xFFFFFEF7, lr;
	s5 =	simm.s32 $0xFFFFFFFF;
	p2 =	slt.u32 s8, $0xFFFFF086  }
0x1c: {  	p1 =	slt.u32 s9, $0xF7A;
	s5 =	simm.s32 @!p2 $0x0  }
0x1d: {  	s5 =	simm.s32 @p1 $0x1;
	p0 =	seq.s32 s7, s2  }
0x1e: {  	s7 =	smul.u32 @!p0 $0xF7A, s2;
	p2 =	seq.s32 @!p0 s5, $0x0  }
0x1f: {  	s9 =	smul.u32 $0xF7A, s1;
	s8 =	simm.s32 @!p0 $0x1BF5;
	p2 =	por !p2, p0  }
0x20: {  	[sflag:s8] =	ssyncset.s32 @!p0 $0xFFFFF086;
	s6 =	sadd.s32 @!p0 s3, s7;
	s7 =	simm.s32 @!p0 $0x108  }
0x21: {  	s3 =	sadd.s32 s3, s9;
	s6 =	sadd.s32 @!p0 $0x88, s6;
	s7 =	simm.s32 @p2 $0x1082  }
0x22: {  	[simem:s7], [sflag:s8] =	dma.local @!p0 [hbm:s6], $0xF7A  }
0x23: {  	s9 =	sor.u32 $0xD0000000, s2;
	s6 =	simm.s32 $0x108;
	_ =	swait.ge @!p0 [sflag:s8], $0x0  }
0x24: {  	s3 =	sadd.s32 $0x88, s3;
	s6 =	simm.s32 @!p1 $0x1082;
	[sflag:s4] =	ssyncset.s32 $0xFFFFF086  }
0x25: {  	[simem:s6], [sflag:s4] =	dma.local [hbm:s3], $0xF7A  }
0x26: {  	[smem:$0x3F9C] =	sst s1;
	(tag) =	ssettag s2;
	_ =	strace s9  }
0x27: {  	s1 =	sld [smem:$0x3FAC]  }
0x28: {  	s2 =	sld [smem:$0x3FAD]  }
0x29: {  	s4 =	sld [smem:$0x3FAF]  }
0x2a: {  	p0 =	seq.s32 s5, $0x0;
	s5 =	sld [smem:$0x3FB0]  }
0x2b: {  	s6 =	sld [smem:$0x3FB1]  }
0x2c: {  	s7 =	sld [smem:$0x3FB2]  }
0x2d: {  	s3 =	simm.s32 $0x108;
	s8 =	sld [smem:$0x3FB3]  }
0x2e: {  	s3 =	simm.s32 @!p0 $0x1082;
	s9 =	sld [smem:$0x3FB4]  }
0x2f: {  	lr =	sadd.s32 s0, s3;
	s0 =	sld [smem:$0x3FAB]  }
0x30: {  	s3 =	sld [smem:$0x3FAE]  }
0x31: {  	[smem:$0x3FB7] =	sst s10  }
0x32: {  	s10 =	sld [smem:$0x3FB5];
	_ =	sdelay $0x3  }
0x33: {  	p0 =	seq.s32 s10, $0x1;
	s10 =	sld [smem:$0x3FB7];
	_ =	sdelay $0x3  }
0x34: {  	[smem:$0x3FB7] =	sst s10  }
0x35: {  	s10 =	sld [smem:$0x3FB6];
	_ =	sdelay $0x3  }
0x36: {  	p1 =	seq.s32 s10, $0x1;
	s10 =	sld [smem:$0x3FB7];
	_ =	sdelay $0x3  }
0x37: {  	[smem:$0x3FB7] =	sst s10  }
0x38: {  	s10 =	sld [smem:$0x3FB8]  }
0x39: {  	_ = 	snop;
	(pc) =	sbr.ind lr, $3  }
0x3a: {  	_ = 	snop  }
0x3b: {  	_ = 	snop  }
0x3c: {  	p2 =	seq.s32 s10, $0x1;
	s10 =	sld [smem:$0x3FB7]  }
0x3d: {  	_ =	shalt  }
0x3e: {  	_ =	shalt  }
0x3f: {  	_ =	shalt  }
0x40: {  	_ =	shalt  }
0x41: {  	_ =	shalt  }
0x42: {  	_ =	shalt  }
0x43: {  	_ =	shalt  }
0x44: {  	_ =	shalt  }
0x45: {  	_ =	shalt  }
0x46: {  	_ =	shalt  }
0x47: {  	_ =	shalt  }
0x48: {  	_ =	shalt  }
0x49: {  	_ =	shalt  }
0x4a: {  	_ =	shalt  }
0x4b: {  	_ =	shalt  }
0x4c: {  	_ =	shalt  }
0x4d: {  	_ =	shalt  }
0x4e: {  	_ =	shalt  }
0x4f: {  	_ =	shalt  }
0x50: {  	_ =	shalt  }
0x51: {  	_ =	shalt  }
0x52: {  	_ =	shalt  }
0x53: {  	_ =	shalt  }
0x54: {  	_ =	shalt  }
0x55: {  	_ =	shalt  }
0x56: {  	_ =	shalt  }
0x57: {  	_ =	shalt  }
0x58: {  	_ =	shalt  }
0x59: {  	_ =	shalt  }
0x5a: {  	_ =	shalt  }
0x5b: {  	_ =	shalt  }
0x5c: {  	_ =	shalt  }
0x5d: {  	_ =	shalt  }
0x5e: {  	_ =	shalt  }
0x5f: {  	_ =	shalt  }
0x60: {  	_ =	shalt  }
0x61: {  	_ =	shalt  }
0x62: {  	_ =	shalt  }
0x63: {  	_ =	shalt  }
0x64: {  	_ =	shalt  }
0x65: {  	_ =	shalt  }
0x66: {  	_ =	shalt  }
0x67: {  	_ =	shalt  }
0x68: {  	_ =	shalt  }
0x69: {  	_ =	shalt  }
0x6a: {  	_ =	shalt  }
0x6b: {  	_ =	shalt  }
0x6c: {  	_ =	shalt  }
0x6d: {  	_ =	shalt  }
0x6e: {  	_ =	shalt  }
0x6f: {  	_ =	shalt  }
0x70: {  	_ =	shalt  }
0x71: {  	_ =	shalt  }
0x72: {  	_ =	shalt  }
0x73: {  	_ =	shalt  }
0x74: {  	_ =	shalt  }
0x75: {  	_ =	shalt  }
0x76: {  	_ =	shalt  }
0x77: {  	_ =	shalt  }
0x78: {  	_ =	shalt  }
0x79: {  	_ =	shalt  }
0x7a: {  	_ =	shalt  }
0x7b: {  	_ =	shalt  }
0x7c: {  	_ =	shalt  }
0x7d: {  	_ =	shalt  }
0x7e: {  	_ =	shalt  }
0x7f: {  	_ =	shalt  }
0x80: {  	_ =	shalt  }
0x81: {  	_ =	shalt  }
0x82: {  	_ =	shalt  }
0x83: {  	_ =	shalt  }
0x84: {  	_ =	shalt  }
0x85: {  	_ =	shalt  }
0x86: {  	_ =	shalt  }
0x87: {  	_ =	shalt  }
.Lfunc_end0:
.L_simem_size_0:
called_computation_lowered:
.L_overlay_start_0:
0x88: {  	s2 =	sld [smem:$0x3FD9]  }
0x89: {  	s3 =	sld [smem:$0x3FFE];
	_ =	sdelay $0x1  }
0x8a: {  	s1 =	srdreg.scid  }
0x8b: {  	s0 =	sand.u32 $0x1, s1  }
0x8c: {  	s15 =	sshll.u32 s0, $0xA;
	s2 =	sadd.s32 s3, s2  }
0x8d: {  	s2 =	sadd.s32 s2, s15  }
0x8e: {  	[smem:$0x3FC3] =	sst s2  }
0x8f: {  	_ = 	snop  }
0x90: {  	s2 =	sld [smem:$0x3FC9]  }
0x91: {  	s16 =	sld [smem:$0x3FC8]  }
0x92: {  	s4 =	sld [smem:$0x3FD0]  }
0x93: {  	s5 =	sld [smem:$0x3FC7]  }
0x94: {  	s6 =	sld [smem:$0x3FC6]  }
0x95: {  	s8 =	simm.s32 $0xA;
	s9 =	simm.s32 $0x10;
	s7 =	sld [smem:$0x3FC5]  }
0x96: {  	[smem:s9], [sflag:s8] =	dma.local [hbm:s4], $0x1  }
0x97: {  	_ =	swait.eq [sflag:s8], $0x1  }
0x98: {  	[sflag:s8] =	ssyncset.done $0x0  }
0x99: {  	s17 =	sld [smem:$0x10];
	[sflag:s8] =	ssyncadd.s32 $0xFFFFFFFF  }
0x9a: {  	s18 =	sld [smem:$0x11];
	(tm) =	ssettm $0x1  }
0x9b: {  	s19 =	sld [smem:$0x3FFB];
	_ =	sdelay $0x3  }
0x9c: {  	_ =	strace s19  }
0x9d: {  	s9 =	sld [smem:$0x3FFC];
	_ =	sdelay $0x3  }
0x9e: {  	_ =	strace s9  }
0x9f: {  	s9 =	sld [smem:$0x3FFD];
	_ =	sdelay $0x3  }
0xa0: {  	_ =	strace s9  }
0xa1: {  	_ =	strace $0x8FFFFFFF  }
0xa2: {  	s20 =	sld [smem:$0x3FDB];
	_ =	sdelay $0x1  }
0xa3: {  	s10 =	simm.s32 $_scs_section_size  }
0xa4: {  	s11 =	simm.s32 $_size__tile_overlayer_lowered;
	s12 =	simm.s32 $_tile_overlayer_lowered  }
0xa5: {  	s23 =	simm.s32 $0x1BFF;
	s22 =	sshll.u32 s12, $0x1;
	s9 =	sadd.s32 s10, s20  }
0xa6: {  	s13 =	simm.s32 $0x0;
	s21 =	sshll.u32 s11, $0x1;
	s11 =	sadd.s32 s22, s9  }
0xa7: {  	[timem:s13], [sflag:s23] =	dma.local [hbm:s11], s21  }
0xa8: {  	_ =	swait.ge [sflag:s23], s21  }
0xa9: {  	s10 =	ssub.s32 $0x0, s21;
	[sflag:s23] =	ssyncset.done $0x0  }
0xaa: {  	[sflag:s23] =	ssyncadd.s32 s10;
	_ =	sdelay $0x1  }
0xab: {  	s24 =	simm.s32 $0x1B8B  }
0xac: {  	_ =	swait.ge [sflag:s24], $0x1  }
0xad: {  	[sflag:s24] =	ssyncset.done $0x0  }
0xae: {  	s25 =	simm.s32 $0x1B8E;
	[sflag:s24] =	ssyncadd.s32 $0xFFFFFFFF  }
0xaf: {  	s26 =	simm.s32 $execute0_lowered;
	[smem:$0x3FD2] =	sst s25  }
0xb0: {  	s10 =	sshll.u32 s26, $0x1;
	_ =	strace $0x80000046;
	[dreg:$0x1] =	wrdreg $0xFFFFFFFF  }
0xb1: {  	s28 =	simm.s32 $_size_execute0_lowered;
	s9 =	sadd.s32 s9, s10;
	[dreg:$0x0] =	wrdreg $0x0  }
0xb2: {  	s10 =	sshll.u32 s28, $0x1;
	[dreg:$0x2] =	wrdreg s9  }
0xb3: {  	[dreg:$0x3] =	wrdreg s10  }
0xb4: {  	[dreg:$0x4] =	wrdreg $0xC0  }
0xb5: {  	_ =	task [dreg:s13], $0x5FFFF  }
0xb6: {  	[dreg:$0x1] =	wrdreg $0xFFFFFFFF  }
0xb7: {  	[dreg:$0x0] =	wrdreg $0x60  }
0xb8: {  	[dreg:$0x2] =	wrdreg s2  }
0xb9: {  	[dreg:$0x3] =	wrdreg s16  }
0xba: {  	[dreg:$0x4] =	wrdreg s5  }
0xbb: {  	[dreg:$0x5] =	wrdreg s6  }
0xbc: {  	[dreg:$0x6] =	wrdreg s7  }
0xbd: {  	[dreg:$0x7] =	wrdreg s17  }
0xbe: {  	[dreg:$0x8] =	wrdreg s18  }
0xbf: {  	[dreg:$0x9] =	wrdreg $0x9  }
0xc0: {  	_ =	task.clear_ibuf [dreg:s13], $0xAFFFF;
	_ =	strace $0x90000046  }
0xc1: {  	s29 =	simm.s32 $0x9;
	_ =	strace $0x80000048  }
0xc2: {  	_ =	swait.ge [sflag:s29], $0x1  }
0xc3: {  	[sflag:s29] =	ssyncadd.s32 $0xFFFFFFFF  }
0xc4: {  	_ =	strace $0x90000048  }
0xc5: {  	_ =	sfence  }
0xc6: {  	s30 =	sld [smem:$0x0];
	_ =	sdelay $0x2  }
0xc7: {  	s31 =	sshll.u32 s1, $0xD;
	s1 =	sshrl.u32 s1, $0x2  }
0xc8: {  	s3 =	sand.u32 $0x4000, s31;
	s1 =	sadd.s32 s1, s30  }
0xc9: {  	s0 =	sor.u32 s3, s0;
	s1 =	sshll.u32 s1, $0x11  }
0xca: {  	s0 =	sor.u32 s1, s0  }
0xcb: {  	s0 =	sadd.s32 $0x8F2B, s0  }
0xcc: {  	[sflag:s0] =	ssyncadd.remote.s32 $0x1  }
0xcd: {  	_ =	sfence.sel $0xFFFF  }
0xce: {  	[dreg:$0x0] =	wrdreg $0xFFFFFFFF;
	(pc) =	sbr.abs _section_cstart, $3  }
0xcf: {  	[dreg:$0x1] =	wrdreg $0xFFFFFFFF  }
0xd0: {  	_ =	task.clear_ibuf [dreg:s13], $0x2FFFF;
	_ =	strace $0x9FFFFFFF  }
0xd1: {  	(tm) =	ssettm $0x7FFFFFFF  }
tec
execute0_lowered:
.L_overlay_start_1:
0x0: {  	(tag) =	ssettag $0x1  }
0x1: {  	s0 =	rddreg [dreg:$0x0]  }
0x2: {  	s3 =	rddreg [dreg:$0x1]  }
0x3: {  	s4 =	rddreg [dreg:$0x2]  }
0x4: {  	s1 =	rddreg [dreg:$0x3]  }
0x5: {  	s2 =	rddreg [dreg:$0x4]  }
0x6: {  	s5 =	rddreg [dreg:$0x5]  }
0x7: {  	s6 =	rddreg [dreg:$0x6];
	s7 =	srdreg.scid  }
0x8: {  	s18 =	simm.s32 $0x0;
	s10 =	stileid.u32;
	s20 =	simm.s32 $0x9  }
0x9: {  	s12 =	simm.s32 $0x14600;
	s30 =	simm.s32 $0x16600;
	s28 =	simm.s32 $0x7600  }
0xa: {  	s29 =	simm.s32 $0xF600;
	s31 =	simm.s32 $0x17600;
	s11 =	simm.s32 $0x3  }
0xb: {  	s14 =	simm.s32 $0x4;
	s13 =	simm.s32 $0x5;
	s15 =	simm.s32 $0x6  }
0xc: {  	s16 =	simm.s32 $0x7;
	s17 =	simm.s32 $0x8;
	s21 =	simm.s32 $0x0  }
0xd: {  	s7 =	sand.u32 $0x1, s7;
	[smem:$0x7FF] =	sst s18;
	s10 =	sshll.u32 s10, $0x7  }
0xe: {  	s8 =	ssub.s32 $0x2, s7;
	s7 =	sshll.u32 s7, $0x6;
	_ =	strace $0x80000047  }
0xf: {  	s9 =	sshrl.u32 s8, $0x1;
	s7 =	sor.u32 s7, s10;
	s10 =	simm.s32 $0x1  }
0x10: {  	s8 =	ssub.s32 s8, s9;
	s0 =	sadd.s32 s0, s7;
	s22 =	sadd.s32 s3, s7  }
0x11: {  	s23 =	sadd.s32 s4, s7;
	s24 =	sadd.s32 s5, s7;
	[dreg:$0x8] =	wrdreg s0  }
0x12: {  	s25 =	sadd.s32 s6, s7;
	s3 =	simm.s32 $0xC600;
	[dreg:$0x9] =	wrdreg s22  }
0x13: {  	v0 =	vlaneseq.u32;
	s5 =	simm.s32 $0x5600;
	s6 =	simm.s32 $0xD600;
	[dreg:$0xa] =	wrdreg s23  }
0x14: {  	vm0 =	vmmov $0x1;
	vm2 =	vcmask $0x70C;
	v1 =	vmul.u32 $0x80, v0;
	s7 =	simm.s32 $0x15600;
	s9 =	simm.s32 $0xE600;
	[dreg:$0xb] =	wrdreg s24  }
0x15: {  	vm3 =	vcmask $0xB10;
	vm4 =	vcmask $0xF14;
	vm5 =	vcmask $0x1318;
	s4 =	simm.s32 $0x2;
	[dreg:$0xc] =	wrdreg s25;
	s26 =	smax.u32 s8, $0x1  }
0x16: {  	vm6 =	vcmask $0x171C;
	vm7 =	vcmask $0x1B20;
	v2 =	vor.u32 $0x800, v1;
	s0 =	simm.s32 $0x4600;
	s8 =	simm.s32 $0x6600;
	[dreg:$0xd] =	wrdreg s26  }
.LBB2_1:
0x17: {  	[dreg:$0xe] =	wrdreg s21  }
0x18: {  	s19 =	rddreg [dreg:$0x8]  }
0x19: {  	[tilespmem:s18], [sflag:$0x9] =	stream.linear.gather [hbm4b:s19+s18], $0x200, $0x38;
	[tilespmem:$0x18A00] =	vst v63  }
0x1a: {  	_ =	swait.ge [sflag:s20], $0x200  }
0x1b: {  	[sflag:s20] =	ssyncset.done $0x0  }
0x1c: {  	s26 =	simm.s32 $0x200;
	s25 =	rddreg [dreg:$0x9];
	[sflag:s20] =	ssyncadd.s32 $0xFFFFFE00  }
0x1d: {  	[tilespmem:s26], [sflag:$0x9] =	stream.linear.gather [hbm4b:s25+s18], $0x200, $0x38;
	[tilespmem:$0x18A00] =	vst v63  }
0x1e: {  	_ =	swait.ge [sflag:s20], $0x200  }
0x1f: {  	[sflag:s20] =	ssyncset.done $0x0  }
0x20: {  	s21 =	simm.s32 $0x400;
	s22 =	rddreg [dreg:$0xa];
	[sflag:s20] =	ssyncadd.s32 $0xFFFFFE00  }
0x21: {  	[tilespmem:s21], [sflag:$0x9] =	stream.linear.gather [hbm4b:s22+s18], $0x200, $0x38;
	[tilespmem:$0x18A00] =	vst v63  }
0x22: {  	_ =	swait.ge [sflag:s20], $0x200  }
0x23: {  	[sflag:s20] =	ssyncset.done $0x0  }
0x24: {  	[sflag:s20] =	ssyncadd.s32 $0xFFFFFE00  }
0x25: {  	v3 =	vld [tilespmem:$0x400]  }
0x26: {  	v4 =	vld [tilespmem:$0x0];
	_ =	sdelay $0x1  }
0x27: {  	v5 =	vld [tilespmem:$0x200];
	_ =	sdelay $0x1  }
0x28: {  	v3 =	vnsel vm0, $0x0, v3  }
0x29: {  	(xrf0) =	vadd.scan.msk.s32 $0xffff, v3;
	v3 =	vnsel vm0, $0x0, v4  }
0x2a: {  	(xrf0) =	vadd.scan.msk.s32 $0xffff, v3  }
0x2b: {  	v3 =	vnsel vm0, $0x0, v5  }
0x2c: {  	(xrf0) =	vadd.scan.msk.s32 $0xffff, v3;
	_ =	sdelay $0x2  }
0x2d: {  	v3, _, _ =	vpop (xrf0)  }
0x2e: {  	(v2sf) =	vpush v3, $0xF;
	v3, _, _ =	vpop (xrf0)  }
0x2f: {  	(v2sf) =	vpush v3, $0xF  }
0x30: {  	v3, _, _ =	vpop (xrf0)  }
0x31: {  	(v2sf) =	vpush v3, $0xF;
	_ =	sdelay $0xb  }
0x32: {  	s23 =	spop (v2sf)  }
0x33: {  	s24 =	spop (v2sf)  }
0x34: {  	s22 =	simm.s32 $0x600;
	s19 =	sand.u32 $0xFFFFF80, s24  }
0x35: {  	s20 =	simm.s32 $0x7A1400;
	s25 =	spop (v2sf);
	s19 =	sadd.s32 s1, s19  }
0x36: {  	[tilespmem:s22], [sflag:$0x1] =	stream.strided.gather [hbm4b:s19+s21], $0x1000, s20, s21, $0x38;
	[tilespmem:$0x18A00] =	vst v63  }
0x37: {  	s19 =	sand.u32 $0xFFFFF80, s25  }
0x38: {  	s26 =	simm.s32 $0x8600;
	s18 =	sand.u32 $0xFFFFF80, s23;
	s19 =	sadd.s32 s2, s19  }
0x39: {  	[tilespmem:s26], [sflag:$0x1] =	stream.strided.gather [hbm4b:s19+s21], $0x1000, s20, s21, $0x38;
	[tilespmem:$0x18A00] =	vst v63  }
0x3a: {  	s18 =	sadd.s32 s2, s18;
	s22 =	simm.s32 $0x10600  }
0x3b: {  	[tilespmem:s22], [sflag:$0x1] =	stream.strided.gather [hbm4b:s18+s21], $0x1000, s20, s21, $0x38;
	[tilespmem:$0x18A00] =	vst v63  }
0x3c: {  	v3 =	vld [tilespmem:$0x400]  }
0x3d: {  	v4 =	vld [tilespmem:$0x0];
	_ =	sdelay $0x1  }
0x3e: {  	v5 =	vld [tilespmem:$0x200]  }
0x3f: {  	vm1 =	vcmask $0x308  }
0x40: {  	v3 =	vsel vm1, $0x0, v3  }
0x41: {  	(xrf0) =	vadd.scan.msk.s32 $0xffff, v3;
	v3 =	vsel vm1, $0x0, v4  }
0x42: {  	(xrf0) =	vadd.scan.msk.s32 $0xffff, v3  }
0x43: {  	v3 =	vsel vm1, $0x0, v5  }
0x44: {  	(xrf0) =	vadd.scan.msk.s32 $0xffff, v3;
	_ =	sdelay $0x2  }
0x45: {  	v3, _, _ =	vpop (xrf0)  }
0x46: {  	(v2sf) =	vpush v3, $0xF;
	v3, _, _ =	vpop (xrf0)  }
0x47: {  	(v2sf) =	vpush v3, $0xF  }
0x48: {  	v3, _, _ =	vpop (xrf0)  }
0x49: {  	(v2sf) =	vpush v3, $0xF;
	_ =	sdelay $0xb  }
0x4a: {  	s18 =	spop (v2sf)  }
0x4b: {  	s23 =	spop (v2sf)  }
0x4c: {  	s19 =	sand.u32 $0xFFFFF80, s23  }
0x4d: {  	s24 =	simm.s32 $0x1600;
	s25 =	spop (v2sf);
	s19 =	sadd.s32 s1, s19  }
0x4e: {  	[tilespmem:s24], [sflag:$0x2] =	stream.strided.gather [hbm4b:s19+s21], $0x1000, s20, s21, $0x38;
	[tilespmem:$0x18A00] =	vst v63  }
0x4f: {  	s19 =	sand.u32 $0xFFFFF80, s25  }
0x50: {  	s26 =	simm.s32 $0x9600;
	s18 =	sand.u32 $0xFFFFF80, s18;
	s19 =	sadd.s32 s2, s19  }
0x51: {  	[tilespmem:s26], [sflag:$0x2] =	stream.strided.gather [hbm4b:s19+s21], $0x1000, s20, s21, $0x38;
	[tilespmem:$0x18A00] =	vst v63  }
0x52: {  	s22 =	simm.s32 $0x11600;
	s18 =	sadd.s32 s2, s18  }
0x53: {  	[tilespmem:s22], [sflag:$0x2] =	stream.strided.gather [hbm4b:s18+s21], $0x1000, s20, s21, $0x38;
	[tilespmem:$0x18A00] =	vst v63  }
0x54: {  	v3 =	vld [tilespmem:$0x400]  }
0x55: {  	v4 =	vld [tilespmem:$0x0];
	_ =	sdelay $0x1  }
0x56: {  	v5 =	vld [tilespmem:$0x200];
	_ =	sdelay $0x1  }
0x57: {  	v3 =	vsel vm2, $0x0, v3  }
0x58: {  	(xrf0) =	vadd.scan.msk.s32 $0xffff, v3;
	v3 =	vsel vm2, $0x0, v4  }
0x59: {  	(xrf0) =	vadd.scan.msk.s32 $0xffff, v3  }
0x5a: {  	v3 =	vsel vm2, $0x0, v5  }
0x5b: {  	(xrf0) =	vadd.scan.msk.s32 $0xffff, v3;
	_ =	sdelay $0x2  }
0x5c: {  	v3, _, _ =	vpop (xrf0)  }
0x5d: {  	(v2sf) =	vpush v3, $0xF;
	v3, _, _ =	vpop (xrf0)  }
0x5e: {  	(v2sf) =	vpush v3, $0xF  }
0x5f: {  	v3, _, _ =	vpop (xrf0)  }
0x60: {  	(v2sf) =	vpush v3, $0xF;
	_ =	sdelay $0xb  }
0x61: {  	s18 =	spop (v2sf)  }
0x62: {  	s23 =	spop (v2sf)  }
0x63: {  	s19 =	sand.u32 $0xFFFFF80, s23  }
0x64: {  	s24 =	simm.s32 $0x2600;
	s25 =	spop (v2sf);
	s19 =	sadd.s32 s1, s19  }
0x65: {  	[tilespmem:s24], [sflag:$0x3] =	stream.strided.gather [hbm4b:s19+s21], $0x1000, s20, s21, $0x38;
	[tilespmem:$0x18A00] =	vst v63  }
0x66: {  	s19 =	sand.u32 $0xFFFFF80, s25  }
0x67: {  	s26 =	simm.s32 $0xA600;
	s18 =	sand.u32 $0xFFFFF80, s18;
	s19 =	sadd.s32 s2, s19  }
0x68: {  	[tilespmem:s26], [sflag:$0x3] =	stream.strided.gather [hbm4b:s19+s21], $0x1000, s20, s21, $0x38;
	[tilespmem:$0x18A00] =	vst v63  }
0x69: {  	s22 =	simm.s32 $0x12600;
	s18 =	sadd.s32 s2, s18  }
0x6a: {  	[tilespmem:s22], [sflag:$0x3] =	stream.strided.gather [hbm4b:s18+s21], $0x1000, s20, s21, $0x38;
	[tilespmem:$0x18A00] =	vst v63  }
0x6b: {  	v3 =	vld [tilespmem:$0x400]  }
0x6c: {  	v4 =	vld [tilespmem:$0x0];
	_ =	sdelay $0x1  }
0x6d: {  	v5 =	vld [tilespmem:$0x200];
	_ =	sdelay $0x1  }
0x6e: {  	v3 =	vsel vm3, $0x0, v3  }
0x6f: {  	(xrf0) =	vadd.scan.msk.s32 $0xffff, v3;
	v3 =	vsel vm3, $0x0, v4  }
0x70: {  	(xrf0) =	vadd.scan.msk.s32 $0xffff, v3  }
0x71: {  	v3 =	vsel vm3, $0x0, v5  }
0x72: {  	(xrf0) =	vadd.scan.msk.s32 $0xffff, v3;
	_ =	sdelay $0x2  }
0x73: {  	v3, _, _ =	vpop (xrf0)  }
0x74: {  	(v2sf) =	vpush v3, $0xF;
	v3, _, _ =	vpop (xrf0)  }
0x75: {  	(v2sf) =	vpush v3, $0xF  }
0x76: {  	v3, _, _ =	vpop (xrf0)  }
0x77: {  	(v2sf) =	vpush v3, $0xF;
	_ =	sdelay $0xb  }
0x78: {  	s18 =	spop (v2sf)  }
0x79: {  	s23 =	spop (v2sf)  }
0x7a: {  	s19 =	sand.u32 $0xFFFFF80, s23  }
0x7b: {  	s24 =	simm.s32 $0x3600;
	s25 =	spop (v2sf);
	s19 =	sadd.s32 s1, s19  }
0x7c: {  	[tilespmem:s24], [sflag:$0x4] =	stream.strided.gather [hbm4b:s19+s21], $0x1000, s20, s21, $0x38;
	[tilespmem:$0x18A00] =	vst v63  }
0x7d: {  	s19 =	sand.u32 $0xFFFFF80, s25  }
0x7e: {  	s26 =	simm.s32 $0xB600;
	s18 =	sand.u32 $0xFFFFF80, s18;
	s19 =	sadd.s32 s2, s19  }
0x7f: {  	[tilespmem:s26], [sflag:$0x4] =	stream.strided.gather [hbm4b:s19+s21], $0x1000, s20, s21, $0x38;
	[tilespmem:$0x18A00] =	vst v63  }
0x80: {  	s18 =	sadd.s32 s2, s18;
	s23 =	simm.s32 $0x13600  }
0x81: {  	[tilespmem:s23], [sflag:$0x4] =	stream.strided.gather [hbm4b:s18+s21], $0x1000, s20, s21, $0x38;
	[tilespmem:$0x18A00] =	vst v63  }
0x82: {  	v3 =	vld [tilespmem:$0x400]  }
0x83: {  	v4 =	vld [tilespmem:$0x0];
	_ =	sdelay $0x1  }
0x84: {  	v5 =	vld [tilespmem:$0x200];
	_ =	sdelay $0x1  }
0x85: {  	v3 =	vsel vm4, $0x0, v3  }
0x86: {  	(xrf0) =	vadd.scan.msk.s32 $0xffff, v3;
	v3 =	vsel vm4, $0x0, v4  }
0x87: {  	(xrf0) =	vadd.scan.msk.s32 $0xffff, v3  }
0x88: {  	v3 =	vsel vm4, $0x0, v5  }
0x89: {  	(xrf0) =	vadd.scan.msk.s32 $0xffff, v3;
	_ =	sdelay $0x2  }
0x8a: {  	v3, _, _ =	vpop (xrf0)  }
0x8b: {  	(v2sf) =	vpush v3, $0xF;
	v3, _, _ =	vpop (xrf0)  }
0x8c: {  	(v2sf) =	vpush v3, $0xF  }
0x8d: {  	v3, _, _ =	vpop (xrf0)  }
0x8e: {  	(v2sf) =	vpush v3, $0xF;
	_ =	sdelay $0xb  }
0x8f: {  	s24 =	spop (v2sf)  }
0x90: {  	s25 =	spop (v2sf)  }
0x91: {  	s19 =	sand.u32 $0xFFFFF80, s25  }
0x92: {  	s26 =	spop (v2sf);
	s19 =	sadd.s32 s1, s19  }
0x93: {  	[tilespmem:s0], [sflag:$0x5] =	stream.strided.gather [hbm4b:s19+s21], $0x1000, s20, s21, $0x38;
	[tilespmem:$0x18A00] =	vst v63  }
0x94: {  	s19 =	sand.u32 $0xFFFFF80, s26  }
0x95: {  	s18 =	sand.u32 $0xFFFFF80, s24;
	s19 =	sadd.s32 s2, s19  }
0x96: {  	[tilespmem:s3], [sflag:$0x5] =	stream.strided.gather [hbm4b:s19+s21], $0x1000, s20, s21, $0x38;
	[tilespmem:$0x18A00] =	vst v63  }
0x97: {  	s18 =	sadd.s32 s2, s18  }
0x98: {  	[tilespmem:s12], [sflag:$0x5] =	stream.strided.gather [hbm4b:s18+s21], $0x1000, s20, s21, $0x38;
	[tilespmem:$0x18A00] =	vst v63  }
0x99: {  	v3 =	vld [tilespmem:$0x400]  }
0x9a: {  	v4 =	vld [tilespmem:$0x0];
	_ =	sdelay $0x1  }
0x9b: {  	v5 =	vld [tilespmem:$0x200];
	_ =	sdelay $0x1  }
0x9c: {  	v3 =	vsel vm5, $0x0, v3  }
0x9d: {  	(xrf0) =	vadd.scan.msk.s32 $0xffff, v3;
	v3 =	vsel vm5, $0x0, v4  }
0x9e: {  	(xrf0) =	vadd.scan.msk.s32 $0xffff, v3  }
0x9f: {  	v3 =	vsel vm5, $0x0, v5  }
0xa0: {  	(xrf0) =	vadd.scan.msk.s32 $0xffff, v3;
	_ =	sdelay $0x2  }
0xa1: {  	v3, _, _ =	vpop (xrf0)  }
0xa2: {  	(v2sf) =	vpush v3, $0xF;
	v3, _, _ =	vpop (xrf0)  }
0xa3: {  	(v2sf) =	vpush v3, $0xF  }
0xa4: {  	v3, _, _ =	vpop (xrf0)  }
0xa5: {  	(v2sf) =	vpush v3, $0xF;
	_ =	sdelay $0xb  }
0xa6: {  	s0 =	spop (v2sf)  }
0xa7: {  	s3 =	spop (v2sf)  }
0xa8: {  	s19 =	sand.u32 $0xFFFFF80, s3  }
0xa9: {  	s12 =	spop (v2sf);
	s19 =	sadd.s32 s1, s19  }
0xaa: {  	[tilespmem:s5], [sflag:$0x6] =	stream.strided.gather [hbm4b:s19+s21], $0x1000, s20, s21, $0x38;
	[tilespmem:$0x18A00] =	vst v63  }
0xab: {  	s19 =	sand.u32 $0xFFFFF80, s12  }
0xac: {  	s18 =	sand.u32 $0xFFFFF80, s0;
	s19 =	sadd.s32 s2, s19  }
0xad: {  	[tilespmem:s6], [sflag:$0x6] =	stream.strided.gather [hbm4b:s19+s21], $0x1000, s20, s21, $0x38;
	[tilespmem:$0x18A00] =	vst v63  }
0xae: {  	s18 =	sadd.s32 s2, s18  }
0xaf: {  	[tilespmem:s7], [sflag:$0x6] =	stream.strided.gather [hbm4b:s18+s21], $0x1000, s20, s21, $0x38;
	[tilespmem:$0x18A00] =	vst v63  }
0xb0: {  	v3 =	vld [tilespmem:$0x400]  }
0xb1: {  	v4 =	vld [tilespmem:$0x0];
	_ =	sdelay $0x1  }
0xb2: {  	v5 =	vld [tilespmem:$0x200];
	_ =	sdelay $0x1  }
0xb3: {  	v3 =	vsel vm6, $0x0, v3  }
0xb4: {  	(xrf0) =	vadd.scan.msk.s32 $0xffff, v3;
	v3 =	vsel vm6, $0x0, v4  }
0xb5: {  	(xrf0) =	vadd.scan.msk.s32 $0xffff, v3  }
0xb6: {  	v3 =	vsel vm6, $0x0, v5  }
0xb7: {  	(xrf0) =	vadd.scan.msk.s32 $0xffff, v3;
	_ =	sdelay $0x2  }
0xb8: {  	v3, _, _ =	vpop (xrf0)  }
0xb9: {  	(v2sf) =	vpush v3, $0xF;
	v3, _, _ =	vpop (xrf0)  }
0xba: {  	(v2sf) =	vpush v3, $0xF  }
0xbb: {  	v3, _, _ =	vpop (xrf0)  }
0xbc: {  	(v2sf) =	vpush v3, $0xF;
	_ =	sdelay $0xb  }
0xbd: {  	s22 =	spop (v2sf)  }
0xbe: {  	s23 =	spop (v2sf)  }
0xbf: {  	s19 =	sand.u32 $0xFFFFF80, s23  }
0xc0: {  	s24 =	spop (v2sf);
	s19 =	sadd.s32 s1, s19  }
0xc1: {  	[tilespmem:s8], [sflag:$0x7] =	stream.strided.gather [hbm4b:s19+s21], $0x1000, s20, s21, $0x38;
	[tilespmem:$0x18A00] =	vst v63  }
0xc2: {  	s19 =	sand.u32 $0xFFFFF80, s24  }
0xc3: {  	s18 =	sand.u32 $0xFFFFF80, s22;
	s19 =	sadd.s32 s2, s19  }
0xc4: {  	[tilespmem:s9], [sflag:$0x7] =	stream.strided.gather [hbm4b:s19+s21], $0x1000, s20, s21, $0x38;
	[tilespmem:$0x18A00] =	vst v63  }
0xc5: {  	s18 =	sadd.s32 s2, s18  }
0xc6: {  	[tilespmem:s30], [sflag:$0x7] =	stream.strided.gather [hbm4b:s18+s21], $0x1000, s20, s21, $0x38;
	[tilespmem:$0x18A00] =	vst v63  }
0xc7: {  	v3 =	vld [tilespmem:$0x400]  }
0xc8: {  	v4 =	vld [tilespmem:$0x0];
	_ =	sdelay $0x1  }
0xc9: {  	v5 =	vld [tilespmem:$0x200];
	_ =	sdelay $0x1  }
0xca: {  	v3 =	vsel vm7, $0x0, v3  }
0xcb: {  	(xrf0) =	vadd.scan.msk.s32 $0xffff, v3;
	v3 =	vsel vm7, $0x0, v4  }
0xcc: {  	(xrf0) =	vadd.scan.msk.s32 $0xffff, v3  }
0xcd: {  	v3 =	vsel vm7, $0x0, v5  }
0xce: {  	(xrf0) =	vadd.scan.msk.s32 $0xffff, v3;
	_ =	sdelay $0x2  }
0xcf: {  	v3, _, _ =	vpop (xrf0)  }
0xd0: {  	v4, _, _ =	vpop (xrf0);
	(v2sf) =	vpush v3, $0xF  }
0xd1: {  	(v2sf) =	vpush v4, $0xF  }
0xd2: {  	v3, _, _ =	vpop (xrf0)  }
0xd3: {  	(v2sf) =	vpush v3, $0xF;
	_ =	sdelay $0xb  }
0xd4: {  	s25 =	spop (v2sf)  }
0xd5: {  	s26 =	spop (v2sf)  }
0xd6: {  	s19 =	sand.u32 $0xFFFFF80, s26  }
0xd7: {  	s30 =	spop (v2sf);
	s19 =	sadd.s32 s1, s19  }
0xd8: {  	[tilespmem:s28], [sflag:$0x8] =	stream.strided.gather [hbm4b:s19+s21], $0x1000, s20, s21, $0x38;
	[tilespmem:$0x18A00] =	vst v63  }
0xd9: {  	s19 =	sand.u32 $0xFFFFF80, s30  }
0xda: {  	s18 =	sand.u32 $0xFFFFF80, s25;
	s19 =	sadd.s32 s2, s19  }
0xdb: {  	[tilespmem:s29], [sflag:$0x8] =	stream.strided.gather [hbm4b:s19+s21], $0x1000, s20, s21, $0x38;
	[tilespmem:$0x18A00] =	vst v63  }
0xdc: {  	s18 =	sadd.s32 s2, s18;
	s19 =	simm.s32 $0x187F8  }
0xdd: {  	[tilespmem:s31], [sflag:$0x8] =	stream.strided.gather [hbm4b:s18+s21], $0x1000, s20, s21, $0x38;
	[tilespmem:$0x18A00] =	vst v63  }
0xde: {  	v4 =	vimm.f32 $0.0e+00;
	v3 =	vimm.f32 $0.0e+00;
	s18 =	simm.s32 $0x185F8;
	s20 =	simm.s32 $0x0;
	s21 =	simm.s32 $0x0  }
.LBB2_2:
0xdf: {  	_ =	swait.ge [sflag:s10], $0x1000  }
0xe0: {  	[sflag:s10] =	ssyncset.done $0x0  }
0xe1: {  	[sflag:s10] =	ssyncadd.s32 $0xFFFFF000  }
0xe2: {  	_ =	swait.ge [sflag:s10], $0x1000  }
0xe3: {  	[sflag:s10] =	ssyncset.done $0x0  }
0xe4: {  	[sflag:s10] =	ssyncadd.s32 $0xFFFFF000  }
0xe5: {  	_ =	swait.ge [sflag:s10], $0x1000  }
0xe6: {  	[sflag:s10] =	ssyncset.done $0x0  }
0xe7: {  	s24 =	sand.u32 $0x1F0, s20;
	[sflag:s10] =	ssyncadd.s32 $0xFFFFF000  }
0xe8: {  	v5 =	vld [tilespmem:s24+$0x0];
	_ =	sdelay $0x1  }
0xe9: {  	s25 =	sand.u32 $0x8, s20;
	v6 =	vld [tilespmem:s24+$0x200]  }
0xea: {  	v7 =	vmov s25  }
0xeb: {  	vm8 =	veq.s32 v7, v0;
	v7 =	vld [tilespmem:s24+$0x400]  }
0xec: {  	v5 =	vnsel vm8, $0x0, v5  }
0xed: {  	(xrf0) =	vadd.scan.msk.s32 $0xffff, v5  }
0xee: {  	v5 =	vnsel vm8, $0x0, v6  }
0xef: {  	(xrf0) =	vadd.scan.msk.s32 $0xffff, v5  }
0xf0: {  	v5 =	vnsel vm8, $0x0, v7  }
0xf1: {  	(xrf0) =	vadd.scan.msk.s32 $0xffff, v5;
	_ =	sdelay $0x1  }
0xf2: {  	v5, _, _ =	vpop (xrf0)  }
0xf3: {  	(v2sf) =	vpush v5, $0xF  }
0xf4: {  	v5, _, _ =	vpop (xrf0)  }
0xf5: {  	(v2sf) =	vpush v5, $0xF  }
0xf6: {  	v5, _, _ =	vpop (xrf0)  }
0xf7: {  	p0 =	seq.s32 s20, $0x1F8;
	(v2sf) =	vpush v5, $0xF  }
0xf8: {  	s22 =	sadd.s32 @!p0 $0x8, s20  }
0xf9: {  	s23 =	sand.u32 @!p0 $0x3F0, s22  }
0xfa: {  	v6 =	vld @!p0 [tilespmem:s23+$0x400]  }
0xfb: {  	v7 =	vld @!p0 [tilespmem:s23+$0x0]  }
0xfc: {  	s22 =	sand.u32 @!p0 $0x8, s22  }
0xfd: {  	v8 =	vmov @!p0 s22;
	v5 =	vlaneseq.u32 @!p0  }
0xfe: {  	vm9 =	veq.s32 @!p0 v8, v5  }
0xff: {  	v6 =	vnsel @!p0 vm9, $0x0, v6  }
0x100: {  	(xrf0) =	vadd.scan.msk.s32 @!p0 $0xffff, v6;
	v6 =	vnsel @!p0 vm9, $0x0, v7;
	v7 =	vld @!p0 [tilespmem:s23+$0x200];
	_ =	sdelay $0x1  }
0x101: {  	(xrf0) =	vadd.scan.msk.s32 @!p0 $0xffff, v6;
	s8 =	spop (v2sf)  }
0x102: {  	s22 =	sand.u32 $0x7F, s8  }
0x103: {  	s9 =	spop (v2sf);
	v6 =	vor.u32 s22, v1  }
0x104: {  	v7 =	vnsel @!p0 vm9, $0x0, v7;
	s23 =	sand.u32 $0x7F, s9;
	v50 =	vor.u32 s22, v2  }
0x105: {  	v9, _, _ =	vpop @!p0 (xrf0);
	(xrf0) =	vadd.scan.msk.s32 @!p0 $0xffff, v7;
	s12 =	spop (v2sf);
	v7 =	vor.u32 s23, v1  }
0x106: {  	s22 =	sand.u32 $0x7F, s12;
	v10 =	vor.u32 s23, v2  }
0x107: {  	s26 =	simm.s32 $0x600;
	(v2sf) =	vpush @!p0 v9, $0xF;
	v9, _, _ =	vpop @!p0 (xrf0);
	v51 =	vor.u32 s22, v1  }
0x108: {  	(v2sf) =	vpush @!p0 v9, $0xF;
	v11 =	vor.u32 s22, v2;
	v6 =	vld.idx.msk [tilespmem:v6+s26+$0x0], $0xffff  }
0x109: {  	s0 =	simm.s32 $0x8600;
	v8 =	vld.idx.msk [tilespmem:v50+s26+$0x0], $0xffff  }
0x10a: {  	v7 =	vld.idx.msk [tilespmem:v7+s0+$0x0], $0xffff  }
0x10b: {  	s3 =	simm.s32 $0x10600;
	v12, _, _ =	vpop @!p0 (xrf0);
	v10 =	vld.idx.msk [tilespmem:v10+s0+$0x0], $0xffff  }
0x10c: {  	(v2sf) =	vpush @!p0 v12, $0xF;
	v9 =	vld.idx.msk [tilespmem:v51+s3+$0x0], $0xffff  }
0x10d: {  	v11 =	vld.idx.msk [tilespmem:v11+s3+$0x0], $0xffff;
	_ =	sdelay $0x3  }
0x10e: {  	v7 =	vmul.f32 v7, v6;
	v10 =	vmul.f32 v10, v8  }
0x10f: {  	v6 =	vmul.f32 v9, v6;
	v8 =	vmul.f32 v11, v8  }
0x110: {  	v7 =	vadd.f32 v10, v7  }
0x111: {  	v6 =	vadd.f32 v8, v6  }
0x112: {  	(xrf2) =	vadd.scan.msk.f32 $0xffff, v7  }
0x113: {  	s26 =	spop @!p0 (v2sf);
	(xrf2) =	vadd.scan.msk.f32 $0xffff, v6  }
0x114: {  	s22 =	spop @!p0 (v2sf)  }
0x115: {  	s29 =	simm.s32 @!p0 $0x600;
	s22 =	sand.u32 @!p0 $0xFFFFF80, s22  }
0x116: {  	s23 =	simm.s32 @!p0 $0x7A1400;
	s28 =	sadd.s32 @!p0 s1, s22;
	s22 =	simm.s32 @!p0 $0x400  }
0x117: {  	[tilespmem:s29], [sflag:$0x1] =	stream.strided.gather @!p0 [hbm4b:s28+s22], $0x1000, s23, s22, $0x38;
	[tilespmem:$0x18A00] =	vst v63  }
0x118: {  	s28 =	spop @!p0 (v2sf)  }
0x119: {  	s28 =	sand.u32 @!p0 $0xFFFFF80, s28  }
0x11a: {  	s26 =	sand.u32 @!p0 $0xFFFFF80, s26;
	s29 =	simm.s32 @!p0 $0x8600;
	s28 =	sadd.s32 @!p0 s2, s28  }
0x11b: {  	[tilespmem:s29], [sflag:$0x1] =	stream.strided.gather @!p0 [hbm4b:s28+s22], $0x1000, s23, s22, $0x38;
	[tilespmem:$0x18A00] =	vst v63  }
0x11c: {  	s26 =	sadd.s32 @!p0 s2, s26;
	s28 =	simm.s32 @!p0 $0x10600;
	v6, _, _ =	vpop (xrf2)  }
0x11d: {  	[tilespmem:s28], [sflag:$0x1] =	stream.strided.gather @!p0 [hbm4b:s26+s22], $0x1000, s23, s22, $0x38;
	v7, _, _ =	vpop (xrf2);
	[tilespmem:$0x18A00] =	vst v63  }
0x11e: {  	_ =	swait.ge [sflag:s4], $0x1000  }
0x11f: {  	[sflag:s4] =	ssyncset.done $0x0  }
0x120: {  	[sflag:s4] =	ssyncadd.s32 $0xFFFFF000  }
0x121: {  	_ =	swait.ge [sflag:s4], $0x1000  }
0x122: {  	[sflag:s4] =	ssyncset.done $0x0  }
0x123: {  	[sflag:s4] =	ssyncadd.s32 $0xFFFFF000  }
0x124: {  	_ =	swait.ge [sflag:s4], $0x1000  }
0x125: {  	[sflag:s4] =	ssyncset.done $0x0  }
0x126: {  	[sflag:s4] =	ssyncadd.s32 $0xFFFFF000  }
0x127: {  	v52 =	vld [tilespmem:s24+$0x0];
	_ =	sdelay $0x1  }
0x128: {  	s5 =	sor.u32 $0x1, s25;
	v53 =	vld [tilespmem:s24+$0x200]  }
0x129: {  	v54 =	vmov s5  }
0x12a: {  	vm9 =	veq.s32 v54, v0;
	v55 =	vld [tilespmem:s24+$0x400]  }
0x12b: {  	v8 =	vnsel vm9, $0x0, v52  }
0x12c: {  	(xrf0) =	vadd.scan.msk.s32 $0xffff, v8  }
0x12d: {  	v56 =	vnsel vm9, $0x0, v53  }
0x12e: {  	(xrf0) =	vadd.scan.msk.s32 $0xffff, v56  }
0x12f: {  	v57 =	vnsel vm9, $0x0, v55  }
0x130: {  	(xrf0) =	vadd.scan.msk.s32 $0xffff, v57;
	_ =	sdelay $0x1  }
0x131: {  	v58, _, _ =	vpop (xrf0)  }
0x132: {  	(v2sf) =	vpush v58, $0xF  }
0x133: {  	v59, _, _ =	vpop (xrf0)  }
0x134: {  	(v2sf) =	vpush v59, $0xF  }
0x135: {  	v60, _, _ =	vpop (xrf0)  }
0x136: {  	(v2sf) =	vpush v60, $0xF;
	_ =	sdelay $0x1  }
0x137: {  	s26 =	sadd.s32 @!p0 $0x9, s20  }
0x138: {  	s28 =	sand.u32 @!p0 $0x3F0, s26  }
0x139: {  	v8 =	vld @!p0 [tilespmem:s28+$0x400]  }
0x13a: {  	v9 =	vld @!p0 [tilespmem:s28+$0x0]  }
0x13b: {  	s26 =	sand.u32 @!p0 $0x9, s26  }
0x13c: {  	v10 =	vmov @!p0 s26  }
0x13d: {  	vm10 =	veq.s32 @!p0 v10, v5  }
0x13e: {  	v10 =	vld @!p0 [tilespmem:s28+$0x200];
	v8 =	vnsel @!p0 vm10, $0x0, v8  }
0x13f: {  	(xrf0) =	vadd.scan.msk.s32 @!p0 $0xffff, v8;
	v8 =	vnsel @!p0 vm10, $0x0, v9  }
0x140: {  	(xrf0) =	vadd.scan.msk.s32 @!p0 $0xffff, v8;
	s6 =	spop (v2sf)  }
0x141: {  	s26 =	sand.u32 $0x7F, s6  }
0x142: {  	s28 =	spop (v2sf);
	v61 =	vor.u32 s26, v1  }
0x143: {  	v9 =	vnsel @!p0 vm10, $0x0, v10;
	s28 =	sand.u32 $0x7F, s28;
	v62 =	vor.u32 s26, v2  }
0x144: {  	(xrf0) =	vadd.scan.msk.s32 @!p0 $0xffff, v9;
	s7 =	spop (v2sf);
	v63 =	vor.u32 s28, v1  }
0x145: {  	v11, _, _ =	vpop @!p0 (xrf0);
	s26 =	sand.u32 $0x7F, s7;
	v16 =	vor.u32 s28, v2  }
0x146: {  	(v2sf) =	vpush @!p0 v11, $0xF;
	v11, _, _ =	vpop @!p0 (xrf0);
	s28 =	simm.s32 $0x1600;
	v13 =	vor.u32 s26, v1  }
0x147: {  	(v2sf) =	vpush @!p0 v11, $0xF;
	v17 =	vor.u32 s26, v2;
	v8 =	vld.idx.msk [tilespmem:v61+s28+$0x0], $0xffff  }
0x148: {  	s8 =	simm.s32 $0x9600;
	v10 =	vld.idx.msk [tilespmem:v62+s28+$0x0], $0xffff  }
0x149: {  	v9 =	vld.idx.msk [tilespmem:v63+s8+$0x0], $0xffff  }
0x14a: {  	s9 =	simm.s32 $0x11600;
	v14, _, _ =	vpop @!p0 (xrf0);
	v12 =	vld.idx.msk [tilespmem:v16+s8+$0x0], $0xffff  }
0x14b: {  	(v2sf) =	vpush @!p0 v14, $0xF;
	v13 =	vld.idx.msk [tilespmem:v13+s9+$0x0], $0xffff  }
0x14c: {  	v11 =	vld.idx.msk [tilespmem:v17+s9+$0x0], $0xffff;
	_ =	sdelay $0x3  }
0x14d: {  	v9 =	vmul.f32 v9, v8;
	v12 =	vmul.f32 v12, v10  }
0x14e: {  	v8 =	vmul.f32 v13, v8;
	v10 =	vmul.f32 v11, v10  }
0x14f: {  	v9 =	vadd.f32 v12, v9  }
0x150: {  	v8 =	vadd.f32 v10, v8  }
0x151: {  	(xrf2) =	vadd.scan.msk.f32 $0xffff, v9  }
0x152: {  	s26 =	spop @!p0 (v2sf);
	(xrf2) =	vadd.scan.msk.f32 $0xffff, v8  }
0x153: {  	s28 =	spop @!p0 (v2sf)  }
0x154: {  	s28 =	sand.u32 @!p0 $0xFFFFF80, s28  }
0x155: {  	s29 =	simm.s32 @!p0 $0x1600;
	s28 =	sadd.s32 @!p0 s1, s28  }
0x156: {  	[tilespmem:s29], [sflag:$0x2] =	stream.strided.gather @!p0 [hbm4b:s28+s22], $0x1000, s23, s22, $0x38;
	[tilespmem:$0x18A00] =	vst v63  }
0x157: {  	s28 =	spop @!p0 (v2sf)  }
0x158: {  	s28 =	sand.u32 @!p0 $0xFFFFF80, s28  }
0x159: {  	s26 =	sand.u32 @!p0 $0xFFFFF80, s26;
	s29 =	simm.s32 @!p0 $0x9600;
	s28 =	sadd.s32 @!p0 s2, s28  }
0x15a: {  	[tilespmem:s29], [sflag:$0x2] =	stream.strided.gather @!p0 [hbm4b:s28+s22], $0x1000, s23, s22, $0x38;
	[tilespmem:$0x18A00] =	vst v63  }
0x15b: {  	s26 =	sadd.s32 @!p0 s2, s26;
	s28 =	simm.s32 @!p0 $0x11600;
	v8, _, _ =	vpop (xrf2)  }
0x15c: {  	[tilespmem:s28], [sflag:$0x2] =	stream.strided.gather @!p0 [hbm4b:s26+s22], $0x1000, s23, s22, $0x38;
	v9, _, _ =	vpop (xrf2);
	[tilespmem:$0x18A00] =	vst v63  }
0x15d: {  	_ =	swait.ge [sflag:s11], $0x1000  }
0x15e: {  	[sflag:s11] =	ssyncset.done $0x0  }
0x15f: {  	[sflag:s11] =	ssyncadd.s32 $0xFFFFF000  }
0x160: {  	_ =	swait.ge [sflag:s11], $0x1000  }
0x161: {  	[sflag:s11] =	ssyncset.done $0x0  }
0x162: {  	[sflag:s11] =	ssyncadd.s32 $0xFFFFF000  }
0x163: {  	_ =	swait.ge [sflag:s11], $0x1000  }
0x164: {  	[sflag:s11] =	ssyncset.done $0x0  }
0x165: {  	[sflag:s11] =	ssyncadd.s32 $0xFFFFF000  }
0x166: {  	v18 =	vld [tilespmem:s24+$0x0];
	_ =	sdelay $0x1  }
0x167: {  	s12 =	sor.u32 $0x2, s25;
	v19 =	vld [tilespmem:s24+$0x200]  }
0x168: {  	v20 =	vmov s12  }
0x169: {  	vm10 =	veq.s32 v20, v0;
	v21 =	vld [tilespmem:s24+$0x400]  }
0x16a: {  	v10 =	vnsel vm10, $0x0, v18  }
0x16b: {  	(xrf0) =	vadd.scan.msk.s32 $0xffff, v10  }
0x16c: {  	v22 =	vnsel vm10, $0x0, v19  }
0x16d: {  	(xrf0) =	vadd.scan.msk.s32 $0xffff, v22  }
0x16e: {  	v23 =	vnsel vm10, $0x0, v21  }
0x16f: {  	(xrf0) =	vadd.scan.msk.s32 $0xffff, v23;
	_ =	sdelay $0x1  }
0x170: {  	v24, _, _ =	vpop (xrf0)  }
0x171: {  	(v2sf) =	vpush v24, $0xF  }
0x172: {  	v25, _, _ =	vpop (xrf0)  }
0x173: {  	(v2sf) =	vpush v25, $0xF  }
0x174: {  	v26, _, _ =	vpop (xrf0)  }
0x175: {  	(v2sf) =	vpush v26, $0xF;
	_ =	sdelay $0x1  }
0x176: {  	s26 =	sadd.s32 @!p0 $0xA, s20  }
0x177: {  	s28 =	sand.u32 @!p0 $0x3F0, s26  }
0x178: {  	v10 =	vld @!p0 [tilespmem:s28+$0x400]  }
0x179: {  	v11 =	vld @!p0 [tilespmem:s28+$0x0]  }
0x17a: {  	s26 =	sand.u32 @!p0 $0xA, s26  }
0x17b: {  	v12 =	vmov @!p0 s26  }
0x17c: {  	vm11 =	veq.s32 @!p0 v12, v5  }
0x17d: {  	v12 =	vld @!p0 [tilespmem:s28+$0x200];
	v10 =	vnsel @!p0 vm11, $0x0, v10  }
0x17e: {  	(xrf0) =	vadd.scan.msk.s32 @!p0 $0xffff, v10;
	v10 =	vnsel @!p0 vm11, $0x0, v11  }
0x17f: {  	(xrf0) =	vadd.scan.msk.s32 @!p0 $0xffff, v10;
	s0 =	spop (v2sf)  }
0x180: {  	s26 =	sand.u32 $0x7F, s0  }
0x181: {  	s28 =	spop (v2sf);
	v27 =	vor.u32 s26, v1  }
0x182: {  	v11 =	vnsel @!p0 vm11, $0x0, v12;
	s28 =	sand.u32 $0x7F, s28;
	v28 =	vor.u32 s26, v2  }
0x183: {  	(xrf0) =	vadd.scan.msk.s32 @!p0 $0xffff, v11;
	s3 =	spop (v2sf);
	v29 =	vor.u32 s28, v1  }
0x184: {  	v13, _, _ =	vpop @!p0 (xrf0);
	s26 =	sand.u32 $0x7F, s3;
	v30 =	vor.u32 s28, v2  }
0x185: {  	(v2sf) =	vpush @!p0 v13, $0xF;
	v13, _, _ =	vpop @!p0 (xrf0);
	s28 =	simm.s32 $0x2600;
	v15 =	vor.u32 s26, v1  }
0x186: {  	(v2sf) =	vpush @!p0 v13, $0xF;
	v31 =	vor.u32 s26, v2;
	v10 =	vld.idx.msk [tilespmem:v27+s28+$0x0], $0xffff  }
0x187: {  	s5 =	simm.s32 $0xA600;
	v12 =	vld.idx.msk [tilespmem:v28+s28+$0x0], $0xffff  }
0x188: {  	v11 =	vld.idx.msk [tilespmem:v29+s5+$0x0], $0xffff  }
0x189: {  	s6 =	simm.s32 $0x12600;
	v16, _, _ =	vpop @!p0 (xrf0);
	v14 =	vld.idx.msk [tilespmem:v30+s5+$0x0], $0xffff  }
0x18a: {  	(v2sf) =	vpush @!p0 v16, $0xF;
	v15 =	vld.idx.msk [tilespmem:v15+s6+$0x0], $0xffff  }
0x18b: {  	v13 =	vld.idx.msk [tilespmem:v31+s6+$0x0], $0xffff;
	_ =	sdelay $0x3  }
0x18c: {  	v11 =	vmul.f32 v11, v10;
	v14 =	vmul.f32 v14, v12  }
0x18d: {  	v10 =	vmul.f32 v15, v10;
	v12 =	vmul.f32 v13, v12  }
0x18e: {  	v11 =	vadd.f32 v14, v11  }
0x18f: {  	v10 =	vadd.f32 v12, v10  }
0x190: {  	(xrf2) =	vadd.scan.msk.f32 $0xffff, v11  }
0x191: {  	s26 =	spop @!p0 (v2sf);
	(xrf2) =	vadd.scan.msk.f32 $0xffff, v10  }
0x192: {  	s28 =	spop @!p0 (v2sf)  }
0x193: {  	s28 =	sand.u32 @!p0 $0xFFFFF80, s28  }
0x194: {  	s29 =	simm.s32 @!p0 $0x2600;
	s28 =	sadd.s32 @!p0 s1, s28  }
0x195: {  	[tilespmem:s29], [sflag:$0x3] =	stream.strided.gather @!p0 [hbm4b:s28+s22], $0x1000, s23, s22, $0x38;
	[tilespmem:$0x18A00] =	vst v63  }
0x196: {  	s28 =	spop @!p0 (v2sf)  }
0x197: {  	s28 =	sand.u32 @!p0 $0xFFFFF80, s28  }
0x198: {  	s26 =	sand.u32 @!p0 $0xFFFFF80, s26;
	s29 =	simm.s32 @!p0 $0xA600;
	s28 =	sadd.s32 @!p0 s2, s28  }
0x199: {  	[tilespmem:s29], [sflag:$0x3] =	stream.strided.gather @!p0 [hbm4b:s28+s22], $0x1000, s23, s22, $0x38;
	[tilespmem:$0x18A00] =	vst v63  }
0x19a: {  	s26 =	sadd.s32 @!p0 s2, s26;
	s28 =	simm.s32 @!p0 $0x12600;
	v11, _, _ =	vpop (xrf2)  }
0x19b: {  	[tilespmem:s28], [sflag:$0x3] =	stream.strided.gather @!p0 [hbm4b:s26+s22], $0x1000, s23, s22, $0x38;
	v10, _, _ =	vpop (xrf2);
	[tilespmem:$0x18A00] =	vst v63  }
0x19c: {  	_ =	swait.ge [sflag:s14], $0x1000  }
0x19d: {  	[sflag:s14] =	ssyncset.done $0x0  }
0x19e: {  	[sflag:s14] =	ssyncadd.s32 $0xFFFFF000  }
0x19f: {  	_ =	swait.ge [sflag:s14], $0x1000  }
0x1a0: {  	[sflag:s14] =	ssyncset.done $0x0  }
0x1a1: {  	[sflag:s14] =	ssyncadd.s32 $0xFFFFF000  }
0x1a2: {  	_ =	swait.ge [sflag:s14], $0x1000  }
0x1a3: {  	[sflag:s14] =	ssyncset.done $0x0  }
0x1a4: {  	[sflag:s14] =	ssyncadd.s32 $0xFFFFF000  }
0x1a5: {  	v32 =	vld [tilespmem:s24+$0x0];
	_ =	sdelay $0x1  }
0x1a6: {  	s7 =	sor.u32 $0x3, s25;
	v33 =	vld [tilespmem:s24+$0x200]  }
0x1a7: {  	v34 =	vmov s7  }
0x1a8: {  	vm11 =	veq.s32 v34, v0;
	v35 =	vld [tilespmem:s24+$0x400]  }
0x1a9: {  	v12 =	vnsel vm11, $0x0, v32  }
0x1aa: {  	(xrf0) =	vadd.scan.msk.s32 $0xffff, v12  }
0x1ab: {  	v36 =	vnsel vm11, $0x0, v33  }
0x1ac: {  	(xrf0) =	vadd.scan.msk.s32 $0xffff, v36  }
0x1ad: {  	v37 =	vnsel vm11, $0x0, v35  }
0x1ae: {  	(xrf0) =	vadd.scan.msk.s32 $0xffff, v37;
	_ =	sdelay $0x1  }
0x1af: {  	v38, _, _ =	vpop (xrf0)  }
0x1b0: {  	(v2sf) =	vpush v38, $0xF  }
0x1b1: {  	v39, _, _ =	vpop (xrf0)  }
0x1b2: {  	(v2sf) =	vpush v39, $0xF  }
0x1b3: {  	v40, _, _ =	vpop (xrf0)  }
0x1b4: {  	(v2sf) =	vpush v40, $0xF;
	_ =	sdelay $0x1  }
0x1b5: {  	s26 =	sadd.s32 @!p0 $0xB, s20  }
0x1b6: {  	s28 =	sand.u32 @!p0 $0x3F0, s26  }
0x1b7: {  	v12 =	vld @!p0 [tilespmem:s28+$0x400]  }
0x1b8: {  	v13 =	vld @!p0 [tilespmem:s28+$0x0]  }
0x1b9: {  	s26 =	sand.u32 @!p0 $0xB, s26  }
0x1ba: {  	v14 =	vmov @!p0 s26  }
0x1bb: {  	vm12 =	veq.s32 @!p0 v14, v5  }
0x1bc: {  	v14 =	vld @!p0 [tilespmem:s28+$0x200];
	v12 =	vnsel @!p0 vm12, $0x0, v12  }
0x1bd: {  	(xrf0) =	vadd.scan.msk.s32 @!p0 $0xffff, v12;
	v12 =	vnsel @!p0 vm12, $0x0, v13  }
0x1be: {  	(xrf0) =	vadd.scan.msk.s32 @!p0 $0xffff, v12;
	s8 =	spop (v2sf)  }
0x1bf: {  	s26 =	sand.u32 $0x7F, s8  }
0x1c0: {  	s28 =	spop (v2sf);
	v41 =	vor.u32 s26, v1  }
0x1c1: {  	v13 =	vnsel @!p0 vm12, $0x0, v14;
	s28 =	sand.u32 $0x7F, s28;
	v42 =	vor.u32 s26, v2  }
0x1c2: {  	(xrf0) =	vadd.scan.msk.s32 @!p0 $0xffff, v13;
	s9 =	spop (v2sf);
	v43 =	vor.u32 s28, v1  }
0x1c3: {  	v15, _, _ =	vpop @!p0 (xrf0);
	s26 =	sand.u32 $0x7F, s9;
	v44 =	vor.u32 s28, v2  }
0x1c4: {  	(v2sf) =	vpush @!p0 v15, $0xF;
	v15, _, _ =	vpop @!p0 (xrf0);
	s28 =	simm.s32 $0x3600;
	v17 =	vor.u32 s26, v1  }
0x1c5: {  	(v2sf) =	vpush @!p0 v15, $0xF;
	v45 =	vor.u32 s26, v2;
	v12 =	vld.idx.msk [tilespmem:v41+s28+$0x0], $0xffff  }
0x1c6: {  	s12 =	simm.s32 $0xB600;
	v14 =	vld.idx.msk [tilespmem:v42+s28+$0x0], $0xffff  }
0x1c7: {  	v13 =	vld.idx.msk [tilespmem:v43+s12+$0x0], $0xffff  }
0x1c8: {  	s0 =	simm.s32 $0x13600;
	v18, _, _ =	vpop @!p0 (xrf0);
	v16 =	vld.idx.msk [tilespmem:v44+s12+$0x0], $0xffff  }
0x1c9: {  	(v2sf) =	vpush @!p0 v18, $0xF;
	v17 =	vld.idx.msk [tilespmem:v17+s0+$0x0], $0xffff  }
0x1ca: {  	v15 =	vld.idx.msk [tilespmem:v45+s0+$0x0], $0xffff;
	_ =	sdelay $0x3  }
0x1cb: {  	v13 =	vmul.f32 v13, v12;
	v16 =	vmul.f32 v16, v14  }
0x1cc: {  	v12 =	vmul.f32 v17, v12;
	v14 =	vmul.f32 v15, v14  }
0x1cd: {  	v13 =	vadd.f32 v16, v13  }
0x1ce: {  	v12 =	vadd.f32 v14, v12  }
0x1cf: {  	(xrf2) =	vadd.scan.msk.f32 $0xffff, v13  }
0x1d0: {  	s26 =	spop @!p0 (v2sf);
	(xrf2) =	vadd.scan.msk.f32 $0xffff, v12  }
0x1d1: {  	s28 =	spop @!p0 (v2sf)  }
0x1d2: {  	s28 =	sand.u32 @!p0 $0xFFFFF80, s28  }
0x1d3: {  	s29 =	simm.s32 @!p0 $0x3600;
	s28 =	sadd.s32 @!p0 s1, s28  }
0x1d4: {  	[tilespmem:s29], [sflag:$0x4] =	stream.strided.gather @!p0 [hbm4b:s28+s22], $0x1000, s23, s22, $0x38;
	[tilespmem:$0x18A00] =	vst v63  }
0x1d5: {  	s28 =	spop @!p0 (v2sf)  }
0x1d6: {  	s28 =	sand.u32 @!p0 $0xFFFFF80, s28  }
0x1d7: {  	s26 =	sand.u32 @!p0 $0xFFFFF80, s26;
	s29 =	simm.s32 @!p0 $0xB600;
	s28 =	sadd.s32 @!p0 s2, s28  }
0x1d8: {  	[tilespmem:s29], [sflag:$0x4] =	stream.strided.gather @!p0 [hbm4b:s28+s22], $0x1000, s23, s22, $0x38;
	[tilespmem:$0x18A00] =	vst v63  }
0x1d9: {  	s26 =	sadd.s32 @!p0 s2, s26;
	s28 =	simm.s32 @!p0 $0x13600;
	v12, _, _ =	vpop (xrf2)  }
0x1da: {  	[tilespmem:s28], [sflag:$0x4] =	stream.strided.gather @!p0 [hbm4b:s26+s22], $0x1000, s23, s22, $0x38;
	v13, _, _ =	vpop (xrf2);
	[tilespmem:$0x18A00] =	vst v63  }
0x1db: {  	_ =	swait.ge [sflag:s13], $0x1000  }
0x1dc: {  	[sflag:s13] =	ssyncset.done $0x0  }
0x1dd: {  	[sflag:s13] =	ssyncadd.s32 $0xFFFFF000  }
0x1de: {  	_ =	swait.ge [sflag:s13], $0x1000  }
0x1df: {  	[sflag:s13] =	ssyncset.done $0x0  }
0x1e0: {  	[sflag:s13] =	ssyncadd.s32 $0xFFFFF000  }
0x1e1: {  	_ =	swait.ge [sflag:s13], $0x1000  }
0x1e2: {  	[sflag:s13] =	ssyncset.done $0x0  }
0x1e3: {  	[sflag:s13] =	ssyncadd.s32 $0xFFFFF000  }
0x1e4: {  	v46 =	vld [tilespmem:s24+$0x0];
	_ =	sdelay $0x1  }
0x1e5: {  	s3 =	sor.u32 $0x4, s25;
	v47 =	vld [tilespmem:s24+$0x200]  }
0x1e6: {  	v48 =	vmov s3  }
0x1e7: {  	vm12 =	veq.s32 v48, v0;
	v49 =	vld [tilespmem:s24+$0x400]  }
0x1e8: {  	v14 =	vnsel vm12, $0x0, v46  }
0x1e9: {  	(xrf0) =	vadd.scan.msk.s32 $0xffff, v14  }
0x1ea: {  	v50 =	vnsel vm12, $0x0, v47  }
0x1eb: {  	(xrf0) =	vadd.scan.msk.s32 $0xffff, v50  }
0x1ec: {  	v51 =	vnsel vm12, $0x0, v49  }
0x1ed: {  	(xrf0) =	vadd.scan.msk.s32 $0xffff, v51;
	_ =	sdelay $0x1  }
0x1ee: {  	v52, _, _ =	vpop (xrf0)  }
0x1ef: {  	(v2sf) =	vpush v52, $0xF  }
0x1f0: {  	v53, _, _ =	vpop (xrf0)  }
0x1f1: {  	(v2sf) =	vpush v53, $0xF  }
0x1f2: {  	v54, _, _ =	vpop (xrf0)  }
0x1f3: {  	(v2sf) =	vpush v54, $0xF;
	_ =	sdelay $0x1  }
0x1f4: {  	s26 =	sadd.s32 @!p0 $0xC, s20  }
0x1f5: {  	s28 =	sand.u32 @!p0 $0x3F0, s26  }
0x1f6: {  	v14 =	vld @!p0 [tilespmem:s28+$0x400]  }
0x1f7: {  	v15 =	vld @!p0 [tilespmem:s28+$0x0]  }
0x1f8: {  	s26 =	sand.u32 @!p0 $0xC, s26  }
0x1f9: {  	v16 =	vmov @!p0 s26  }
0x1fa: {  	vm13 =	veq.s32 @!p0 v16, v5  }
0x1fb: {  	v16 =	vld @!p0 [tilespmem:s28+$0x200];
	v14 =	vnsel @!p0 vm13, $0x0, v14  }
0x1fc: {  	(xrf0) =	vadd.scan.msk.s32 @!p0 $0xffff, v14;
	v14 =	vnsel @!p0 vm13, $0x0, v15  }
0x1fd: {  	(xrf0) =	vadd.scan.msk.s32 @!p0 $0xffff, v14;
	s5 =	spop (v2sf)  }
0x1fe: {  	s26 =	sand.u32 $0x7F, s5  }
0x1ff: {  	s28 =	spop (v2sf);
	v55 =	vor.u32 s26, v1  }
0x200: {  	v15 =	vnsel @!p0 vm13, $0x0, v16;
	s28 =	sand.u32 $0x7F, s28;
	v56 =	vor.u32 s26, v2  }
0x201: {  	(xrf0) =	vadd.scan.msk.s32 @!p0 $0xffff, v15;
	s6 =	spop (v2sf);
	v57 =	vor.u32 s28, v1  }
0x202: {  	v17, _, _ =	vpop @!p0 (xrf0);
	s26 =	sand.u32 $0x7F, s6;
	v58 =	vor.u32 s28, v2  }
0x203: {  	(v2sf) =	vpush @!p0 v17, $0xF;
	v17, _, _ =	vpop @!p0 (xrf0);
	s28 =	simm.s32 $0x4600;
	v19 =	vor.u32 s26, v1  }
0x204: {  	(v2sf) =	vpush @!p0 v17, $0xF;
	v59 =	vor.u32 s26, v2;
	v14 =	vld.idx.msk [tilespmem:v55+s28+$0x0], $0xffff  }
0x205: {  	s7 =	simm.s32 $0xC600;
	v16 =	vld.idx.msk [tilespmem:v56+s28+$0x0], $0xffff  }
0x206: {  	v15 =	vld.idx.msk [tilespmem:v57+s7+$0x0], $0xffff  }
0x207: {  	s8 =	simm.s32 $0x14600;
	v20, _, _ =	vpop @!p0 (xrf0);
	v18 =	vld.idx.msk [tilespmem:v58+s7+$0x0], $0xffff  }
0x208: {  	(v2sf) =	vpush @!p0 v20, $0xF;
	v19 =	vld.idx.msk [tilespmem:v19+s8+$0x0], $0xffff  }
0x209: {  	v17 =	vld.idx.msk [tilespmem:v59+s8+$0x0], $0xffff;
	_ =	sdelay $0x3  }
0x20a: {  	v15 =	vmul.f32 v15, v14;
	v18 =	vmul.f32 v18, v16  }
0x20b: {  	v14 =	vmul.f32 v19, v14;
	v16 =	vmul.f32 v17, v16  }
0x20c: {  	v15 =	vadd.f32 v18, v15  }
0x20d: {  	v14 =	vadd.f32 v16, v14  }
0x20e: {  	(xrf2) =	vadd.scan.msk.f32 $0xffff, v15  }
0x20f: {  	s26 =	spop @!p0 (v2sf);
	(xrf2) =	vadd.scan.msk.f32 $0xffff, v14  }
0x210: {  	s28 =	spop @!p0 (v2sf)  }
0x211: {  	s28 =	sand.u32 @!p0 $0xFFFFF80, s28  }
0x212: {  	s29 =	simm.s32 @!p0 $0x4600;
	s28 =	sadd.s32 @!p0 s1, s28  }
0x213: {  	[tilespmem:s29], [sflag:$0x5] =	stream.strided.gather @!p0 [hbm4b:s28+s22], $0x1000, s23, s22, $0x38;
	[tilespmem:$0x18A00] =	vst v63  }
0x214: {  	s28 =	spop @!p0 (v2sf)  }
0x215: {  	s28 =	sand.u32 @!p0 $0xFFFFF80, s28  }
0x216: {  	s26 =	sand.u32 @!p0 $0xFFFFF80, s26;
	s29 =	simm.s32 @!p0 $0xC600;
	s28 =	sadd.s32 @!p0 s2, s28  }
0x217: {  	[tilespmem:s29], [sflag:$0x5] =	stream.strided.gather @!p0 [hbm4b:s28+s22], $0x1000, s23, s22, $0x38;
	[tilespmem:$0x18A00] =	vst v63  }
0x218: {  	s26 =	sadd.s32 @!p0 s2, s26;
	s28 =	simm.s32 @!p0 $0x14600;
	v14, _, _ =	vpop (xrf2)  }
0x219: {  	[tilespmem:s28], [sflag:$0x5] =	stream.strided.gather @!p0 [hbm4b:s26+s22], $0x1000, s23, s22, $0x38;
	v15, _, _ =	vpop (xrf2);
	[tilespmem:$0x18A00] =	vst v63  }
0x21a: {  	_ =	swait.ge [sflag:s15], $0x1000  }
0x21b: {  	[sflag:s15] =	ssyncset.done $0x0  }
0x21c: {  	[sflag:s15] =	ssyncadd.s32 $0xFFFFF000  }
0x21d: {  	_ =	swait.ge [sflag:s15], $0x1000  }
0x21e: {  	[sflag:s15] =	ssyncset.done $0x0  }
0x21f: {  	[sflag:s15] =	ssyncadd.s32 $0xFFFFF000  }
0x220: {  	_ =	swait.ge [sflag:s15], $0x1000  }
0x221: {  	[sflag:s15] =	ssyncset.done $0x0  }
0x222: {  	[sflag:s15] =	ssyncadd.s32 $0xFFFFF000  }
0x223: {  	v60 =	vld [tilespmem:s24+$0x0];
	_ =	sdelay $0x1  }
0x224: {  	s9 =	sor.u32 $0x5, s25;
	v61 =	vld [tilespmem:s24+$0x200]  }
0x225: {  	v62 =	vmov s9  }
0x226: {  	vm13 =	veq.s32 v62, v0;
	v63 =	vld [tilespmem:s24+$0x400]  }
0x227: {  	v16 =	vnsel vm13, $0x0, v60  }
0x228: {  	(xrf0) =	vadd.scan.msk.s32 $0xffff, v16  }
0x229: {  	v20 =	vnsel vm13, $0x0, v61  }
0x22a: {  	(xrf0) =	vadd.scan.msk.s32 $0xffff, v20  }
0x22b: {  	v21 =	vnsel vm13, $0x0, v63  }
0x22c: {  	(xrf0) =	vadd.scan.msk.s32 $0xffff, v21;
	_ =	sdelay $0x1  }
0x22d: {  	v22, _, _ =	vpop (xrf0)  }
0x22e: {  	(v2sf) =	vpush v22, $0xF  }
0x22f: {  	v23, _, _ =	vpop (xrf0)  }
0x230: {  	(v2sf) =	vpush v23, $0xF  }
0x231: {  	v24, _, _ =	vpop (xrf0)  }
0x232: {  	(v2sf) =	vpush v24, $0xF;
	_ =	sdelay $0x1  }
0x233: {  	s26 =	sadd.s32 @!p0 $0xD, s20  }
0x234: {  	s28 =	sand.u32 @!p0 $0x3F0, s26  }
0x235: {  	v16 =	vld @!p0 [tilespmem:s28+$0x400]  }
0x236: {  	v17 =	vld @!p0 [tilespmem:s28+$0x0]  }
0x237: {  	s26 =	sand.u32 @!p0 $0xD, s26  }
0x238: {  	v18 =	vmov @!p0 s26  }
0x239: {  	vm14 =	veq.s32 @!p0 v18, v5  }
0x23a: {  	v18 =	vld @!p0 [tilespmem:s28+$0x200];
	v16 =	vnsel @!p0 vm14, $0x0, v16  }
0x23b: {  	(xrf0) =	vadd.scan.msk.s32 @!p0 $0xffff, v16;
	v16 =	vnsel @!p0 vm14, $0x0, v17  }
0x23c: {  	(xrf0) =	vadd.scan.msk.s32 @!p0 $0xffff, v16;
	s5 =	spop (v2sf)  }
0x23d: {  	s26 =	sand.u32 $0x7F, s5  }
0x23e: {  	s28 =	spop (v2sf);
	v25 =	vor.u32 s26, v1  }
0x23f: {  	v17 =	vnsel @!p0 vm14, $0x0, v18;
	s28 =	sand.u32 $0x7F, s28;
	v26 =	vor.u32 s26, v2  }
0x240: {  	(xrf0) =	vadd.scan.msk.s32 @!p0 $0xffff, v17;
	s6 =	spop (v2sf);
	v27 =	vor.u32 s28, v1  }
0x241: {  	v19, _, _ =	vpop @!p0 (xrf0);
	s26 =	sand.u32 $0x7F, s6;
	v28 =	vor.u32 s28, v2  }
0x242: {  	(v2sf) =	vpush @!p0 v19, $0xF;
	v19, _, _ =	vpop @!p0 (xrf0);
	s28 =	simm.s32 $0x5600;
	v21 =	vor.u32 s26, v1  }
0x243: {  	(v2sf) =	vpush @!p0 v19, $0xF;
	v29 =	vor.u32 s26, v2;
	v16 =	vld.idx.msk [tilespmem:v25+s28+$0x0], $0xffff  }
0x244: {  	s7 =	simm.s32 $0xD600;
	v18 =	vld.idx.msk [tilespmem:v26+s28+$0x0], $0xffff  }
0x245: {  	v17 =	vld.idx.msk [tilespmem:v27+s7+$0x0], $0xffff  }
0x246: {  	s8 =	simm.s32 $0x15600;
	v22, _, _ =	vpop @!p0 (xrf0);
	v20 =	vld.idx.msk [tilespmem:v28+s7+$0x0], $0xffff  }
0x247: {  	(v2sf) =	vpush @!p0 v22, $0xF;
	v21 =	vld.idx.msk [tilespmem:v21+s8+$0x0], $0xffff  }
0x248: {  	v19 =	vld.idx.msk [tilespmem:v29+s8+$0x0], $0xffff;
	_ =	sdelay $0x3  }
0x249: {  	v17 =	vmul.f32 v17, v16;
	v20 =	vmul.f32 v20, v18  }
0x24a: {  	v16 =	vmul.f32 v21, v16;
	v18 =	vmul.f32 v19, v18  }
0x24b: {  	v17 =	vadd.f32 v20, v17  }
0x24c: {  	v16 =	vadd.f32 v18, v16  }
0x24d: {  	(xrf2) =	vadd.scan.msk.f32 $0xffff, v17  }
0x24e: {  	s26 =	spop @!p0 (v2sf);
	(xrf2) =	vadd.scan.msk.f32 $0xffff, v16  }
0x24f: {  	s28 =	spop @!p0 (v2sf)  }
0x250: {  	s28 =	sand.u32 @!p0 $0xFFFFF80, s28  }
0x251: {  	s29 =	simm.s32 @!p0 $0x5600;
	s28 =	sadd.s32 @!p0 s1, s28  }
0x252: {  	[tilespmem:s29], [sflag:$0x6] =	stream.strided.gather @!p0 [hbm4b:s28+s22], $0x1000, s23, s22, $0x38;
	[tilespmem:$0x18A00] =	vst v63  }
0x253: {  	s28 =	spop @!p0 (v2sf)  }
0x254: {  	s28 =	sand.u32 @!p0 $0xFFFFF80, s28  }
0x255: {  	s26 =	sand.u32 @!p0 $0xFFFFF80, s26;
	s29 =	simm.s32 @!p0 $0xD600;
	s28 =	sadd.s32 @!p0 s2, s28  }
0x256: {  	[tilespmem:s29], [sflag:$0x6] =	stream.strided.gather @!p0 [hbm4b:s28+s22], $0x1000, s23, s22, $0x38;
	[tilespmem:$0x18A00] =	vst v63  }
0x257: {  	s26 =	sadd.s32 @!p0 s2, s26;
	s28 =	simm.s32 @!p0 $0x15600;
	v17, _, _ =	vpop (xrf2)  }
0x258: {  	[tilespmem:s28], [sflag:$0x6] =	stream.strided.gather @!p0 [hbm4b:s26+s22], $0x1000, s23, s22, $0x38;
	v16, _, _ =	vpop (xrf2);
	[tilespmem:$0x18A00] =	vst v63  }
0x259: {  	_ =	swait.ge [sflag:s16], $0x1000  }
0x25a: {  	[sflag:s16] =	ssyncset.done $0x0  }
0x25b: {  	[sflag:s16] =	ssyncadd.s32 $0xFFFFF000  }
0x25c: {  	_ =	swait.ge [sflag:s16], $0x1000  }
0x25d: {  	[sflag:s16] =	ssyncset.done $0x0  }
0x25e: {  	[sflag:s16] =	ssyncadd.s32 $0xFFFFF000  }
0x25f: {  	_ =	swait.ge [sflag:s16], $0x1000  }
0x260: {  	[sflag:s16] =	ssyncset.done $0x0  }
0x261: {  	[sflag:s16] =	ssyncadd.s32 $0xFFFFF000  }
0x262: {  	v30 =	vld [tilespmem:s24+$0x0];
	_ =	sdelay $0x1  }
0x263: {  	s9 =	sor.u32 $0x6, s25;
	v31 =	vld [tilespmem:s24+$0x200]  }
0x264: {  	v32 =	vmov s9  }
0x265: {  	vm14 =	veq.s32 v32, v0;
	v33 =	vld [tilespmem:s24+$0x400]  }
0x266: {  	v18 =	vnsel vm14, $0x0, v30  }
0x267: {  	(xrf0) =	vadd.scan.msk.s32 $0xffff, v18  }
0x268: {  	v34 =	vnsel vm14, $0x0, v31  }
0x269: {  	(xrf0) =	vadd.scan.msk.s32 $0xffff, v34  }
0x26a: {  	v35 =	vnsel vm14, $0x0, v33  }
0x26b: {  	(xrf0) =	vadd.scan.msk.s32 $0xffff, v35;
	_ =	sdelay $0x1  }
0x26c: {  	v36, _, _ =	vpop (xrf0)  }
0x26d: {  	(v2sf) =	vpush v36, $0xF  }
0x26e: {  	v37, _, _ =	vpop (xrf0)  }
0x26f: {  	(v2sf) =	vpush v37, $0xF  }
0x270: {  	v38, _, _ =	vpop (xrf0)  }
0x271: {  	(v2sf) =	vpush v38, $0xF;
	_ =	sdelay $0x1  }
0x272: {  	s26 =	sadd.s32 @!p0 $0xE, s20  }
0x273: {  	s28 =	sand.u32 @!p0 $0x3F0, s26  }
0x274: {  	v18 =	vld @!p0 [tilespmem:s28+$0x400]  }
0x275: {  	v19 =	vld @!p0 [tilespmem:s28+$0x0]  }
0x276: {  	s26 =	sand.u32 @!p0 $0xE, s26  }
0x277: {  	v20 =	vmov @!p0 s26  }
0x278: {  	vm15 =	veq.s32 @!p0 v20, v5  }
0x279: {  	v20 =	vld @!p0 [tilespmem:s28+$0x200];
	v18 =	vnsel @!p0 vm15, $0x0, v18  }
0x27a: {  	(xrf0) =	vadd.scan.msk.s32 @!p0 $0xffff, v18;
	v18 =	vnsel @!p0 vm15, $0x0, v19  }
0x27b: {  	(xrf0) =	vadd.scan.msk.s32 @!p0 $0xffff, v18;
	s8 =	spop (v2sf)  }
0x27c: {  	s26 =	sand.u32 $0x7F, s8  }
0x27d: {  	s28 =	spop (v2sf);
	v39 =	vor.u32 s26, v1  }
0x27e: {  	v19 =	vnsel @!p0 vm15, $0x0, v20;
	s28 =	sand.u32 $0x7F, s28;
	v40 =	vor.u32 s26, v2  }
0x27f: {  	(xrf0) =	vadd.scan.msk.s32 @!p0 $0xffff, v19;
	s9 =	spop (v2sf);
	v41 =	vor.u32 s28, v1  }
0x280: {  	v21, _, _ =	vpop @!p0 (xrf0);
	s26 =	sand.u32 $0x7F, s9;
	v42 =	vor.u32 s28, v2  }
0x281: {  	(v2sf) =	vpush @!p0 v21, $0xF;
	v21, _, _ =	vpop @!p0 (xrf0);
	s28 =	simm.s32 $0x6600;
	v23 =	vor.u32 s26, v1  }
0x282: {  	(v2sf) =	vpush @!p0 v21, $0xF;
	v43 =	vor.u32 s26, v2;
	v18 =	vld.idx.msk [tilespmem:v39+s28+$0x0], $0xffff  }
0x283: {  	s26 =	simm.s32 $0xE600;
	v20 =	vld.idx.msk [tilespmem:v40+s28+$0x0], $0xffff  }
0x284: {  	v19 =	vld.idx.msk [tilespmem:v41+s26+$0x0], $0xffff  }
0x285: {  	v24, _, _ =	vpop @!p0 (xrf0);
	v22 =	vld.idx.msk [tilespmem:v42+s26+$0x0], $0xffff;
	s26 =	simm.s32 $0x16600  }
0x286: {  	(v2sf) =	vpush @!p0 v24, $0xF;
	v23 =	vld.idx.msk [tilespmem:v23+s26+$0x0], $0xffff  }
0x287: {  	v21 =	vld.idx.msk [tilespmem:v43+s26+$0x0], $0xffff;
	_ =	sdelay $0x3  }
0x288: {  	v19 =	vmul.f32 v19, v18;
	v22 =	vmul.f32 v22, v20  }
0x289: {  	v18 =	vmul.f32 v23, v18;
	v20 =	vmul.f32 v21, v20  }
0x28a: {  	v19 =	vadd.f32 v22, v19  }
0x28b: {  	v18 =	vadd.f32 v20, v18  }
0x28c: {  	(xrf2) =	vadd.scan.msk.f32 $0xffff, v19  }
0x28d: {  	s26 =	spop @!p0 (v2sf);
	(xrf2) =	vadd.scan.msk.f32 $0xffff, v18  }
0x28e: {  	s28 =	spop @!p0 (v2sf)  }
0x28f: {  	s28 =	sand.u32 @!p0 $0xFFFFF80, s28  }
0x290: {  	s29 =	simm.s32 @!p0 $0x6600;
	s28 =	sadd.s32 @!p0 s1, s28  }
0x291: {  	[tilespmem:s29], [sflag:$0x7] =	stream.strided.gather @!p0 [hbm4b:s28+s22], $0x1000, s23, s22, $0x38;
	[tilespmem:$0x18A00] =	vst v63  }
0x292: {  	s28 =	spop @!p0 (v2sf)  }
0x293: {  	s28 =	sand.u32 @!p0 $0xFFFFF80, s28  }
0x294: {  	s26 =	sand.u32 @!p0 $0xFFFFF80, s26;
	s29 =	simm.s32 @!p0 $0xE600;
	s28 =	sadd.s32 @!p0 s2, s28  }
0x295: {  	[tilespmem:s29], [sflag:$0x7] =	stream.strided.gather @!p0 [hbm4b:s28+s22], $0x1000, s23, s22, $0x38;
	[tilespmem:$0x18A00] =	vst v63  }
0x296: {  	s26 =	sadd.s32 @!p0 s2, s26;
	s28 =	simm.s32 @!p0 $0x16600;
	v44, _, _ =	vpop (xrf2)  }
0x297: {  	[tilespmem:s28], [sflag:$0x7] =	stream.strided.gather @!p0 [hbm4b:s26+s22], $0x1000, s23, s22, $0x38;
	v45, _, _ =	vpop (xrf2);
	[tilespmem:$0x18A00] =	vst v63  }
0x298: {  	_ =	swait.ge [sflag:s17], $0x1000  }
0x299: {  	[sflag:s17] =	ssyncset.done $0x0  }
0x29a: {  	[sflag:s17] =	ssyncadd.s32 $0xFFFFF000  }
0x29b: {  	_ =	swait.ge [sflag:s17], $0x1000  }
0x29c: {  	[sflag:s17] =	ssyncset.done $0x0  }
0x29d: {  	[sflag:s17] =	ssyncadd.s32 $0xFFFFF000  }
0x29e: {  	_ =	swait.ge [sflag:s17], $0x1000  }
0x29f: {  	[sflag:s17] =	ssyncset.done $0x0  }
0x2a0: {  	[sflag:s17] =	ssyncadd.s32 $0xFFFFF000  }
0x2a1: {  	v46 =	vld [tilespmem:s24+$0x0];
	_ =	sdelay $0x1  }
0x2a2: {  	s25 =	sor.u32 $0x7, s25;
	v47 =	vld [tilespmem:s24+$0x200]  }
0x2a3: {  	v48 =	vmov s25  }
0x2a4: {  	vm15 =	veq.s32 v48, v0;
	v49 =	vld [tilespmem:s24+$0x400]  }
0x2a5: {  	v20 =	vnsel vm15, $0x0, v46  }
0x2a6: {  	(xrf0) =	vadd.scan.msk.s32 $0xffff, v20  }
0x2a7: {  	v50 =	vnsel vm15, $0x0, v47  }
0x2a8: {  	(xrf0) =	vadd.scan.msk.s32 $0xffff, v50  }
0x2a9: {  	v51 =	vnsel vm15, $0x0, v49  }
0x2aa: {  	(xrf0) =	vadd.scan.msk.s32 $0xffff, v51;
	_ =	sdelay $0x1  }
0x2ab: {  	v52, _, _ =	vpop (xrf0)  }
0x2ac: {  	(v2sf) =	vpush v52, $0xF  }
0x2ad: {  	v53, _, _ =	vpop (xrf0)  }
0x2ae: {  	(v2sf) =	vpush v53, $0xF  }
0x2af: {  	v54, _, _ =	vpop (xrf0)  }
0x2b0: {  	s24 =	sadd.s32 @!p0 $0xF, s20;
	(v2sf) =	vpush v54, $0xF  }
0x2b1: {  	s25 =	sand.u32 @!p0 $0x3F0, s24  }
0x2b2: {  	v20 =	vld @!p0 [tilespmem:s25+$0x400];
	_ =	sdelay $0x1  }
0x2b3: {  	s24 =	sand.u32 @!p0 $0xF, s24;
	v21 =	vld @!p0 [tilespmem:s25+$0x0]  }
0x2b4: {  	v22 =	vmov @!p0 s24  }
0x2b5: {  	vm1 =	veq.s32 @!p0 v22, v5  }
0x2b6: {  	v5 =	vnsel @!p0 vm1, $0x0, v20;
	v20 =	vld @!p0 [tilespmem:s25+$0x200];
	_ =	sdelay $0x1  }
0x2b7: {  	(xrf0) =	vadd.scan.msk.s32 @!p0 $0xffff, v5;
	v5 =	vnsel @!p0 vm1, $0x0, v21  }
0x2b8: {  	(xrf0) =	vadd.scan.msk.s32 @!p0 $0xffff, v5  }
0x2b9: {  	s25 =	spop (v2sf)  }
0x2ba: {  	v5 =	vnsel @!p0 vm1, $0x0, v20;
	s24 =	sand.u32 $0x7F, s25  }
0x2bb: {  	s26 =	spop (v2sf);
	v55 =	vor.u32 s24, v1  }
0x2bc: {  	(xrf0) =	vadd.scan.msk.s32 @!p0 $0xffff, v5;
	s25 =	sand.u32 $0x7F, s26;
	v56 =	vor.u32 s24, v2  }
0x2bd: {  	v5, _, _ =	vpop @!p0 (xrf0);
	s26 =	spop (v2sf);
	v57 =	vor.u32 s25, v1  }
0x2be: {  	v22, _, _ =	vpop @!p0 (xrf0);
	(v2sf) =	vpush @!p0 v5, $0xF;
	s24 =	sand.u32 $0x7F, s26;
	v5 =	vor.u32 s25, v2  }
0x2bf: {  	(v2sf) =	vpush @!p0 v22, $0xF;
	s26 =	simm.s32 $0x7600;
	v58 =	vor.u32 s24, v1  }
0x2c0: {  	v59 =	vor.u32 s24, v2;
	v20 =	vld.idx.msk [tilespmem:v55+s26+$0x0], $0xffff  }
0x2c1: {  	s25 =	simm.s32 $0xF600;
	v21 =	vld.idx.msk [tilespmem:v56+s26+$0x0], $0xffff  }
0x2c2: {  	v25, _, _ =	vpop @!p0 (xrf0);
	v23 =	vld.idx.msk [tilespmem:v57+s25+$0x0], $0xffff  }
0x2c3: {  	(v2sf) =	vpush @!p0 v25, $0xF;
	s26 =	simm.s32 $0x17600;
	v5 =	vld.idx.msk [tilespmem:v5+s25+$0x0], $0xffff  }
0x2c4: {  	v22 =	vld.idx.msk [tilespmem:v58+s26+$0x0], $0xffff  }
0x2c5: {  	v24 =	vld.idx.msk [tilespmem:v59+s26+$0x0], $0xffff;
	_ =	sdelay $0x3  }
0x2c6: {  	v23 =	vmul.f32 v23, v20;
	v5 =	vmul.f32 v5, v21  }
0x2c7: {  	v20 =	vmul.f32 v22, v20;
	v21 =	vmul.f32 v24, v21  }
0x2c8: {  	v5 =	vadd.f32 v5, v23  }
0x2c9: {  	v20 =	vadd.f32 v21, v20  }
0x2ca: {  	s24 =	spop @!p0 (v2sf);
	(xrf2) =	vadd.scan.msk.f32 $0xffff, v5  }
0x2cb: {  	s25 =	spop @!p0 (v2sf);
	(xrf2) =	vadd.scan.msk.f32 $0xffff, v20  }
0x2cc: {  	s25 =	sand.u32 @!p0 $0xFFFFF80, s25;
	v5 =	vbroadcast v6, $0xF;
	v6 =	vbroadcast v7, $0xF  }
0x2cd: {  	v60 =	vbroadcast v9, $0xF;
	s26 =	simm.s32 @!p0 $0x7600;
	v7 =	vbroadcast v8, $0xF;
	s25 =	sadd.s32 @!p0 s1, s25  }
0x2ce: {  	[tilespmem:s26], [sflag:$0x8] =	stream.strided.gather @!p0 [hbm4b:s25+s22], $0x1000, s23, s22, $0x38;
	v4 =	vsel vm8, v5, v4;
	v3 =	vsel vm8, v6, v3;
	v5 =	vbroadcast v11, $0xF;
	[tilespmem:$0x18A00] =	vst v63  }
0x2cf: {  	s25 =	spop @!p0 (v2sf);
	v6 =	vbroadcast v10, $0xF;
	v4 =	vsel vm9, v7, v4;
	v3 =	vsel vm9, v60, v3  }
0x2d0: {  	s25 =	sand.u32 @!p0 $0xFFFFF80, s25;
	v7 =	vbroadcast v13, $0xF;
	v4 =	vsel vm10, v5, v4;
	v5 =	vbroadcast v12, $0xF  }
0x2d1: {  	s24 =	sand.u32 @!p0 $0xFFFFF80, s24;
	s26 =	simm.s32 @!p0 $0xF600;
	s25 =	sadd.s32 @!p0 s2, s25;
	v3 =	vsel vm10, v6, v3;
	v6 =	vbroadcast v14, $0xF  }
0x2d2: {  	v61 =	vbroadcast v15, $0xF;
	[tilespmem:s26], [sflag:$0x8] =	stream.strided.gather @!p0 [hbm4b:s25+s22], $0x1000, s23, s22, $0x38;
	v4 =	vsel vm11, v5, v4;
	v5 =	vbroadcast v17, $0xF;
	[tilespmem:$0x18A00] =	vst v63  }
0x2d3: {  	s24 =	sadd.s32 @!p0 s2, s24;
	v3 =	vsel vm11, v7, v3;
	s25 =	simm.s32 @!p0 $0x17600;
	v4 =	vsel vm12, v6, v4;
	v6 =	vbroadcast v16, $0xF  }
0x2d4: {  	v3 =	vsel vm12, v61, v3;
	[tilespmem:s25], [sflag:$0x8] =	stream.strided.gather @!p0 [hbm4b:s24+s22], $0x1000, s23, s22, $0x38;
	v4 =	vsel vm13, v5, v4;
	v5 =	vbroadcast v44, $0xF;
	v7, _, _ =	vpop (xrf2);
	[tilespmem:$0x18A00] =	vst v63  }
0x2d5: {  	v62 =	vbroadcast v45, $0xF;
	s22 =	sand.u32 @!p0 $0x1, s21;
	v3 =	vsel vm13, v6, v3;
	v63, _, _ =	vpop (xrf2);
	v6 =	vbroadcast v7, $0xF  }
0x2d6: {  	p1 =	seq.s32 @!p0 s22, $0x0;
	v4 =	vsel vm14, v5, v4;
	v7 =	vbroadcast v63, $0xF  }
0x2d7: {  	p0 =	por p0, !p1;
	v3 =	vsel vm14, v62, v3;
	v4 =	vsel vm15, v6, v4  }
0x2d8: {  	s20 =	sadd.s32 $0x8, s20;
	v3 =	vsel vm15, v7, v3;
	[tilespmem:s18+$0x0] =	vst @p0 v4  }
0x2d9: {  	s30 =	simm.s32 $0x16600;
	v4 =	vimm.f32 @p0 $0.0e+00;
	[tilespmem:s19+$0x0] =	vst @p0 v3;
	v3 =	vimm.f32 @p0 $0.0e+00;
	p0 =	sne.s32 s20, $0x200  }
.Ltmp0:
0x2da: {  	s31 =	simm.s32 $0x17600;
	s3 =	simm.s32 $0xC600;
	(pc) =	sbr.rel @p0 .LBB2_2-.Ltmp0, $4  }
0x2db: {  	s12 =	simm.s32 $0x14600;
	s0 =	simm.s32 $0x4600;
	s5 =	simm.s32 $0x5600  }
0x2dc: {  	s6 =	simm.s32 $0xD600;
	s7 =	simm.s32 $0x15600;
	s8 =	simm.s32 $0x6600  }
0x2dd: {  	s9 =	simm.s32 $0xE600;
	s29 =	simm.s32 $0xF600;
	s28 =	simm.s32 $0x7600  }
0x2de: {  	s21 =	sadd.s32 $0x1, s21;
	s18 =	sadd.s32 $0x8, s18;
	s19 =	sadd.s32 $0x8, s19  }
0x2df: {  	s18 =	simm.s32 $0x0;
	s19 =	rddreg [dreg:$0xb];
	s20 =	simm.s32 $0x18600  }
0x2e0: {  	[hbm4b:s19+s18] =	stream.linear.scatter [tilespmem:s20], [sflag:$0x9], $0x200, $0x38;
	[tilespmem:$0x18A00] =	vst v63  }
0x2e1: {  	s20 =	simm.s32 $0x9  }
0x2e2: {  	_ =	swait.ge [sflag:s20], $0x200  }
0x2e3: {  	[sflag:s20] =	ssyncset.done $0x0  }
0x2e4: {  	s21 =	simm.s32 $0x18800;
	s24 =	rddreg [dreg:$0xc];
	[sflag:s20] =	ssyncadd.s32 $0xFFFFFE00  }
0x2e5: {  	[hbm4b:s24+s18] =	stream.linear.scatter [tilespmem:s21], [sflag:$0x9], $0x200, $0x38;
	[tilespmem:$0x18A00] =	vst v63  }
0x2e6: {  	_ =	swait.ge [sflag:s20], $0x200  }
0x2e7: {  	s25 =	rddreg [dreg:$0xe]  }
0x2e8: {  	s26 =	rddreg [dreg:$0xd];
	s21 =	sadd.s32 $0x1, s25  }
0x2e9: {  	p0 =	sne.s32 s21, s26  }
.Ltmp1:
0x2ea: {  	_ = 	snop;
	(pc) =	sbr.rel @p0 .LBB2_1-.Ltmp1, $3  }
0x2eb: {  	_ =	sdelay $0x1  }
0x2ec: {  	[sflag:s20] =	ssyncset.done $0x0  }
0x2ed: {  	[sflag:s20] =	ssyncadd.s32 $0xFFFFFE00  }
0x2ee: {  	_ =	sfence.sel $0x180000  }
0x2ef: {  	[bflag:$0x0] =	sbarrier.arrive $0xFFFF  }
0x2f0: {  	_ =	strace $0x90000047  }
0x2f1: {  	s0 =	stileid.u32;
	[bflag:$0x2] =	sbarrier.arrive $0xFFFF  }
0x2f2: {  	p0 =	sne.s32 s0, $0x0;
	s0 =	rddreg [dreg:$0x7]  }
0x2f3: {  	s0 =	sadd.s32 @!p0 $0x100000, s0  }
0x2f4: {  	[sflag:s0] =	ssyncadd.tile.s32 @!p0 $0x1;
	_ =	shalt  }
.Lfunc_end2:
_tile_overlayer_lowered:
.L_overlay_start_2:
0x2f5: {  	(tag) =	ssettag $0x2  }
0x2f6: {  	s0 =	rddreg [dreg:$0x0];
	s2 =	stileid.u32  }
0x2f7: {  	s1 =	rddreg [dreg:$0x1];
	p0 =	sne.s32 s2, $0x0  }
0x2f8: {  	s3 =	rddreg [dreg:$0x2];
	[bflag:$0x3] =	sbarrier.arrive $0xFFFF;
	s2 =	simm.s32 @!p0 $0x1C09  }
0x2f9: {  	[timem:s3], [sflag:s2] =	dma.local @!p0 [hbm:s0], s1  }
0x2fa: {  	s0 =	simm.s32 @!p0 $0x9  }
0x2fb: {  	_ =	swait.ge @!p0 [sflag:s0], s1  }
0x2fc: {  	s1 =	ssub.s32 @!p0 $0x0, s1;
	[sflag:s0] =	ssyncset.done @!p0 $0x0  }
0x2fd: {  	[sflag:s0] =	ssyncadd.s32 @!p0 s1  }
0x2fe: {  	[bflag:$0x3] =	sbarrier.arrive $0xFFFF  }
0x2ff: {  	_ =	shalt  }

</sc_bundles>
